<compile_context>
chip_gen: v7x
topology: tpu7x:2x2x1
jax: 0.10.2.dev20260603
libtpu: 0.0.44.dev20260713+nightly
codegen_flags: <defaults>
</compile_context>

<pallas_src>
import functools

import jax
import jax.numpy as jnp
from jax import lax
from jax.experimental import pallas as pl
from jax.experimental.pallas import tpu as pltpu
from jax.experimental.pallas import tpu_sc as plsc

N_NODES = 50000
N_EDGES = 800000
IN_FEATS = 16
OUT_FEATS = 100

NUM_CORES = 2
NUM_SUBCORES = 16
NUM_WORKERS = NUM_CORES * NUM_SUBCORES
GROUP = 128
NUM_GROUPS = N_EDGES // GROUP
NPAD = 51200
ROWS_PER_TILE = NPAD // NUM_SUBCORES
ZROWS = 400


def _sc_segment_sum(e3, dst):
  mesh = plsc.VectorSubcoreMesh(core_axis_name="c", subcore_axis_name="s")

  @functools.partial(
      pl.kernel,
      mesh=mesh,
      compiler_params=pltpu.CompilerParams(
          use_tc_tiling_on_sc=False, needs_layout_passes=False),
      out_type=[
          jax.ShapeDtypeStruct((NUM_CORES, NPAD, IN_FEATS), jnp.float32),
          jax.ShapeDtypeStruct((NUM_WORKERS, NPAD), jnp.float32),
      ],
      scratch_types=[
          pltpu.VMEM((2, 2, 8, GROUP), jnp.float32),
          pltpu.VMEM((3, 1, GROUP), jnp.int32),
          pltpu.VMEM((2, GROUP, IN_FEATS), jnp.float32),
          pltpu.VMEM((ZROWS, IN_FEATS), jnp.float32),
          pltpu.VMEM((NPAD,), jnp.float32),
          pltpu.VMEM_SHARED((NPAD, IN_FEATS), jnp.float32),
          pltpu.SemaphoreType.DMA((2,)),
          pltpu.SemaphoreType.DMA((2,)),
      ],
  )
  def sc_kernel(e_hbm, ei_hbm, seg_out, cnt_out,
                a_v, idx_v, rows_v, zero_v, hist_v, seg_sh, lsem, ssem):
    c = lax.axis_index("c")
    s = lax.axis_index("s")
    wid = c * NUM_SUBCORES + s

    def zrow_body(i, _):
      zero_v[i] = jnp.zeros((IN_FEATS,), jnp.float32)
      return 0

    lax.fori_loop(0, ZROWS, zrow_body, 0)

    def hist_body(i, _):
      hist_v[pl.ds(i * IN_FEATS, IN_FEATS)] = jnp.zeros((IN_FEATS,),
                                                        jnp.float32)
      return 0

    lax.fori_loop(0, NPAD // IN_FEATS, hist_body, 0)

    row0 = s * ROWS_PER_TILE
    for k in range(ROWS_PER_TILE // ZROWS):
      pltpu.sync_copy(zero_v, seg_sh.at[pl.ds(row0 + k * ZROWS, ZROWS)])
    plsc.subcore_barrier()

    g0 = wid * NUM_GROUPS // NUM_WORKERS
    g1 = (wid + 1) * NUM_GROUPS // NUM_WORKERS

    def start_loads(g, b2, b3):
      pltpu.async_copy(e_hbm.at[0, g], a_v.at[b2, 0], lsem.at[b2])
      pltpu.async_copy(e_hbm.at[1, g], a_v.at[b2, 1], lsem.at[b2])
      pltpu.async_copy(ei_hbm.at[g, 1], idx_v.at[b3, 0], lsem.at[b2])

    def wait_loads(g, b2, b3):
      pltpu.make_async_copy(e_hbm.at[0, g], a_v.at[b2, 0], lsem.at[b2]).wait()
      pltpu.make_async_copy(e_hbm.at[1, g], a_v.at[b2, 1], lsem.at[b2]).wait()
      pltpu.make_async_copy(ei_hbm.at[g, 1], idx_v.at[b3, 0],
                            lsem.at[b2]).wait()

    def wait_scatter(g):
      b2 = (g - g0) % 2
      b3 = (g - g0) % 3
      pltpu.make_async_copy(rows_v.at[b2], seg_sh.at[idx_v.at[b3, 0]],
                            ssem.at[b2]).wait()

    start_loads(g0, 0, 0)
    iota16 = lax.iota(jnp.int32, 16)
    ones16 = jnp.ones((16,), jnp.float32)

    def group_body(g, _):
      b2 = (g - g0) % 2
      b3 = (g - g0) % 3
      wait_loads(g, b2, b3)

      @pl.when(g + 1 < g1)
      def _():
        start_loads(g + 1, 1 - b2, (g + 1 - g0) % 3)

      for f in range(IN_FEATS):
        for k in range(GROUP // 16):
          v = a_v[b2, f // 8, f % 8, pl.ds(k * 16, 16)]
          plsc.store_scatter(
              rows_v.at[b2],
              [iota16 + (k * 16), jnp.full((16,), f, jnp.int32)], v)
      for k in range(GROUP // 16):
        iv = idx_v[b3, 0, pl.ds(k * 16, 16)]
        plsc.addupdate_scatter(hist_v, [iv], ones16)

      @pl.when(g > g0)
      def _():
        wait_scatter(g - 1)

      pltpu.async_copy(rows_v.at[b2], seg_sh.at[idx_v.at[b3, 0]],
                       ssem.at[b2], add=True)
      return 0

    lax.fori_loop(g0, g1, group_body, 0)
    wait_scatter(g1 - 1)
    pltpu.sync_copy(hist_v, cnt_out.at[wid])
    plsc.subcore_barrier()

    pltpu.sync_copy(seg_sh.at[pl.ds(row0, ROWS_PER_TILE)],
                    seg_out.at[c, pl.ds(row0, ROWS_PER_TILE)])

  return sc_kernel(e3, dst)


ROW_BLOCK = 3200


NSTEPS = NPAD // ROW_BLOCK
PACK = ROW_BLOCK // 8


def _tc_body(seg_ref, cnt_ref, wt_ref, b_ref, out_ref):
  p = seg_ref[0] + seg_ref[1]
  parts = [p[:, 16 * a:16 * a + 16] for a in range(8)]
  seg = jnp.stack(parts, axis=1).reshape(ROW_BLOCK, IN_FEATS)
  cnt = jnp.sum(cnt_ref[...], axis=0, keepdims=True)
  acc = lax.dot_general(wt_ref[...], seg,
                        (((1,), (1,)), ((), ())),
                        preferred_element_type=jnp.float32)
  acc = acc + b_ref[...] * cnt
  out_ref[...] = acc / jnp.maximum(cnt, 1.0)


def _tc_finish(seg2, cnt, Wt, bcol):
  return pl.pallas_call(
      _tc_body,
      grid=(NSTEPS,),
      in_specs=[
          pl.BlockSpec((NUM_CORES, PACK, GROUP), lambda i: (0, i, 0)),
          pl.BlockSpec((NUM_WORKERS, ROW_BLOCK), lambda i: (0, i)),
          pl.BlockSpec((OUT_FEATS, IN_FEATS), lambda i: (0, 0)),
          pl.BlockSpec((OUT_FEATS, 1), lambda i: (0, 0)),
      ],
      out_specs=pl.BlockSpec((OUT_FEATS, ROW_BLOCK), lambda i: (0, i)),
      out_shape=jax.ShapeDtypeStruct((OUT_FEATS, N_NODES), jnp.float32),
  )(seg2, cnt, Wt, bcol)


@jax.jit
def kernel(e, edge_index, W, b):
  e4 = jnp.transpose(e.T.reshape(2, 8, NUM_GROUPS, GROUP), (0, 2, 1, 3))
  ei5 = jnp.transpose(edge_index.reshape(2, NUM_GROUPS, GROUP), (1, 0, 2))
  seg, cnt = _sc_segment_sum(e4, ei5)
  seg2 = seg.reshape(NUM_CORES, NPAD // 8, GROUP)
  h_t = _tc_finish(seg2, cnt, W.T, b.reshape(OUT_FEATS, 1))
  return h_t.T

# --- scband reference (transcript-rebuilt; emitter-appended) ---
"""Pipeline reference for scband-nnencoder-76304388980920 (READ-ONLY COPY).

The authoritative reference and input builder live on the scoring server;
editing this copy changes nothing except your own understanding.
"""

import jax, jax.numpy as jnp
import numpy as np

N_NODES = 50000
N_EDGES = 800000
IN_FEATS = 16
OUT_FEATS = 100


def setup_inputs(seed: int = 0) -> dict:
    key = jax.random.key(seed)
    k1, k2, k3, k4 = jax.random.split(key, 4)
    e = jax.random.normal(k1, (N_EDGES, IN_FEATS), dtype=jnp.float32)
    edge_index = jax.random.randint(k2, (2, N_EDGES), 0, N_NODES, dtype=jnp.int32)
    # Linear layer params (torch.nn.Linear(in_feats, out_feats)): y = e @ W + b
    W = (jax.random.normal(k3, (IN_FEATS, OUT_FEATS), dtype=jnp.float32)
         / np.sqrt(IN_FEATS))
    b = (jax.random.uniform(k4, (OUT_FEATS,), dtype=jnp.float32) - 0.5) / np.sqrt(IN_FEATS)
    return {"e": e, "edge_index": edge_index, "W": W, "b": b}


def reference(e, edge_index, W, b):
    # DGL: g.edata['f'] = self.w(e); update_all(copy_e('f','m'), mean('m','h'))
    # i.e. per-destination-node mean of linearly transformed edge features.
    dst = edge_index[1]
    msg = e @ W + b  # [E, out_feats]
    summed = jax.ops.segment_sum(msg, dst, num_segments=N_NODES)  # scatter-add
    cnt = jax.ops.segment_sum(jnp.ones((msg.shape[0],), dtype=msg.dtype), dst,
                              num_segments=N_NODES)
    # Nodes with zero in-degree get h = 0 (matches DGL mean reducer default zeros).
    h = summed / jnp.maximum(cnt, 1.0)[:, None]
    return h

if __name__ == "__main__":
    import jax
    _d = setup_inputs()
    print(jax.jit(kernel)(*tuple(_d.values())))

</pallas_src>

<mosaic_0001>
#map = affine_map<(d0, d1) -> (0, 0, 0, 0)>
#map1 = affine_map<(d0, d1) -> (0, 0, 0)>
#map2 = affine_map<(d0, d1) -> (0, 0)>
module attributes {stable_mosaic.version = 14 : i64} {
  func.func @sc_kernel(%arg0: i32, %arg1: i32, %arg2: memref<2x6250x8x128xf32, #tpu.memory_space<hbm>>, %arg3: memref<6250x2x128xi32, #tpu.memory_space<hbm>>, %arg4: memref<2x51200x16xf32, #tpu.memory_space<hbm>>, %arg5: memref<32x51200xf32, #tpu.memory_space<hbm>>, %arg6: memref<2x2x8x128xf32, #tpu.memory_space<vmem>>, %arg7: memref<3x1x128xi32, #tpu.memory_space<vmem>>, %arg8: memref<2x128x16xf32, #tpu.memory_space<vmem>>, %arg9: memref<400x16xf32, #tpu.memory_space<vmem>>, %arg10: memref<51200xf32, #tpu.memory_space<vmem>>, %arg11: memref<51200x16xf32, #tpu.memory_space<vmem_shared>>, %arg12: memref<2x!tpu.dma_semaphore, #tpu.memory_space<semaphore_mem>>, %arg13: memref<2x!tpu.dma_semaphore, #tpu.memory_space<semaphore_mem>>) attributes {dimension_semantics = [#tpu.dimension_semantics<core_parallel>, #tpu.dimension_semantics<subcore_parallel>], iteration_bounds = array<i64: 2, 16>, scalar_prefetch = 0 : i64, scratch_operands = 8 : i64, tpu.core_type = #tpu.core_type<sc_vector_subcore>, window_params = [{transform_indices = #map}, {transform_indices = #map1}, {transform_indices = #map1}, {transform_indices = #map2}]} {
    %mul3A = arith.constant 16 : i32
    %mul3A_0 = arith.muli %arg0, %mul3A : i32
    %add3A = arith.addi %mul3A_0, %arg1 : i32
    %scan3A = arith.constant 0 : i32
    %scan3A_1 = arith.constant 0 : i32
    %scan3A_2 = arith.constant 400 : i32
    %scan3A_3 = arith.addi %scan3A_1, %scan3A_2 : i32
    %scan3A_4 = arith.constant 1 : i32
    %scan3A_5 = scf.for %scan3A_197 = %scan3A_1 to %scan3A_3 step %scan3A_4 iter_args(%scan3A_198 = %scan3A) -> (i32)  : i32 {
      %broadcast_in_dim3A_199 = arith.constant 0.000000e+00 : f32
      %broadcast_in_dim3A_200 = vector.broadcast %broadcast_in_dim3A_199 : f32 to vector<16xf32>
      %swap3A = arith.index_cast %scan3A_197 : i32 to index
      %swap3A_201 = arith.constant 0 : index
      %swap3A_202 = tpu.vector_load %arg9[%swap3A, %swap3A_201] {strides = array<i32>} : memref<400x16xf32, #tpu.memory_space<vmem>>, vector<16xf32>,
      tpu.vector_store %arg9[%swap3A, %swap3A_201], %broadcast_in_dim3A_200 {strides = array<i32>} : memref<400x16xf32, #tpu.memory_space<vmem>>, vector<16xf32>,
      %scan3A_203 = arith.constant 0 : i32
      scf.yield %scan3A_203 : i32
    }
    %scan3A_6 = arith.constant 400 : i32
    %scan3A_7 = arith.constant 0 : i32
    %scan3A_8 = arith.constant 0 : i32
    %scan3A_9 = arith.constant 3200 : i32
    %scan3A_10 = arith.addi %scan3A_8, %scan3A_9 : i32
    %scan3A_11 = arith.constant 1 : i32
    %scan3A_12 = scf.for %scan3A_197 = %scan3A_8 to %scan3A_10 step %scan3A_11 iter_args(%scan3A_198 = %scan3A_7) -> (i32)  : i32 {
      %broadcast_in_dim3A_199 = arith.constant 0.000000e+00 : f32
      %broadcast_in_dim3A_200 = vector.broadcast %broadcast_in_dim3A_199 : f32 to vector<16xf32>
      %mul3A_201 = arith.constant 16 : i32
      %mul3A_202 = arith.muli %scan3A_197, %mul3A_201 : i32
      %swap3A = arith.index_cast %mul3A_202 : i32 to index
      %swap3A_203 = tpu.vector_load %arg10[%swap3A] {strides = array<i32>} : memref<51200xf32, #tpu.memory_space<vmem>>, vector<16xf32>,
      tpu.vector_store %arg10[%swap3A], %broadcast_in_dim3A_200 {strides = array<i32>} : memref<51200xf32, #tpu.memory_space<vmem>>, vector<16xf32>,
      %scan3A_204 = arith.constant 0 : i32
      scf.yield %scan3A_204 : i32
    }
    %scan3A_13 = arith.constant 3200 : i32
    %mul3A_14 = arith.constant 3200 : i32
    %mul3A_15 = arith.muli %arg1, %mul3A_14 : i32
    %add3A_16 = arith.constant 0 : i32
    %add3A_17 = arith.addi %mul3A_15, %add3A_16 : i32
    "tpu.region"() ({
      %run_scoped3A = tpu.sem_alloc : memref<!tpu.dma_semaphore, #tpu.memory_space<semaphore_mem>>
      %dma_start3A_197 = arith.constant 0 : i32
      %dma_start3A_198 = tpu.memref_slice %arg11[%add3A_17, %dma_start3A_197] : memref<51200x16xf32, #tpu.memory_space<vmem_shared>> -> memref<400x16xf32, #tpu.memory_space<vmem_shared>>
      %dma_start3A_199 = arith.constant 0 : i32
      %dma_start3A_200 = tpu.memref_slice %arg11[%add3A_17, %dma_start3A_199] : memref<51200x16xf32, #tpu.memory_space<vmem_shared>> -> memref<400x16xf32, #tpu.memory_space<vmem_shared>>
      tpu.enqueue_dma source(%arg9 : memref<400x16xf32, #tpu.memory_space<vmem>>) target(%dma_start3A_200 : memref<400x16xf32, #tpu.memory_space<vmem_shared>>) target_semaphore(%run_scoped3A : memref<!tpu.dma_semaphore, #tpu.memory_space<semaphore_mem>>)
      %dma_wait3A_201 = arith.constant 0 : i32
      %dma_wait3A_202 = tpu.memref_slice %arg11[%add3A_17, %dma_wait3A_201] : memref<51200x16xf32, #tpu.memory_space<vmem_shared>> -> memref<400x16xf32, #tpu.memory_space<vmem_shared>>
      %dma_wait3A_203 = arith.constant 0 : i32
      %dma_wait3A_204 = tpu.memref_slice %arg11[%add3A_17, %dma_wait3A_203] : memref<51200x16xf32, #tpu.memory_space<vmem_shared>> -> memref<400x16xf32, #tpu.memory_space<vmem_shared>>
      tpu.wait_dma2 semaphore(%run_scoped3A : memref<!tpu.dma_semaphore, #tpu.memory_space<semaphore_mem>>) src(%arg9 : memref<400x16xf32, #tpu.memory_space<vmem>>) dst(%dma_wait3A_204 : memref<400x16xf32, #tpu.memory_space<vmem_shared>>)
      tpu.yield
    }) : () -> ()
    %add3A_18 = arith.constant 400 : i32
    %add3A_19 = arith.addi %mul3A_15, %add3A_18 : i32
    "tpu.region"() ({
      %run_scoped3A = tpu.sem_alloc : memref<!tpu.dma_semaphore, #tpu.memory_space<semaphore_mem>>
      %dma_start3A_197 = arith.constant 0 : i32
      %dma_start3A_198 = tpu.memref_slice %arg11[%add3A_19, %dma_start3A_197] : memref<51200x16xf32, #tpu.memory_space<vmem_shared>> -> memref<400x16xf32, #tpu.memory_space<vmem_shared>>
      %dma_start3A_199 = arith.constant 0 : i32
      %dma_start3A_200 = tpu.memref_slice %arg11[%add3A_19, %dma_start3A_199] : memref<51200x16xf32, #tpu.memory_space<vmem_shared>> -> memref<400x16xf32, #tpu.memory_space<vmem_shared>>
      tpu.enqueue_dma source(%arg9 : memref<400x16xf32, #tpu.memory_space<vmem>>) target(%dma_start3A_200 : memref<400x16xf32, #tpu.memory_space<vmem_shared>>) target_semaphore(%run_scoped3A : memref<!tpu.dma_semaphore, #tpu.memory_space<semaphore_mem>>)
      %dma_wait3A_201 = arith.constant 0 : i32
      %dma_wait3A_202 = tpu.memref_slice %arg11[%add3A_19, %dma_wait3A_201] : memref<51200x16xf32, #tpu.memory_space<vmem_shared>> -> memref<400x16xf32, #tpu.memory_space<vmem_shared>>
      %dma_wait3A_203 = arith.constant 0 : i32
      %dma_wait3A_204 = tpu.memref_slice %arg11[%add3A_19, %dma_wait3A_203] : memref<51200x16xf32, #tpu.memory_space<vmem_shared>> -> memref<400x16xf32, #tpu.memory_space<vmem_shared>>
      tpu.wait_dma2 semaphore(%run_scoped3A : memref<!tpu.dma_semaphore, #tpu.memory_space<semaphore_mem>>) src(%arg9 : memref<400x16xf32, #tpu.memory_space<vmem>>) dst(%dma_wait3A_204 : memref<400x16xf32, #tpu.memory_space<vmem_shared>>)
      tpu.yield
    }) : () -> ()
    %add3A_20 = arith.constant 800 : i32
    %add3A_21 = arith.addi %mul3A_15, %add3A_20 : i32
    "tpu.region"() ({
      %run_scoped3A = tpu.sem_alloc : memref<!tpu.dma_semaphore, #tpu.memory_space<semaphore_mem>>
      %dma_start3A_197 = arith.constant 0 : i32
      %dma_start3A_198 = tpu.memref_slice %arg11[%add3A_21, %dma_start3A_197] : memref<51200x16xf32, #tpu.memory_space<vmem_shared>> -> memref<400x16xf32, #tpu.memory_space<vmem_shared>>
      %dma_start3A_199 = arith.constant 0 : i32
      %dma_start3A_200 = tpu.memref_slice %arg11[%add3A_21, %dma_start3A_199] : memref<51200x16xf32, #tpu.memory_space<vmem_shared>> -> memref<400x16xf32, #tpu.memory_space<vmem_shared>>
      tpu.enqueue_dma source(%arg9 : memref<400x16xf32, #tpu.memory_space<vmem>>) target(%dma_start3A_200 : memref<400x16xf32, #tpu.memory_space<vmem_shared>>) target_semaphore(%run_scoped3A : memref<!tpu.dma_semaphore, #tpu.memory_space<semaphore_mem>>)
      %dma_wait3A_201 = arith.constant 0 : i32
      %dma_wait3A_202 = tpu.memref_slice %arg11[%add3A_21, %dma_wait3A_201] : memref<51200x16xf32, #tpu.memory_space<vmem_shared>> -> memref<400x16xf32, #tpu.memory_space<vmem_shared>>
      %dma_wait3A_203 = arith.constant 0 : i32
      %dma_wait3A_204 = tpu.memref_slice %arg11[%add3A_21, %dma_wait3A_203] : memref<51200x16xf32, #tpu.memory_space<vmem_shared>> -> memref<400x16xf32, #tpu.memory_space<vmem_shared>>
      tpu.wait_dma2 semaphore(%run_scoped3A : memref<!tpu.dma_semaphore, #tpu.memory_space<semaphore_mem>>) src(%arg9 : memref<400x16xf32, #tpu.memory_space<vmem>>) dst(%dma_wait3A_204 : memref<400x16xf32, #tpu.memory_space<vmem_shared>>)
      tpu.yield
    }) : () -> ()
    %add3A_22 = arith.constant 1200 : i32
    %add3A_23 = arith.addi %mul3A_15, %add3A_22 : i32
    "tpu.region"() ({
      %run_scoped3A = tpu.sem_alloc : memref<!tpu.dma_semaphore, #tpu.memory_space<semaphore_mem>>
      %dma_start3A_197 = arith.constant 0 : i32
      %dma_start3A_198 = tpu.memref_slice %arg11[%add3A_23, %dma_start3A_197] : memref<51200x16xf32, #tpu.memory_space<vmem_shared>> -> memref<400x16xf32, #tpu.memory_space<vmem_shared>>
      %dma_start3A_199 = arith.constant 0 : i32
      %dma_start3A_200 = tpu.memref_slice %arg11[%add3A_23, %dma_start3A_199] : memref<51200x16xf32, #tpu.memory_space<vmem_shared>> -> memref<400x16xf32, #tpu.memory_space<vmem_shared>>
      tpu.enqueue_dma source(%arg9 : memref<400x16xf32, #tpu.memory_space<vmem>>) target(%dma_start3A_200 : memref<400x16xf32, #tpu.memory_space<vmem_shared>>) target_semaphore(%run_scoped3A : memref<!tpu.dma_semaphore, #tpu.memory_space<semaphore_mem>>)
      %dma_wait3A_201 = arith.constant 0 : i32
      %dma_wait3A_202 = tpu.memref_slice %arg11[%add3A_23, %dma_wait3A_201] : memref<51200x16xf32, #tpu.memory_space<vmem_shared>> -> memref<400x16xf32, #tpu.memory_space<vmem_shared>>
      %dma_wait3A_203 = arith.constant 0 : i32
      %dma_wait3A_204 = tpu.memref_slice %arg11[%add3A_23, %dma_wait3A_203] : memref<51200x16xf32, #tpu.memory_space<vmem_shared>> -> memref<400x16xf32, #tpu.memory_space<vmem_shared>>
      tpu.wait_dma2 semaphore(%run_scoped3A : memref<!tpu.dma_semaphore, #tpu.memory_space<semaphore_mem>>) src(%arg9 : memref<400x16xf32, #tpu.memory_space<vmem>>) dst(%dma_wait3A_204 : memref<400x16xf32, #tpu.memory_space<vmem_shared>>)
      tpu.yield
    }) : () -> ()
    %add3A_24 = arith.constant 1600 : i32
    %add3A_25 = arith.addi %mul3A_15, %add3A_24 : i32
    "tpu.region"() ({
      %run_scoped3A = tpu.sem_alloc : memref<!tpu.dma_semaphore, #tpu.memory_space<semaphore_mem>>
      %dma_start3A_197 = arith.constant 0 : i32
      %dma_start3A_198 = tpu.memref_slice %arg11[%add3A_25, %dma_start3A_197] : memref<51200x16xf32, #tpu.memory_space<vmem_shared>> -> memref<400x16xf32, #tpu.memory_space<vmem_shared>>
      %dma_start3A_199 = arith.constant 0 : i32
      %dma_start3A_200 = tpu.memref_slice %arg11[%add3A_25, %dma_start3A_199] : memref<51200x16xf32, #tpu.memory_space<vmem_shared>> -> memref<400x16xf32, #tpu.memory_space<vmem_shared>>
      tpu.enqueue_dma source(%arg9 : memref<400x16xf32, #tpu.memory_space<vmem>>) target(%dma_start3A_200 : memref<400x16xf32, #tpu.memory_space<vmem_shared>>) target_semaphore(%run_scoped3A : memref<!tpu.dma_semaphore, #tpu.memory_space<semaphore_mem>>)
      %dma_wait3A_201 = arith.constant 0 : i32
      %dma_wait3A_202 = tpu.memref_slice %arg11[%add3A_25, %dma_wait3A_201] : memref<51200x16xf32, #tpu.memory_space<vmem_shared>> -> memref<400x16xf32, #tpu.memory_space<vmem_shared>>
      %dma_wait3A_203 = arith.constant 0 : i32
      %dma_wait3A_204 = tpu.memref_slice %arg11[%add3A_25, %dma_wait3A_203] : memref<51200x16xf32, #tpu.memory_space<vmem_shared>> -> memref<400x16xf32, #tpu.memory_space<vmem_shared>>
      tpu.wait_dma2 semaphore(%run_scoped3A : memref<!tpu.dma_semaphore, #tpu.memory_space<semaphore_mem>>) src(%arg9 : memref<400x16xf32, #tpu.memory_space<vmem>>) dst(%dma_wait3A_204 : memref<400x16xf32, #tpu.memory_space<vmem_shared>>)
      tpu.yield
    }) : () -> ()
    %add3A_26 = arith.constant 2000 : i32
    %add3A_27 = arith.addi %mul3A_15, %add3A_26 : i32
    "tpu.region"() ({
      %run_scoped3A = tpu.sem_alloc : memref<!tpu.dma_semaphore, #tpu.memory_space<semaphore_mem>>
      %dma_start3A_197 = arith.constant 0 : i32
      %dma_start3A_198 = tpu.memref_slice %arg11[%add3A_27, %dma_start3A_197] : memref<51200x16xf32, #tpu.memory_space<vmem_shared>> -> memref<400x16xf32, #tpu.memory_space<vmem_shared>>
      %dma_start3A_199 = arith.constant 0 : i32
      %dma_start3A_200 = tpu.memref_slice %arg11[%add3A_27, %dma_start3A_199] : memref<51200x16xf32, #tpu.memory_space<vmem_shared>> -> memref<400x16xf32, #tpu.memory_space<vmem_shared>>
      tpu.enqueue_dma source(%arg9 : memref<400x16xf32, #tpu.memory_space<vmem>>) target(%dma_start3A_200 : memref<400x16xf32, #tpu.memory_space<vmem_shared>>) target_semaphore(%run_scoped3A : memref<!tpu.dma_semaphore, #tpu.memory_space<semaphore_mem>>)
      %dma_wait3A_201 = arith.constant 0 : i32
      %dma_wait3A_202 = tpu.memref_slice %arg11[%add3A_27, %dma_wait3A_201] : memref<51200x16xf32, #tpu.memory_space<vmem_shared>> -> memref<400x16xf32, #tpu.memory_space<vmem_shared>>
      %dma_wait3A_203 = arith.constant 0 : i32
      %dma_wait3A_204 = tpu.memref_slice %arg11[%add3A_27, %dma_wait3A_203] : memref<51200x16xf32, #tpu.memory_space<vmem_shared>> -> memref<400x16xf32, #tpu.memory_space<vmem_shared>>
      tpu.wait_dma2 semaphore(%run_scoped3A : memref<!tpu.dma_semaphore, #tpu.memory_space<semaphore_mem>>) src(%arg9 : memref<400x16xf32, #tpu.memory_space<vmem>>) dst(%dma_wait3A_204 : memref<400x16xf32, #tpu.memory_space<vmem_shared>>)
      tpu.yield
    }) : () -> ()
    %add3A_28 = arith.constant 2400 : i32
    %add3A_29 = arith.addi %mul3A_15, %add3A_28 : i32
    "tpu.region"() ({
      %run_scoped3A = tpu.sem_alloc : memref<!tpu.dma_semaphore, #tpu.memory_space<semaphore_mem>>
      %dma_start3A_197 = arith.constant 0 : i32
      %dma_start3A_198 = tpu.memref_slice %arg11[%add3A_29, %dma_start3A_197] : memref<51200x16xf32, #tpu.memory_space<vmem_shared>> -> memref<400x16xf32, #tpu.memory_space<vmem_shared>>
      %dma_start3A_199 = arith.constant 0 : i32
      %dma_start3A_200 = tpu.memref_slice %arg11[%add3A_29, %dma_start3A_199] : memref<51200x16xf32, #tpu.memory_space<vmem_shared>> -> memref<400x16xf32, #tpu.memory_space<vmem_shared>>
      tpu.enqueue_dma source(%arg9 : memref<400x16xf32, #tpu.memory_space<vmem>>) target(%dma_start3A_200 : memref<400x16xf32, #tpu.memory_space<vmem_shared>>) target_semaphore(%run_scoped3A : memref<!tpu.dma_semaphore, #tpu.memory_space<semaphore_mem>>)
      %dma_wait3A_201 = arith.constant 0 : i32
      %dma_wait3A_202 = tpu.memref_slice %arg11[%add3A_29, %dma_wait3A_201] : memref<51200x16xf32, #tpu.memory_space<vmem_shared>> -> memref<400x16xf32, #tpu.memory_space<vmem_shared>>
      %dma_wait3A_203 = arith.constant 0 : i32
      %dma_wait3A_204 = tpu.memref_slice %arg11[%add3A_29, %dma_wait3A_203] : memref<51200x16xf32, #tpu.memory_space<vmem_shared>> -> memref<400x16xf32, #tpu.memory_space<vmem_shared>>
      tpu.wait_dma2 semaphore(%run_scoped3A : memref<!tpu.dma_semaphore, #tpu.memory_space<semaphore_mem>>) src(%arg9 : memref<400x16xf32, #tpu.memory_space<vmem>>) dst(%dma_wait3A_204 : memref<400x16xf32, #tpu.memory_space<vmem_shared>>)
      tpu.yield
    }) : () -> ()
    %add3A_30 = arith.constant 2800 : i32
    %add3A_31 = arith.addi %mul3A_15, %add3A_30 : i32
    "tpu.region"() ({
      %run_scoped3A = tpu.sem_alloc : memref<!tpu.dma_semaphore, #tpu.memory_space<semaphore_mem>>
      %dma_start3A_197 = arith.constant 0 : i32
      %dma_start3A_198 = tpu.memref_slice %arg11[%add3A_31, %dma_start3A_197] : memref<51200x16xf32, #tpu.memory_space<vmem_shared>> -> memref<400x16xf32, #tpu.memory_space<vmem_shared>>
      %dma_start3A_199 = arith.constant 0 : i32
      %dma_start3A_200 = tpu.memref_slice %arg11[%add3A_31, %dma_start3A_199] : memref<51200x16xf32, #tpu.memory_space<vmem_shared>> -> memref<400x16xf32, #tpu.memory_space<vmem_shared>>
      tpu.enqueue_dma source(%arg9 : memref<400x16xf32, #tpu.memory_space<vmem>>) target(%dma_start3A_200 : memref<400x16xf32, #tpu.memory_space<vmem_shared>>) target_semaphore(%run_scoped3A : memref<!tpu.dma_semaphore, #tpu.memory_space<semaphore_mem>>)
      %dma_wait3A_201 = arith.constant 0 : i32
      %dma_wait3A_202 = tpu.memref_slice %arg11[%add3A_31, %dma_wait3A_201] : memref<51200x16xf32, #tpu.memory_space<vmem_shared>> -> memref<400x16xf32, #tpu.memory_space<vmem_shared>>
      %dma_wait3A_203 = arith.constant 0 : i32
      %dma_wait3A_204 = tpu.memref_slice %arg11[%add3A_31, %dma_wait3A_203] : memref<51200x16xf32, #tpu.memory_space<vmem_shared>> -> memref<400x16xf32, #tpu.memory_space<vmem_shared>>
      tpu.wait_dma2 semaphore(%run_scoped3A : memref<!tpu.dma_semaphore, #tpu.memory_space<semaphore_mem>>) src(%arg9 : memref<400x16xf32, #tpu.memory_space<vmem>>) dst(%dma_wait3A_204 : memref<400x16xf32, #tpu.memory_space<vmem_shared>>)
      tpu.yield
    }) : () -> ()
    %barrier3A = arith.constant 0 : index
    tpu.barrier barrier_id(%barrier3A)
    %mul3A_32 = arith.constant 6250 : i32
    %mul3A_33 = arith.muli %add3A, %mul3A_32 : i32
    %jit3A = arith.constant 32 : i32
    %div3A = arith.divsi %mul3A_33, %jit3A : i32
    %sign3A = arith.constant 0 : i32
    %sign3A_34 = arith.cmpi sgt, %mul3A_33, %sign3A : i32
    %sign3A_35 = arith.extui %sign3A_34 : i1 to i32
    %sign3A_36 = arith.constant 0 : i32
    %sign3A_37 = arith.cmpi slt, %mul3A_33, %sign3A_36 : i32
    %sign3A_38 = arith.extui %sign3A_37 : i1 to i32
    %sign3A_39 = arith.subi %sign3A_35, %sign3A_38 : i32
    %sign3A_40 = arith.constant 0 : i32
    %sign3A_41 = arith.cmpi sgt, %jit3A, %sign3A_40 : i32
    %sign3A_42 = arith.extui %sign3A_41 : i1 to i32
    %sign3A_43 = arith.constant 0 : i32
    %sign3A_44 = arith.cmpi slt, %jit3A, %sign3A_43 : i32
    %sign3A_45 = arith.extui %sign3A_44 : i1 to i32
    %sign3A_46 = arith.subi %sign3A_42, %sign3A_45 : i32
    %ne3A = arith.cmpi ne, %sign3A_39, %sign3A_46 : i32
    %rem3A = arith.remsi %mul3A_33, %jit3A : i32
    %ne3A_47 = arith.constant 0 : i32
    %ne3A_48 = arith.cmpi ne, %rem3A, %ne3A_47 : i32
    %and3A = arith.andi %ne3A, %ne3A_48 : i1
    %sub3A = arith.constant 1 : i32
    %sub3A_49 = arith.subi %div3A, %sub3A : i32
    %select_n3A = arith.select %and3A, %sub3A_49, %div3A : i32
    %add3A_50 = arith.constant 1 : i32
    %add3A_51 = arith.addi %add3A, %add3A_50 : i32
    %mul3A_52 = arith.constant 6250 : i32
    %mul3A_53 = arith.muli %add3A_51, %mul3A_52 : i32
    %jit3A_54 = arith.constant 32 : i32
    %div3A_55 = arith.divsi %mul3A_53, %jit3A_54 : i32
    %sign3A_56 = arith.constant 0 : i32
    %sign3A_57 = arith.cmpi sgt, %mul3A_53, %sign3A_56 : i32
    %sign3A_58 = arith.extui %sign3A_57 : i1 to i32
    %sign3A_59 = arith.constant 0 : i32
    %sign3A_60 = arith.cmpi slt, %mul3A_53, %sign3A_59 : i32
    %sign3A_61 = arith.extui %sign3A_60 : i1 to i32
    %sign3A_62 = arith.subi %sign3A_58, %sign3A_61 : i32
    %sign3A_63 = arith.constant 0 : i32
    %sign3A_64 = arith.cmpi sgt, %jit3A_54, %sign3A_63 : i32
    %sign3A_65 = arith.extui %sign3A_64 : i1 to i32
    %sign3A_66 = arith.constant 0 : i32
    %sign3A_67 = arith.cmpi slt, %jit3A_54, %sign3A_66 : i32
    %sign3A_68 = arith.extui %sign3A_67 : i1 to i32
    %sign3A_69 = arith.subi %sign3A_65, %sign3A_68 : i32
    %ne3A_70 = arith.cmpi ne, %sign3A_62, %sign3A_69 : i32
    %rem3A_71 = arith.remsi %mul3A_53, %jit3A_54 : i32
    %ne3A_72 = arith.constant 0 : i32
    %ne3A_73 = arith.cmpi ne, %rem3A_71, %ne3A_72 : i32
    %and3A_74 = arith.andi %ne3A_70, %ne3A_73 : i1
    %sub3A_75 = arith.constant 1 : i32
    %sub3A_76 = arith.subi %div3A_55, %sub3A_75 : i32
    %select_n3A_77 = arith.select %and3A_74, %sub3A_76, %div3A_55 : i32
    %dma_start3A = arith.constant 0 : i32
    %dma_start3A_78 = arith.constant 0 : i32
    %dma_start3A_79 = arith.constant 0 : i32
    %dma_start3A_80 = arith.constant 0 : i32
    %dma_start3A_81 = arith.constant 0 : i32
    %dma_start3A_82 = arith.constant 0 : i32
    %dma_start3A_83 = tpu.memref_slice %arg6[%dma_start3A_78, %dma_start3A_79, %dma_start3A_81, %dma_start3A_82] : memref<2x2x8x128xf32, #tpu.memory_space<vmem>> -> memref<1x1x8x128xf32, #tpu.memory_space<vmem>>
    %dma_start3A_84 = tpu.memref_squeeze %dma_start3A_83 : memref<1x1x8x128xf32, #tpu.memory_space<vmem>> -> memref<8x128xf32, #tpu.memory_space<vmem>>
    %dma_start3A_85 = arith.constant 0 : i32
    %dma_start3A_86 = arith.constant 0 : i32
    %dma_start3A_87 = tpu.memref_slice %arg2[%dma_start3A, %select_n3A, %dma_start3A_85, %dma_start3A_86] : memref<2x6250x8x128xf32, #tpu.memory_space<hbm>> -> memref<1x1x8x128xf32, #tpu.memory_space<hbm>>
    %dma_start3A_88 = tpu.memref_squeeze %dma_start3A_87 : memref<1x1x8x128xf32, #tpu.memory_space<hbm>> -> memref<8x128xf32, #tpu.memory_space<hbm>>
    %dma_start3A_89 = tpu.memref_slice %arg12[%dma_start3A_80] : memref<2x!tpu.dma_semaphore, #tpu.memory_space<semaphore_mem>> -> memref<1x!tpu.dma_semaphore, #tpu.memory_space<semaphore_mem>>
    %dma_start3A_90 = tpu.memref_squeeze %dma_start3A_89 : memref<1x!tpu.dma_semaphore, #tpu.memory_space<semaphore_mem>> -> memref<!tpu.dma_semaphore, #tpu.memory_space<semaphore_mem>>
    %dma_start3A_91 = arith.constant 0 : i32
    %dma_start3A_92 = arith.constant 0 : i32
    %dma_start3A_93 = tpu.memref_slice %arg6[%dma_start3A_78, %dma_start3A_79, %dma_start3A_91, %dma_start3A_92] : memref<2x2x8x128xf32, #tpu.memory_space<vmem>> -> memref<1x1x8x128xf32, #tpu.memory_space<vmem>>
    %dma_start3A_94 = tpu.memref_squeeze %dma_start3A_93 : memref<1x1x8x128xf32, #tpu.memory_space<vmem>> -> memref<8x128xf32, #tpu.memory_space<vmem>>
    %dma_start3A_95 = arith.constant 0 : i32
    %dma_start3A_96 = arith.constant 0 : i32
    %dma_start3A_97 = tpu.memref_slice %arg2[%dma_start3A, %select_n3A, %dma_start3A_95, %dma_start3A_96] : memref<2x6250x8x128xf32, #tpu.memory_space<hbm>> -> memref<1x1x8x128xf32, #tpu.memory_space<hbm>>
    %dma_start3A_98 = tpu.memref_squeeze %dma_start3A_97 : memref<1x1x8x128xf32, #tpu.memory_space<hbm>> -> memref<8x128xf32, #tpu.memory_space<hbm>>
    tpu.enqueue_dma source(%dma_start3A_98 : memref<8x128xf32, #tpu.memory_space<hbm>>) target(%dma_start3A_94 : memref<8x128xf32, #tpu.memory_space<vmem>>) target_semaphore(%dma_start3A_90 : memref<!tpu.dma_semaphore, #tpu.memory_space<semaphore_mem>>)
    %dma_start3A_99 = arith.constant 1 : i32
    %dma_start3A_100 = arith.constant 0 : i32
    %dma_start3A_101 = arith.constant 1 : i32
    %dma_start3A_102 = arith.constant 0 : i32
    %dma_start3A_103 = arith.constant 0 : i32
    %dma_start3A_104 = arith.constant 0 : i32
    %dma_start3A_105 = tpu.memref_slice %arg6[%dma_start3A_100, %dma_start3A_101, %dma_start3A_103, %dma_start3A_104] : memref<2x2x8x128xf32, #tpu.memory_space<vmem>> -> memref<1x1x8x128xf32, #tpu.memory_space<vmem>>
    %dma_start3A_106 = tpu.memref_squeeze %dma_start3A_105 : memref<1x1x8x128xf32, #tpu.memory_space<vmem>> -> memref<8x128xf32, #tpu.memory_space<vmem>>
    %dma_start3A_107 = arith.constant 0 : i32
    %dma_start3A_108 = arith.constant 0 : i32
    %dma_start3A_109 = tpu.memref_slice %arg2[%dma_start3A_99, %select_n3A, %dma_start3A_107, %dma_start3A_108] : memref<2x6250x8x128xf32, #tpu.memory_space<hbm>> -> memref<1x1x8x128xf32, #tpu.memory_space<hbm>>
    %dma_start3A_110 = tpu.memref_squeeze %dma_start3A_109 : memref<1x1x8x128xf32, #tpu.memory_space<hbm>> -> memref<8x128xf32, #tpu.memory_space<hbm>>
    %dma_start3A_111 = tpu.memref_slice %arg12[%dma_start3A_102] : memref<2x!tpu.dma_semaphore, #tpu.memory_space<semaphore_mem>> -> memref<1x!tpu.dma_semaphore, #tpu.memory_space<semaphore_mem>>
    %dma_start3A_112 = tpu.memref_squeeze %dma_start3A_111 : memref<1x!tpu.dma_semaphore, #tpu.memory_space<semaphore_mem>> -> memref<!tpu.dma_semaphore, #tpu.memory_space<semaphore_mem>>
    %dma_start3A_113 = arith.constant 0 : i32
    %dma_start3A_114 = arith.constant 0 : i32
    %dma_start3A_115 = tpu.memref_slice %arg6[%dma_start3A_100, %dma_start3A_101, %dma_start3A_113, %dma_start3A_114] : memref<2x2x8x128xf32, #tpu.memory_space<vmem>> -> memref<1x1x8x128xf32, #tpu.memory_space<vmem>>
    %dma_start3A_116 = tpu.memref_squeeze %dma_start3A_115 : memref<1x1x8x128xf32, #tpu.memory_space<vmem>> -> memref<8x128xf32, #tpu.memory_space<vmem>>
    %dma_start3A_117 = arith.constant 0 : i32
    %dma_start3A_118 = arith.constant 0 : i32
    %dma_start3A_119 = tpu.memref_slice %arg2[%dma_start3A_99, %select_n3A, %dma_start3A_117, %dma_start3A_118] : memref<2x6250x8x128xf32, #tpu.memory_space<hbm>> -> memref<1x1x8x128xf32, #tpu.memory_space<hbm>>
    %dma_start3A_120 = tpu.memref_squeeze %dma_start3A_119 : memref<1x1x8x128xf32, #tpu.memory_space<hbm>> -> memref<8x128xf32, #tpu.memory_space<hbm>>
    tpu.enqueue_dma source(%dma_start3A_120 : memref<8x128xf32, #tpu.memory_space<hbm>>) target(%dma_start3A_116 : memref<8x128xf32, #tpu.memory_space<vmem>>) target_semaphore(%dma_start3A_112 : memref<!tpu.dma_semaphore, #tpu.memory_space<semaphore_mem>>)
    %dma_start3A_121 = arith.constant 1 : i32
    %dma_start3A_122 = arith.constant 0 : i32
    %dma_start3A_123 = arith.constant 0 : i32
    %dma_start3A_124 = arith.constant 0 : i32
    %dma_start3A_125 = arith.constant 0 : i32
    %dma_start3A_126 = tpu.memref_slice %arg7[%dma_start3A_122, %dma_start3A_123, %dma_start3A_125] : memref<3x1x128xi32, #tpu.memory_space<vmem>> -> memref<1x1x128xi32, #tpu.memory_space<vmem>>
    %dma_start3A_127 = tpu.memref_squeeze %dma_start3A_126 : memref<1x1x128xi32, #tpu.memory_space<vmem>> -> memref<128xi32, #tpu.memory_space<vmem>>
    %dma_start3A_128 = arith.constant 0 : i32
    %dma_start3A_129 = tpu.memref_slice %arg3[%select_n3A, %dma_start3A_121, %dma_start3A_128] : memref<6250x2x128xi32, #tpu.memory_space<hbm>> -> memref<1x1x128xi32, #tpu.memory_space<hbm>>
    %dma_start3A_130 = tpu.memref_squeeze %dma_start3A_129 : memref<1x1x128xi32, #tpu.memory_space<hbm>> -> memref<128xi32, #tpu.memory_space<hbm>>
    %dma_start3A_131 = tpu.memref_slice %arg12[%dma_start3A_124] : memref<2x!tpu.dma_semaphore, #tpu.memory_space<semaphore_mem>> -> memref<1x!tpu.dma_semaphore, #tpu.memory_space<semaphore_mem>>
    %dma_start3A_132 = tpu.memref_squeeze %dma_start3A_131 : memref<1x!tpu.dma_semaphore, #tpu.memory_space<semaphore_mem>> -> memref<!tpu.dma_semaphore, #tpu.memory_space<semaphore_mem>>
    %dma_start3A_133 = arith.constant 0 : i32
    %dma_start3A_134 = tpu.memref_slice %arg7[%dma_start3A_122, %dma_start3A_123, %dma_start3A_133] : memref<3x1x128xi32, #tpu.memory_space<vmem>> -> memref<1x1x128xi32, #tpu.memory_space<vmem>>
    %dma_start3A_135 = tpu.memref_squeeze %dma_start3A_134 : memref<1x1x128xi32, #tpu.memory_space<vmem>> -> memref<128xi32, #tpu.memory_space<vmem>>
    %dma_start3A_136 = arith.constant 0 : i32
    %dma_start3A_137 = tpu.memref_slice %arg3[%select_n3A, %dma_start3A_121, %dma_start3A_136] : memref<6250x2x128xi32, #tpu.memory_space<hbm>> -> memref<1x1x128xi32, #tpu.memory_space<hbm>>
    %dma_start3A_138 = tpu.memref_squeeze %dma_start3A_137 : memref<1x1x128xi32, #tpu.memory_space<hbm>> -> memref<128xi32, #tpu.memory_space<hbm>>
    tpu.enqueue_dma source(%dma_start3A_138 : memref<128xi32, #tpu.memory_space<hbm>>) target(%dma_start3A_135 : memref<128xi32, #tpu.memory_space<vmem>>) target_semaphore(%dma_start3A_132 : memref<!tpu.dma_semaphore, #tpu.memory_space<semaphore_mem>>)
    %iota3A = tpu.iota {dimensions = array<i32: 0>} : vector<16xi32>
    %broadcast_in_dim3A = arith.constant 1.000000e+00 : f32
    %broadcast_in_dim3A_139 = vector.broadcast %broadcast_in_dim3A : f32 to vector<16xf32>
    %while3A = arith.constant 0 : i32
    %while3A_140 = arith.subi %select_n3A_77, %select_n3A : i32
    %while3A_141 = arith.addi %select_n3A, %while3A_140 : i32
    %while3A_142 = arith.constant 1 : i32
    %while3A_143 = arith.divsi %while3A_140, %while3A_142 : i32
    %while3A_144 = arith.muli %while3A_143, %while3A_142 : i32
    %while3A_145 = arith.addi %select_n3A, %while3A_144 : i32
    %while3A_146 = arith.constant 1 : i32
    %while3A_147 = scf.for %while3A_197 = %select_n3A to %while3A_145 step %while3A_146 iter_args(%while3A_198 = %while3A) -> (i32)  : i32 {
      %sub3A_199 = arith.subi %while3A_197, %select_n3A : i32
      %jit3A_200 = arith.constant 2 : i32
      %eq3A_201 = arith.constant 0 : i32
      %eq3A_202 = arith.cmpi eq, %jit3A_200, %eq3A_201 : i32
      %jit3A_203 = arith.constant 1 : i32
      %select_n3A_204 = arith.select %eq3A_202, %jit3A_203, %jit3A_200 : i32
      %rem3A_205 = arith.remsi %sub3A_199, %select_n3A_204 : i32
      %ne3A_206 = arith.constant 0 : i32
      %ne3A_207 = arith.cmpi ne, %rem3A_205, %ne3A_206 : i32
      %lt3A_208 = arith.constant 0 : i32
      %lt3A_209 = arith.cmpi slt, %rem3A_205, %lt3A_208 : i32
      %lt3A_210 = arith.constant 0 : i32
      %lt3A_211 = arith.cmpi slt, %select_n3A_204, %lt3A_210 : i32
      %ne3A_212 = arith.xori %lt3A_209, %lt3A_211 : i1
      %and3A_213 = arith.andi %ne3A_212, %ne3A_207 : i1
      %add3A_214 = arith.addi %rem3A_205, %select_n3A_204 : i32
      %select_n3A_215 = arith.select %and3A_213, %add3A_214, %rem3A_205 : i32
      %sub3A_216 = arith.subi %while3A_197, %select_n3A : i32
      %jit3A_217 = arith.constant 3 : i32
      %eq3A_218 = arith.constant 0 : i32
      %eq3A_219 = arith.cmpi eq, %jit3A_217, %eq3A_218 : i32
      %jit3A_220 = arith.constant 1 : i32
      %select_n3A_221 = arith.select %eq3A_219, %jit3A_220, %jit3A_217 : i32
      %rem3A_222 = arith.remsi %sub3A_216, %select_n3A_221 : i32
      %ne3A_223 = arith.constant 0 : i32
      %ne3A_224 = arith.cmpi ne, %rem3A_222, %ne3A_223 : i32
      %lt3A_225 = arith.constant 0 : i32
      %lt3A_226 = arith.cmpi slt, %rem3A_222, %lt3A_225 : i32
      %lt3A_227 = arith.constant 0 : i32
      %lt3A_228 = arith.cmpi slt, %select_n3A_221, %lt3A_227 : i32
      %ne3A_229 = arith.xori %lt3A_226, %lt3A_228 : i1
      %and3A_230 = arith.andi %ne3A_229, %ne3A_224 : i1
      %add3A_231 = arith.addi %rem3A_222, %select_n3A_221 : i32
      %select_n3A_232 = arith.select %and3A_230, %add3A_231, %rem3A_222 : i32
      %dma_wait3A_233 = arith.constant 0 : i32
      %dma_wait3A_234 = arith.constant 0 : i32
      %dma_wait3A_235 = arith.constant 0 : i32
      %dma_wait3A_236 = arith.constant 0 : i32
      %dma_wait3A_237 = tpu.memref_slice %arg6[%select_n3A_215, %dma_wait3A_234, %dma_wait3A_235, %dma_wait3A_236] : memref<2x2x8x128xf32, #tpu.memory_space<vmem>> -> memref<1x1x8x128xf32, #tpu.memory_space<vmem>>
      %dma_wait3A_238 = tpu.memref_squeeze %dma_wait3A_237 : memref<1x1x8x128xf32, #tpu.memory_space<vmem>> -> memref<8x128xf32, #tpu.memory_space<vmem>>
      %dma_wait3A_239 = arith.constant 0 : i32
      %dma_wait3A_240 = arith.constant 0 : i32
      %dma_wait3A_241 = tpu.memref_slice %arg2[%dma_wait3A_233, %while3A_197, %dma_wait3A_239, %dma_wait3A_240] : memref<2x6250x8x128xf32, #tpu.memory_space<hbm>> -> memref<1x1x8x128xf32, #tpu.memory_space<hbm>>
      %dma_wait3A_242 = tpu.memref_squeeze %dma_wait3A_241 : memref<1x1x8x128xf32, #tpu.memory_space<hbm>> -> memref<8x128xf32, #tpu.memory_space<hbm>>
      %dma_wait3A_243 = tpu.memref_slice %arg12[%select_n3A_215] : memref<2x!tpu.dma_semaphore, #tpu.memory_space<semaphore_mem>> -> memref<1x!tpu.dma_semaphore, #tpu.memory_space<semaphore_mem>>
      %dma_wait3A_244 = tpu.memref_squeeze %dma_wait3A_243 : memref<1x!tpu.dma_semaphore, #tpu.memory_space<semaphore_mem>> -> memref<!tpu.dma_semaphore, #tpu.memory_space<semaphore_mem>>
      %dma_wait3A_245 = arith.constant 0 : i32
      %dma_wait3A_246 = arith.constant 0 : i32
      %dma_wait3A_247 = tpu.memref_slice %arg6[%select_n3A_215, %dma_wait3A_234, %dma_wait3A_245, %dma_wait3A_246] : memref<2x2x8x128xf32, #tpu.memory_space<vmem>> -> memref<1x1x8x128xf32, #tpu.memory_space<vmem>>
      %dma_wait3A_248 = tpu.memref_squeeze %dma_wait3A_247 : memref<1x1x8x128xf32, #tpu.memory_space<vmem>> -> memref<8x128xf32, #tpu.memory_space<vmem>>
      %dma_wait3A_249 = arith.constant 0 : i32
      %dma_wait3A_250 = arith.constant 0 : i32
      %dma_wait3A_251 = tpu.memref_slice %arg2[%dma_wait3A_233, %while3A_197, %dma_wait3A_249, %dma_wait3A_250] : memref<2x6250x8x128xf32, #tpu.memory_space<hbm>> -> memref<1x1x8x128xf32, #tpu.memory_space<hbm>>
      %dma_wait3A_252 = tpu.memref_squeeze %dma_wait3A_251 : memref<1x1x8x128xf32, #tpu.memory_space<hbm>> -> memref<8x128xf32, #tpu.memory_space<hbm>>
      tpu.wait_dma2 semaphore(%dma_wait3A_244 : memref<!tpu.dma_semaphore, #tpu.memory_space<semaphore_mem>>) src(%dma_wait3A_252 : memref<8x128xf32, #tpu.memory_space<hbm>>) dst(%dma_wait3A_248 : memref<8x128xf32, #tpu.memory_space<vmem>>)
      %dma_wait3A_253 = arith.constant 1 : i32
      %dma_wait3A_254 = arith.constant 1 : i32
      %dma_wait3A_255 = arith.constant 0 : i32
      %dma_wait3A_256 = arith.constant 0 : i32
      %dma_wait3A_257 = tpu.memref_slice %arg6[%select_n3A_215, %dma_wait3A_254, %dma_wait3A_255, %dma_wait3A_256] : memref<2x2x8x128xf32, #tpu.memory_space<vmem>> -> memref<1x1x8x128xf32, #tpu.memory_space<vmem>>
      %dma_wait3A_258 = tpu.memref_squeeze %dma_wait3A_257 : memref<1x1x8x128xf32, #tpu.memory_space<vmem>> -> memref<8x128xf32, #tpu.memory_space<vmem>>
      %dma_wait3A_259 = arith.constant 0 : i32
      %dma_wait3A_260 = arith.constant 0 : i32
      %dma_wait3A_261 = tpu.memref_slice %arg2[%dma_wait3A_253, %while3A_197, %dma_wait3A_259, %dma_wait3A_260] : memref<2x6250x8x128xf32, #tpu.memory_space<hbm>> -> memref<1x1x8x128xf32, #tpu.memory_space<hbm>>
      %dma_wait3A_262 = tpu.memref_squeeze %dma_wait3A_261 : memref<1x1x8x128xf32, #tpu.memory_space<hbm>> -> memref<8x128xf32, #tpu.memory_space<hbm>>
      %dma_wait3A_263 = tpu.memref_slice %arg12[%select_n3A_215] : memref<2x!tpu.dma_semaphore, #tpu.memory_space<semaphore_mem>> -> memref<1x!tpu.dma_semaphore, #tpu.memory_space<semaphore_mem>>
      %dma_wait3A_264 = tpu.memref_squeeze %dma_wait3A_263 : memref<1x!tpu.dma_semaphore, #tpu.memory_space<semaphore_mem>> -> memref<!tpu.dma_semaphore, #tpu.memory_space<semaphore_mem>>
      %dma_wait3A_265 = arith.constant 0 : i32
      %dma_wait3A_266 = arith.constant 0 : i32
      %dma_wait3A_267 = tpu.memref_slice %arg6[%select_n3A_215, %dma_wait3A_254, %dma_wait3A_265, %dma_wait3A_266] : memref<2x2x8x128xf32, #tpu.memory_space<vmem>> -> memref<1x1x8x128xf32, #tpu.memory_space<vmem>>
      %dma_wait3A_268 = tpu.memref_squeeze %dma_wait3A_267 : memref<1x1x8x128xf32, #tpu.memory_space<vmem>> -> memref<8x128xf32, #tpu.memory_space<vmem>>
      %dma_wait3A_269 = arith.constant 0 : i32
      %dma_wait3A_270 = arith.constant 0 : i32
      %dma_wait3A_271 = tpu.memref_slice %arg2[%dma_wait3A_253, %while3A_197, %dma_wait3A_269, %dma_wait3A_270] : memref<2x6250x8x128xf32, #tpu.memory_space<hbm>> -> memref<1x1x8x128xf32, #tpu.memory_space<hbm>>
      %dma_wait3A_272 = tpu.memref_squeeze %dma_wait3A_271 : memref<1x1x8x128xf32, #tpu.memory_space<hbm>> -> memref<8x128xf32, #tpu.memory_space<hbm>>
      tpu.wait_dma2 semaphore(%dma_wait3A_264 : memref<!tpu.dma_semaphore, #tpu.memory_space<semaphore_mem>>) src(%dma_wait3A_272 : memref<8x128xf32, #tpu.memory_space<hbm>>) dst(%dma_wait3A_268 : memref<8x128xf32, #tpu.memory_space<vmem>>)
      %dma_wait3A_273 = arith.constant 1 : i32
      %dma_wait3A_274 = arith.constant 0 : i32
      %dma_wait3A_275 = arith.constant 0 : i32
      %dma_wait3A_276 = tpu.memref_slice %arg7[%select_n3A_232, %dma_wait3A_274, %dma_wait3A_275] : memref<3x1x128xi32, #tpu.memory_space<vmem>> -> memref<1x1x128xi32, #tpu.memory_space<vmem>>
      %dma_wait3A_277 = tpu.memref_squeeze %dma_wait3A_276 : memref<1x1x128xi32, #tpu.memory_space<vmem>> -> memref<128xi32, #tpu.memory_space<vmem>>
      %dma_wait3A_278 = arith.constant 0 : i32
      %dma_wait3A_279 = tpu.memref_slice %arg3[%while3A_197, %dma_wait3A_273, %dma_wait3A_278] : memref<6250x2x128xi32, #tpu.memory_space<hbm>> -> memref<1x1x128xi32, #tpu.memory_space<hbm>>
      %dma_wait3A_280 = tpu.memref_squeeze %dma_wait3A_279 : memref<1x1x128xi32, #tpu.memory_space<hbm>> -> memref<128xi32, #tpu.memory_space<hbm>>
      %dma_wait3A_281 = tpu.memref_slice %arg12[%select_n3A_215] : memref<2x!tpu.dma_semaphore, #tpu.memory_space<semaphore_mem>> -> memref<1x!tpu.dma_semaphore, #tpu.memory_space<semaphore_mem>>
      %dma_wait3A_282 = tpu.memref_squeeze %dma_wait3A_281 : memref<1x!tpu.dma_semaphore, #tpu.memory_space<semaphore_mem>> -> memref<!tpu.dma_semaphore, #tpu.memory_space<semaphore_mem>>
      %dma_wait3A_283 = arith.constant 0 : i32
      %dma_wait3A_284 = tpu.memref_slice %arg7[%select_n3A_232, %dma_wait3A_274, %dma_wait3A_283] : memref<3x1x128xi32, #tpu.memory_space<vmem>> -> memref<1x1x128xi32, #tpu.memory_space<vmem>>
      %dma_wait3A_285 = tpu.memref_squeeze %dma_wait3A_284 : memref<1x1x128xi32, #tpu.memory_space<vmem>> -> memref<128xi32, #tpu.memory_space<vmem>>
      %dma_wait3A_286 = arith.constant 0 : i32
      %dma_wait3A_287 = tpu.memref_slice %arg3[%while3A_197, %dma_wait3A_273, %dma_wait3A_286] : memref<6250x2x128xi32, #tpu.memory_space<hbm>> -> memref<1x1x128xi32, #tpu.memory_space<hbm>>
      %dma_wait3A_288 = tpu.memref_squeeze %dma_wait3A_287 : memref<1x1x128xi32, #tpu.memory_space<hbm>> -> memref<128xi32, #tpu.memory_space<hbm>>
      tpu.wait_dma2 semaphore(%dma_wait3A_282 : memref<!tpu.dma_semaphore, #tpu.memory_space<semaphore_mem>>) src(%dma_wait3A_288 : memref<128xi32, #tpu.memory_space<hbm>>) dst(%dma_wait3A_285 : memref<128xi32, #tpu.memory_space<vmem>>)
      %add3A_289 = arith.constant 1 : i32
      %add3A_290 = arith.addi %while3A_197, %add3A_289 : i32
      %lt3A_291 = arith.cmpi slt, %add3A_290, %select_n3A_77 : i32
      %convert_element_type3A = arith.extui %lt3A_291 : i1 to i32
      %cond3A = arith.constant 0 : i32
      %cond3A_292 = arith.cmpi ne, %convert_element_type3A, %cond3A : i32
      scf.if %cond3A_292 {
        %add3A_2396 = arith.constant 1 : i32
        %add3A_2397 = arith.addi %while3A_197, %add3A_2396 : i32
        %sub3A_2398 = arith.constant 1 : i32
        %sub3A_2399 = arith.subi %sub3A_2398, %select_n3A_215 : i32
        %add3A_2400 = arith.constant 1 : i32
        %add3A_2401 = arith.addi %while3A_197, %add3A_2400 : i32
        %sub3A_2402 = arith.subi %add3A_2401, %select_n3A : i32
        %jit3A_2403 = arith.constant 3 : i32
        %eq3A_2404 = arith.constant 0 : i32
        %eq3A_2405 = arith.cmpi eq, %jit3A_2403, %eq3A_2404 : i32
        %jit3A_2406 = arith.constant 1 : i32
        %select_n3A_2407 = arith.select %eq3A_2405, %jit3A_2406, %jit3A_2403 : i32
        %rem3A_2408 = arith.remsi %sub3A_2402, %select_n3A_2407 : i32
        %ne3A_2409 = arith.constant 0 : i32
        %ne3A_2410 = arith.cmpi ne, %rem3A_2408, %ne3A_2409 : i32
        %lt3A_2411 = arith.constant 0 : i32
        %lt3A_2412 = arith.cmpi slt, %rem3A_2408, %lt3A_2411 : i32
        %lt3A_2413 = arith.constant 0 : i32
        %lt3A_2414 = arith.cmpi slt, %select_n3A_2407, %lt3A_2413 : i32
        %ne3A_2415 = arith.xori %lt3A_2412, %lt3A_2414 : i1
        %and3A_2416 = arith.andi %ne3A_2415, %ne3A_2410 : i1
        %add3A_2417 = arith.addi %rem3A_2408, %select_n3A_2407 : i32
        %select_n3A_2418 = arith.select %and3A_2416, %add3A_2417, %rem3A_2408 : i32
        %dma_start3A_2419 = arith.constant 0 : i32
        %dma_start3A_2420 = arith.constant 0 : i32
        %dma_start3A_2421 = arith.constant 0 : i32
        %dma_start3A_2422 = arith.constant 0 : i32
        %dma_start3A_2423 = tpu.memref_slice %arg6[%sub3A_2399, %dma_start3A_2420, %dma_start3A_2421, %dma_start3A_2422] : memref<2x2x8x128xf32, #tpu.memory_space<vmem>> -> memref<1x1x8x128xf32, #tpu.memory_space<vmem>>
        %dma_start3A_2424 = tpu.memref_squeeze %dma_start3A_2423 : memref<1x1x8x128xf32, #tpu.memory_space<vmem>> -> memref<8x128xf32, #tpu.memory_space<vmem>>
        %dma_start3A_2425 = arith.constant 0 : i32
        %dma_start3A_2426 = arith.constant 0 : i32
        %dma_start3A_2427 = tpu.memref_slice %arg2[%dma_start3A_2419, %add3A_2397, %dma_start3A_2425, %dma_start3A_2426] : memref<2x6250x8x128xf32, #tpu.memory_space<hbm>> -> memref<1x1x8x128xf32, #tpu.memory_space<hbm>>
        %dma_start3A_2428 = tpu.memref_squeeze %dma_start3A_2427 : memref<1x1x8x128xf32, #tpu.memory_space<hbm>> -> memref<8x128xf32, #tpu.memory_space<hbm>>
        %dma_start3A_2429 = tpu.memref_slice %arg12[%sub3A_2399] : memref<2x!tpu.dma_semaphore, #tpu.memory_space<semaphore_mem>> -> memref<1x!tpu.dma_semaphore, #tpu.memory_space<semaphore_mem>>
        %dma_start3A_2430 = tpu.memref_squeeze %dma_start3A_2429 : memref<1x!tpu.dma_semaphore, #tpu.memory_space<semaphore_mem>> -> memref<!tpu.dma_semaphore, #tpu.memory_space<semaphore_mem>>
        %dma_start3A_2431 = arith.constant 0 : i32
        %dma_start3A_2432 = arith.constant 0 : i32
        %dma_start3A_2433 = tpu.memref_slice %arg6[%sub3A_2399, %dma_start3A_2420, %dma_start3A_2431, %dma_start3A_2432] : memref<2x2x8x128xf32, #tpu.memory_space<vmem>> -> memref<1x1x8x128xf32, #tpu.memory_space<vmem>>
        %dma_start3A_2434 = tpu.memref_squeeze %dma_start3A_2433 : memref<1x1x8x128xf32, #tpu.memory_space<vmem>> -> memref<8x128xf32, #tpu.memory_space<vmem>>
        %dma_start3A_2435 = arith.constant 0 : i32
        %dma_start3A_2436 = arith.constant 0 : i32
        %dma_start3A_2437 = tpu.memref_slice %arg2[%dma_start3A_2419, %add3A_2397, %dma_start3A_2435, %dma_start3A_2436] : memref<2x6250x8x128xf32, #tpu.memory_space<hbm>> -> memref<1x1x8x128xf32, #tpu.memory_space<hbm>>
        %dma_start3A_2438 = tpu.memref_squeeze %dma_start3A_2437 : memref<1x1x8x128xf32, #tpu.memory_space<hbm>> -> memref<8x128xf32, #tpu.memory_space<hbm>>
        tpu.enqueue_dma source(%dma_start3A_2438 : memref<8x128xf32, #tpu.memory_space<hbm>>) target(%dma_start3A_2434 : memref<8x128xf32, #tpu.memory_space<vmem>>) target_semaphore(%dma_start3A_2430 : memref<!tpu.dma_semaphore, #tpu.memory_space<semaphore_mem>>)
        %dma_start3A_2439 = arith.constant 1 : i32
        %dma_start3A_2440 = arith.constant 1 : i32
        %dma_start3A_2441 = arith.constant 0 : i32
        %dma_start3A_2442 = arith.constant 0 : i32
        %dma_start3A_2443 = tpu.memref_slice %arg6[%sub3A_2399, %dma_start3A_2440, %dma_start3A_2441, %dma_start3A_2442] : memref<2x2x8x128xf32, #tpu.memory_space<vmem>> -> memref<1x1x8x128xf32, #tpu.memory_space<vmem>>
        %dma_start3A_2444 = tpu.memref_squeeze %dma_start3A_2443 : memref<1x1x8x128xf32, #tpu.memory_space<vmem>> -> memref<8x128xf32, #tpu.memory_space<vmem>>
        %dma_start3A_2445 = arith.constant 0 : i32
        %dma_start3A_2446 = arith.constant 0 : i32
        %dma_start3A_2447 = tpu.memref_slice %arg2[%dma_start3A_2439, %add3A_2397, %dma_start3A_2445, %dma_start3A_2446] : memref<2x6250x8x128xf32, #tpu.memory_space<hbm>> -> memref<1x1x8x128xf32, #tpu.memory_space<hbm>>
        %dma_start3A_2448 = tpu.memref_squeeze %dma_start3A_2447 : memref<1x1x8x128xf32, #tpu.memory_space<hbm>> -> memref<8x128xf32, #tpu.memory_space<hbm>>
        %dma_start3A_2449 = tpu.memref_slice %arg12[%sub3A_2399] : memref<2x!tpu.dma_semaphore, #tpu.memory_space<semaphore_mem>> -> memref<1x!tpu.dma_semaphore, #tpu.memory_space<semaphore_mem>>
        %dma_start3A_2450 = tpu.memref_squeeze %dma_start3A_2449 : memref<1x!tpu.dma_semaphore, #tpu.memory_space<semaphore_mem>> -> memref<!tpu.dma_semaphore, #tpu.memory_space<semaphore_mem>>
        %dma_start3A_2451 = arith.constant 0 : i32
        %dma_start3A_2452 = arith.constant 0 : i32
        %dma_start3A_2453 = tpu.memref_slice %arg6[%sub3A_2399, %dma_start3A_2440, %dma_start3A_2451, %dma_start3A_2452] : memref<2x2x8x128xf32, #tpu.memory_space<vmem>> -> memref<1x1x8x128xf32, #tpu.memory_space<vmem>>
        %dma_start3A_2454 = tpu.memref_squeeze %dma_start3A_2453 : memref<1x1x8x128xf32, #tpu.memory_space<vmem>> -> memref<8x128xf32, #tpu.memory_space<vmem>>
        %dma_start3A_2455 = arith.constant 0 : i32
        %dma_start3A_2456 = arith.constant 0 : i32
        %dma_start3A_2457 = tpu.memref_slice %arg2[%dma_start3A_2439, %add3A_2397, %dma_start3A_2455, %dma_start3A_2456] : memref<2x6250x8x128xf32, #tpu.memory_space<hbm>> -> memref<1x1x8x128xf32, #tpu.memory_space<hbm>>
        %dma_start3A_2458 = tpu.memref_squeeze %dma_start3A_2457 : memref<1x1x8x128xf32, #tpu.memory_space<hbm>> -> memref<8x128xf32, #tpu.memory_space<hbm>>
        tpu.enqueue_dma source(%dma_start3A_2458 : memref<8x128xf32, #tpu.memory_space<hbm>>) target(%dma_start3A_2454 : memref<8x128xf32, #tpu.memory_space<vmem>>) target_semaphore(%dma_start3A_2450 : memref<!tpu.dma_semaphore, #tpu.memory_space<semaphore_mem>>)
        %dma_start3A_2459 = arith.constant 1 : i32
        %dma_start3A_2460 = arith.constant 0 : i32
        %dma_start3A_2461 = arith.constant 0 : i32
        %dma_start3A_2462 = tpu.memref_slice %arg7[%select_n3A_2418, %dma_start3A_2460, %dma_start3A_2461] : memref<3x1x128xi32, #tpu.memory_space<vmem>> -> memref<1x1x128xi32, #tpu.memory_space<vmem>>
        %dma_start3A_2463 = tpu.memref_squeeze %dma_start3A_2462 : memref<1x1x128xi32, #tpu.memory_space<vmem>> -> memref<128xi32, #tpu.memory_space<vmem>>
        %dma_start3A_2464 = arith.constant 0 : i32
        %dma_start3A_2465 = tpu.memref_slice %arg3[%add3A_2397, %dma_start3A_2459, %dma_start3A_2464] : memref<6250x2x128xi32, #tpu.memory_space<hbm>> -> memref<1x1x128xi32, #tpu.memory_space<hbm>>
        %dma_start3A_2466 = tpu.memref_squeeze %dma_start3A_2465 : memref<1x1x128xi32, #tpu.memory_space<hbm>> -> memref<128xi32, #tpu.memory_space<hbm>>
        %dma_start3A_2467 = tpu.memref_slice %arg12[%sub3A_2399] : memref<2x!tpu.dma_semaphore, #tpu.memory_space<semaphore_mem>> -> memref<1x!tpu.dma_semaphore, #tpu.memory_space<semaphore_mem>>
        %dma_start3A_2468 = tpu.memref_squeeze %dma_start3A_2467 : memref<1x!tpu.dma_semaphore, #tpu.memory_space<semaphore_mem>> -> memref<!tpu.dma_semaphore, #tpu.memory_space<semaphore_mem>>
        %dma_start3A_2469 = arith.constant 0 : i32
        %dma_start3A_2470 = tpu.memref_slice %arg7[%select_n3A_2418, %dma_start3A_2460, %dma_start3A_2469] : memref<3x1x128xi32, #tpu.memory_space<vmem>> -> memref<1x1x128xi32, #tpu.memory_space<vmem>>
        %dma_start3A_2471 = tpu.memref_squeeze %dma_start3A_2470 : memref<1x1x128xi32, #tpu.memory_space<vmem>> -> memref<128xi32, #tpu.memory_space<vmem>>
        %dma_start3A_2472 = arith.constant 0 : i32
        %dma_start3A_2473 = tpu.memref_slice %arg3[%add3A_2397, %dma_start3A_2459, %dma_start3A_2472] : memref<6250x2x128xi32, #tpu.memory_space<hbm>> -> memref<1x1x128xi32, #tpu.memory_space<hbm>>
        %dma_start3A_2474 = tpu.memref_squeeze %dma_start3A_2473 : memref<1x1x128xi32, #tpu.memory_space<hbm>> -> memref<128xi32, #tpu.memory_space<hbm>>
        tpu.enqueue_dma source(%dma_start3A_2474 : memref<128xi32, #tpu.memory_space<hbm>>) target(%dma_start3A_2471 : memref<128xi32, #tpu.memory_space<vmem>>) target_semaphore(%dma_start3A_2468 : memref<!tpu.dma_semaphore, #tpu.memory_space<semaphore_mem>>)
      } else {
      }
      %get3A = arith.constant 0 : i32
      %get3A_293 = arith.constant 0 : i32
      %get3A_294 = arith.index_cast %select_n3A_215 : i32 to index
      %get3A_295 = arith.index_cast %get3A : i32 to index
      %get3A_296 = arith.index_cast %get3A_293 : i32 to index
      %get3A_297 = arith.constant 0 : index
      %get3A_298 = tpu.vector_load %arg6[%get3A_294, %get3A_295, %get3A_296, %get3A_297] {strides = array<i32>} : memref<2x2x8x128xf32, #tpu.memory_space<vmem>>, vector<16xf32>,
      %add3A_299 = arith.constant 0 : i32
      %add3A_300 = vector.broadcast %add3A_299 : i32 to vector<16xi32>
      %add3A_301 = arith.addi %iota3A, %add3A_300 : vector<16xi32>
      %broadcast_in_dim3A_302 = arith.constant 0 : i32
      %broadcast_in_dim3A_303 = vector.broadcast %broadcast_in_dim3A_302 : i32 to vector<16xi32>
      %scatter3A = arith.constant 0 : i32
      %scatter3A_304 = arith.constant 0 : i32
      %scatter3A_305 = tpu.memref_slice %arg8[%select_n3A_215, %scatter3A, %scatter3A_304] : memref<2x128x16xf32, #tpu.memory_space<vmem>> -> memref<1x128x16xf32, #tpu.memory_space<vmem>>
      %scatter3A_306 = tpu.memref_squeeze %scatter3A_305 : memref<1x128x16xf32, #tpu.memory_space<vmem>> -> memref<128x16xf32, #tpu.memory_space<vmem>>
      tpu.vector_store_idx %scatter3A_306[%add3A_301, %broadcast_in_dim3A_303], %get3A_298 : memref<128x16xf32, #tpu.memory_space<vmem>>[vector<16xi32>, vector<16xi32>], vector<16xf32>,
      %get3A_307 = arith.constant 0 : i32
      %get3A_308 = arith.constant 0 : i32
      %get3A_309 = arith.index_cast %select_n3A_215 : i32 to index
      %get3A_310 = arith.index_cast %get3A_307 : i32 to index
      %get3A_311 = arith.index_cast %get3A_308 : i32 to index
      %get3A_312 = arith.constant 16 : index
      %get3A_313 = tpu.vector_load %arg6[%get3A_309, %get3A_310, %get3A_311, %get3A_312] {strides = array<i32>} : memref<2x2x8x128xf32, #tpu.memory_space<vmem>>, vector<16xf32>,
      %add3A_314 = arith.constant 16 : i32
      %add3A_315 = vector.broadcast %add3A_314 : i32 to vector<16xi32>
      %add3A_316 = arith.addi %iota3A, %add3A_315 : vector<16xi32>
      %broadcast_in_dim3A_317 = arith.constant 0 : i32
      %broadcast_in_dim3A_318 = vector.broadcast %broadcast_in_dim3A_317 : i32 to vector<16xi32>
      %scatter3A_319 = arith.constant 0 : i32
      %scatter3A_320 = arith.constant 0 : i32
      %scatter3A_321 = tpu.memref_slice %arg8[%select_n3A_215, %scatter3A_319, %scatter3A_320] : memref<2x128x16xf32, #tpu.memory_space<vmem>> -> memref<1x128x16xf32, #tpu.memory_space<vmem>>
      %scatter3A_322 = tpu.memref_squeeze %scatter3A_321 : memref<1x128x16xf32, #tpu.memory_space<vmem>> -> memref<128x16xf32, #tpu.memory_space<vmem>>
      tpu.vector_store_idx %scatter3A_322[%add3A_316, %broadcast_in_dim3A_318], %get3A_313 : memref<128x16xf32, #tpu.memory_space<vmem>>[vector<16xi32>, vector<16xi32>], vector<16xf32>,
      %get3A_323 = arith.constant 0 : i32
      %get3A_324 = arith.constant 0 : i32
      %get3A_325 = arith.index_cast %select_n3A_215 : i32 to index
      %get3A_326 = arith.index_cast %get3A_323 : i32 to index
      %get3A_327 = arith.index_cast %get3A_324 : i32 to index
      %get3A_328 = arith.constant 32 : index
      %get3A_329 = tpu.vector_load %arg6[%get3A_325, %get3A_326, %get3A_327, %get3A_328] {strides = array<i32>} : memref<2x2x8x128xf32, #tpu.memory_space<vmem>>, vector<16xf32>,
      %add3A_330 = arith.constant 32 : i32
      %add3A_331 = vector.broadcast %add3A_330 : i32 to vector<16xi32>
      %add3A_332 = arith.addi %iota3A, %add3A_331 : vector<16xi32>
      %broadcast_in_dim3A_333 = arith.constant 0 : i32
      %broadcast_in_dim3A_334 = vector.broadcast %broadcast_in_dim3A_333 : i32 to vector<16xi32>
      %scatter3A_335 = arith.constant 0 : i32
      %scatter3A_336 = arith.constant 0 : i32
      %scatter3A_337 = tpu.memref_slice %arg8[%select_n3A_215, %scatter3A_335, %scatter3A_336] : memref<2x128x16xf32, #tpu.memory_space<vmem>> -> memref<1x128x16xf32, #tpu.memory_space<vmem>>
      %scatter3A_338 = tpu.memref_squeeze %scatter3A_337 : memref<1x128x16xf32, #tpu.memory_space<vmem>> -> memref<128x16xf32, #tpu.memory_space<vmem>>
      tpu.vector_store_idx %scatter3A_338[%add3A_332, %broadcast_in_dim3A_334], %get3A_329 : memref<128x16xf32, #tpu.memory_space<vmem>>[vector<16xi32>, vector<16xi32>], vector<16xf32>,
      %get3A_339 = arith.constant 0 : i32
      %get3A_340 = arith.constant 0 : i32
      %get3A_341 = arith.index_cast %select_n3A_215 : i32 to index
      %get3A_342 = arith.index_cast %get3A_339 : i32 to index
      %get3A_343 = arith.index_cast %get3A_340 : i32 to index
      %get3A_344 = arith.constant 48 : index
      %get3A_345 = tpu.vector_load %arg6[%get3A_341, %get3A_342, %get3A_343, %get3A_344] {strides = array<i32>} : memref<2x2x8x128xf32, #tpu.memory_space<vmem>>, vector<16xf32>,
      %add3A_346 = arith.constant 48 : i32
      %add3A_347 = vector.broadcast %add3A_346 : i32 to vector<16xi32>
      %add3A_348 = arith.addi %iota3A, %add3A_347 : vector<16xi32>
      %broadcast_in_dim3A_349 = arith.constant 0 : i32
      %broadcast_in_dim3A_350 = vector.broadcast %broadcast_in_dim3A_349 : i32 to vector<16xi32>
      %scatter3A_351 = arith.constant 0 : i32
      %scatter3A_352 = arith.constant 0 : i32
      %scatter3A_353 = tpu.memref_slice %arg8[%select_n3A_215, %scatter3A_351, %scatter3A_352] : memref<2x128x16xf32, #tpu.memory_space<vmem>> -> memref<1x128x16xf32, #tpu.memory_space<vmem>>
      %scatter3A_354 = tpu.memref_squeeze %scatter3A_353 : memref<1x128x16xf32, #tpu.memory_space<vmem>> -> memref<128x16xf32, #tpu.memory_space<vmem>>
      tpu.vector_store_idx %scatter3A_354[%add3A_348, %broadcast_in_dim3A_350], %get3A_345 : memref<128x16xf32, #tpu.memory_space<vmem>>[vector<16xi32>, vector<16xi32>], vector<16xf32>,
      %get3A_355 = arith.constant 0 : i32
      %get3A_356 = arith.constant 0 : i32
      %get3A_357 = arith.index_cast %select_n3A_215 : i32 to index
      %get3A_358 = arith.index_cast %get3A_355 : i32 to index
      %get3A_359 = arith.index_cast %get3A_356 : i32 to index
      %get3A_360 = arith.constant 64 : index
      %get3A_361 = tpu.vector_load %arg6[%get3A_357, %get3A_358, %get3A_359, %get3A_360] {strides = array<i32>} : memref<2x2x8x128xf32, #tpu.memory_space<vmem>>, vector<16xf32>,
      %add3A_362 = arith.constant 64 : i32
      %add3A_363 = vector.broadcast %add3A_362 : i32 to vector<16xi32>
      %add3A_364 = arith.addi %iota3A, %add3A_363 : vector<16xi32>
      %broadcast_in_dim3A_365 = arith.constant 0 : i32
      %broadcast_in_dim3A_366 = vector.broadcast %broadcast_in_dim3A_365 : i32 to vector<16xi32>
      %scatter3A_367 = arith.constant 0 : i32
      %scatter3A_368 = arith.constant 0 : i32
      %scatter3A_369 = tpu.memref_slice %arg8[%select_n3A_215, %scatter3A_367, %scatter3A_368] : memref<2x128x16xf32, #tpu.memory_space<vmem>> -> memref<1x128x16xf32, #tpu.memory_space<vmem>>
      %scatter3A_370 = tpu.memref_squeeze %scatter3A_369 : memref<1x128x16xf32, #tpu.memory_space<vmem>> -> memref<128x16xf32, #tpu.memory_space<vmem>>
      tpu.vector_store_idx %scatter3A_370[%add3A_364, %broadcast_in_dim3A_366], %get3A_361 : memref<128x16xf32, #tpu.memory_space<vmem>>[vector<16xi32>, vector<16xi32>], vector<16xf32>,
      %get3A_371 = arith.constant 0 : i32
      %get3A_372 = arith.constant 0 : i32
      %get3A_373 = arith.index_cast %select_n3A_215 : i32 to index
      %get3A_374 = arith.index_cast %get3A_371 : i32 to index
      %get3A_375 = arith.index_cast %get3A_372 : i32 to index
      %get3A_376 = arith.constant 80 : index
      %get3A_377 = tpu.vector_load %arg6[%get3A_373, %get3A_374, %get3A_375, %get3A_376] {strides = array<i32>} : memref<2x2x8x128xf32, #tpu.memory_space<vmem>>, vector<16xf32>,
      %add3A_378 = arith.constant 80 : i32
      %add3A_379 = vector.broadcast %add3A_378 : i32 to vector<16xi32>
      %add3A_380 = arith.addi %iota3A, %add3A_379 : vector<16xi32>
      %broadcast_in_dim3A_381 = arith.constant 0 : i32
      %broadcast_in_dim3A_382 = vector.broadcast %broadcast_in_dim3A_381 : i32 to vector<16xi32>
      %scatter3A_383 = arith.constant 0 : i32
      %scatter3A_384 = arith.constant 0 : i32
      %scatter3A_385 = tpu.memref_slice %arg8[%select_n3A_215, %scatter3A_383, %scatter3A_384] : memref<2x128x16xf32, #tpu.memory_space<vmem>> -> memref<1x128x16xf32, #tpu.memory_space<vmem>>
      %scatter3A_386 = tpu.memref_squeeze %scatter3A_385 : memref<1x128x16xf32, #tpu.memory_space<vmem>> -> memref<128x16xf32, #tpu.memory_space<vmem>>
      tpu.vector_store_idx %scatter3A_386[%add3A_380, %broadcast_in_dim3A_382], %get3A_377 : memref<128x16xf32, #tpu.memory_space<vmem>>[vector<16xi32>, vector<16xi32>], vector<16xf32>,
      %get3A_387 = arith.constant 0 : i32
      %get3A_388 = arith.constant 0 : i32
      %get3A_389 = arith.index_cast %select_n3A_215 : i32 to index
      %get3A_390 = arith.index_cast %get3A_387 : i32 to index
      %get3A_391 = arith.index_cast %get3A_388 : i32 to index
      %get3A_392 = arith.constant 96 : index
      %get3A_393 = tpu.vector_load %arg6[%get3A_389, %get3A_390, %get3A_391, %get3A_392] {strides = array<i32>} : memref<2x2x8x128xf32, #tpu.memory_space<vmem>>, vector<16xf32>,
      %add3A_394 = arith.constant 96 : i32
      %add3A_395 = vector.broadcast %add3A_394 : i32 to vector<16xi32>
      %add3A_396 = arith.addi %iota3A, %add3A_395 : vector<16xi32>
      %broadcast_in_dim3A_397 = arith.constant 0 : i32
      %broadcast_in_dim3A_398 = vector.broadcast %broadcast_in_dim3A_397 : i32 to vector<16xi32>
      %scatter3A_399 = arith.constant 0 : i32
      %scatter3A_400 = arith.constant 0 : i32
      %scatter3A_401 = tpu.memref_slice %arg8[%select_n3A_215, %scatter3A_399, %scatter3A_400] : memref<2x128x16xf32, #tpu.memory_space<vmem>> -> memref<1x128x16xf32, #tpu.memory_space<vmem>>
      %scatter3A_402 = tpu.memref_squeeze %scatter3A_401 : memref<1x128x16xf32, #tpu.memory_space<vmem>> -> memref<128x16xf32, #tpu.memory_space<vmem>>
      tpu.vector_store_idx %scatter3A_402[%add3A_396, %broadcast_in_dim3A_398], %get3A_393 : memref<128x16xf32, #tpu.memory_space<vmem>>[vector<16xi32>, vector<16xi32>], vector<16xf32>,
      %get3A_403 = arith.constant 0 : i32
      %get3A_404 = arith.constant 0 : i32
      %get3A_405 = arith.index_cast %select_n3A_215 : i32 to index
      %get3A_406 = arith.index_cast %get3A_403 : i32 to index
      %get3A_407 = arith.index_cast %get3A_404 : i32 to index
      %get3A_408 = arith.constant 112 : index
      %get3A_409 = tpu.vector_load %arg6[%get3A_405, %get3A_406, %get3A_407, %get3A_408] {strides = array<i32>} : memref<2x2x8x128xf32, #tpu.memory_space<vmem>>, vector<16xf32>,
      %add3A_410 = arith.constant 112 : i32
      %add3A_411 = vector.broadcast %add3A_410 : i32 to vector<16xi32>
      %add3A_412 = arith.addi %iota3A, %add3A_411 : vector<16xi32>
      %broadcast_in_dim3A_413 = arith.constant 0 : i32
      %broadcast_in_dim3A_414 = vector.broadcast %broadcast_in_dim3A_413 : i32 to vector<16xi32>
      %scatter3A_415 = arith.constant 0 : i32
      %scatter3A_416 = arith.constant 0 : i32
      %scatter3A_417 = tpu.memref_slice %arg8[%select_n3A_215, %scatter3A_415, %scatter3A_416] : memref<2x128x16xf32, #tpu.memory_space<vmem>> -> memref<1x128x16xf32, #tpu.memory_space<vmem>>
      %scatter3A_418 = tpu.memref_squeeze %scatter3A_417 : memref<1x128x16xf32, #tpu.memory_space<vmem>> -> memref<128x16xf32, #tpu.memory_space<vmem>>
      tpu.vector_store_idx %scatter3A_418[%add3A_412, %broadcast_in_dim3A_414], %get3A_409 : memref<128x16xf32, #tpu.memory_space<vmem>>[vector<16xi32>, vector<16xi32>], vector<16xf32>,
      %get3A_419 = arith.constant 0 : i32
      %get3A_420 = arith.constant 1 : i32
      %get3A_421 = arith.index_cast %select_n3A_215 : i32 to index
      %get3A_422 = arith.index_cast %get3A_419 : i32 to index
      %get3A_423 = arith.index_cast %get3A_420 : i32 to index
      %get3A_424 = arith.constant 0 : index
      %get3A_425 = tpu.vector_load %arg6[%get3A_421, %get3A_422, %get3A_423, %get3A_424] {strides = array<i32>} : memref<2x2x8x128xf32, #tpu.memory_space<vmem>>, vector<16xf32>,
      %add3A_426 = arith.constant 0 : i32
      %add3A_427 = vector.broadcast %add3A_426 : i32 to vector<16xi32>
      %add3A_428 = arith.addi %iota3A, %add3A_427 : vector<16xi32>
      %broadcast_in_dim3A_429 = arith.constant 1 : i32
      %broadcast_in_dim3A_430 = vector.broadcast %broadcast_in_dim3A_429 : i32 to vector<16xi32>
      %scatter3A_431 = arith.constant 0 : i32
      %scatter3A_432 = arith.constant 0 : i32
      %scatter3A_433 = tpu.memref_slice %arg8[%select_n3A_215, %scatter3A_431, %scatter3A_432] : memref<2x128x16xf32, #tpu.memory_space<vmem>> -> memref<1x128x16xf32, #tpu.memory_space<vmem>>
      %scatter3A_434 = tpu.memref_squeeze %scatter3A_433 : memref<1x128x16xf32, #tpu.memory_space<vmem>> -> memref<128x16xf32, #tpu.memory_space<vmem>>
      tpu.vector_store_idx %scatter3A_434[%add3A_428, %broadcast_in_dim3A_430], %get3A_425 : memref<128x16xf32, #tpu.memory_space<vmem>>[vector<16xi32>, vector<16xi32>], vector<16xf32>,
      %get3A_435 = arith.constant 0 : i32
      %get3A_436 = arith.constant 1 : i32
      %get3A_437 = arith.index_cast %select_n3A_215 : i32 to index
      %get3A_438 = arith.index_cast %get3A_435 : i32 to index
      %get3A_439 = arith.index_cast %get3A_436 : i32 to index
      %get3A_440 = arith.constant 16 : index
      %get3A_441 = tpu.vector_load %arg6[%get3A_437, %get3A_438, %get3A_439, %get3A_440] {strides = array<i32>} : memref<2x2x8x128xf32, #tpu.memory_space<vmem>>, vector<16xf32>,
      %add3A_442 = arith.constant 16 : i32
      %add3A_443 = vector.broadcast %add3A_442 : i32 to vector<16xi32>
      %add3A_444 = arith.addi %iota3A, %add3A_443 : vector<16xi32>
      %broadcast_in_dim3A_445 = arith.constant 1 : i32
      %broadcast_in_dim3A_446 = vector.broadcast %broadcast_in_dim3A_445 : i32 to vector<16xi32>
      %scatter3A_447 = arith.constant 0 : i32
      %scatter3A_448 = arith.constant 0 : i32
      %scatter3A_449 = tpu.memref_slice %arg8[%select_n3A_215, %scatter3A_447, %scatter3A_448] : memref<2x128x16xf32, #tpu.memory_space<vmem>> -> memref<1x128x16xf32, #tpu.memory_space<vmem>>
      %scatter3A_450 = tpu.memref_squeeze %scatter3A_449 : memref<1x128x16xf32, #tpu.memory_space<vmem>> -> memref<128x16xf32, #tpu.memory_space<vmem>>
      tpu.vector_store_idx %scatter3A_450[%add3A_444, %broadcast_in_dim3A_446], %get3A_441 : memref<128x16xf32, #tpu.memory_space<vmem>>[vector<16xi32>, vector<16xi32>], vector<16xf32>,
      %get3A_451 = arith.constant 0 : i32
      %get3A_452 = arith.constant 1 : i32
      %get3A_453 = arith.index_cast %select_n3A_215 : i32 to index
      %get3A_454 = arith.index_cast %get3A_451 : i32 to index
      %get3A_455 = arith.index_cast %get3A_452 : i32 to index
      %get3A_456 = arith.constant 32 : index
      %get3A_457 = tpu.vector_load %arg6[%get3A_453, %get3A_454, %get3A_455, %get3A_456] {strides = array<i32>} : memref<2x2x8x128xf32, #tpu.memory_space<vmem>>, vector<16xf32>,
      %add3A_458 = arith.constant 32 : i32
      %add3A_459 = vector.broadcast %add3A_458 : i32 to vector<16xi32>
      %add3A_460 = arith.addi %iota3A, %add3A_459 : vector<16xi32>
      %broadcast_in_dim3A_461 = arith.constant 1 : i32
      %broadcast_in_dim3A_462 = vector.broadcast %broadcast_in_dim3A_461 : i32 to vector<16xi32>
      %scatter3A_463 = arith.constant 0 : i32
      %scatter3A_464 = arith.constant 0 : i32
      %scatter3A_465 = tpu.memref_slice %arg8[%select_n3A_215, %scatter3A_463, %scatter3A_464] : memref<2x128x16xf32, #tpu.memory_space<vmem>> -> memref<1x128x16xf32, #tpu.memory_space<vmem>>
      %scatter3A_466 = tpu.memref_squeeze %scatter3A_465 : memref<1x128x16xf32, #tpu.memory_space<vmem>> -> memref<128x16xf32, #tpu.memory_space<vmem>>
      tpu.vector_store_idx %scatter3A_466[%add3A_460, %broadcast_in_dim3A_462], %get3A_457 : memref<128x16xf32, #tpu.memory_space<vmem>>[vector<16xi32>, vector<16xi32>], vector<16xf32>,
      %get3A_467 = arith.constant 0 : i32
      %get3A_468 = arith.constant 1 : i32
      %get3A_469 = arith.index_cast %select_n3A_215 : i32 to index
      %get3A_470 = arith.index_cast %get3A_467 : i32 to index
      %get3A_471 = arith.index_cast %get3A_468 : i32 to index
      %get3A_472 = arith.constant 48 : index
      %get3A_473 = tpu.vector_load %arg6[%get3A_469, %get3A_470, %get3A_471, %get3A_472] {strides = array<i32>} : memref<2x2x8x128xf32, #tpu.memory_space<vmem>>, vector<16xf32>,
      %add3A_474 = arith.constant 48 : i32
      %add3A_475 = vector.broadcast %add3A_474 : i32 to vector<16xi32>
      %add3A_476 = arith.addi %iota3A, %add3A_475 : vector<16xi32>
      %broadcast_in_dim3A_477 = arith.constant 1 : i32
      %broadcast_in_dim3A_478 = vector.broadcast %broadcast_in_dim3A_477 : i32 to vector<16xi32>
      %scatter3A_479 = arith.constant 0 : i32
      %scatter3A_480 = arith.constant 0 : i32
      %scatter3A_481 = tpu.memref_slice %arg8[%select_n3A_215, %scatter3A_479, %scatter3A_480] : memref<2x128x16xf32, #tpu.memory_space<vmem>> -> memref<1x128x16xf32, #tpu.memory_space<vmem>>
      %scatter3A_482 = tpu.memref_squeeze %scatter3A_481 : memref<1x128x16xf32, #tpu.memory_space<vmem>> -> memref<128x16xf32, #tpu.memory_space<vmem>>
      tpu.vector_store_idx %scatter3A_482[%add3A_476, %broadcast_in_dim3A_478], %get3A_473 : memref<128x16xf32, #tpu.memory_space<vmem>>[vector<16xi32>, vector<16xi32>], vector<16xf32>,
      %get3A_483 = arith.constant 0 : i32
      %get3A_484 = arith.constant 1 : i32
      %get3A_485 = arith.index_cast %select_n3A_215 : i32 to index
      %get3A_486 = arith.index_cast %get3A_483 : i32 to index
      %get3A_487 = arith.index_cast %get3A_484 : i32 to index
      %get3A_488 = arith.constant 64 : index
      %get3A_489 = tpu.vector_load %arg6[%get3A_485, %get3A_486, %get3A_487, %get3A_488] {strides = array<i32>} : memref<2x2x8x128xf32, #tpu.memory_space<vmem>>, vector<16xf32>,
      %add3A_490 = arith.constant 64 : i32
      %add3A_491 = vector.broadcast %add3A_490 : i32 to vector<16xi32>
      %add3A_492 = arith.addi %iota3A, %add3A_491 : vector<16xi32>
      %broadcast_in_dim3A_493 = arith.constant 1 : i32
      %broadcast_in_dim3A_494 = vector.broadcast %broadcast_in_dim3A_493 : i32 to vector<16xi32>
      %scatter3A_495 = arith.constant 0 : i32
      %scatter3A_496 = arith.constant 0 : i32
      %scatter3A_497 = tpu.memref_slice %arg8[%select_n3A_215, %scatter3A_495, %scatter3A_496] : memref<2x128x16xf32, #tpu.memory_space<vmem>> -> memref<1x128x16xf32, #tpu.memory_space<vmem>>
      %scatter3A_498 = tpu.memref_squeeze %scatter3A_497 : memref<1x128x16xf32, #tpu.memory_space<vmem>> -> memref<128x16xf32, #tpu.memory_space<vmem>>
      tpu.vector_store_idx %scatter3A_498[%add3A_492, %broadcast_in_dim3A_494], %get3A_489 : memref<128x16xf32, #tpu.memory_space<vmem>>[vector<16xi32>, vector<16xi32>], vector<16xf32>,
      %get3A_499 = arith.constant 0 : i32
      %get3A_500 = arith.constant 1 : i32
      %get3A_501 = arith.index_cast %select_n3A_215 : i32 to index
      %get3A_502 = arith.index_cast %get3A_499 : i32 to index
      %get3A_503 = arith.index_cast %get3A_500 : i32 to index
      %get3A_504 = arith.constant 80 : index
      %get3A_505 = tpu.vector_load %arg6[%get3A_501, %get3A_502, %get3A_503, %get3A_504] {strides = array<i32>} : memref<2x2x8x128xf32, #tpu.memory_space<vmem>>, vector<16xf32>,
      %add3A_506 = arith.constant 80 : i32
      %add3A_507 = vector.broadcast %add3A_506 : i32 to vector<16xi32>
      %add3A_508 = arith.addi %iota3A, %add3A_507 : vector<16xi32>
      %broadcast_in_dim3A_509 = arith.constant 1 : i32
      %broadcast_in_dim3A_510 = vector.broadcast %broadcast_in_dim3A_509 : i32 to vector<16xi32>
      %scatter3A_511 = arith.constant 0 : i32
      %scatter3A_512 = arith.constant 0 : i32
      %scatter3A_513 = tpu.memref_slice %arg8[%select_n3A_215, %scatter3A_511, %scatter3A_512] : memref<2x128x16xf32, #tpu.memory_space<vmem>> -> memref<1x128x16xf32, #tpu.memory_space<vmem>>
      %scatter3A_514 = tpu.memref_squeeze %scatter3A_513 : memref<1x128x16xf32, #tpu.memory_space<vmem>> -> memref<128x16xf32, #tpu.memory_space<vmem>>
      tpu.vector_store_idx %scatter3A_514[%add3A_508, %broadcast_in_dim3A_510], %get3A_505 : memref<128x16xf32, #tpu.memory_space<vmem>>[vector<16xi32>, vector<16xi32>], vector<16xf32>,
      %get3A_515 = arith.constant 0 : i32
      %get3A_516 = arith.constant 1 : i32
      %get3A_517 = arith.index_cast %select_n3A_215 : i32 to index
      %get3A_518 = arith.index_cast %get3A_515 : i32 to index
      %get3A_519 = arith.index_cast %get3A_516 : i32 to index
      %get3A_520 = arith.constant 96 : index
      %get3A_521 = tpu.vector_load %arg6[%get3A_517, %get3A_518, %get3A_519, %get3A_520] {strides = array<i32>} : memref<2x2x8x128xf32, #tpu.memory_space<vmem>>, vector<16xf32>,
      %add3A_522 = arith.constant 96 : i32
      %add3A_523 = vector.broadcast %add3A_522 : i32 to vector<16xi32>
      %add3A_524 = arith.addi %iota3A, %add3A_523 : vector<16xi32>
      %broadcast_in_dim3A_525 = arith.constant 1 : i32
      %broadcast_in_dim3A_526 = vector.broadcast %broadcast_in_dim3A_525 : i32 to vector<16xi32>
      %scatter3A_527 = arith.constant 0 : i32
      %scatter3A_528 = arith.constant 0 : i32
      %scatter3A_529 = tpu.memref_slice %arg8[%select_n3A_215, %scatter3A_527, %scatter3A_528] : memref<2x128x16xf32, #tpu.memory_space<vmem>> -> memref<1x128x16xf32, #tpu.memory_space<vmem>>
      %scatter3A_530 = tpu.memref_squeeze %scatter3A_529 : memref<1x128x16xf32, #tpu.memory_space<vmem>> -> memref<128x16xf32, #tpu.memory_space<vmem>>
      tpu.vector_store_idx %scatter3A_530[%add3A_524, %broadcast_in_dim3A_526], %get3A_521 : memref<128x16xf32, #tpu.memory_space<vmem>>[vector<16xi32>, vector<16xi32>], vector<16xf32>,
      %get3A_531 = arith.constant 0 : i32
      %get3A_532 = arith.constant 1 : i32
      %get3A_533 = arith.index_cast %select_n3A_215 : i32 to index
      %get3A_534 = arith.index_cast %get3A_531 : i32 to index
      %get3A_535 = arith.index_cast %get3A_532 : i32 to index
      %get3A_536 = arith.constant 112 : index
      %get3A_537 = tpu.vector_load %arg6[%get3A_533, %get3A_534, %get3A_535, %get3A_536] {strides = array<i32>} : memref<2x2x8x128xf32, #tpu.memory_space<vmem>>, vector<16xf32>,
      %add3A_538 = arith.constant 112 : i32
      %add3A_539 = vector.broadcast %add3A_538 : i32 to vector<16xi32>
      %add3A_540 = arith.addi %iota3A, %add3A_539 : vector<16xi32>
      %broadcast_in_dim3A_541 = arith.constant 1 : i32
      %broadcast_in_dim3A_542 = vector.broadcast %broadcast_in_dim3A_541 : i32 to vector<16xi32>
      %scatter3A_543 = arith.constant 0 : i32
      %scatter3A_544 = arith.constant 0 : i32
      %scatter3A_545 = tpu.memref_slice %arg8[%select_n3A_215, %scatter3A_543, %scatter3A_544] : memref<2x128x16xf32, #tpu.memory_space<vmem>> -> memref<1x128x16xf32, #tpu.memory_space<vmem>>
      %scatter3A_546 = tpu.memref_squeeze %scatter3A_545 : memref<1x128x16xf32, #tpu.memory_space<vmem>> -> memref<128x16xf32, #tpu.memory_space<vmem>>
      tpu.vector_store_idx %scatter3A_546[%add3A_540, %broadcast_in_dim3A_542], %get3A_537 : memref<128x16xf32, #tpu.memory_space<vmem>>[vector<16xi32>, vector<16xi32>], vector<16xf32>,
      %get3A_547 = arith.constant 0 : i32
      %get3A_548 = arith.constant 2 : i32
      %get3A_549 = arith.index_cast %select_n3A_215 : i32 to index
      %get3A_550 = arith.index_cast %get3A_547 : i32 to index
      %get3A_551 = arith.index_cast %get3A_548 : i32 to index
      %get3A_552 = arith.constant 0 : index
      %get3A_553 = tpu.vector_load %arg6[%get3A_549, %get3A_550, %get3A_551, %get3A_552] {strides = array<i32>} : memref<2x2x8x128xf32, #tpu.memory_space<vmem>>, vector<16xf32>,
      %add3A_554 = arith.constant 0 : i32
      %add3A_555 = vector.broadcast %add3A_554 : i32 to vector<16xi32>
      %add3A_556 = arith.addi %iota3A, %add3A_555 : vector<16xi32>
      %broadcast_in_dim3A_557 = arith.constant 2 : i32
      %broadcast_in_dim3A_558 = vector.broadcast %broadcast_in_dim3A_557 : i32 to vector<16xi32>
      %scatter3A_559 = arith.constant 0 : i32
      %scatter3A_560 = arith.constant 0 : i32
      %scatter3A_561 = tpu.memref_slice %arg8[%select_n3A_215, %scatter3A_559, %scatter3A_560] : memref<2x128x16xf32, #tpu.memory_space<vmem>> -> memref<1x128x16xf32, #tpu.memory_space<vmem>>
      %scatter3A_562 = tpu.memref_squeeze %scatter3A_561 : memref<1x128x16xf32, #tpu.memory_space<vmem>> -> memref<128x16xf32, #tpu.memory_space<vmem>>
      tpu.vector_store_idx %scatter3A_562[%add3A_556, %broadcast_in_dim3A_558], %get3A_553 : memref<128x16xf32, #tpu.memory_space<vmem>>[vector<16xi32>, vector<16xi32>], vector<16xf32>,
      %get3A_563 = arith.constant 0 : i32
      %get3A_564 = arith.constant 2 : i32
      %get3A_565 = arith.index_cast %select_n3A_215 : i32 to index
      %get3A_566 = arith.index_cast %get3A_563 : i32 to index
      %get3A_567 = arith.index_cast %get3A_564 : i32 to index
      %get3A_568 = arith.constant 16 : index
      %get3A_569 = tpu.vector_load %arg6[%get3A_565, %get3A_566, %get3A_567, %get3A_568] {strides = array<i32>} : memref<2x2x8x128xf32, #tpu.memory_space<vmem>>, vector<16xf32>,
      %add3A_570 = arith.constant 16 : i32
      %add3A_571 = vector.broadcast %add3A_570 : i32 to vector<16xi32>
      %add3A_572 = arith.addi %iota3A, %add3A_571 : vector<16xi32>
      %broadcast_in_dim3A_573 = arith.constant 2 : i32
      %broadcast_in_dim3A_574 = vector.broadcast %broadcast_in_dim3A_573 : i32 to vector<16xi32>
      %scatter3A_575 = arith.constant 0 : i32
      %scatter3A_576 = arith.constant 0 : i32
      %scatter3A_577 = tpu.memref_slice %arg8[%select_n3A_215, %scatter3A_575, %scatter3A_576] : memref<2x128x16xf32, #tpu.memory_space<vmem>> -> memref<1x128x16xf32, #tpu.memory_space<vmem>>
      %scatter3A_578 = tpu.memref_squeeze %scatter3A_577 : memref<1x128x16xf32, #tpu.memory_space<vmem>> -> memref<128x16xf32, #tpu.memory_space<vmem>>
      tpu.vector_store_idx %scatter3A_578[%add3A_572, %broadcast_in_dim3A_574], %get3A_569 : memref<128x16xf32, #tpu.memory_space<vmem>>[vector<16xi32>, vector<16xi32>], vector<16xf32>,
      %get3A_579 = arith.constant 0 : i32
      %get3A_580 = arith.constant 2 : i32
      %get3A_581 = arith.index_cast %select_n3A_215 : i32 to index
      %get3A_582 = arith.index_cast %get3A_579 : i32 to index
      %get3A_583 = arith.index_cast %get3A_580 : i32 to index
      %get3A_584 = arith.constant 32 : index
      %get3A_585 = tpu.vector_load %arg6[%get3A_581, %get3A_582, %get3A_583, %get3A_584] {strides = array<i32>} : memref<2x2x8x128xf32, #tpu.memory_space<vmem>>, vector<16xf32>,
      %add3A_586 = arith.constant 32 : i32
      %add3A_587 = vector.broadcast %add3A_586 : i32 to vector<16xi32>
      %add3A_588 = arith.addi %iota3A, %add3A_587 : vector<16xi32>
      %broadcast_in_dim3A_589 = arith.constant 2 : i32
      %broadcast_in_dim3A_590 = vector.broadcast %broadcast_in_dim3A_589 : i32 to vector<16xi32>
      %scatter3A_591 = arith.constant 0 : i32
      %scatter3A_592 = arith.constant 0 : i32
      %scatter3A_593 = tpu.memref_slice %arg8[%select_n3A_215, %scatter3A_591, %scatter3A_592] : memref<2x128x16xf32, #tpu.memory_space<vmem>> -> memref<1x128x16xf32, #tpu.memory_space<vmem>>
      %scatter3A_594 = tpu.memref_squeeze %scatter3A_593 : memref<1x128x16xf32, #tpu.memory_space<vmem>> -> memref<128x16xf32, #tpu.memory_space<vmem>>
      tpu.vector_store_idx %scatter3A_594[%add3A_588, %broadcast_in_dim3A_590], %get3A_585 : memref<128x16xf32, #tpu.memory_space<vmem>>[vector<16xi32>, vector<16xi32>], vector<16xf32>,
      %get3A_595 = arith.constant 0 : i32
      %get3A_596 = arith.constant 2 : i32
      %get3A_597 = arith.index_cast %select_n3A_215 : i32 to index
      %get3A_598 = arith.index_cast %get3A_595 : i32 to index
      %get3A_599 = arith.index_cast %get3A_596 : i32 to index
      %get3A_600 = arith.constant 48 : index
      %get3A_601 = tpu.vector_load %arg6[%get3A_597, %get3A_598, %get3A_599, %get3A_600] {strides = array<i32>} : memref<2x2x8x128xf32, #tpu.memory_space<vmem>>, vector<16xf32>,
      %add3A_602 = arith.constant 48 : i32
      %add3A_603 = vector.broadcast %add3A_602 : i32 to vector<16xi32>
      %add3A_604 = arith.addi %iota3A, %add3A_603 : vector<16xi32>
      %broadcast_in_dim3A_605 = arith.constant 2 : i32
      %broadcast_in_dim3A_606 = vector.broadcast %broadcast_in_dim3A_605 : i32 to vector<16xi32>
      %scatter3A_607 = arith.constant 0 : i32
      %scatter3A_608 = arith.constant 0 : i32
      %scatter3A_609 = tpu.memref_slice %arg8[%select_n3A_215, %scatter3A_607, %scatter3A_608] : memref<2x128x16xf32, #tpu.memory_space<vmem>> -> memref<1x128x16xf32, #tpu.memory_space<vmem>>
      %scatter3A_610 = tpu.memref_squeeze %scatter3A_609 : memref<1x128x16xf32, #tpu.memory_space<vmem>> -> memref<128x16xf32, #tpu.memory_space<vmem>>
      tpu.vector_store_idx %scatter3A_610[%add3A_604, %broadcast_in_dim3A_606], %get3A_601 : memref<128x16xf32, #tpu.memory_space<vmem>>[vector<16xi32>, vector<16xi32>], vector<16xf32>,
      %get3A_611 = arith.constant 0 : i32
      %get3A_612 = arith.constant 2 : i32
      %get3A_613 = arith.index_cast %select_n3A_215 : i32 to index
      %get3A_614 = arith.index_cast %get3A_611 : i32 to index
      %get3A_615 = arith.index_cast %get3A_612 : i32 to index
      %get3A_616 = arith.constant 64 : index
      %get3A_617 = tpu.vector_load %arg6[%get3A_613, %get3A_614, %get3A_615, %get3A_616] {strides = array<i32>} : memref<2x2x8x128xf32, #tpu.memory_space<vmem>>, vector<16xf32>,
      %add3A_618 = arith.constant 64 : i32
      %add3A_619 = vector.broadcast %add3A_618 : i32 to vector<16xi32>
      %add3A_620 = arith.addi %iota3A, %add3A_619 : vector<16xi32>
      %broadcast_in_dim3A_621 = arith.constant 2 : i32
      %broadcast_in_dim3A_622 = vector.broadcast %broadcast_in_dim3A_621 : i32 to vector<16xi32>
      %scatter3A_623 = arith.constant 0 : i32
      %scatter3A_624 = arith.constant 0 : i32
      %scatter3A_625 = tpu.memref_slice %arg8[%select_n3A_215, %scatter3A_623, %scatter3A_624] : memref<2x128x16xf32, #tpu.memory_space<vmem>> -> memref<1x128x16xf32, #tpu.memory_space<vmem>>
      %scatter3A_626 = tpu.memref_squeeze %scatter3A_625 : memref<1x128x16xf32, #tpu.memory_space<vmem>> -> memref<128x16xf32, #tpu.memory_space<vmem>>
      tpu.vector_store_idx %scatter3A_626[%add3A_620, %broadcast_in_dim3A_622], %get3A_617 : memref<128x16xf32, #tpu.memory_space<vmem>>[vector<16xi32>, vector<16xi32>], vector<16xf32>,
      %get3A_627 = arith.constant 0 : i32
      %get3A_628 = arith.constant 2 : i32
      %get3A_629 = arith.index_cast %select_n3A_215 : i32 to index
      %get3A_630 = arith.index_cast %get3A_627 : i32 to index
      %get3A_631 = arith.index_cast %get3A_628 : i32 to index
      %get3A_632 = arith.constant 80 : index
      %get3A_633 = tpu.vector_load %arg6[%get3A_629, %get3A_630, %get3A_631, %get3A_632] {strides = array<i32>} : memref<2x2x8x128xf32, #tpu.memory_space<vmem>>, vector<16xf32>,
      %add3A_634 = arith.constant 80 : i32
      %add3A_635 = vector.broadcast %add3A_634 : i32 to vector<16xi32>
      %add3A_636 = arith.addi %iota3A, %add3A_635 : vector<16xi32>
      %broadcast_in_dim3A_637 = arith.constant 2 : i32
      %broadcast_in_dim3A_638 = vector.broadcast %broadcast_in_dim3A_637 : i32 to vector<16xi32>
      %scatter3A_639 = arith.constant 0 : i32
      %scatter3A_640 = arith.constant 0 : i32
      %scatter3A_641 = tpu.memref_slice %arg8[%select_n3A_215, %scatter3A_639, %scatter3A_640] : memref<2x128x16xf32, #tpu.memory_space<vmem>> -> memref<1x128x16xf32, #tpu.memory_space<vmem>>
      %scatter3A_642 = tpu.memref_squeeze %scatter3A_641 : memref<1x128x16xf32, #tpu.memory_space<vmem>> -> memref<128x16xf32, #tpu.memory_space<vmem>>
      tpu.vector_store_idx %scatter3A_642[%add3A_636, %broadcast_in_dim3A_638], %get3A_633 : memref<128x16xf32, #tpu.memory_space<vmem>>[vector<16xi32>, vector<16xi32>], vector<16xf32>,
      %get3A_643 = arith.constant 0 : i32
      %get3A_644 = arith.constant 2 : i32
      %get3A_645 = arith.index_cast %select_n3A_215 : i32 to index
      %get3A_646 = arith.index_cast %get3A_643 : i32 to index
      %get3A_647 = arith.index_cast %get3A_644 : i32 to index
      %get3A_648 = arith.constant 96 : index
      %get3A_649 = tpu.vector_load %arg6[%get3A_645, %get3A_646, %get3A_647, %get3A_648] {strides = array<i32>} : memref<2x2x8x128xf32, #tpu.memory_space<vmem>>, vector<16xf32>,
      %add3A_650 = arith.constant 96 : i32
      %add3A_651 = vector.broadcast %add3A_650 : i32 to vector<16xi32>
      %add3A_652 = arith.addi %iota3A, %add3A_651 : vector<16xi32>
      %broadcast_in_dim3A_653 = arith.constant 2 : i32
      %broadcast_in_dim3A_654 = vector.broadcast %broadcast_in_dim3A_653 : i32 to vector<16xi32>
      %scatter3A_655 = arith.constant 0 : i32
      %scatter3A_656 = arith.constant 0 : i32
      %scatter3A_657 = tpu.memref_slice %arg8[%select_n3A_215, %scatter3A_655, %scatter3A_656] : memref<2x128x16xf32, #tpu.memory_space<vmem>> -> memref<1x128x16xf32, #tpu.memory_space<vmem>>
      %scatter3A_658 = tpu.memref_squeeze %scatter3A_657 : memref<1x128x16xf32, #tpu.memory_space<vmem>> -> memref<128x16xf32, #tpu.memory_space<vmem>>
      tpu.vector_store_idx %scatter3A_658[%add3A_652, %broadcast_in_dim3A_654], %get3A_649 : memref<128x16xf32, #tpu.memory_space<vmem>>[vector<16xi32>, vector<16xi32>], vector<16xf32>,
      %get3A_659 = arith.constant 0 : i32
      %get3A_660 = arith.constant 2 : i32
      %get3A_661 = arith.index_cast %select_n3A_215 : i32 to index
      %get3A_662 = arith.index_cast %get3A_659 : i32 to index
      %get3A_663 = arith.index_cast %get3A_660 : i32 to index
      %get3A_664 = arith.constant 112 : index
      %get3A_665 = tpu.vector_load %arg6[%get3A_661, %get3A_662, %get3A_663, %get3A_664] {strides = array<i32>} : memref<2x2x8x128xf32, #tpu.memory_space<vmem>>, vector<16xf32>,
      %add3A_666 = arith.constant 112 : i32
      %add3A_667 = vector.broadcast %add3A_666 : i32 to vector<16xi32>
      %add3A_668 = arith.addi %iota3A, %add3A_667 : vector<16xi32>
      %broadcast_in_dim3A_669 = arith.constant 2 : i32
      %broadcast_in_dim3A_670 = vector.broadcast %broadcast_in_dim3A_669 : i32 to vector<16xi32>
      %scatter3A_671 = arith.constant 0 : i32
      %scatter3A_672 = arith.constant 0 : i32
      %scatter3A_673 = tpu.memref_slice %arg8[%select_n3A_215, %scatter3A_671, %scatter3A_672] : memref<2x128x16xf32, #tpu.memory_space<vmem>> -> memref<1x128x16xf32, #tpu.memory_space<vmem>>
      %scatter3A_674 = tpu.memref_squeeze %scatter3A_673 : memref<1x128x16xf32, #tpu.memory_space<vmem>> -> memref<128x16xf32, #tpu.memory_space<vmem>>
      tpu.vector_store_idx %scatter3A_674[%add3A_668, %broadcast_in_dim3A_670], %get3A_665 : memref<128x16xf32, #tpu.memory_space<vmem>>[vector<16xi32>, vector<16xi32>], vector<16xf32>,
      %get3A_675 = arith.constant 0 : i32
      %get3A_676 = arith.constant 3 : i32
      %get3A_677 = arith.index_cast %select_n3A_215 : i32 to index
      %get3A_678 = arith.index_cast %get3A_675 : i32 to index
      %get3A_679 = arith.index_cast %get3A_676 : i32 to index
      %get3A_680 = arith.constant 0 : index
      %get3A_681 = tpu.vector_load %arg6[%get3A_677, %get3A_678, %get3A_679, %get3A_680] {strides = array<i32>} : memref<2x2x8x128xf32, #tpu.memory_space<vmem>>, vector<16xf32>,
      %add3A_682 = arith.constant 0 : i32
      %add3A_683 = vector.broadcast %add3A_682 : i32 to vector<16xi32>
      %add3A_684 = arith.addi %iota3A, %add3A_683 : vector<16xi32>
      %broadcast_in_dim3A_685 = arith.constant 3 : i32
      %broadcast_in_dim3A_686 = vector.broadcast %broadcast_in_dim3A_685 : i32 to vector<16xi32>
      %scatter3A_687 = arith.constant 0 : i32
      %scatter3A_688 = arith.constant 0 : i32
      %scatter3A_689 = tpu.memref_slice %arg8[%select_n3A_215, %scatter3A_687, %scatter3A_688] : memref<2x128x16xf32, #tpu.memory_space<vmem>> -> memref<1x128x16xf32, #tpu.memory_space<vmem>>
      %scatter3A_690 = tpu.memref_squeeze %scatter3A_689 : memref<1x128x16xf32, #tpu.memory_space<vmem>> -> memref<128x16xf32, #tpu.memory_space<vmem>>
      tpu.vector_store_idx %scatter3A_690[%add3A_684, %broadcast_in_dim3A_686], %get3A_681 : memref<128x16xf32, #tpu.memory_space<vmem>>[vector<16xi32>, vector<16xi32>], vector<16xf32>,
      %get3A_691 = arith.constant 0 : i32
      %get3A_692 = arith.constant 3 : i32
      %get3A_693 = arith.index_cast %select_n3A_215 : i32 to index
      %get3A_694 = arith.index_cast %get3A_691 : i32 to index
      %get3A_695 = arith.index_cast %get3A_692 : i32 to index
      %get3A_696 = arith.constant 16 : index
      %get3A_697 = tpu.vector_load %arg6[%get3A_693, %get3A_694, %get3A_695, %get3A_696] {strides = array<i32>} : memref<2x2x8x128xf32, #tpu.memory_space<vmem>>, vector<16xf32>,
      %add3A_698 = arith.constant 16 : i32
      %add3A_699 = vector.broadcast %add3A_698 : i32 to vector<16xi32>
      %add3A_700 = arith.addi %iota3A, %add3A_699 : vector<16xi32>
      %broadcast_in_dim3A_701 = arith.constant 3 : i32
      %broadcast_in_dim3A_702 = vector.broadcast %broadcast_in_dim3A_701 : i32 to vector<16xi32>
      %scatter3A_703 = arith.constant 0 : i32
      %scatter3A_704 = arith.constant 0 : i32
      %scatter3A_705 = tpu.memref_slice %arg8[%select_n3A_215, %scatter3A_703, %scatter3A_704] : memref<2x128x16xf32, #tpu.memory_space<vmem>> -> memref<1x128x16xf32, #tpu.memory_space<vmem>>
      %scatter3A_706 = tpu.memref_squeeze %scatter3A_705 : memref<1x128x16xf32, #tpu.memory_space<vmem>> -> memref<128x16xf32, #tpu.memory_space<vmem>>
      tpu.vector_store_idx %scatter3A_706[%add3A_700, %broadcast_in_dim3A_702], %get3A_697 : memref<128x16xf32, #tpu.memory_space<vmem>>[vector<16xi32>, vector<16xi32>], vector<16xf32>,
      %get3A_707 = arith.constant 0 : i32
      %get3A_708 = arith.constant 3 : i32
      %get3A_709 = arith.index_cast %select_n3A_215 : i32 to index
      %get3A_710 = arith.index_cast %get3A_707 : i32 to index
      %get3A_711 = arith.index_cast %get3A_708 : i32 to index
      %get3A_712 = arith.constant 32 : index
      %get3A_713 = tpu.vector_load %arg6[%get3A_709, %get3A_710, %get3A_711, %get3A_712] {strides = array<i32>} : memref<2x2x8x128xf32, #tpu.memory_space<vmem>>, vector<16xf32>,
      %add3A_714 = arith.constant 32 : i32
      %add3A_715 = vector.broadcast %add3A_714 : i32 to vector<16xi32>
      %add3A_716 = arith.addi %iota3A, %add3A_715 : vector<16xi32>
      %broadcast_in_dim3A_717 = arith.constant 3 : i32
      %broadcast_in_dim3A_718 = vector.broadcast %broadcast_in_dim3A_717 : i32 to vector<16xi32>
      %scatter3A_719 = arith.constant 0 : i32
      %scatter3A_720 = arith.constant 0 : i32
      %scatter3A_721 = tpu.memref_slice %arg8[%select_n3A_215, %scatter3A_719, %scatter3A_720] : memref<2x128x16xf32, #tpu.memory_space<vmem>> -> memref<1x128x16xf32, #tpu.memory_space<vmem>>
      %scatter3A_722 = tpu.memref_squeeze %scatter3A_721 : memref<1x128x16xf32, #tpu.memory_space<vmem>> -> memref<128x16xf32, #tpu.memory_space<vmem>>
      tpu.vector_store_idx %scatter3A_722[%add3A_716, %broadcast_in_dim3A_718], %get3A_713 : memref<128x16xf32, #tpu.memory_space<vmem>>[vector<16xi32>, vector<16xi32>], vector<16xf32>,
      %get3A_723 = arith.constant 0 : i32
      %get3A_724 = arith.constant 3 : i32
      %get3A_725 = arith.index_cast %select_n3A_215 : i32 to index
      %get3A_726 = arith.index_cast %get3A_723 : i32 to index
      %get3A_727 = arith.index_cast %get3A_724 : i32 to index
      %get3A_728 = arith.constant 48 : index
      %get3A_729 = tpu.vector_load %arg6[%get3A_725, %get3A_726, %get3A_727, %get3A_728] {strides = array<i32>} : memref<2x2x8x128xf32, #tpu.memory_space<vmem>>, vector<16xf32>,
      %add3A_730 = arith.constant 48 : i32
      %add3A_731 = vector.broadcast %add3A_730 : i32 to vector<16xi32>
      %add3A_732 = arith.addi %iota3A, %add3A_731 : vector<16xi32>
      %broadcast_in_dim3A_733 = arith.constant 3 : i32
      %broadcast_in_dim3A_734 = vector.broadcast %broadcast_in_dim3A_733 : i32 to vector<16xi32>
      %scatter3A_735 = arith.constant 0 : i32
      %scatter3A_736 = arith.constant 0 : i32
      %scatter3A_737 = tpu.memref_slice %arg8[%select_n3A_215, %scatter3A_735, %scatter3A_736] : memref<2x128x16xf32, #tpu.memory_space<vmem>> -> memref<1x128x16xf32, #tpu.memory_space<vmem>>
      %scatter3A_738 = tpu.memref_squeeze %scatter3A_737 : memref<1x128x16xf32, #tpu.memory_space<vmem>> -> memref<128x16xf32, #tpu.memory_space<vmem>>
      tpu.vector_store_idx %scatter3A_738[%add3A_732, %broadcast_in_dim3A_734], %get3A_729 : memref<128x16xf32, #tpu.memory_space<vmem>>[vector<16xi32>, vector<16xi32>], vector<16xf32>,
      %get3A_739 = arith.constant 0 : i32
      %get3A_740 = arith.constant 3 : i32
      %get3A_741 = arith.index_cast %select_n3A_215 : i32 to index
      %get3A_742 = arith.index_cast %get3A_739 : i32 to index
      %get3A_743 = arith.index_cast %get3A_740 : i32 to index
      %get3A_744 = arith.constant 64 : index
      %get3A_745 = tpu.vector_load %arg6[%get3A_741, %get3A_742, %get3A_743, %get3A_744] {strides = array<i32>} : memref<2x2x8x128xf32, #tpu.memory_space<vmem>>, vector<16xf32>,
      %add3A_746 = arith.constant 64 : i32
      %add3A_747 = vector.broadcast %add3A_746 : i32 to vector<16xi32>
      %add3A_748 = arith.addi %iota3A, %add3A_747 : vector<16xi32>
      %broadcast_in_dim3A_749 = arith.constant 3 : i32
      %broadcast_in_dim3A_750 = vector.broadcast %broadcast_in_dim3A_749 : i32 to vector<16xi32>
      %scatter3A_751 = arith.constant 0 : i32
      %scatter3A_752 = arith.constant 0 : i32
      %scatter3A_753 = tpu.memref_slice %arg8[%select_n3A_215, %scatter3A_751, %scatter3A_752] : memref<2x128x16xf32, #tpu.memory_space<vmem>> -> memref<1x128x16xf32, #tpu.memory_space<vmem>>
      %scatter3A_754 = tpu.memref_squeeze %scatter3A_753 : memref<1x128x16xf32, #tpu.memory_space<vmem>> -> memref<128x16xf32, #tpu.memory_space<vmem>>
      tpu.vector_store_idx %scatter3A_754[%add3A_748, %broadcast_in_dim3A_750], %get3A_745 : memref<128x16xf32, #tpu.memory_space<vmem>>[vector<16xi32>, vector<16xi32>], vector<16xf32>,
      %get3A_755 = arith.constant 0 : i32
      %get3A_756 = arith.constant 3 : i32
      %get3A_757 = arith.index_cast %select_n3A_215 : i32 to index
      %get3A_758 = arith.index_cast %get3A_755 : i32 to index
      %get3A_759 = arith.index_cast %get3A_756 : i32 to index
      %get3A_760 = arith.constant 80 : index
      %get3A_761 = tpu.vector_load %arg6[%get3A_757, %get3A_758, %get3A_759, %get3A_760] {strides = array<i32>} : memref<2x2x8x128xf32, #tpu.memory_space<vmem>>, vector<16xf32>,
      %add3A_762 = arith.constant 80 : i32
      %add3A_763 = vector.broadcast %add3A_762 : i32 to vector<16xi32>
      %add3A_764 = arith.addi %iota3A, %add3A_763 : vector<16xi32>
      %broadcast_in_dim3A_765 = arith.constant 3 : i32
      %broadcast_in_dim3A_766 = vector.broadcast %broadcast_in_dim3A_765 : i32 to vector<16xi32>
      %scatter3A_767 = arith.constant 0 : i32
      %scatter3A_768 = arith.constant 0 : i32
      %scatter3A_769 = tpu.memref_slice %arg8[%select_n3A_215, %scatter3A_767, %scatter3A_768] : memref<2x128x16xf32, #tpu.memory_space<vmem>> -> memref<1x128x16xf32, #tpu.memory_space<vmem>>
      %scatter3A_770 = tpu.memref_squeeze %scatter3A_769 : memref<1x128x16xf32, #tpu.memory_space<vmem>> -> memref<128x16xf32, #tpu.memory_space<vmem>>
      tpu.vector_store_idx %scatter3A_770[%add3A_764, %broadcast_in_dim3A_766], %get3A_761 : memref<128x16xf32, #tpu.memory_space<vmem>>[vector<16xi32>, vector<16xi32>], vector<16xf32>,
      %get3A_771 = arith.constant 0 : i32
      %get3A_772 = arith.constant 3 : i32
      %get3A_773 = arith.index_cast %select_n3A_215 : i32 to index
      %get3A_774 = arith.index_cast %get3A_771 : i32 to index
      %get3A_775 = arith.index_cast %get3A_772 : i32 to index
      %get3A_776 = arith.constant 96 : index
      %get3A_777 = tpu.vector_load %arg6[%get3A_773, %get3A_774, %get3A_775, %get3A_776] {strides = array<i32>} : memref<2x2x8x128xf32, #tpu.memory_space<vmem>>, vector<16xf32>,
      %add3A_778 = arith.constant 96 : i32
      %add3A_779 = vector.broadcast %add3A_778 : i32 to vector<16xi32>
      %add3A_780 = arith.addi %iota3A, %add3A_779 : vector<16xi32>
      %broadcast_in_dim3A_781 = arith.constant 3 : i32
      %broadcast_in_dim3A_782 = vector.broadcast %broadcast_in_dim3A_781 : i32 to vector<16xi32>
      %scatter3A_783 = arith.constant 0 : i32
      %scatter3A_784 = arith.constant 0 : i32
      %scatter3A_785 = tpu.memref_slice %arg8[%select_n3A_215, %scatter3A_783, %scatter3A_784] : memref<2x128x16xf32, #tpu.memory_space<vmem>> -> memref<1x128x16xf32, #tpu.memory_space<vmem>>
      %scatter3A_786 = tpu.memref_squeeze %scatter3A_785 : memref<1x128x16xf32, #tpu.memory_space<vmem>> -> memref<128x16xf32, #tpu.memory_space<vmem>>
      tpu.vector_store_idx %scatter3A_786[%add3A_780, %broadcast_in_dim3A_782], %get3A_777 : memref<128x16xf32, #tpu.memory_space<vmem>>[vector<16xi32>, vector<16xi32>], vector<16xf32>,
      %get3A_787 = arith.constant 0 : i32
      %get3A_788 = arith.constant 3 : i32
      %get3A_789 = arith.index_cast %select_n3A_215 : i32 to index
      %get3A_790 = arith.index_cast %get3A_787 : i32 to index
      %get3A_791 = arith.index_cast %get3A_788 : i32 to index
      %get3A_792 = arith.constant 112 : index
      %get3A_793 = tpu.vector_load %arg6[%get3A_789, %get3A_790, %get3A_791, %get3A_792] {strides = array<i32>} : memref<2x2x8x128xf32, #tpu.memory_space<vmem>>, vector<16xf32>,
      %add3A_794 = arith.constant 112 : i32
      %add3A_795 = vector.broadcast %add3A_794 : i32 to vector<16xi32>
      %add3A_796 = arith.addi %iota3A, %add3A_795 : vector<16xi32>
      %broadcast_in_dim3A_797 = arith.constant 3 : i32
      %broadcast_in_dim3A_798 = vector.broadcast %broadcast_in_dim3A_797 : i32 to vector<16xi32>
      %scatter3A_799 = arith.constant 0 : i32
      %scatter3A_800 = arith.constant 0 : i32
      %scatter3A_801 = tpu.memref_slice %arg8[%select_n3A_215, %scatter3A_799, %scatter3A_800] : memref<2x128x16xf32, #tpu.memory_space<vmem>> -> memref<1x128x16xf32, #tpu.memory_space<vmem>>
      %scatter3A_802 = tpu.memref_squeeze %scatter3A_801 : memref<1x128x16xf32, #tpu.memory_space<vmem>> -> memref<128x16xf32, #tpu.memory_space<vmem>>
      tpu.vector_store_idx %scatter3A_802[%add3A_796, %broadcast_in_dim3A_798], %get3A_793 : memref<128x16xf32, #tpu.memory_space<vmem>>[vector<16xi32>, vector<16xi32>], vector<16xf32>,
      %get3A_803 = arith.constant 0 : i32
      %get3A_804 = arith.constant 4 : i32
      %get3A_805 = arith.index_cast %select_n3A_215 : i32 to index
      %get3A_806 = arith.index_cast %get3A_803 : i32 to index
      %get3A_807 = arith.index_cast %get3A_804 : i32 to index
      %get3A_808 = arith.constant 0 : index
      %get3A_809 = tpu.vector_load %arg6[%get3A_805, %get3A_806, %get3A_807, %get3A_808] {strides = array<i32>} : memref<2x2x8x128xf32, #tpu.memory_space<vmem>>, vector<16xf32>,
      %add3A_810 = arith.constant 0 : i32
      %add3A_811 = vector.broadcast %add3A_810 : i32 to vector<16xi32>
      %add3A_812 = arith.addi %iota3A, %add3A_811 : vector<16xi32>
      %broadcast_in_dim3A_813 = arith.constant 4 : i32
      %broadcast_in_dim3A_814 = vector.broadcast %broadcast_in_dim3A_813 : i32 to vector<16xi32>
      %scatter3A_815 = arith.constant 0 : i32
      %scatter3A_816 = arith.constant 0 : i32
      %scatter3A_817 = tpu.memref_slice %arg8[%select_n3A_215, %scatter3A_815, %scatter3A_816] : memref<2x128x16xf32, #tpu.memory_space<vmem>> -> memref<1x128x16xf32, #tpu.memory_space<vmem>>
      %scatter3A_818 = tpu.memref_squeeze %scatter3A_817 : memref<1x128x16xf32, #tpu.memory_space<vmem>> -> memref<128x16xf32, #tpu.memory_space<vmem>>
      tpu.vector_store_idx %scatter3A_818[%add3A_812, %broadcast_in_dim3A_814], %get3A_809 : memref<128x16xf32, #tpu.memory_space<vmem>>[vector<16xi32>, vector<16xi32>], vector<16xf32>,
      %get3A_819 = arith.constant 0 : i32
      %get3A_820 = arith.constant 4 : i32
      %get3A_821 = arith.index_cast %select_n3A_215 : i32 to index
      %get3A_822 = arith.index_cast %get3A_819 : i32 to index
      %get3A_823 = arith.index_cast %get3A_820 : i32 to index
      %get3A_824 = arith.constant 16 : index
      %get3A_825 = tpu.vector_load %arg6[%get3A_821, %get3A_822, %get3A_823, %get3A_824] {strides = array<i32>} : memref<2x2x8x128xf32, #tpu.memory_space<vmem>>, vector<16xf32>,
      %add3A_826 = arith.constant 16 : i32
      %add3A_827 = vector.broadcast %add3A_826 : i32 to vector<16xi32>
      %add3A_828 = arith.addi %iota3A, %add3A_827 : vector<16xi32>
      %broadcast_in_dim3A_829 = arith.constant 4 : i32
      %broadcast_in_dim3A_830 = vector.broadcast %broadcast_in_dim3A_829 : i32 to vector<16xi32>
      %scatter3A_831 = arith.constant 0 : i32
      %scatter3A_832 = arith.constant 0 : i32
      %scatter3A_833 = tpu.memref_slice %arg8[%select_n3A_215, %scatter3A_831, %scatter3A_832] : memref<2x128x16xf32, #tpu.memory_space<vmem>> -> memref<1x128x16xf32, #tpu.memory_space<vmem>>
      %scatter3A_834 = tpu.memref_squeeze %scatter3A_833 : memref<1x128x16xf32, #tpu.memory_space<vmem>> -> memref<128x16xf32, #tpu.memory_space<vmem>>
      tpu.vector_store_idx %scatter3A_834[%add3A_828, %broadcast_in_dim3A_830], %get3A_825 : memref<128x16xf32, #tpu.memory_space<vmem>>[vector<16xi32>, vector<16xi32>], vector<16xf32>,
      %get3A_835 = arith.constant 0 : i32
      %get3A_836 = arith.constant 4 : i32
      %get3A_837 = arith.index_cast %select_n3A_215 : i32 to index
      %get3A_838 = arith.index_cast %get3A_835 : i32 to index
      %get3A_839 = arith.index_cast %get3A_836 : i32 to index
      %get3A_840 = arith.constant 32 : index
      %get3A_841 = tpu.vector_load %arg6[%get3A_837, %get3A_838, %get3A_839, %get3A_840] {strides = array<i32>} : memref<2x2x8x128xf32, #tpu.memory_space<vmem>>, vector<16xf32>,
      %add3A_842 = arith.constant 32 : i32
      %add3A_843 = vector.broadcast %add3A_842 : i32 to vector<16xi32>
      %add3A_844 = arith.addi %iota3A, %add3A_843 : vector<16xi32>
      %broadcast_in_dim3A_845 = arith.constant 4 : i32
      %broadcast_in_dim3A_846 = vector.broadcast %broadcast_in_dim3A_845 : i32 to vector<16xi32>
      %scatter3A_847 = arith.constant 0 : i32
      %scatter3A_848 = arith.constant 0 : i32
      %scatter3A_849 = tpu.memref_slice %arg8[%select_n3A_215, %scatter3A_847, %scatter3A_848] : memref<2x128x16xf32, #tpu.memory_space<vmem>> -> memref<1x128x16xf32, #tpu.memory_space<vmem>>
      %scatter3A_850 = tpu.memref_squeeze %scatter3A_849 : memref<1x128x16xf32, #tpu.memory_space<vmem>> -> memref<128x16xf32, #tpu.memory_space<vmem>>
      tpu.vector_store_idx %scatter3A_850[%add3A_844, %broadcast_in_dim3A_846], %get3A_841 : memref<128x16xf32, #tpu.memory_space<vmem>>[vector<16xi32>, vector<16xi32>], vector<16xf32>,
      %get3A_851 = arith.constant 0 : i32
      %get3A_852 = arith.constant 4 : i32
      %get3A_853 = arith.index_cast %select_n3A_215 : i32 to index
      %get3A_854 = arith.index_cast %get3A_851 : i32 to index
      %get3A_855 = arith.index_cast %get3A_852 : i32 to index
      %get3A_856 = arith.constant 48 : index
      %get3A_857 = tpu.vector_load %arg6[%get3A_853, %get3A_854, %get3A_855, %get3A_856] {strides = array<i32>} : memref<2x2x8x128xf32, #tpu.memory_space<vmem>>, vector<16xf32>,
      %add3A_858 = arith.constant 48 : i32
      %add3A_859 = vector.broadcast %add3A_858 : i32 to vector<16xi32>
      %add3A_860 = arith.addi %iota3A, %add3A_859 : vector<16xi32>
      %broadcast_in_dim3A_861 = arith.constant 4 : i32
      %broadcast_in_dim3A_862 = vector.broadcast %broadcast_in_dim3A_861 : i32 to vector<16xi32>
      %scatter3A_863 = arith.constant 0 : i32
      %scatter3A_864 = arith.constant 0 : i32
      %scatter3A_865 = tpu.memref_slice %arg8[%select_n3A_215, %scatter3A_863, %scatter3A_864] : memref<2x128x16xf32, #tpu.memory_space<vmem>> -> memref<1x128x16xf32, #tpu.memory_space<vmem>>
      %scatter3A_866 = tpu.memref_squeeze %scatter3A_865 : memref<1x128x16xf32, #tpu.memory_space<vmem>> -> memref<128x16xf32, #tpu.memory_space<vmem>>
      tpu.vector_store_idx %scatter3A_866[%add3A_860, %broadcast_in_dim3A_862], %get3A_857 : memref<128x16xf32, #tpu.memory_space<vmem>>[vector<16xi32>, vector<16xi32>], vector<16xf32>,
      %get3A_867 = arith.constant 0 : i32
      %get3A_868 = arith.constant 4 : i32
      %get3A_869 = arith.index_cast %select_n3A_215 : i32 to index
      %get3A_870 = arith.index_cast %get3A_867 : i32 to index
      %get3A_871 = arith.index_cast %get3A_868 : i32 to index
      %get3A_872 = arith.constant 64 : index
      %get3A_873 = tpu.vector_load %arg6[%get3A_869, %get3A_870, %get3A_871, %get3A_872] {strides = array<i32>} : memref<2x2x8x128xf32, #tpu.memory_space<vmem>>, vector<16xf32>,
      %add3A_874 = arith.constant 64 : i32
      %add3A_875 = vector.broadcast %add3A_874 : i32 to vector<16xi32>
      %add3A_876 = arith.addi %iota3A, %add3A_875 : vector<16xi32>
      %broadcast_in_dim3A_877 = arith.constant 4 : i32
      %broadcast_in_dim3A_878 = vector.broadcast %broadcast_in_dim3A_877 : i32 to vector<16xi32>
      %scatter3A_879 = arith.constant 0 : i32
      %scatter3A_880 = arith.constant 0 : i32
      %scatter3A_881 = tpu.memref_slice %arg8[%select_n3A_215, %scatter3A_879, %scatter3A_880] : memref<2x128x16xf32, #tpu.memory_space<vmem>> -> memref<1x128x16xf32, #tpu.memory_space<vmem>>
      %scatter3A_882 = tpu.memref_squeeze %scatter3A_881 : memref<1x128x16xf32, #tpu.memory_space<vmem>> -> memref<128x16xf32, #tpu.memory_space<vmem>>
      tpu.vector_store_idx %scatter3A_882[%add3A_876, %broadcast_in_dim3A_878], %get3A_873 : memref<128x16xf32, #tpu.memory_space<vmem>>[vector<16xi32>, vector<16xi32>], vector<16xf32>,
      %get3A_883 = arith.constant 0 : i32
      %get3A_884 = arith.constant 4 : i32
      %get3A_885 = arith.index_cast %select_n3A_215 : i32 to index
      %get3A_886 = arith.index_cast %get3A_883 : i32 to index
      %get3A_887 = arith.index_cast %get3A_884 : i32 to index
      %get3A_888 = arith.constant 80 : index
      %get3A_889 = tpu.vector_load %arg6[%get3A_885, %get3A_886, %get3A_887, %get3A_888] {strides = array<i32>} : memref<2x2x8x128xf32, #tpu.memory_space<vmem>>, vector<16xf32>,
      %add3A_890 = arith.constant 80 : i32
      %add3A_891 = vector.broadcast %add3A_890 : i32 to vector<16xi32>
      %add3A_892 = arith.addi %iota3A, %add3A_891 : vector<16xi32>
      %broadcast_in_dim3A_893 = arith.constant 4 : i32
      %broadcast_in_dim3A_894 = vector.broadcast %broadcast_in_dim3A_893 : i32 to vector<16xi32>
      %scatter3A_895 = arith.constant 0 : i32
      %scatter3A_896 = arith.constant 0 : i32
      %scatter3A_897 = tpu.memref_slice %arg8[%select_n3A_215, %scatter3A_895, %scatter3A_896] : memref<2x128x16xf32, #tpu.memory_space<vmem>> -> memref<1x128x16xf32, #tpu.memory_space<vmem>>
      %scatter3A_898 = tpu.memref_squeeze %scatter3A_897 : memref<1x128x16xf32, #tpu.memory_space<vmem>> -> memref<128x16xf32, #tpu.memory_space<vmem>>
      tpu.vector_store_idx %scatter3A_898[%add3A_892, %broadcast_in_dim3A_894], %get3A_889 : memref<128x16xf32, #tpu.memory_space<vmem>>[vector<16xi32>, vector<16xi32>], vector<16xf32>,
      %get3A_899 = arith.constant 0 : i32
      %get3A_900 = arith.constant 4 : i32
      %get3A_901 = arith.index_cast %select_n3A_215 : i32 to index
      %get3A_902 = arith.index_cast %get3A_899 : i32 to index
      %get3A_903 = arith.index_cast %get3A_900 : i32 to index
      %get3A_904 = arith.constant 96 : index
      %get3A_905 = tpu.vector_load %arg6[%get3A_901, %get3A_902, %get3A_903, %get3A_904] {strides = array<i32>} : memref<2x2x8x128xf32, #tpu.memory_space<vmem>>, vector<16xf32>,
      %add3A_906 = arith.constant 96 : i32
      %add3A_907 = vector.broadcast %add3A_906 : i32 to vector<16xi32>
      %add3A_908 = arith.addi %iota3A, %add3A_907 : vector<16xi32>
      %broadcast_in_dim3A_909 = arith.constant 4 : i32
      %broadcast_in_dim3A_910 = vector.broadcast %broadcast_in_dim3A_909 : i32 to vector<16xi32>
      %scatter3A_911 = arith.constant 0 : i32
      %scatter3A_912 = arith.constant 0 : i32
      %scatter3A_913 = tpu.memref_slice %arg8[%select_n3A_215, %scatter3A_911, %scatter3A_912] : memref<2x128x16xf32, #tpu.memory_space<vmem>> -> memref<1x128x16xf32, #tpu.memory_space<vmem>>
      %scatter3A_914 = tpu.memref_squeeze %scatter3A_913 : memref<1x128x16xf32, #tpu.memory_space<vmem>> -> memref<128x16xf32, #tpu.memory_space<vmem>>
      tpu.vector_store_idx %scatter3A_914[%add3A_908, %broadcast_in_dim3A_910], %get3A_905 : memref<128x16xf32, #tpu.memory_space<vmem>>[vector<16xi32>, vector<16xi32>], vector<16xf32>,
      %get3A_915 = arith.constant 0 : i32
      %get3A_916 = arith.constant 4 : i32
      %get3A_917 = arith.index_cast %select_n3A_215 : i32 to index
      %get3A_918 = arith.index_cast %get3A_915 : i32 to index
      %get3A_919 = arith.index_cast %get3A_916 : i32 to index
      %get3A_920 = arith.constant 112 : index
      %get3A_921 = tpu.vector_load %arg6[%get3A_917, %get3A_918, %get3A_919, %get3A_920] {strides = array<i32>} : memref<2x2x8x128xf32, #tpu.memory_space<vmem>>, vector<16xf32>,
      %add3A_922 = arith.constant 112 : i32
      %add3A_923 = vector.broadcast %add3A_922 : i32 to vector<16xi32>
      %add3A_924 = arith.addi %iota3A, %add3A_923 : vector<16xi32>
      %broadcast_in_dim3A_925 = arith.constant 4 : i32
      %broadcast_in_dim3A_926 = vector.broadcast %broadcast_in_dim3A_925 : i32 to vector<16xi32>
      %scatter3A_927 = arith.constant 0 : i32
      %scatter3A_928 = arith.constant 0 : i32
      %scatter3A_929 = tpu.memref_slice %arg8[%select_n3A_215, %scatter3A_927, %scatter3A_928] : memref<2x128x16xf32, #tpu.memory_space<vmem>> -> memref<1x128x16xf32, #tpu.memory_space<vmem>>
      %scatter3A_930 = tpu.memref_squeeze %scatter3A_929 : memref<1x128x16xf32, #tpu.memory_space<vmem>> -> memref<128x16xf32, #tpu.memory_space<vmem>>
      tpu.vector_store_idx %scatter3A_930[%add3A_924, %broadcast_in_dim3A_926], %get3A_921 : memref<128x16xf32, #tpu.memory_space<vmem>>[vector<16xi32>, vector<16xi32>], vector<16xf32>,
      %get3A_931 = arith.constant 0 : i32
      %get3A_932 = arith.constant 5 : i32
      %get3A_933 = arith.index_cast %select_n3A_215 : i32 to index
      %get3A_934 = arith.index_cast %get3A_931 : i32 to index
      %get3A_935 = arith.index_cast %get3A_932 : i32 to index
      %get3A_936 = arith.constant 0 : index
      %get3A_937 = tpu.vector_load %arg6[%get3A_933, %get3A_934, %get3A_935, %get3A_936] {strides = array<i32>} : memref<2x2x8x128xf32, #tpu.memory_space<vmem>>, vector<16xf32>,
      %add3A_938 = arith.constant 0 : i32
      %add3A_939 = vector.broadcast %add3A_938 : i32 to vector<16xi32>
      %add3A_940 = arith.addi %iota3A, %add3A_939 : vector<16xi32>
      %broadcast_in_dim3A_941 = arith.constant 5 : i32
      %broadcast_in_dim3A_942 = vector.broadcast %broadcast_in_dim3A_941 : i32 to vector<16xi32>
      %scatter3A_943 = arith.constant 0 : i32
      %scatter3A_944 = arith.constant 0 : i32
      %scatter3A_945 = tpu.memref_slice %arg8[%select_n3A_215, %scatter3A_943, %scatter3A_944] : memref<2x128x16xf32, #tpu.memory_space<vmem>> -> memref<1x128x16xf32, #tpu.memory_space<vmem>>
      %scatter3A_946 = tpu.memref_squeeze %scatter3A_945 : memref<1x128x16xf32, #tpu.memory_space<vmem>> -> memref<128x16xf32, #tpu.memory_space<vmem>>
      tpu.vector_store_idx %scatter3A_946[%add3A_940, %broadcast_in_dim3A_942], %get3A_937 : memref<128x16xf32, #tpu.memory_space<vmem>>[vector<16xi32>, vector<16xi32>], vector<16xf32>,
      %get3A_947 = arith.constant 0 : i32
      %get3A_948 = arith.constant 5 : i32
      %get3A_949 = arith.index_cast %select_n3A_215 : i32 to index
      %get3A_950 = arith.index_cast %get3A_947 : i32 to index
      %get3A_951 = arith.index_cast %get3A_948 : i32 to index
      %get3A_952 = arith.constant 16 : index
      %get3A_953 = tpu.vector_load %arg6[%get3A_949, %get3A_950, %get3A_951, %get3A_952] {strides = array<i32>} : memref<2x2x8x128xf32, #tpu.memory_space<vmem>>, vector<16xf32>,
      %add3A_954 = arith.constant 16 : i32
      %add3A_955 = vector.broadcast %add3A_954 : i32 to vector<16xi32>
      %add3A_956 = arith.addi %iota3A, %add3A_955 : vector<16xi32>
      %broadcast_in_dim3A_957 = arith.constant 5 : i32
      %broadcast_in_dim3A_958 = vector.broadcast %broadcast_in_dim3A_957 : i32 to vector<16xi32>
      %scatter3A_959 = arith.constant 0 : i32
      %scatter3A_960 = arith.constant 0 : i32
      %scatter3A_961 = tpu.memref_slice %arg8[%select_n3A_215, %scatter3A_959, %scatter3A_960] : memref<2x128x16xf32, #tpu.memory_space<vmem>> -> memref<1x128x16xf32, #tpu.memory_space<vmem>>
      %scatter3A_962 = tpu.memref_squeeze %scatter3A_961 : memref<1x128x16xf32, #tpu.memory_space<vmem>> -> memref<128x16xf32, #tpu.memory_space<vmem>>
      tpu.vector_store_idx %scatter3A_962[%add3A_956, %broadcast_in_dim3A_958], %get3A_953 : memref<128x16xf32, #tpu.memory_space<vmem>>[vector<16xi32>, vector<16xi32>], vector<16xf32>,
      %get3A_963 = arith.constant 0 : i32
      %get3A_964 = arith.constant 5 : i32
      %get3A_965 = arith.index_cast %select_n3A_215 : i32 to index
      %get3A_966 = arith.index_cast %get3A_963 : i32 to index
      %get3A_967 = arith.index_cast %get3A_964 : i32 to index
      %get3A_968 = arith.constant 32 : index
      %get3A_969 = tpu.vector_load %arg6[%get3A_965, %get3A_966, %get3A_967, %get3A_968] {strides = array<i32>} : memref<2x2x8x128xf32, #tpu.memory_space<vmem>>, vector<16xf32>,
      %add3A_970 = arith.constant 32 : i32
      %add3A_971 = vector.broadcast %add3A_970 : i32 to vector<16xi32>
      %add3A_972 = arith.addi %iota3A, %add3A_971 : vector<16xi32>
      %broadcast_in_dim3A_973 = arith.constant 5 : i32
      %broadcast_in_dim3A_974 = vector.broadcast %broadcast_in_dim3A_973 : i32 to vector<16xi32>
      %scatter3A_975 = arith.constant 0 : i32
      %scatter3A_976 = arith.constant 0 : i32
      %scatter3A_977 = tpu.memref_slice %arg8[%select_n3A_215, %scatter3A_975, %scatter3A_976] : memref<2x128x16xf32, #tpu.memory_space<vmem>> -> memref<1x128x16xf32, #tpu.memory_space<vmem>>
      %scatter3A_978 = tpu.memref_squeeze %scatter3A_977 : memref<1x128x16xf32, #tpu.memory_space<vmem>> -> memref<128x16xf32, #tpu.memory_space<vmem>>
      tpu.vector_store_idx %scatter3A_978[%add3A_972, %broadcast_in_dim3A_974], %get3A_969 : memref<128x16xf32, #tpu.memory_space<vmem>>[vector<16xi32>, vector<16xi32>], vector<16xf32>,
      %get3A_979 = arith.constant 0 : i32
      %get3A_980 = arith.constant 5 : i32
      %get3A_981 = arith.index_cast %select_n3A_215 : i32 to index
      %get3A_982 = arith.index_cast %get3A_979 : i32 to index
      %get3A_983 = arith.index_cast %get3A_980 : i32 to index
      %get3A_984 = arith.constant 48 : index
      %get3A_985 = tpu.vector_load %arg6[%get3A_981, %get3A_982, %get3A_983, %get3A_984] {strides = array<i32>} : memref<2x2x8x128xf32, #tpu.memory_space<vmem>>, vector<16xf32>,
      %add3A_986 = arith.constant 48 : i32
      %add3A_987 = vector.broadcast %add3A_986 : i32 to vector<16xi32>
      %add3A_988 = arith.addi %iota3A, %add3A_987 : vector<16xi32>
      %broadcast_in_dim3A_989 = arith.constant 5 : i32
      %broadcast_in_dim3A_990 = vector.broadcast %broadcast_in_dim3A_989 : i32 to vector<16xi32>
      %scatter3A_991 = arith.constant 0 : i32
      %scatter3A_992 = arith.constant 0 : i32
      %scatter3A_993 = tpu.memref_slice %arg8[%select_n3A_215, %scatter3A_991, %scatter3A_992] : memref<2x128x16xf32, #tpu.memory_space<vmem>> -> memref<1x128x16xf32, #tpu.memory_space<vmem>>
      %scatter3A_994 = tpu.memref_squeeze %scatter3A_993 : memref<1x128x16xf32, #tpu.memory_space<vmem>> -> memref<128x16xf32, #tpu.memory_space<vmem>>
      tpu.vector_store_idx %scatter3A_994[%add3A_988, %broadcast_in_dim3A_990], %get3A_985 : memref<128x16xf32, #tpu.memory_space<vmem>>[vector<16xi32>, vector<16xi32>], vector<16xf32>,
      %get3A_995 = arith.constant 0 : i32
      %get3A_996 = arith.constant 5 : i32
      %get3A_997 = arith.index_cast %select_n3A_215 : i32 to index
      %get3A_998 = arith.index_cast %get3A_995 : i32 to index
      %get3A_999 = arith.index_cast %get3A_996 : i32 to index
      %get3A_1000 = arith.constant 64 : index
      %get3A_1001 = tpu.vector_load %arg6[%get3A_997, %get3A_998, %get3A_999, %get3A_1000] {strides = array<i32>} : memref<2x2x8x128xf32, #tpu.memory_space<vmem>>, vector<16xf32>,
      %add3A_1002 = arith.constant 64 : i32
      %add3A_1003 = vector.broadcast %add3A_1002 : i32 to vector<16xi32>
      %add3A_1004 = arith.addi %iota3A, %add3A_1003 : vector<16xi32>
      %broadcast_in_dim3A_1005 = arith.constant 5 : i32
      %broadcast_in_dim3A_1006 = vector.broadcast %broadcast_in_dim3A_1005 : i32 to vector<16xi32>
      %scatter3A_1007 = arith.constant 0 : i32
      %scatter3A_1008 = arith.constant 0 : i32
      %scatter3A_1009 = tpu.memref_slice %arg8[%select_n3A_215, %scatter3A_1007, %scatter3A_1008] : memref<2x128x16xf32, #tpu.memory_space<vmem>> -> memref<1x128x16xf32, #tpu.memory_space<vmem>>
      %scatter3A_1010 = tpu.memref_squeeze %scatter3A_1009 : memref<1x128x16xf32, #tpu.memory_space<vmem>> -> memref<128x16xf32, #tpu.memory_space<vmem>>
      tpu.vector_store_idx %scatter3A_1010[%add3A_1004, %broadcast_in_dim3A_1006], %get3A_1001 : memref<128x16xf32, #tpu.memory_space<vmem>>[vector<16xi32>, vector<16xi32>], vector<16xf32>,
      %get3A_1011 = arith.constant 0 : i32
      %get3A_1012 = arith.constant 5 : i32
      %get3A_1013 = arith.index_cast %select_n3A_215 : i32 to index
      %get3A_1014 = arith.index_cast %get3A_1011 : i32 to index
      %get3A_1015 = arith.index_cast %get3A_1012 : i32 to index
      %get3A_1016 = arith.constant 80 : index
      %get3A_1017 = tpu.vector_load %arg6[%get3A_1013, %get3A_1014, %get3A_1015, %get3A_1016] {strides = array<i32>} : memref<2x2x8x128xf32, #tpu.memory_space<vmem>>, vector<16xf32>,
      %add3A_1018 = arith.constant 80 : i32
      %add3A_1019 = vector.broadcast %add3A_1018 : i32 to vector<16xi32>
      %add3A_1020 = arith.addi %iota3A, %add3A_1019 : vector<16xi32>
      %broadcast_in_dim3A_1021 = arith.constant 5 : i32
      %broadcast_in_dim3A_1022 = vector.broadcast %broadcast_in_dim3A_1021 : i32 to vector<16xi32>
      %scatter3A_1023 = arith.constant 0 : i32
      %scatter3A_1024 = arith.constant 0 : i32
      %scatter3A_1025 = tpu.memref_slice %arg8[%select_n3A_215, %scatter3A_1023, %scatter3A_1024] : memref<2x128x16xf32, #tpu.memory_space<vmem>> -> memref<1x128x16xf32, #tpu.memory_space<vmem>>
      %scatter3A_1026 = tpu.memref_squeeze %scatter3A_1025 : memref<1x128x16xf32, #tpu.memory_space<vmem>> -> memref<128x16xf32, #tpu.memory_space<vmem>>
      tpu.vector_store_idx %scatter3A_1026[%add3A_1020, %broadcast_in_dim3A_1022], %get3A_1017 : memref<128x16xf32, #tpu.memory_space<vmem>>[vector<16xi32>, vector<16xi32>], vector<16xf32>,
      %get3A_1027 = arith.constant 0 : i32
      %get3A_1028 = arith.constant 5 : i32
      %get3A_1029 = arith.index_cast %select_n3A_215 : i32 to index
      %get3A_1030 = arith.index_cast %get3A_1027 : i32 to index
      %get3A_1031 = arith.index_cast %get3A_1028 : i32 to index
      %get3A_1032 = arith.constant 96 : index
      %get3A_1033 = tpu.vector_load %arg6[%get3A_1029, %get3A_1030, %get3A_1031, %get3A_1032] {strides = array<i32>} : memref<2x2x8x128xf32, #tpu.memory_space<vmem>>, vector<16xf32>,
      %add3A_1034 = arith.constant 96 : i32
      %add3A_1035 = vector.broadcast %add3A_1034 : i32 to vector<16xi32>
      %add3A_1036 = arith.addi %iota3A, %add3A_1035 : vector<16xi32>
      %broadcast_in_dim3A_1037 = arith.constant 5 : i32
      %broadcast_in_dim3A_1038 = vector.broadcast %broadcast_in_dim3A_1037 : i32 to vector<16xi32>
      %scatter3A_1039 = arith.constant 0 : i32
      %scatter3A_1040 = arith.constant 0 : i32
      %scatter3A_1041 = tpu.memref_slice %arg8[%select_n3A_215, %scatter3A_1039, %scatter3A_1040] : memref<2x128x16xf32, #tpu.memory_space<vmem>> -> memref<1x128x16xf32, #tpu.memory_space<vmem>>
      %scatter3A_1042 = tpu.memref_squeeze %scatter3A_1041 : memref<1x128x16xf32, #tpu.memory_space<vmem>> -> memref<128x16xf32, #tpu.memory_space<vmem>>
      tpu.vector_store_idx %scatter3A_1042[%add3A_1036, %broadcast_in_dim3A_1038], %get3A_1033 : memref<128x16xf32, #tpu.memory_space<vmem>>[vector<16xi32>, vector<16xi32>], vector<16xf32>,
      %get3A_1043 = arith.constant 0 : i32
      %get3A_1044 = arith.constant 5 : i32
      %get3A_1045 = arith.index_cast %select_n3A_215 : i32 to index
      %get3A_1046 = arith.index_cast %get3A_1043 : i32 to index
      %get3A_1047 = arith.index_cast %get3A_1044 : i32 to index
      %get3A_1048 = arith.constant 112 : index
      %get3A_1049 = tpu.vector_load %arg6[%get3A_1045, %get3A_1046, %get3A_1047, %get3A_1048] {strides = array<i32>} : memref<2x2x8x128xf32, #tpu.memory_space<vmem>>, vector<16xf32>,
      %add3A_1050 = arith.constant 112 : i32
      %add3A_1051 = vector.broadcast %add3A_1050 : i32 to vector<16xi32>
      %add3A_1052 = arith.addi %iota3A, %add3A_1051 : vector<16xi32>
      %broadcast_in_dim3A_1053 = arith.constant 5 : i32
      %broadcast_in_dim3A_1054 = vector.broadcast %broadcast_in_dim3A_1053 : i32 to vector<16xi32>
      %scatter3A_1055 = arith.constant 0 : i32
      %scatter3A_1056 = arith.constant 0 : i32
      %scatter3A_1057 = tpu.memref_slice %arg8[%select_n3A_215, %scatter3A_1055, %scatter3A_1056] : memref<2x128x16xf32, #tpu.memory_space<vmem>> -> memref<1x128x16xf32, #tpu.memory_space<vmem>>
      %scatter3A_1058 = tpu.memref_squeeze %scatter3A_1057 : memref<1x128x16xf32, #tpu.memory_space<vmem>> -> memref<128x16xf32, #tpu.memory_space<vmem>>
      tpu.vector_store_idx %scatter3A_1058[%add3A_1052, %broadcast_in_dim3A_1054], %get3A_1049 : memref<128x16xf32, #tpu.memory_space<vmem>>[vector<16xi32>, vector<16xi32>], vector<16xf32>,
      %get3A_1059 = arith.constant 0 : i32
      %get3A_1060 = arith.constant 6 : i32
      %get3A_1061 = arith.index_cast %select_n3A_215 : i32 to index
      %get3A_1062 = arith.index_cast %get3A_1059 : i32 to index
      %get3A_1063 = arith.index_cast %get3A_1060 : i32 to index
      %get3A_1064 = arith.constant 0 : index
      %get3A_1065 = tpu.vector_load %arg6[%get3A_1061, %get3A_1062, %get3A_1063, %get3A_1064] {strides = array<i32>} : memref<2x2x8x128xf32, #tpu.memory_space<vmem>>, vector<16xf32>,
      %add3A_1066 = arith.constant 0 : i32
      %add3A_1067 = vector.broadcast %add3A_1066 : i32 to vector<16xi32>
      %add3A_1068 = arith.addi %iota3A, %add3A_1067 : vector<16xi32>
      %broadcast_in_dim3A_1069 = arith.constant 6 : i32
      %broadcast_in_dim3A_1070 = vector.broadcast %broadcast_in_dim3A_1069 : i32 to vector<16xi32>
      %scatter3A_1071 = arith.constant 0 : i32
      %scatter3A_1072 = arith.constant 0 : i32
      %scatter3A_1073 = tpu.memref_slice %arg8[%select_n3A_215, %scatter3A_1071, %scatter3A_1072] : memref<2x128x16xf32, #tpu.memory_space<vmem>> -> memref<1x128x16xf32, #tpu.memory_space<vmem>>
      %scatter3A_1074 = tpu.memref_squeeze %scatter3A_1073 : memref<1x128x16xf32, #tpu.memory_space<vmem>> -> memref<128x16xf32, #tpu.memory_space<vmem>>
      tpu.vector_store_idx %scatter3A_1074[%add3A_1068, %broadcast_in_dim3A_1070], %get3A_1065 : memref<128x16xf32, #tpu.memory_space<vmem>>[vector<16xi32>, vector<16xi32>], vector<16xf32>,
      %get3A_1075 = arith.constant 0 : i32
      %get3A_1076 = arith.constant 6 : i32
      %get3A_1077 = arith.index_cast %select_n3A_215 : i32 to index
      %get3A_1078 = arith.index_cast %get3A_1075 : i32 to index
      %get3A_1079 = arith.index_cast %get3A_1076 : i32 to index
      %get3A_1080 = arith.constant 16 : index
      %get3A_1081 = tpu.vector_load %arg6[%get3A_1077, %get3A_1078, %get3A_1079, %get3A_1080] {strides = array<i32>} : memref<2x2x8x128xf32, #tpu.memory_space<vmem>>, vector<16xf32>,
      %add3A_1082 = arith.constant 16 : i32
      %add3A_1083 = vector.broadcast %add3A_1082 : i32 to vector<16xi32>
      %add3A_1084 = arith.addi %iota3A, %add3A_1083 : vector<16xi32>
      %broadcast_in_dim3A_1085 = arith.constant 6 : i32
      %broadcast_in_dim3A_1086 = vector.broadcast %broadcast_in_dim3A_1085 : i32 to vector<16xi32>
      %scatter3A_1087 = arith.constant 0 : i32
      %scatter3A_1088 = arith.constant 0 : i32
      %scatter3A_1089 = tpu.memref_slice %arg8[%select_n3A_215, %scatter3A_1087, %scatter3A_1088] : memref<2x128x16xf32, #tpu.memory_space<vmem>> -> memref<1x128x16xf32, #tpu.memory_space<vmem>>
      %scatter3A_1090 = tpu.memref_squeeze %scatter3A_1089 : memref<1x128x16xf32, #tpu.memory_space<vmem>> -> memref<128x16xf32, #tpu.memory_space<vmem>>
      tpu.vector_store_idx %scatter3A_1090[%add3A_1084, %broadcast_in_dim3A_1086], %get3A_1081 : memref<128x16xf32, #tpu.memory_space<vmem>>[vector<16xi32>, vector<16xi32>], vector<16xf32>,
      %get3A_1091 = arith.constant 0 : i32
      %get3A_1092 = arith.constant 6 : i32
      %get3A_1093 = arith.index_cast %select_n3A_215 : i32 to index
      %get3A_1094 = arith.index_cast %get3A_1091 : i32 to index
      %get3A_1095 = arith.index_cast %get3A_1092 : i32 to index
      %get3A_1096 = arith.constant 32 : index
      %get3A_1097 = tpu.vector_load %arg6[%get3A_1093, %get3A_1094, %get3A_1095, %get3A_1096] {strides = array<i32>} : memref<2x2x8x128xf32, #tpu.memory_space<vmem>>, vector<16xf32>,
      %add3A_1098 = arith.constant 32 : i32
      %add3A_1099 = vector.broadcast %add3A_1098 : i32 to vector<16xi32>
      %add3A_1100 = arith.addi %iota3A, %add3A_1099 : vector<16xi32>
      %broadcast_in_dim3A_1101 = arith.constant 6 : i32
      %broadcast_in_dim3A_1102 = vector.broadcast %broadcast_in_dim3A_1101 : i32 to vector<16xi32>
      %scatter3A_1103 = arith.constant 0 : i32
      %scatter3A_1104 = arith.constant 0 : i32
      %scatter3A_1105 = tpu.memref_slice %arg8[%select_n3A_215, %scatter3A_1103, %scatter3A_1104] : memref<2x128x16xf32, #tpu.memory_space<vmem>> -> memref<1x128x16xf32, #tpu.memory_space<vmem>>
      %scatter3A_1106 = tpu.memref_squeeze %scatter3A_1105 : memref<1x128x16xf32, #tpu.memory_space<vmem>> -> memref<128x16xf32, #tpu.memory_space<vmem>>
      tpu.vector_store_idx %scatter3A_1106[%add3A_1100, %broadcast_in_dim3A_1102], %get3A_1097 : memref<128x16xf32, #tpu.memory_space<vmem>>[vector<16xi32>, vector<16xi32>], vector<16xf32>,
      %get3A_1107 = arith.constant 0 : i32
      %get3A_1108 = arith.constant 6 : i32
      %get3A_1109 = arith.index_cast %select_n3A_215 : i32 to index
      %get3A_1110 = arith.index_cast %get3A_1107 : i32 to index
      %get3A_1111 = arith.index_cast %get3A_1108 : i32 to index
      %get3A_1112 = arith.constant 48 : index
      %get3A_1113 = tpu.vector_load %arg6[%get3A_1109, %get3A_1110, %get3A_1111, %get3A_1112] {strides = array<i32>} : memref<2x2x8x128xf32, #tpu.memory_space<vmem>>, vector<16xf32>,
      %add3A_1114 = arith.constant 48 : i32
      %add3A_1115 = vector.broadcast %add3A_1114 : i32 to vector<16xi32>
      %add3A_1116 = arith.addi %iota3A, %add3A_1115 : vector<16xi32>
      %broadcast_in_dim3A_1117 = arith.constant 6 : i32
      %broadcast_in_dim3A_1118 = vector.broadcast %broadcast_in_dim3A_1117 : i32 to vector<16xi32>
      %scatter3A_1119 = arith.constant 0 : i32
      %scatter3A_1120 = arith.constant 0 : i32
      %scatter3A_1121 = tpu.memref_slice %arg8[%select_n3A_215, %scatter3A_1119, %scatter3A_1120] : memref<2x128x16xf32, #tpu.memory_space<vmem>> -> memref<1x128x16xf32, #tpu.memory_space<vmem>>
      %scatter3A_1122 = tpu.memref_squeeze %scatter3A_1121 : memref<1x128x16xf32, #tpu.memory_space<vmem>> -> memref<128x16xf32, #tpu.memory_space<vmem>>
      tpu.vector_store_idx %scatter3A_1122[%add3A_1116, %broadcast_in_dim3A_1118], %get3A_1113 : memref<128x16xf32, #tpu.memory_space<vmem>>[vector<16xi32>, vector<16xi32>], vector<16xf32>,
      %get3A_1123 = arith.constant 0 : i32
      %get3A_1124 = arith.constant 6 : i32
      %get3A_1125 = arith.index_cast %select_n3A_215 : i32 to index
      %get3A_1126 = arith.index_cast %get3A_1123 : i32 to index
      %get3A_1127 = arith.index_cast %get3A_1124 : i32 to index
      %get3A_1128 = arith.constant 64 : index
      %get3A_1129 = tpu.vector_load %arg6[%get3A_1125, %get3A_1126, %get3A_1127, %get3A_1128] {strides = array<i32>} : memref<2x2x8x128xf32, #tpu.memory_space<vmem>>, vector<16xf32>,
      %add3A_1130 = arith.constant 64 : i32
      %add3A_1131 = vector.broadcast %add3A_1130 : i32 to vector<16xi32>
      %add3A_1132 = arith.addi %iota3A, %add3A_1131 : vector<16xi32>
      %broadcast_in_dim3A_1133 = arith.constant 6 : i32
      %broadcast_in_dim3A_1134 = vector.broadcast %broadcast_in_dim3A_1133 : i32 to vector<16xi32>
      %scatter3A_1135 = arith.constant 0 : i32
      %scatter3A_1136 = arith.constant 0 : i32
      %scatter3A_1137 = tpu.memref_slice %arg8[%select_n3A_215, %scatter3A_1135, %scatter3A_1136] : memref<2x128x16xf32, #tpu.memory_space<vmem>> -> memref<1x128x16xf32, #tpu.memory_space<vmem>>
      %scatter3A_1138 = tpu.memref_squeeze %scatter3A_1137 : memref<1x128x16xf32, #tpu.memory_space<vmem>> -> memref<128x16xf32, #tpu.memory_space<vmem>>
      tpu.vector_store_idx %scatter3A_1138[%add3A_1132, %broadcast_in_dim3A_1134], %get3A_1129 : memref<128x16xf32, #tpu.memory_space<vmem>>[vector<16xi32>, vector<16xi32>], vector<16xf32>,
      %get3A_1139 = arith.constant 0 : i32
      %get3A_1140 = arith.constant 6 : i32
      %get3A_1141 = arith.index_cast %select_n3A_215 : i32 to index
      %get3A_1142 = arith.index_cast %get3A_1139 : i32 to index
      %get3A_1143 = arith.index_cast %get3A_1140 : i32 to index
      %get3A_1144 = arith.constant 80 : index
      %get3A_1145 = tpu.vector_load %arg6[%get3A_1141, %get3A_1142, %get3A_1143, %get3A_1144] {strides = array<i32>} : memref<2x2x8x128xf32, #tpu.memory_space<vmem>>, vector<16xf32>,
      %add3A_1146 = arith.constant 80 : i32
      %add3A_1147 = vector.broadcast %add3A_1146 : i32 to vector<16xi32>
      %add3A_1148 = arith.addi %iota3A, %add3A_1147 : vector<16xi32>
      %broadcast_in_dim3A_1149 = arith.constant 6 : i32
      %broadcast_in_dim3A_1150 = vector.broadcast %broadcast_in_dim3A_1149 : i32 to vector<16xi32>
      %scatter3A_1151 = arith.constant 0 : i32
      %scatter3A_1152 = arith.constant 0 : i32
      %scatter3A_1153 = tpu.memref_slice %arg8[%select_n3A_215, %scatter3A_1151, %scatter3A_1152] : memref<2x128x16xf32, #tpu.memory_space<vmem>> -> memref<1x128x16xf32, #tpu.memory_space<vmem>>
      %scatter3A_1154 = tpu.memref_squeeze %scatter3A_1153 : memref<1x128x16xf32, #tpu.memory_space<vmem>> -> memref<128x16xf32, #tpu.memory_space<vmem>>
      tpu.vector_store_idx %scatter3A_1154[%add3A_1148, %broadcast_in_dim3A_1150], %get3A_1145 : memref<128x16xf32, #tpu.memory_space<vmem>>[vector<16xi32>, vector<16xi32>], vector<16xf32>,
      %get3A_1155 = arith.constant 0 : i32
      %get3A_1156 = arith.constant 6 : i32
      %get3A_1157 = arith.index_cast %select_n3A_215 : i32 to index
      %get3A_1158 = arith.index_cast %get3A_1155 : i32 to index
      %get3A_1159 = arith.index_cast %get3A_1156 : i32 to index
      %get3A_1160 = arith.constant 96 : index
      %get3A_1161 = tpu.vector_load %arg6[%get3A_1157, %get3A_1158, %get3A_1159, %get3A_1160] {strides = array<i32>} : memref<2x2x8x128xf32, #tpu.memory_space<vmem>>, vector<16xf32>,
      %add3A_1162 = arith.constant 96 : i32
      %add3A_1163 = vector.broadcast %add3A_1162 : i32 to vector<16xi32>
      %add3A_1164 = arith.addi %iota3A, %add3A_1163 : vector<16xi32>
      %broadcast_in_dim3A_1165 = arith.constant 6 : i32
      %broadcast_in_dim3A_1166 = vector.broadcast %broadcast_in_dim3A_1165 : i32 to vector<16xi32>
      %scatter3A_1167 = arith.constant 0 : i32
      %scatter3A_1168 = arith.constant 0 : i32
      %scatter3A_1169 = tpu.memref_slice %arg8[%select_n3A_215, %scatter3A_1167, %scatter3A_1168] : memref<2x128x16xf32, #tpu.memory_space<vmem>> -> memref<1x128x16xf32, #tpu.memory_space<vmem>>
      %scatter3A_1170 = tpu.memref_squeeze %scatter3A_1169 : memref<1x128x16xf32, #tpu.memory_space<vmem>> -> memref<128x16xf32, #tpu.memory_space<vmem>>
      tpu.vector_store_idx %scatter3A_1170[%add3A_1164, %broadcast_in_dim3A_1166], %get3A_1161 : memref<128x16xf32, #tpu.memory_space<vmem>>[vector<16xi32>, vector<16xi32>], vector<16xf32>,
      %get3A_1171 = arith.constant 0 : i32
      %get3A_1172 = arith.constant 6 : i32
      %get3A_1173 = arith.index_cast %select_n3A_215 : i32 to index
      %get3A_1174 = arith.index_cast %get3A_1171 : i32 to index
      %get3A_1175 = arith.index_cast %get3A_1172 : i32 to index
      %get3A_1176 = arith.constant 112 : index
      %get3A_1177 = tpu.vector_load %arg6[%get3A_1173, %get3A_1174, %get3A_1175, %get3A_1176] {strides = array<i32>} : memref<2x2x8x128xf32, #tpu.memory_space<vmem>>, vector<16xf32>,
      %add3A_1178 = arith.constant 112 : i32
      %add3A_1179 = vector.broadcast %add3A_1178 : i32 to vector<16xi32>
      %add3A_1180 = arith.addi %iota3A, %add3A_1179 : vector<16xi32>
      %broadcast_in_dim3A_1181 = arith.constant 6 : i32
      %broadcast_in_dim3A_1182 = vector.broadcast %broadcast_in_dim3A_1181 : i32 to vector<16xi32>
      %scatter3A_1183 = arith.constant 0 : i32
      %scatter3A_1184 = arith.constant 0 : i32
      %scatter3A_1185 = tpu.memref_slice %arg8[%select_n3A_215, %scatter3A_1183, %scatter3A_1184] : memref<2x128x16xf32, #tpu.memory_space<vmem>> -> memref<1x128x16xf32, #tpu.memory_space<vmem>>
      %scatter3A_1186 = tpu.memref_squeeze %scatter3A_1185 : memref<1x128x16xf32, #tpu.memory_space<vmem>> -> memref<128x16xf32, #tpu.memory_space<vmem>>
      tpu.vector_store_idx %scatter3A_1186[%add3A_1180, %broadcast_in_dim3A_1182], %get3A_1177 : memref<128x16xf32, #tpu.memory_space<vmem>>[vector<16xi32>, vector<16xi32>], vector<16xf32>,
      %get3A_1187 = arith.constant 0 : i32
      %get3A_1188 = arith.constant 7 : i32
      %get3A_1189 = arith.index_cast %select_n3A_215 : i32 to index
      %get3A_1190 = arith.index_cast %get3A_1187 : i32 to index
      %get3A_1191 = arith.index_cast %get3A_1188 : i32 to index
      %get3A_1192 = arith.constant 0 : index
      %get3A_1193 = tpu.vector_load %arg6[%get3A_1189, %get3A_1190, %get3A_1191, %get3A_1192] {strides = array<i32>} : memref<2x2x8x128xf32, #tpu.memory_space<vmem>>, vector<16xf32>,
      %add3A_1194 = arith.constant 0 : i32
      %add3A_1195 = vector.broadcast %add3A_1194 : i32 to vector<16xi32>
      %add3A_1196 = arith.addi %iota3A, %add3A_1195 : vector<16xi32>
      %broadcast_in_dim3A_1197 = arith.constant 7 : i32
      %broadcast_in_dim3A_1198 = vector.broadcast %broadcast_in_dim3A_1197 : i32 to vector<16xi32>
      %scatter3A_1199 = arith.constant 0 : i32
      %scatter3A_1200 = arith.constant 0 : i32
      %scatter3A_1201 = tpu.memref_slice %arg8[%select_n3A_215, %scatter3A_1199, %scatter3A_1200] : memref<2x128x16xf32, #tpu.memory_space<vmem>> -> memref<1x128x16xf32, #tpu.memory_space<vmem>>
      %scatter3A_1202 = tpu.memref_squeeze %scatter3A_1201 : memref<1x128x16xf32, #tpu.memory_space<vmem>> -> memref<128x16xf32, #tpu.memory_space<vmem>>
      tpu.vector_store_idx %scatter3A_1202[%add3A_1196, %broadcast_in_dim3A_1198], %get3A_1193 : memref<128x16xf32, #tpu.memory_space<vmem>>[vector<16xi32>, vector<16xi32>], vector<16xf32>,
      %get3A_1203 = arith.constant 0 : i32
      %get3A_1204 = arith.constant 7 : i32
      %get3A_1205 = arith.index_cast %select_n3A_215 : i32 to index
      %get3A_1206 = arith.index_cast %get3A_1203 : i32 to index
      %get3A_1207 = arith.index_cast %get3A_1204 : i32 to index
      %get3A_1208 = arith.constant 16 : index
      %get3A_1209 = tpu.vector_load %arg6[%get3A_1205, %get3A_1206, %get3A_1207, %get3A_1208] {strides = array<i32>} : memref<2x2x8x128xf32, #tpu.memory_space<vmem>>, vector<16xf32>,
      %add3A_1210 = arith.constant 16 : i32
      %add3A_1211 = vector.broadcast %add3A_1210 : i32 to vector<16xi32>
      %add3A_1212 = arith.addi %iota3A, %add3A_1211 : vector<16xi32>
      %broadcast_in_dim3A_1213 = arith.constant 7 : i32
      %broadcast_in_dim3A_1214 = vector.broadcast %broadcast_in_dim3A_1213 : i32 to vector<16xi32>
      %scatter3A_1215 = arith.constant 0 : i32
      %scatter3A_1216 = arith.constant 0 : i32
      %scatter3A_1217 = tpu.memref_slice %arg8[%select_n3A_215, %scatter3A_1215, %scatter3A_1216] : memref<2x128x16xf32, #tpu.memory_space<vmem>> -> memref<1x128x16xf32, #tpu.memory_space<vmem>>
      %scatter3A_1218 = tpu.memref_squeeze %scatter3A_1217 : memref<1x128x16xf32, #tpu.memory_space<vmem>> -> memref<128x16xf32, #tpu.memory_space<vmem>>
      tpu.vector_store_idx %scatter3A_1218[%add3A_1212, %broadcast_in_dim3A_1214], %get3A_1209 : memref<128x16xf32, #tpu.memory_space<vmem>>[vector<16xi32>, vector<16xi32>], vector<16xf32>,
      %get3A_1219 = arith.constant 0 : i32
      %get3A_1220 = arith.constant 7 : i32
      %get3A_1221 = arith.index_cast %select_n3A_215 : i32 to index
      %get3A_1222 = arith.index_cast %get3A_1219 : i32 to index
      %get3A_1223 = arith.index_cast %get3A_1220 : i32 to index
      %get3A_1224 = arith.constant 32 : index
      %get3A_1225 = tpu.vector_load %arg6[%get3A_1221, %get3A_1222, %get3A_1223, %get3A_1224] {strides = array<i32>} : memref<2x2x8x128xf32, #tpu.memory_space<vmem>>, vector<16xf32>,
      %add3A_1226 = arith.constant 32 : i32
      %add3A_1227 = vector.broadcast %add3A_1226 : i32 to vector<16xi32>
      %add3A_1228 = arith.addi %iota3A, %add3A_1227 : vector<16xi32>
      %broadcast_in_dim3A_1229 = arith.constant 7 : i32
      %broadcast_in_dim3A_1230 = vector.broadcast %broadcast_in_dim3A_1229 : i32 to vector<16xi32>
      %scatter3A_1231 = arith.constant 0 : i32
      %scatter3A_1232 = arith.constant 0 : i32
      %scatter3A_1233 = tpu.memref_slice %arg8[%select_n3A_215, %scatter3A_1231, %scatter3A_1232] : memref<2x128x16xf32, #tpu.memory_space<vmem>> -> memref<1x128x16xf32, #tpu.memory_space<vmem>>
      %scatter3A_1234 = tpu.memref_squeeze %scatter3A_1233 : memref<1x128x16xf32, #tpu.memory_space<vmem>> -> memref<128x16xf32, #tpu.memory_space<vmem>>
      tpu.vector_store_idx %scatter3A_1234[%add3A_1228, %broadcast_in_dim3A_1230], %get3A_1225 : memref<128x16xf32, #tpu.memory_space<vmem>>[vector<16xi32>, vector<16xi32>], vector<16xf32>,
      %get3A_1235 = arith.constant 0 : i32
      %get3A_1236 = arith.constant 7 : i32
      %get3A_1237 = arith.index_cast %select_n3A_215 : i32 to index
      %get3A_1238 = arith.index_cast %get3A_1235 : i32 to index
      %get3A_1239 = arith.index_cast %get3A_1236 : i32 to index
      %get3A_1240 = arith.constant 48 : index
      %get3A_1241 = tpu.vector_load %arg6[%get3A_1237, %get3A_1238, %get3A_1239, %get3A_1240] {strides = array<i32>} : memref<2x2x8x128xf32, #tpu.memory_space<vmem>>, vector<16xf32>,
      %add3A_1242 = arith.constant 48 : i32
      %add3A_1243 = vector.broadcast %add3A_1242 : i32 to vector<16xi32>
      %add3A_1244 = arith.addi %iota3A, %add3A_1243 : vector<16xi32>
      %broadcast_in_dim3A_1245 = arith.constant 7 : i32
      %broadcast_in_dim3A_1246 = vector.broadcast %broadcast_in_dim3A_1245 : i32 to vector<16xi32>
      %scatter3A_1247 = arith.constant 0 : i32
      %scatter3A_1248 = arith.constant 0 : i32
      %scatter3A_1249 = tpu.memref_slice %arg8[%select_n3A_215, %scatter3A_1247, %scatter3A_1248] : memref<2x128x16xf32, #tpu.memory_space<vmem>> -> memref<1x128x16xf32, #tpu.memory_space<vmem>>
      %scatter3A_1250 = tpu.memref_squeeze %scatter3A_1249 : memref<1x128x16xf32, #tpu.memory_space<vmem>> -> memref<128x16xf32, #tpu.memory_space<vmem>>
      tpu.vector_store_idx %scatter3A_1250[%add3A_1244, %broadcast_in_dim3A_1246], %get3A_1241 : memref<128x16xf32, #tpu.memory_space<vmem>>[vector<16xi32>, vector<16xi32>], vector<16xf32>,
      %get3A_1251 = arith.constant 0 : i32
      %get3A_1252 = arith.constant 7 : i32
      %get3A_1253 = arith.index_cast %select_n3A_215 : i32 to index
      %get3A_1254 = arith.index_cast %get3A_1251 : i32 to index
      %get3A_1255 = arith.index_cast %get3A_1252 : i32 to index
      %get3A_1256 = arith.constant 64 : index
      %get3A_1257 = tpu.vector_load %arg6[%get3A_1253, %get3A_1254, %get3A_1255, %get3A_1256] {strides = array<i32>} : memref<2x2x8x128xf32, #tpu.memory_space<vmem>>, vector<16xf32>,
      %add3A_1258 = arith.constant 64 : i32
      %add3A_1259 = vector.broadcast %add3A_1258 : i32 to vector<16xi32>
      %add3A_1260 = arith.addi %iota3A, %add3A_1259 : vector<16xi32>
      %broadcast_in_dim3A_1261 = arith.constant 7 : i32
      %broadcast_in_dim3A_1262 = vector.broadcast %broadcast_in_dim3A_1261 : i32 to vector<16xi32>
      %scatter3A_1263 = arith.constant 0 : i32
      %scatter3A_1264 = arith.constant 0 : i32
      %scatter3A_1265 = tpu.memref_slice %arg8[%select_n3A_215, %scatter3A_1263, %scatter3A_1264] : memref<2x128x16xf32, #tpu.memory_space<vmem>> -> memref<1x128x16xf32, #tpu.memory_space<vmem>>
      %scatter3A_1266 = tpu.memref_squeeze %scatter3A_1265 : memref<1x128x16xf32, #tpu.memory_space<vmem>> -> memref<128x16xf32, #tpu.memory_space<vmem>>
      tpu.vector_store_idx %scatter3A_1266[%add3A_1260, %broadcast_in_dim3A_1262], %get3A_1257 : memref<128x16xf32, #tpu.memory_space<vmem>>[vector<16xi32>, vector<16xi32>], vector<16xf32>,
      %get3A_1267 = arith.constant 0 : i32
      %get3A_1268 = arith.constant 7 : i32
      %get3A_1269 = arith.index_cast %select_n3A_215 : i32 to index
      %get3A_1270 = arith.index_cast %get3A_1267 : i32 to index
      %get3A_1271 = arith.index_cast %get3A_1268 : i32 to index
      %get3A_1272 = arith.constant 80 : index
      %get3A_1273 = tpu.vector_load %arg6[%get3A_1269, %get3A_1270, %get3A_1271, %get3A_1272] {strides = array<i32>} : memref<2x2x8x128xf32, #tpu.memory_space<vmem>>, vector<16xf32>,
      %add3A_1274 = arith.constant 80 : i32
      %add3A_1275 = vector.broadcast %add3A_1274 : i32 to vector<16xi32>
      %add3A_1276 = arith.addi %iota3A, %add3A_1275 : vector<16xi32>
      %broadcast_in_dim3A_1277 = arith.constant 7 : i32
      %broadcast_in_dim3A_1278 = vector.broadcast %broadcast_in_dim3A_1277 : i32 to vector<16xi32>
      %scatter3A_1279 = arith.constant 0 : i32
      %scatter3A_1280 = arith.constant 0 : i32
      %scatter3A_1281 = tpu.memref_slice %arg8[%select_n3A_215, %scatter3A_1279, %scatter3A_1280] : memref<2x128x16xf32, #tpu.memory_space<vmem>> -> memref<1x128x16xf32, #tpu.memory_space<vmem>>
      %scatter3A_1282 = tpu.memref_squeeze %scatter3A_1281 : memref<1x128x16xf32, #tpu.memory_space<vmem>> -> memref<128x16xf32, #tpu.memory_space<vmem>>
      tpu.vector_store_idx %scatter3A_1282[%add3A_1276, %broadcast_in_dim3A_1278], %get3A_1273 : memref<128x16xf32, #tpu.memory_space<vmem>>[vector<16xi32>, vector<16xi32>], vector<16xf32>,
      %get3A_1283 = arith.constant 0 : i32
      %get3A_1284 = arith.constant 7 : i32
      %get3A_1285 = arith.index_cast %select_n3A_215 : i32 to index
      %get3A_1286 = arith.index_cast %get3A_1283 : i32 to index
      %get3A_1287 = arith.index_cast %get3A_1284 : i32 to index
      %get3A_1288 = arith.constant 96 : index
      %get3A_1289 = tpu.vector_load %arg6[%get3A_1285, %get3A_1286, %get3A_1287, %get3A_1288] {strides = array<i32>} : memref<2x2x8x128xf32, #tpu.memory_space<vmem>>, vector<16xf32>,
      %add3A_1290 = arith.constant 96 : i32
      %add3A_1291 = vector.broadcast %add3A_1290 : i32 to vector<16xi32>
      %add3A_1292 = arith.addi %iota3A, %add3A_1291 : vector<16xi32>
      %broadcast_in_dim3A_1293 = arith.constant 7 : i32
      %broadcast_in_dim3A_1294 = vector.broadcast %broadcast_in_dim3A_1293 : i32 to vector<16xi32>
      %scatter3A_1295 = arith.constant 0 : i32
      %scatter3A_1296 = arith.constant 0 : i32
      %scatter3A_1297 = tpu.memref_slice %arg8[%select_n3A_215, %scatter3A_1295, %scatter3A_1296] : memref<2x128x16xf32, #tpu.memory_space<vmem>> -> memref<1x128x16xf32, #tpu.memory_space<vmem>>
      %scatter3A_1298 = tpu.memref_squeeze %scatter3A_1297 : memref<1x128x16xf32, #tpu.memory_space<vmem>> -> memref<128x16xf32, #tpu.memory_space<vmem>>
      tpu.vector_store_idx %scatter3A_1298[%add3A_1292, %broadcast_in_dim3A_1294], %get3A_1289 : memref<128x16xf32, #tpu.memory_space<vmem>>[vector<16xi32>, vector<16xi32>], vector<16xf32>,
      %get3A_1299 = arith.constant 0 : i32
      %get3A_1300 = arith.constant 7 : i32
      %get3A_1301 = arith.index_cast %select_n3A_215 : i32 to index
      %get3A_1302 = arith.index_cast %get3A_1299 : i32 to index
      %get3A_1303 = arith.index_cast %get3A_1300 : i32 to index
      %get3A_1304 = arith.constant 112 : index
      %get3A_1305 = tpu.vector_load %arg6[%get3A_1301, %get3A_1302, %get3A_1303, %get3A_1304] {strides = array<i32>} : memref<2x2x8x128xf32, #tpu.memory_space<vmem>>, vector<16xf32>,
      %add3A_1306 = arith.constant 112 : i32
      %add3A_1307 = vector.broadcast %add3A_1306 : i32 to vector<16xi32>
      %add3A_1308 = arith.addi %iota3A, %add3A_1307 : vector<16xi32>
      %broadcast_in_dim3A_1309 = arith.constant 7 : i32
      %broadcast_in_dim3A_1310 = vector.broadcast %broadcast_in_dim3A_1309 : i32 to vector<16xi32>
      %scatter3A_1311 = arith.constant 0 : i32
      %scatter3A_1312 = arith.constant 0 : i32
      %scatter3A_1313 = tpu.memref_slice %arg8[%select_n3A_215, %scatter3A_1311, %scatter3A_1312] : memref<2x128x16xf32, #tpu.memory_space<vmem>> -> memref<1x128x16xf32, #tpu.memory_space<vmem>>
      %scatter3A_1314 = tpu.memref_squeeze %scatter3A_1313 : memref<1x128x16xf32, #tpu.memory_space<vmem>> -> memref<128x16xf32, #tpu.memory_space<vmem>>
      tpu.vector_store_idx %scatter3A_1314[%add3A_1308, %broadcast_in_dim3A_1310], %get3A_1305 : memref<128x16xf32, #tpu.memory_space<vmem>>[vector<16xi32>, vector<16xi32>], vector<16xf32>,
      %get3A_1315 = arith.constant 1 : i32
      %get3A_1316 = arith.constant 0 : i32
      %get3A_1317 = arith.index_cast %select_n3A_215 : i32 to index
      %get3A_1318 = arith.index_cast %get3A_1315 : i32 to index
      %get3A_1319 = arith.index_cast %get3A_1316 : i32 to index
      %get3A_1320 = arith.constant 0 : index
      %get3A_1321 = tpu.vector_load %arg6[%get3A_1317, %get3A_1318, %get3A_1319, %get3A_1320] {strides = array<i32>} : memref<2x2x8x128xf32, #tpu.memory_space<vmem>>, vector<16xf32>,
      %add3A_1322 = arith.constant 0 : i32
      %add3A_1323 = vector.broadcast %add3A_1322 : i32 to vector<16xi32>
      %add3A_1324 = arith.addi %iota3A, %add3A_1323 : vector<16xi32>
      %broadcast_in_dim3A_1325 = arith.constant 8 : i32
      %broadcast_in_dim3A_1326 = vector.broadcast %broadcast_in_dim3A_1325 : i32 to vector<16xi32>
      %scatter3A_1327 = arith.constant 0 : i32
      %scatter3A_1328 = arith.constant 0 : i32
      %scatter3A_1329 = tpu.memref_slice %arg8[%select_n3A_215, %scatter3A_1327, %scatter3A_1328] : memref<2x128x16xf32, #tpu.memory_space<vmem>> -> memref<1x128x16xf32, #tpu.memory_space<vmem>>
      %scatter3A_1330 = tpu.memref_squeeze %scatter3A_1329 : memref<1x128x16xf32, #tpu.memory_space<vmem>> -> memref<128x16xf32, #tpu.memory_space<vmem>>
      tpu.vector_store_idx %scatter3A_1330[%add3A_1324, %broadcast_in_dim3A_1326], %get3A_1321 : memref<128x16xf32, #tpu.memory_space<vmem>>[vector<16xi32>, vector<16xi32>], vector<16xf32>,
      %get3A_1331 = arith.constant 1 : i32
      %get3A_1332 = arith.constant 0 : i32
      %get3A_1333 = arith.index_cast %select_n3A_215 : i32 to index
      %get3A_1334 = arith.index_cast %get3A_1331 : i32 to index
      %get3A_1335 = arith.index_cast %get3A_1332 : i32 to index
      %get3A_1336 = arith.constant 16 : index
      %get3A_1337 = tpu.vector_load %arg6[%get3A_1333, %get3A_1334, %get3A_1335, %get3A_1336] {strides = array<i32>} : memref<2x2x8x128xf32, #tpu.memory_space<vmem>>, vector<16xf32>,
      %add3A_1338 = arith.constant 16 : i32
      %add3A_1339 = vector.broadcast %add3A_1338 : i32 to vector<16xi32>
      %add3A_1340 = arith.addi %iota3A, %add3A_1339 : vector<16xi32>
      %broadcast_in_dim3A_1341 = arith.constant 8 : i32
      %broadcast_in_dim3A_1342 = vector.broadcast %broadcast_in_dim3A_1341 : i32 to vector<16xi32>
      %scatter3A_1343 = arith.constant 0 : i32
      %scatter3A_1344 = arith.constant 0 : i32
      %scatter3A_1345 = tpu.memref_slice %arg8[%select_n3A_215, %scatter3A_1343, %scatter3A_1344] : memref<2x128x16xf32, #tpu.memory_space<vmem>> -> memref<1x128x16xf32, #tpu.memory_space<vmem>>
      %scatter3A_1346 = tpu.memref_squeeze %scatter3A_1345 : memref<1x128x16xf32, #tpu.memory_space<vmem>> -> memref<128x16xf32, #tpu.memory_space<vmem>>
      tpu.vector_store_idx %scatter3A_1346[%add3A_1340, %broadcast_in_dim3A_1342], %get3A_1337 : memref<128x16xf32, #tpu.memory_space<vmem>>[vector<16xi32>, vector<16xi32>], vector<16xf32>,
      %get3A_1347 = arith.constant 1 : i32
      %get3A_1348 = arith.constant 0 : i32
      %get3A_1349 = arith.index_cast %select_n3A_215 : i32 to index
      %get3A_1350 = arith.index_cast %get3A_1347 : i32 to index
      %get3A_1351 = arith.index_cast %get3A_1348 : i32 to index
      %get3A_1352 = arith.constant 32 : index
      %get3A_1353 = tpu.vector_load %arg6[%get3A_1349, %get3A_1350, %get3A_1351, %get3A_1352] {strides = array<i32>} : memref<2x2x8x128xf32, #tpu.memory_space<vmem>>, vector<16xf32>,
      %add3A_1354 = arith.constant 32 : i32
      %add3A_1355 = vector.broadcast %add3A_1354 : i32 to vector<16xi32>
      %add3A_1356 = arith.addi %iota3A, %add3A_1355 : vector<16xi32>
      %broadcast_in_dim3A_1357 = arith.constant 8 : i32
      %broadcast_in_dim3A_1358 = vector.broadcast %broadcast_in_dim3A_1357 : i32 to vector<16xi32>
      %scatter3A_1359 = arith.constant 0 : i32
      %scatter3A_1360 = arith.constant 0 : i32
      %scatter3A_1361 = tpu.memref_slice %arg8[%select_n3A_215, %scatter3A_1359, %scatter3A_1360] : memref<2x128x16xf32, #tpu.memory_space<vmem>> -> memref<1x128x16xf32, #tpu.memory_space<vmem>>
      %scatter3A_1362 = tpu.memref_squeeze %scatter3A_1361 : memref<1x128x16xf32, #tpu.memory_space<vmem>> -> memref<128x16xf32, #tpu.memory_space<vmem>>
      tpu.vector_store_idx %scatter3A_1362[%add3A_1356, %broadcast_in_dim3A_1358], %get3A_1353 : memref<128x16xf32, #tpu.memory_space<vmem>>[vector<16xi32>, vector<16xi32>], vector<16xf32>,
      %get3A_1363 = arith.constant 1 : i32
      %get3A_1364 = arith.constant 0 : i32
      %get3A_1365 = arith.index_cast %select_n3A_215 : i32 to index
      %get3A_1366 = arith.index_cast %get3A_1363 : i32 to index
      %get3A_1367 = arith.index_cast %get3A_1364 : i32 to index
      %get3A_1368 = arith.constant 48 : index
      %get3A_1369 = tpu.vector_load %arg6[%get3A_1365, %get3A_1366, %get3A_1367, %get3A_1368] {strides = array<i32>} : memref<2x2x8x128xf32, #tpu.memory_space<vmem>>, vector<16xf32>,
      %add3A_1370 = arith.constant 48 : i32
      %add3A_1371 = vector.broadcast %add3A_1370 : i32 to vector<16xi32>
      %add3A_1372 = arith.addi %iota3A, %add3A_1371 : vector<16xi32>
      %broadcast_in_dim3A_1373 = arith.constant 8 : i32
      %broadcast_in_dim3A_1374 = vector.broadcast %broadcast_in_dim3A_1373 : i32 to vector<16xi32>
      %scatter3A_1375 = arith.constant 0 : i32
      %scatter3A_1376 = arith.constant 0 : i32
      %scatter3A_1377 = tpu.memref_slice %arg8[%select_n3A_215, %scatter3A_1375, %scatter3A_1376] : memref<2x128x16xf32, #tpu.memory_space<vmem>> -> memref<1x128x16xf32, #tpu.memory_space<vmem>>
      %scatter3A_1378 = tpu.memref_squeeze %scatter3A_1377 : memref<1x128x16xf32, #tpu.memory_space<vmem>> -> memref<128x16xf32, #tpu.memory_space<vmem>>
      tpu.vector_store_idx %scatter3A_1378[%add3A_1372, %broadcast_in_dim3A_1374], %get3A_1369 : memref<128x16xf32, #tpu.memory_space<vmem>>[vector<16xi32>, vector<16xi32>], vector<16xf32>,
      %get3A_1379 = arith.constant 1 : i32
      %get3A_1380 = arith.constant 0 : i32
      %get3A_1381 = arith.index_cast %select_n3A_215 : i32 to index
      %get3A_1382 = arith.index_cast %get3A_1379 : i32 to index
      %get3A_1383 = arith.index_cast %get3A_1380 : i32 to index
      %get3A_1384 = arith.constant 64 : index
      %get3A_1385 = tpu.vector_load %arg6[%get3A_1381, %get3A_1382, %get3A_1383, %get3A_1384] {strides = array<i32>} : memref<2x2x8x128xf32, #tpu.memory_space<vmem>>, vector<16xf32>,
      %add3A_1386 = arith.constant 64 : i32
      %add3A_1387 = vector.broadcast %add3A_1386 : i32 to vector<16xi32>
      %add3A_1388 = arith.addi %iota3A, %add3A_1387 : vector<16xi32>
      %broadcast_in_dim3A_1389 = arith.constant 8 : i32
      %broadcast_in_dim3A_1390 = vector.broadcast %broadcast_in_dim3A_1389 : i32 to vector<16xi32>
      %scatter3A_1391 = arith.constant 0 : i32
      %scatter3A_1392 = arith.constant 0 : i32
      %scatter3A_1393 = tpu.memref_slice %arg8[%select_n3A_215, %scatter3A_1391, %scatter3A_1392] : memref<2x128x16xf32, #tpu.memory_space<vmem>> -> memref<1x128x16xf32, #tpu.memory_space<vmem>>
      %scatter3A_1394 = tpu.memref_squeeze %scatter3A_1393 : memref<1x128x16xf32, #tpu.memory_space<vmem>> -> memref<128x16xf32, #tpu.memory_space<vmem>>
      tpu.vector_store_idx %scatter3A_1394[%add3A_1388, %broadcast_in_dim3A_1390], %get3A_1385 : memref<128x16xf32, #tpu.memory_space<vmem>>[vector<16xi32>, vector<16xi32>], vector<16xf32>,
      %get3A_1395 = arith.constant 1 : i32
      %get3A_1396 = arith.constant 0 : i32
      %get3A_1397 = arith.index_cast %select_n3A_215 : i32 to index
      %get3A_1398 = arith.index_cast %get3A_1395 : i32 to index
      %get3A_1399 = arith.index_cast %get3A_1396 : i32 to index
      %get3A_1400 = arith.constant 80 : index
      %get3A_1401 = tpu.vector_load %arg6[%get3A_1397, %get3A_1398, %get3A_1399, %get3A_1400] {strides = array<i32>} : memref<2x2x8x128xf32, #tpu.memory_space<vmem>>, vector<16xf32>,
      %add3A_1402 = arith.constant 80 : i32
      %add3A_1403 = vector.broadcast %add3A_1402 : i32 to vector<16xi32>
      %add3A_1404 = arith.addi %iota3A, %add3A_1403 : vector<16xi32>
      %broadcast_in_dim3A_1405 = arith.constant 8 : i32
      %broadcast_in_dim3A_1406 = vector.broadcast %broadcast_in_dim3A_1405 : i32 to vector<16xi32>
      %scatter3A_1407 = arith.constant 0 : i32
      %scatter3A_1408 = arith.constant 0 : i32
      %scatter3A_1409 = tpu.memref_slice %arg8[%select_n3A_215, %scatter3A_1407, %scatter3A_1408] : memref<2x128x16xf32, #tpu.memory_space<vmem>> -> memref<1x128x16xf32, #tpu.memory_space<vmem>>
      %scatter3A_1410 = tpu.memref_squeeze %scatter3A_1409 : memref<1x128x16xf32, #tpu.memory_space<vmem>> -> memref<128x16xf32, #tpu.memory_space<vmem>>
      tpu.vector_store_idx %scatter3A_1410[%add3A_1404, %broadcast_in_dim3A_1406], %get3A_1401 : memref<128x16xf32, #tpu.memory_space<vmem>>[vector<16xi32>, vector<16xi32>], vector<16xf32>,
      %get3A_1411 = arith.constant 1 : i32
      %get3A_1412 = arith.constant 0 : i32
      %get3A_1413 = arith.index_cast %select_n3A_215 : i32 to index
      %get3A_1414 = arith.index_cast %get3A_1411 : i32 to index
      %get3A_1415 = arith.index_cast %get3A_1412 : i32 to index
      %get3A_1416 = arith.constant 96 : index
      %get3A_1417 = tpu.vector_load %arg6[%get3A_1413, %get3A_1414, %get3A_1415, %get3A_1416] {strides = array<i32>} : memref<2x2x8x128xf32, #tpu.memory_space<vmem>>, vector<16xf32>,
      %add3A_1418 = arith.constant 96 : i32
      %add3A_1419 = vector.broadcast %add3A_1418 : i32 to vector<16xi32>
      %add3A_1420 = arith.addi %iota3A, %add3A_1419 : vector<16xi32>
      %broadcast_in_dim3A_1421 = arith.constant 8 : i32
      %broadcast_in_dim3A_1422 = vector.broadcast %broadcast_in_dim3A_1421 : i32 to vector<16xi32>
      %scatter3A_1423 = arith.constant 0 : i32
      %scatter3A_1424 = arith.constant 0 : i32
      %scatter3A_1425 = tpu.memref_slice %arg8[%select_n3A_215, %scatter3A_1423, %scatter3A_1424] : memref<2x128x16xf32, #tpu.memory_space<vmem>> -> memref<1x128x16xf32, #tpu.memory_space<vmem>>
      %scatter3A_1426 = tpu.memref_squeeze %scatter3A_1425 : memref<1x128x16xf32, #tpu.memory_space<vmem>> -> memref<128x16xf32, #tpu.memory_space<vmem>>
      tpu.vector_store_idx %scatter3A_1426[%add3A_1420, %broadcast_in_dim3A_1422], %get3A_1417 : memref<128x16xf32, #tpu.memory_space<vmem>>[vector<16xi32>, vector<16xi32>], vector<16xf32>,
      %get3A_1427 = arith.constant 1 : i32
      %get3A_1428 = arith.constant 0 : i32
      %get3A_1429 = arith.index_cast %select_n3A_215 : i32 to index
      %get3A_1430 = arith.index_cast %get3A_1427 : i32 to index
      %get3A_1431 = arith.index_cast %get3A_1428 : i32 to index
      %get3A_1432 = arith.constant 112 : index
      %get3A_1433 = tpu.vector_load %arg6[%get3A_1429, %get3A_1430, %get3A_1431, %get3A_1432] {strides = array<i32>} : memref<2x2x8x128xf32, #tpu.memory_space<vmem>>, vector<16xf32>,
      %add3A_1434 = arith.constant 112 : i32
      %add3A_1435 = vector.broadcast %add3A_1434 : i32 to vector<16xi32>
      %add3A_1436 = arith.addi %iota3A, %add3A_1435 : vector<16xi32>
      %broadcast_in_dim3A_1437 = arith.constant 8 : i32
      %broadcast_in_dim3A_1438 = vector.broadcast %broadcast_in_dim3A_1437 : i32 to vector<16xi32>
      %scatter3A_1439 = arith.constant 0 : i32
      %scatter3A_1440 = arith.constant 0 : i32
      %scatter3A_1441 = tpu.memref_slice %arg8[%select_n3A_215, %scatter3A_1439, %scatter3A_1440] : memref<2x128x16xf32, #tpu.memory_space<vmem>> -> memref<1x128x16xf32, #tpu.memory_space<vmem>>
      %scatter3A_1442 = tpu.memref_squeeze %scatter3A_1441 : memref<1x128x16xf32, #tpu.memory_space<vmem>> -> memref<128x16xf32, #tpu.memory_space<vmem>>
      tpu.vector_store_idx %scatter3A_1442[%add3A_1436, %broadcast_in_dim3A_1438], %get3A_1433 : memref<128x16xf32, #tpu.memory_space<vmem>>[vector<16xi32>, vector<16xi32>], vector<16xf32>,
      %get3A_1443 = arith.constant 1 : i32
      %get3A_1444 = arith.constant 1 : i32
      %get3A_1445 = arith.index_cast %select_n3A_215 : i32 to index
      %get3A_1446 = arith.index_cast %get3A_1443 : i32 to index
      %get3A_1447 = arith.index_cast %get3A_1444 : i32 to index
      %get3A_1448 = arith.constant 0 : index
      %get3A_1449 = tpu.vector_load %arg6[%get3A_1445, %get3A_1446, %get3A_1447, %get3A_1448] {strides = array<i32>} : memref<2x2x8x128xf32, #tpu.memory_space<vmem>>, vector<16xf32>,
      %add3A_1450 = arith.constant 0 : i32
      %add3A_1451 = vector.broadcast %add3A_1450 : i32 to vector<16xi32>
      %add3A_1452 = arith.addi %iota3A, %add3A_1451 : vector<16xi32>
      %broadcast_in_dim3A_1453 = arith.constant 9 : i32
      %broadcast_in_dim3A_1454 = vector.broadcast %broadcast_in_dim3A_1453 : i32 to vector<16xi32>
      %scatter3A_1455 = arith.constant 0 : i32
      %scatter3A_1456 = arith.constant 0 : i32
      %scatter3A_1457 = tpu.memref_slice %arg8[%select_n3A_215, %scatter3A_1455, %scatter3A_1456] : memref<2x128x16xf32, #tpu.memory_space<vmem>> -> memref<1x128x16xf32, #tpu.memory_space<vmem>>
      %scatter3A_1458 = tpu.memref_squeeze %scatter3A_1457 : memref<1x128x16xf32, #tpu.memory_space<vmem>> -> memref<128x16xf32, #tpu.memory_space<vmem>>
      tpu.vector_store_idx %scatter3A_1458[%add3A_1452, %broadcast_in_dim3A_1454], %get3A_1449 : memref<128x16xf32, #tpu.memory_space<vmem>>[vector<16xi32>, vector<16xi32>], vector<16xf32>,
      %get3A_1459 = arith.constant 1 : i32
      %get3A_1460 = arith.constant 1 : i32
      %get3A_1461 = arith.index_cast %select_n3A_215 : i32 to index
      %get3A_1462 = arith.index_cast %get3A_1459 : i32 to index
      %get3A_1463 = arith.index_cast %get3A_1460 : i32 to index
      %get3A_1464 = arith.constant 16 : index
      %get3A_1465 = tpu.vector_load %arg6[%get3A_1461, %get3A_1462, %get3A_1463, %get3A_1464] {strides = array<i32>} : memref<2x2x8x128xf32, #tpu.memory_space<vmem>>, vector<16xf32>,
      %add3A_1466 = arith.constant 16 : i32
      %add3A_1467 = vector.broadcast %add3A_1466 : i32 to vector<16xi32>
      %add3A_1468 = arith.addi %iota3A, %add3A_1467 : vector<16xi32>
      %broadcast_in_dim3A_1469 = arith.constant 9 : i32
      %broadcast_in_dim3A_1470 = vector.broadcast %broadcast_in_dim3A_1469 : i32 to vector<16xi32>
      %scatter3A_1471 = arith.constant 0 : i32
      %scatter3A_1472 = arith.constant 0 : i32
      %scatter3A_1473 = tpu.memref_slice %arg8[%select_n3A_215, %scatter3A_1471, %scatter3A_1472] : memref<2x128x16xf32, #tpu.memory_space<vmem>> -> memref<1x128x16xf32, #tpu.memory_space<vmem>>
      %scatter3A_1474 = tpu.memref_squeeze %scatter3A_1473 : memref<1x128x16xf32, #tpu.memory_space<vmem>> -> memref<128x16xf32, #tpu.memory_space<vmem>>
      tpu.vector_store_idx %scatter3A_1474[%add3A_1468, %broadcast_in_dim3A_1470], %get3A_1465 : memref<128x16xf32, #tpu.memory_space<vmem>>[vector<16xi32>, vector<16xi32>], vector<16xf32>,
      %get3A_1475 = arith.constant 1 : i32
      %get3A_1476 = arith.constant 1 : i32
      %get3A_1477 = arith.index_cast %select_n3A_215 : i32 to index
      %get3A_1478 = arith.index_cast %get3A_1475 : i32 to index
      %get3A_1479 = arith.index_cast %get3A_1476 : i32 to index
      %get3A_1480 = arith.constant 32 : index
      %get3A_1481 = tpu.vector_load %arg6[%get3A_1477, %get3A_1478, %get3A_1479, %get3A_1480] {strides = array<i32>} : memref<2x2x8x128xf32, #tpu.memory_space<vmem>>, vector<16xf32>,
      %add3A_1482 = arith.constant 32 : i32
      %add3A_1483 = vector.broadcast %add3A_1482 : i32 to vector<16xi32>
      %add3A_1484 = arith.addi %iota3A, %add3A_1483 : vector<16xi32>
      %broadcast_in_dim3A_1485 = arith.constant 9 : i32
      %broadcast_in_dim3A_1486 = vector.broadcast %broadcast_in_dim3A_1485 : i32 to vector<16xi32>
      %scatter3A_1487 = arith.constant 0 : i32
      %scatter3A_1488 = arith.constant 0 : i32
      %scatter3A_1489 = tpu.memref_slice %arg8[%select_n3A_215, %scatter3A_1487, %scatter3A_1488] : memref<2x128x16xf32, #tpu.memory_space<vmem>> -> memref<1x128x16xf32, #tpu.memory_space<vmem>>
      %scatter3A_1490 = tpu.memref_squeeze %scatter3A_1489 : memref<1x128x16xf32, #tpu.memory_space<vmem>> -> memref<128x16xf32, #tpu.memory_space<vmem>>
      tpu.vector_store_idx %scatter3A_1490[%add3A_1484, %broadcast_in_dim3A_1486], %get3A_1481 : memref<128x16xf32, #tpu.memory_space<vmem>>[vector<16xi32>, vector<16xi32>], vector<16xf32>,
      %get3A_1491 = arith.constant 1 : i32
      %get3A_1492 = arith.constant 1 : i32
      %get3A_1493 = arith.index_cast %select_n3A_215 : i32 to index
      %get3A_1494 = arith.index_cast %get3A_1491 : i32 to index
      %get3A_1495 = arith.index_cast %get3A_1492 : i32 to index
      %get3A_1496 = arith.constant 48 : index
      %get3A_1497 = tpu.vector_load %arg6[%get3A_1493, %get3A_1494, %get3A_1495, %get3A_1496] {strides = array<i32>} : memref<2x2x8x128xf32, #tpu.memory_space<vmem>>, vector<16xf32>,
      %add3A_1498 = arith.constant 48 : i32
      %add3A_1499 = vector.broadcast %add3A_1498 : i32 to vector<16xi32>
      %add3A_1500 = arith.addi %iota3A, %add3A_1499 : vector<16xi32>
      %broadcast_in_dim3A_1501 = arith.constant 9 : i32
      %broadcast_in_dim3A_1502 = vector.broadcast %broadcast_in_dim3A_1501 : i32 to vector<16xi32>
      %scatter3A_1503 = arith.constant 0 : i32
      %scatter3A_1504 = arith.constant 0 : i32
      %scatter3A_1505 = tpu.memref_slice %arg8[%select_n3A_215, %scatter3A_1503, %scatter3A_1504] : memref<2x128x16xf32, #tpu.memory_space<vmem>> -> memref<1x128x16xf32, #tpu.memory_space<vmem>>
      %scatter3A_1506 = tpu.memref_squeeze %scatter3A_1505 : memref<1x128x16xf32, #tpu.memory_space<vmem>> -> memref<128x16xf32, #tpu.memory_space<vmem>>
      tpu.vector_store_idx %scatter3A_1506[%add3A_1500, %broadcast_in_dim3A_1502], %get3A_1497 : memref<128x16xf32, #tpu.memory_space<vmem>>[vector<16xi32>, vector<16xi32>], vector<16xf32>,
      %get3A_1507 = arith.constant 1 : i32
      %get3A_1508 = arith.constant 1 : i32
      %get3A_1509 = arith.index_cast %select_n3A_215 : i32 to index
      %get3A_1510 = arith.index_cast %get3A_1507 : i32 to index
      %get3A_1511 = arith.index_cast %get3A_1508 : i32 to index
      %get3A_1512 = arith.constant 64 : index
      %get3A_1513 = tpu.vector_load %arg6[%get3A_1509, %get3A_1510, %get3A_1511, %get3A_1512] {strides = array<i32>} : memref<2x2x8x128xf32, #tpu.memory_space<vmem>>, vector<16xf32>,
      %add3A_1514 = arith.constant 64 : i32
      %add3A_1515 = vector.broadcast %add3A_1514 : i32 to vector<16xi32>
      %add3A_1516 = arith.addi %iota3A, %add3A_1515 : vector<16xi32>
      %broadcast_in_dim3A_1517 = arith.constant 9 : i32
      %broadcast_in_dim3A_1518 = vector.broadcast %broadcast_in_dim3A_1517 : i32 to vector<16xi32>
      %scatter3A_1519 = arith.constant 0 : i32
      %scatter3A_1520 = arith.constant 0 : i32
      %scatter3A_1521 = tpu.memref_slice %arg8[%select_n3A_215, %scatter3A_1519, %scatter3A_1520] : memref<2x128x16xf32, #tpu.memory_space<vmem>> -> memref<1x128x16xf32, #tpu.memory_space<vmem>>
      %scatter3A_1522 = tpu.memref_squeeze %scatter3A_1521 : memref<1x128x16xf32, #tpu.memory_space<vmem>> -> memref<128x16xf32, #tpu.memory_space<vmem>>
      tpu.vector_store_idx %scatter3A_1522[%add3A_1516, %broadcast_in_dim3A_1518], %get3A_1513 : memref<128x16xf32, #tpu.memory_space<vmem>>[vector<16xi32>, vector<16xi32>], vector<16xf32>,
      %get3A_1523 = arith.constant 1 : i32
      %get3A_1524 = arith.constant 1 : i32
      %get3A_1525 = arith.index_cast %select_n3A_215 : i32 to index
      %get3A_1526 = arith.index_cast %get3A_1523 : i32 to index
      %get3A_1527 = arith.index_cast %get3A_1524 : i32 to index
      %get3A_1528 = arith.constant 80 : index
      %get3A_1529 = tpu.vector_load %arg6[%get3A_1525, %get3A_1526, %get3A_1527, %get3A_1528] {strides = array<i32>} : memref<2x2x8x128xf32, #tpu.memory_space<vmem>>, vector<16xf32>,
      %add3A_1530 = arith.constant 80 : i32
      %add3A_1531 = vector.broadcast %add3A_1530 : i32 to vector<16xi32>
      %add3A_1532 = arith.addi %iota3A, %add3A_1531 : vector<16xi32>
      %broadcast_in_dim3A_1533 = arith.constant 9 : i32
      %broadcast_in_dim3A_1534 = vector.broadcast %broadcast_in_dim3A_1533 : i32 to vector<16xi32>
      %scatter3A_1535 = arith.constant 0 : i32
      %scatter3A_1536 = arith.constant 0 : i32
      %scatter3A_1537 = tpu.memref_slice %arg8[%select_n3A_215, %scatter3A_1535, %scatter3A_1536] : memref<2x128x16xf32, #tpu.memory_space<vmem>> -> memref<1x128x16xf32, #tpu.memory_space<vmem>>
      %scatter3A_1538 = tpu.memref_squeeze %scatter3A_1537 : memref<1x128x16xf32, #tpu.memory_space<vmem>> -> memref<128x16xf32, #tpu.memory_space<vmem>>
      tpu.vector_store_idx %scatter3A_1538[%add3A_1532, %broadcast_in_dim3A_1534], %get3A_1529 : memref<128x16xf32, #tpu.memory_space<vmem>>[vector<16xi32>, vector<16xi32>], vector<16xf32>,
      %get3A_1539 = arith.constant 1 : i32
      %get3A_1540 = arith.constant 1 : i32
      %get3A_1541 = arith.index_cast %select_n3A_215 : i32 to index
      %get3A_1542 = arith.index_cast %get3A_1539 : i32 to index
      %get3A_1543 = arith.index_cast %get3A_1540 : i32 to index
      %get3A_1544 = arith.constant 96 : index
      %get3A_1545 = tpu.vector_load %arg6[%get3A_1541, %get3A_1542, %get3A_1543, %get3A_1544] {strides = array<i32>} : memref<2x2x8x128xf32, #tpu.memory_space<vmem>>, vector<16xf32>,
      %add3A_1546 = arith.constant 96 : i32
      %add3A_1547 = vector.broadcast %add3A_1546 : i32 to vector<16xi32>
      %add3A_1548 = arith.addi %iota3A, %add3A_1547 : vector<16xi32>
      %broadcast_in_dim3A_1549 = arith.constant 9 : i32
      %broadcast_in_dim3A_1550 = vector.broadcast %broadcast_in_dim3A_1549 : i32 to vector<16xi32>
      %scatter3A_1551 = arith.constant 0 : i32
      %scatter3A_1552 = arith.constant 0 : i32
      %scatter3A_1553 = tpu.memref_slice %arg8[%select_n3A_215, %scatter3A_1551, %scatter3A_1552] : memref<2x128x16xf32, #tpu.memory_space<vmem>> -> memref<1x128x16xf32, #tpu.memory_space<vmem>>
      %scatter3A_1554 = tpu.memref_squeeze %scatter3A_1553 : memref<1x128x16xf32, #tpu.memory_space<vmem>> -> memref<128x16xf32, #tpu.memory_space<vmem>>
      tpu.vector_store_idx %scatter3A_1554[%add3A_1548, %broadcast_in_dim3A_1550], %get3A_1545 : memref<128x16xf32, #tpu.memory_space<vmem>>[vector<16xi32>, vector<16xi32>], vector<16xf32>,
      %get3A_1555 = arith.constant 1 : i32
      %get3A_1556 = arith.constant 1 : i32
      %get3A_1557 = arith.index_cast %select_n3A_215 : i32 to index
      %get3A_1558 = arith.index_cast %get3A_1555 : i32 to index
      %get3A_1559 = arith.index_cast %get3A_1556 : i32 to index
      %get3A_1560 = arith.constant 112 : index
      %get3A_1561 = tpu.vector_load %arg6[%get3A_1557, %get3A_1558, %get3A_1559, %get3A_1560] {strides = array<i32>} : memref<2x2x8x128xf32, #tpu.memory_space<vmem>>, vector<16xf32>,
      %add3A_1562 = arith.constant 112 : i32
      %add3A_1563 = vector.broadcast %add3A_1562 : i32 to vector<16xi32>
      %add3A_1564 = arith.addi %iota3A, %add3A_1563 : vector<16xi32>
      %broadcast_in_dim3A_1565 = arith.constant 9 : i32
      %broadcast_in_dim3A_1566 = vector.broadcast %broadcast_in_dim3A_1565 : i32 to vector<16xi32>
      %scatter3A_1567 = arith.constant 0 : i32
      %scatter3A_1568 = arith.constant 0 : i32
      %scatter3A_1569 = tpu.memref_slice %arg8[%select_n3A_215, %scatter3A_1567, %scatter3A_1568] : memref<2x128x16xf32, #tpu.memory_space<vmem>> -> memref<1x128x16xf32, #tpu.memory_space<vmem>>
      %scatter3A_1570 = tpu.memref_squeeze %scatter3A_1569 : memref<1x128x16xf32, #tpu.memory_space<vmem>> -> memref<128x16xf32, #tpu.memory_space<vmem>>
      tpu.vector_store_idx %scatter3A_1570[%add3A_1564, %broadcast_in_dim3A_1566], %get3A_1561 : memref<128x16xf32, #tpu.memory_space<vmem>>[vector<16xi32>, vector<16xi32>], vector<16xf32>,
      %get3A_1571 = arith.constant 1 : i32
      %get3A_1572 = arith.constant 2 : i32
      %get3A_1573 = arith.index_cast %select_n3A_215 : i32 to index
      %get3A_1574 = arith.index_cast %get3A_1571 : i32 to index
      %get3A_1575 = arith.index_cast %get3A_1572 : i32 to index
      %get3A_1576 = arith.constant 0 : index
      %get3A_1577 = tpu.vector_load %arg6[%get3A_1573, %get3A_1574, %get3A_1575, %get3A_1576] {strides = array<i32>} : memref<2x2x8x128xf32, #tpu.memory_space<vmem>>, vector<16xf32>,
      %add3A_1578 = arith.constant 0 : i32
      %add3A_1579 = vector.broadcast %add3A_1578 : i32 to vector<16xi32>
      %add3A_1580 = arith.addi %iota3A, %add3A_1579 : vector<16xi32>
      %broadcast_in_dim3A_1581 = arith.constant 10 : i32
      %broadcast_in_dim3A_1582 = vector.broadcast %broadcast_in_dim3A_1581 : i32 to vector<16xi32>
      %scatter3A_1583 = arith.constant 0 : i32
      %scatter3A_1584 = arith.constant 0 : i32
      %scatter3A_1585 = tpu.memref_slice %arg8[%select_n3A_215, %scatter3A_1583, %scatter3A_1584] : memref<2x128x16xf32, #tpu.memory_space<vmem>> -> memref<1x128x16xf32, #tpu.memory_space<vmem>>
      %scatter3A_1586 = tpu.memref_squeeze %scatter3A_1585 : memref<1x128x16xf32, #tpu.memory_space<vmem>> -> memref<128x16xf32, #tpu.memory_space<vmem>>
      tpu.vector_store_idx %scatter3A_1586[%add3A_1580, %broadcast_in_dim3A_1582], %get3A_1577 : memref<128x16xf32, #tpu.memory_space<vmem>>[vector<16xi32>, vector<16xi32>], vector<16xf32>,
      %get3A_1587 = arith.constant 1 : i32
      %get3A_1588 = arith.constant 2 : i32
      %get3A_1589 = arith.index_cast %select_n3A_215 : i32 to index
      %get3A_1590 = arith.index_cast %get3A_1587 : i32 to index
      %get3A_1591 = arith.index_cast %get3A_1588 : i32 to index
      %get3A_1592 = arith.constant 16 : index
      %get3A_1593 = tpu.vector_load %arg6[%get3A_1589, %get3A_1590, %get3A_1591, %get3A_1592] {strides = array<i32>} : memref<2x2x8x128xf32, #tpu.memory_space<vmem>>, vector<16xf32>,
      %add3A_1594 = arith.constant 16 : i32
      %add3A_1595 = vector.broadcast %add3A_1594 : i32 to vector<16xi32>
      %add3A_1596 = arith.addi %iota3A, %add3A_1595 : vector<16xi32>
      %broadcast_in_dim3A_1597 = arith.constant 10 : i32
      %broadcast_in_dim3A_1598 = vector.broadcast %broadcast_in_dim3A_1597 : i32 to vector<16xi32>
      %scatter3A_1599 = arith.constant 0 : i32
      %scatter3A_1600 = arith.constant 0 : i32
      %scatter3A_1601 = tpu.memref_slice %arg8[%select_n3A_215, %scatter3A_1599, %scatter3A_1600] : memref<2x128x16xf32, #tpu.memory_space<vmem>> -> memref<1x128x16xf32, #tpu.memory_space<vmem>>
      %scatter3A_1602 = tpu.memref_squeeze %scatter3A_1601 : memref<1x128x16xf32, #tpu.memory_space<vmem>> -> memref<128x16xf32, #tpu.memory_space<vmem>>
      tpu.vector_store_idx %scatter3A_1602[%add3A_1596, %broadcast_in_dim3A_1598], %get3A_1593 : memref<128x16xf32, #tpu.memory_space<vmem>>[vector<16xi32>, vector<16xi32>], vector<16xf32>,
      %get3A_1603 = arith.constant 1 : i32
      %get3A_1604 = arith.constant 2 : i32
      %get3A_1605 = arith.index_cast %select_n3A_215 : i32 to index
      %get3A_1606 = arith.index_cast %get3A_1603 : i32 to index
      %get3A_1607 = arith.index_cast %get3A_1604 : i32 to index
      %get3A_1608 = arith.constant 32 : index
      %get3A_1609 = tpu.vector_load %arg6[%get3A_1605, %get3A_1606, %get3A_1607, %get3A_1608] {strides = array<i32>} : memref<2x2x8x128xf32, #tpu.memory_space<vmem>>, vector<16xf32>,
      %add3A_1610 = arith.constant 32 : i32
      %add3A_1611 = vector.broadcast %add3A_1610 : i32 to vector<16xi32>
      %add3A_1612 = arith.addi %iota3A, %add3A_1611 : vector<16xi32>
      %broadcast_in_dim3A_1613 = arith.constant 10 : i32
      %broadcast_in_dim3A_1614 = vector.broadcast %broadcast_in_dim3A_1613 : i32 to vector<16xi32>
      %scatter3A_1615 = arith.constant 0 : i32
      %scatter3A_1616 = arith.constant 0 : i32
      %scatter3A_1617 = tpu.memref_slice %arg8[%select_n3A_215, %scatter3A_1615, %scatter3A_1616] : memref<2x128x16xf32, #tpu.memory_space<vmem>> -> memref<1x128x16xf32, #tpu.memory_space<vmem>>
      %scatter3A_1618 = tpu.memref_squeeze %scatter3A_1617 : memref<1x128x16xf32, #tpu.memory_space<vmem>> -> memref<128x16xf32, #tpu.memory_space<vmem>>
      tpu.vector_store_idx %scatter3A_1618[%add3A_1612, %broadcast_in_dim3A_1614], %get3A_1609 : memref<128x16xf32, #tpu.memory_space<vmem>>[vector<16xi32>, vector<16xi32>], vector<16xf32>,
      %get3A_1619 = arith.constant 1 : i32
      %get3A_1620 = arith.constant 2 : i32
      %get3A_1621 = arith.index_cast %select_n3A_215 : i32 to index
      %get3A_1622 = arith.index_cast %get3A_1619 : i32 to index
      %get3A_1623 = arith.index_cast %get3A_1620 : i32 to index
      %get3A_1624 = arith.constant 48 : index
      %get3A_1625 = tpu.vector_load %arg6[%get3A_1621, %get3A_1622, %get3A_1623, %get3A_1624] {strides = array<i32>} : memref<2x2x8x128xf32, #tpu.memory_space<vmem>>, vector<16xf32>,
      %add3A_1626 = arith.constant 48 : i32
      %add3A_1627 = vector.broadcast %add3A_1626 : i32 to vector<16xi32>
      %add3A_1628 = arith.addi %iota3A, %add3A_1627 : vector<16xi32>
      %broadcast_in_dim3A_1629 = arith.constant 10 : i32
      %broadcast_in_dim3A_1630 = vector.broadcast %broadcast_in_dim3A_1629 : i32 to vector<16xi32>
      %scatter3A_1631 = arith.constant 0 : i32
      %scatter3A_1632 = arith.constant 0 : i32
      %scatter3A_1633 = tpu.memref_slice %arg8[%select_n3A_215, %scatter3A_1631, %scatter3A_1632] : memref<2x128x16xf32, #tpu.memory_space<vmem>> -> memref<1x128x16xf32, #tpu.memory_space<vmem>>
      %scatter3A_1634 = tpu.memref_squeeze %scatter3A_1633 : memref<1x128x16xf32, #tpu.memory_space<vmem>> -> memref<128x16xf32, #tpu.memory_space<vmem>>
      tpu.vector_store_idx %scatter3A_1634[%add3A_1628, %broadcast_in_dim3A_1630], %get3A_1625 : memref<128x16xf32, #tpu.memory_space<vmem>>[vector<16xi32>, vector<16xi32>], vector<16xf32>,
      %get3A_1635 = arith.constant 1 : i32
      %get3A_1636 = arith.constant 2 : i32
      %get3A_1637 = arith.index_cast %select_n3A_215 : i32 to index
      %get3A_1638 = arith.index_cast %get3A_1635 : i32 to index
      %get3A_1639 = arith.index_cast %get3A_1636 : i32 to index
      %get3A_1640 = arith.constant 64 : index
      %get3A_1641 = tpu.vector_load %arg6[%get3A_1637, %get3A_1638, %get3A_1639, %get3A_1640] {strides = array<i32>} : memref<2x2x8x128xf32, #tpu.memory_space<vmem>>, vector<16xf32>,
      %add3A_1642 = arith.constant 64 : i32
      %add3A_1643 = vector.broadcast %add3A_1642 : i32 to vector<16xi32>
      %add3A_1644 = arith.addi %iota3A, %add3A_1643 : vector<16xi32>
      %broadcast_in_dim3A_1645 = arith.constant 10 : i32
      %broadcast_in_dim3A_1646 = vector.broadcast %broadcast_in_dim3A_1645 : i32 to vector<16xi32>
      %scatter3A_1647 = arith.constant 0 : i32
      %scatter3A_1648 = arith.constant 0 : i32
      %scatter3A_1649 = tpu.memref_slice %arg8[%select_n3A_215, %scatter3A_1647, %scatter3A_1648] : memref<2x128x16xf32, #tpu.memory_space<vmem>> -> memref<1x128x16xf32, #tpu.memory_space<vmem>>
      %scatter3A_1650 = tpu.memref_squeeze %scatter3A_1649 : memref<1x128x16xf32, #tpu.memory_space<vmem>> -> memref<128x16xf32, #tpu.memory_space<vmem>>
      tpu.vector_store_idx %scatter3A_1650[%add3A_1644, %broadcast_in_dim3A_1646], %get3A_1641 : memref<128x16xf32, #tpu.memory_space<vmem>>[vector<16xi32>, vector<16xi32>], vector<16xf32>,
      %get3A_1651 = arith.constant 1 : i32
      %get3A_1652 = arith.constant 2 : i32
      %get3A_1653 = arith.index_cast %select_n3A_215 : i32 to index
      %get3A_1654 = arith.index_cast %get3A_1651 : i32 to index
      %get3A_1655 = arith.index_cast %get3A_1652 : i32 to index
      %get3A_1656 = arith.constant 80 : index
      %get3A_1657 = tpu.vector_load %arg6[%get3A_1653, %get3A_1654, %get3A_1655, %get3A_1656] {strides = array<i32>} : memref<2x2x8x128xf32, #tpu.memory_space<vmem>>, vector<16xf32>,
      %add3A_1658 = arith.constant 80 : i32
      %add3A_1659 = vector.broadcast %add3A_1658 : i32 to vector<16xi32>
      %add3A_1660 = arith.addi %iota3A, %add3A_1659 : vector<16xi32>
      %broadcast_in_dim3A_1661 = arith.constant 10 : i32
      %broadcast_in_dim3A_1662 = vector.broadcast %broadcast_in_dim3A_1661 : i32 to vector<16xi32>
      %scatter3A_1663 = arith.constant 0 : i32
      %scatter3A_1664 = arith.constant 0 : i32
      %scatter3A_1665 = tpu.memref_slice %arg8[%select_n3A_215, %scatter3A_1663, %scatter3A_1664] : memref<2x128x16xf32, #tpu.memory_space<vmem>> -> memref<1x128x16xf32, #tpu.memory_space<vmem>>
      %scatter3A_1666 = tpu.memref_squeeze %scatter3A_1665 : memref<1x128x16xf32, #tpu.memory_space<vmem>> -> memref<128x16xf32, #tpu.memory_space<vmem>>
      tpu.vector_store_idx %scatter3A_1666[%add3A_1660, %broadcast_in_dim3A_1662], %get3A_1657 : memref<128x16xf32, #tpu.memory_space<vmem>>[vector<16xi32>, vector<16xi32>], vector<16xf32>,
      %get3A_1667 = arith.constant 1 : i32
      %get3A_1668 = arith.constant 2 : i32
      %get3A_1669 = arith.index_cast %select_n3A_215 : i32 to index
      %get3A_1670 = arith.index_cast %get3A_1667 : i32 to index
      %get3A_1671 = arith.index_cast %get3A_1668 : i32 to index
      %get3A_1672 = arith.constant 96 : index
      %get3A_1673 = tpu.vector_load %arg6[%get3A_1669, %get3A_1670, %get3A_1671, %get3A_1672] {strides = array<i32>} : memref<2x2x8x128xf32, #tpu.memory_space<vmem>>, vector<16xf32>,
      %add3A_1674 = arith.constant 96 : i32
      %add3A_1675 = vector.broadcast %add3A_1674 : i32 to vector<16xi32>
      %add3A_1676 = arith.addi %iota3A, %add3A_1675 : vector<16xi32>
      %broadcast_in_dim3A_1677 = arith.constant 10 : i32
      %broadcast_in_dim3A_1678 = vector.broadcast %broadcast_in_dim3A_1677 : i32 to vector<16xi32>
      %scatter3A_1679 = arith.constant 0 : i32
      %scatter3A_1680 = arith.constant 0 : i32
      %scatter3A_1681 = tpu.memref_slice %arg8[%select_n3A_215, %scatter3A_1679, %scatter3A_1680] : memref<2x128x16xf32, #tpu.memory_space<vmem>> -> memref<1x128x16xf32, #tpu.memory_space<vmem>>
      %scatter3A_1682 = tpu.memref_squeeze %scatter3A_1681 : memref<1x128x16xf32, #tpu.memory_space<vmem>> -> memref<128x16xf32, #tpu.memory_space<vmem>>
      tpu.vector_store_idx %scatter3A_1682[%add3A_1676, %broadcast_in_dim3A_1678], %get3A_1673 : memref<128x16xf32, #tpu.memory_space<vmem>>[vector<16xi32>, vector<16xi32>], vector<16xf32>,
      %get3A_1683 = arith.constant 1 : i32
      %get3A_1684 = arith.constant 2 : i32
      %get3A_1685 = arith.index_cast %select_n3A_215 : i32 to index
      %get3A_1686 = arith.index_cast %get3A_1683 : i32 to index
      %get3A_1687 = arith.index_cast %get3A_1684 : i32 to index
      %get3A_1688 = arith.constant 112 : index
      %get3A_1689 = tpu.vector_load %arg6[%get3A_1685, %get3A_1686, %get3A_1687, %get3A_1688] {strides = array<i32>} : memref<2x2x8x128xf32, #tpu.memory_space<vmem>>, vector<16xf32>,
      %add3A_1690 = arith.constant 112 : i32
      %add3A_1691 = vector.broadcast %add3A_1690 : i32 to vector<16xi32>
      %add3A_1692 = arith.addi %iota3A, %add3A_1691 : vector<16xi32>
      %broadcast_in_dim3A_1693 = arith.constant 10 : i32
      %broadcast_in_dim3A_1694 = vector.broadcast %broadcast_in_dim3A_1693 : i32 to vector<16xi32>
      %scatter3A_1695 = arith.constant 0 : i32
      %scatter3A_1696 = arith.constant 0 : i32
      %scatter3A_1697 = tpu.memref_slice %arg8[%select_n3A_215, %scatter3A_1695, %scatter3A_1696] : memref<2x128x16xf32, #tpu.memory_space<vmem>> -> memref<1x128x16xf32, #tpu.memory_space<vmem>>
      %scatter3A_1698 = tpu.memref_squeeze %scatter3A_1697 : memref<1x128x16xf32, #tpu.memory_space<vmem>> -> memref<128x16xf32, #tpu.memory_space<vmem>>
      tpu.vector_store_idx %scatter3A_1698[%add3A_1692, %broadcast_in_dim3A_1694], %get3A_1689 : memref<128x16xf32, #tpu.memory_space<vmem>>[vector<16xi32>, vector<16xi32>], vector<16xf32>,
      %get3A_1699 = arith.constant 1 : i32
      %get3A_1700 = arith.constant 3 : i32
      %get3A_1701 = arith.index_cast %select_n3A_215 : i32 to index
      %get3A_1702 = arith.index_cast %get3A_1699 : i32 to index
      %get3A_1703 = arith.index_cast %get3A_1700 : i32 to index
      %get3A_1704 = arith.constant 0 : index
      %get3A_1705 = tpu.vector_load %arg6[%get3A_1701, %get3A_1702, %get3A_1703, %get3A_1704] {strides = array<i32>} : memref<2x2x8x128xf32, #tpu.memory_space<vmem>>, vector<16xf32>,
      %add3A_1706 = arith.constant 0 : i32
      %add3A_1707 = vector.broadcast %add3A_1706 : i32 to vector<16xi32>
      %add3A_1708 = arith.addi %iota3A, %add3A_1707 : vector<16xi32>
      %broadcast_in_dim3A_1709 = arith.constant 11 : i32
      %broadcast_in_dim3A_1710 = vector.broadcast %broadcast_in_dim3A_1709 : i32 to vector<16xi32>
      %scatter3A_1711 = arith.constant 0 : i32
      %scatter3A_1712 = arith.constant 0 : i32
      %scatter3A_1713 = tpu.memref_slice %arg8[%select_n3A_215, %scatter3A_1711, %scatter3A_1712] : memref<2x128x16xf32, #tpu.memory_space<vmem>> -> memref<1x128x16xf32, #tpu.memory_space<vmem>>
      %scatter3A_1714 = tpu.memref_squeeze %scatter3A_1713 : memref<1x128x16xf32, #tpu.memory_space<vmem>> -> memref<128x16xf32, #tpu.memory_space<vmem>>
      tpu.vector_store_idx %scatter3A_1714[%add3A_1708, %broadcast_in_dim3A_1710], %get3A_1705 : memref<128x16xf32, #tpu.memory_space<vmem>>[vector<16xi32>, vector<16xi32>], vector<16xf32>,
      %get3A_1715 = arith.constant 1 : i32
      %get3A_1716 = arith.constant 3 : i32
      %get3A_1717 = arith.index_cast %select_n3A_215 : i32 to index
      %get3A_1718 = arith.index_cast %get3A_1715 : i32 to index
      %get3A_1719 = arith.index_cast %get3A_1716 : i32 to index
      %get3A_1720 = arith.constant 16 : index
      %get3A_1721 = tpu.vector_load %arg6[%get3A_1717, %get3A_1718, %get3A_1719, %get3A_1720] {strides = array<i32>} : memref<2x2x8x128xf32, #tpu.memory_space<vmem>>, vector<16xf32>,
      %add3A_1722 = arith.constant 16 : i32
      %add3A_1723 = vector.broadcast %add3A_1722 : i32 to vector<16xi32>
      %add3A_1724 = arith.addi %iota3A, %add3A_1723 : vector<16xi32>
      %broadcast_in_dim3A_1725 = arith.constant 11 : i32
      %broadcast_in_dim3A_1726 = vector.broadcast %broadcast_in_dim3A_1725 : i32 to vector<16xi32>
      %scatter3A_1727 = arith.constant 0 : i32
      %scatter3A_1728 = arith.constant 0 : i32
      %scatter3A_1729 = tpu.memref_slice %arg8[%select_n3A_215, %scatter3A_1727, %scatter3A_1728] : memref<2x128x16xf32, #tpu.memory_space<vmem>> -> memref<1x128x16xf32, #tpu.memory_space<vmem>>
      %scatter3A_1730 = tpu.memref_squeeze %scatter3A_1729 : memref<1x128x16xf32, #tpu.memory_space<vmem>> -> memref<128x16xf32, #tpu.memory_space<vmem>>
      tpu.vector_store_idx %scatter3A_1730[%add3A_1724, %broadcast_in_dim3A_1726], %get3A_1721 : memref<128x16xf32, #tpu.memory_space<vmem>>[vector<16xi32>, vector<16xi32>], vector<16xf32>,
      %get3A_1731 = arith.constant 1 : i32
      %get3A_1732 = arith.constant 3 : i32
      %get3A_1733 = arith.index_cast %select_n3A_215 : i32 to index
      %get3A_1734 = arith.index_cast %get3A_1731 : i32 to index
      %get3A_1735 = arith.index_cast %get3A_1732 : i32 to index
      %get3A_1736 = arith.constant 32 : index
      %get3A_1737 = tpu.vector_load %arg6[%get3A_1733, %get3A_1734, %get3A_1735, %get3A_1736] {strides = array<i32>} : memref<2x2x8x128xf32, #tpu.memory_space<vmem>>, vector<16xf32>,
      %add3A_1738 = arith.constant 32 : i32
      %add3A_1739 = vector.broadcast %add3A_1738 : i32 to vector<16xi32>
      %add3A_1740 = arith.addi %iota3A, %add3A_1739 : vector<16xi32>
      %broadcast_in_dim3A_1741 = arith.constant 11 : i32
      %broadcast_in_dim3A_1742 = vector.broadcast %broadcast_in_dim3A_1741 : i32 to vector<16xi32>
      %scatter3A_1743 = arith.constant 0 : i32
      %scatter3A_1744 = arith.constant 0 : i32
      %scatter3A_1745 = tpu.memref_slice %arg8[%select_n3A_215, %scatter3A_1743, %scatter3A_1744] : memref<2x128x16xf32, #tpu.memory_space<vmem>> -> memref<1x128x16xf32, #tpu.memory_space<vmem>>
      %scatter3A_1746 = tpu.memref_squeeze %scatter3A_1745 : memref<1x128x16xf32, #tpu.memory_space<vmem>> -> memref<128x16xf32, #tpu.memory_space<vmem>>
      tpu.vector_store_idx %scatter3A_1746[%add3A_1740, %broadcast_in_dim3A_1742], %get3A_1737 : memref<128x16xf32, #tpu.memory_space<vmem>>[vector<16xi32>, vector<16xi32>], vector<16xf32>,
      %get3A_1747 = arith.constant 1 : i32
      %get3A_1748 = arith.constant 3 : i32
      %get3A_1749 = arith.index_cast %select_n3A_215 : i32 to index
      %get3A_1750 = arith.index_cast %get3A_1747 : i32 to index
      %get3A_1751 = arith.index_cast %get3A_1748 : i32 to index
      %get3A_1752 = arith.constant 48 : index
      %get3A_1753 = tpu.vector_load %arg6[%get3A_1749, %get3A_1750, %get3A_1751, %get3A_1752] {strides = array<i32>} : memref<2x2x8x128xf32, #tpu.memory_space<vmem>>, vector<16xf32>,
      %add3A_1754 = arith.constant 48 : i32
      %add3A_1755 = vector.broadcast %add3A_1754 : i32 to vector<16xi32>
      %add3A_1756 = arith.addi %iota3A, %add3A_1755 : vector<16xi32>
      %broadcast_in_dim3A_1757 = arith.constant 11 : i32
      %broadcast_in_dim3A_1758 = vector.broadcast %broadcast_in_dim3A_1757 : i32 to vector<16xi32>
      %scatter3A_1759 = arith.constant 0 : i32
      %scatter3A_1760 = arith.constant 0 : i32
      %scatter3A_1761 = tpu.memref_slice %arg8[%select_n3A_215, %scatter3A_1759, %scatter3A_1760] : memref<2x128x16xf32, #tpu.memory_space<vmem>> -> memref<1x128x16xf32, #tpu.memory_space<vmem>>
      %scatter3A_1762 = tpu.memref_squeeze %scatter3A_1761 : memref<1x128x16xf32, #tpu.memory_space<vmem>> -> memref<128x16xf32, #tpu.memory_space<vmem>>
      tpu.vector_store_idx %scatter3A_1762[%add3A_1756, %broadcast_in_dim3A_1758], %get3A_1753 : memref<128x16xf32, #tpu.memory_space<vmem>>[vector<16xi32>, vector<16xi32>], vector<16xf32>,
      %get3A_1763 = arith.constant 1 : i32
      %get3A_1764 = arith.constant 3 : i32
      %get3A_1765 = arith.index_cast %select_n3A_215 : i32 to index
      %get3A_1766 = arith.index_cast %get3A_1763 : i32 to index
      %get3A_1767 = arith.index_cast %get3A_1764 : i32 to index
      %get3A_1768 = arith.constant 64 : index
      %get3A_1769 = tpu.vector_load %arg6[%get3A_1765, %get3A_1766, %get3A_1767, %get3A_1768] {strides = array<i32>} : memref<2x2x8x128xf32, #tpu.memory_space<vmem>>, vector<16xf32>,
      %add3A_1770 = arith.constant 64 : i32
      %add3A_1771 = vector.broadcast %add3A_1770 : i32 to vector<16xi32>
      %add3A_1772 = arith.addi %iota3A, %add3A_1771 : vector<16xi32>
      %broadcast_in_dim3A_1773 = arith.constant 11 : i32
      %broadcast_in_dim3A_1774 = vector.broadcast %broadcast_in_dim3A_1773 : i32 to vector<16xi32>
      %scatter3A_1775 = arith.constant 0 : i32
      %scatter3A_1776 = arith.constant 0 : i32
      %scatter3A_1777 = tpu.memref_slice %arg8[%select_n3A_215, %scatter3A_1775, %scatter3A_1776] : memref<2x128x16xf32, #tpu.memory_space<vmem>> -> memref<1x128x16xf32, #tpu.memory_space<vmem>>
      %scatter3A_1778 = tpu.memref_squeeze %scatter3A_1777 : memref<1x128x16xf32, #tpu.memory_space<vmem>> -> memref<128x16xf32, #tpu.memory_space<vmem>>
      tpu.vector_store_idx %scatter3A_1778[%add3A_1772, %broadcast_in_dim3A_1774], %get3A_1769 : memref<128x16xf32, #tpu.memory_space<vmem>>[vector<16xi32>, vector<16xi32>], vector<16xf32>,
      %get3A_1779 = arith.constant 1 : i32
      %get3A_1780 = arith.constant 3 : i32
      %get3A_1781 = arith.index_cast %select_n3A_215 : i32 to index
      %get3A_1782 = arith.index_cast %get3A_1779 : i32 to index
      %get3A_1783 = arith.index_cast %get3A_1780 : i32 to index
      %get3A_1784 = arith.constant 80 : index
      %get3A_1785 = tpu.vector_load %arg6[%get3A_1781, %get3A_1782, %get3A_1783, %get3A_1784] {strides = array<i32>} : memref<2x2x8x128xf32, #tpu.memory_space<vmem>>, vector<16xf32>,
      %add3A_1786 = arith.constant 80 : i32
      %add3A_1787 = vector.broadcast %add3A_1786 : i32 to vector<16xi32>
      %add3A_1788 = arith.addi %iota3A, %add3A_1787 : vector<16xi32>
      %broadcast_in_dim3A_1789 = arith.constant 11 : i32
      %broadcast_in_dim3A_1790 = vector.broadcast %broadcast_in_dim3A_1789 : i32 to vector<16xi32>
      %scatter3A_1791 = arith.constant 0 : i32
      %scatter3A_1792 = arith.constant 0 : i32
      %scatter3A_1793 = tpu.memref_slice %arg8[%select_n3A_215, %scatter3A_1791, %scatter3A_1792] : memref<2x128x16xf32, #tpu.memory_space<vmem>> -> memref<1x128x16xf32, #tpu.memory_space<vmem>>
      %scatter3A_1794 = tpu.memref_squeeze %scatter3A_1793 : memref<1x128x16xf32, #tpu.memory_space<vmem>> -> memref<128x16xf32, #tpu.memory_space<vmem>>
      tpu.vector_store_idx %scatter3A_1794[%add3A_1788, %broadcast_in_dim3A_1790], %get3A_1785 : memref<128x16xf32, #tpu.memory_space<vmem>>[vector<16xi32>, vector<16xi32>], vector<16xf32>,
      %get3A_1795 = arith.constant 1 : i32
      %get3A_1796 = arith.constant 3 : i32
      %get3A_1797 = arith.index_cast %select_n3A_215 : i32 to index
      %get3A_1798 = arith.index_cast %get3A_1795 : i32 to index
      %get3A_1799 = arith.index_cast %get3A_1796 : i32 to index
      %get3A_1800 = arith.constant 96 : index
      %get3A_1801 = tpu.vector_load %arg6[%get3A_1797, %get3A_1798, %get3A_1799, %get3A_1800] {strides = array<i32>} : memref<2x2x8x128xf32, #tpu.memory_space<vmem>>, vector<16xf32>,
      %add3A_1802 = arith.constant 96 : i32
      %add3A_1803 = vector.broadcast %add3A_1802 : i32 to vector<16xi32>
      %add3A_1804 = arith.addi %iota3A, %add3A_1803 : vector<16xi32>
      %broadcast_in_dim3A_1805 = arith.constant 11 : i32
      %broadcast_in_dim3A_1806 = vector.broadcast %broadcast_in_dim3A_1805 : i32 to vector<16xi32>
      %scatter3A_1807 = arith.constant 0 : i32
      %scatter3A_1808 = arith.constant 0 : i32
      %scatter3A_1809 = tpu.memref_slice %arg8[%select_n3A_215, %scatter3A_1807, %scatter3A_1808] : memref<2x128x16xf32, #tpu.memory_space<vmem>> -> memref<1x128x16xf32, #tpu.memory_space<vmem>>
      %scatter3A_1810 = tpu.memref_squeeze %scatter3A_1809 : memref<1x128x16xf32, #tpu.memory_space<vmem>> -> memref<128x16xf32, #tpu.memory_space<vmem>>
      tpu.vector_store_idx %scatter3A_1810[%add3A_1804, %broadcast_in_dim3A_1806], %get3A_1801 : memref<128x16xf32, #tpu.memory_space<vmem>>[vector<16xi32>, vector<16xi32>], vector<16xf32>,
      %get3A_1811 = arith.constant 1 : i32
      %get3A_1812 = arith.constant 3 : i32
      %get3A_1813 = arith.index_cast %select_n3A_215 : i32 to index
      %get3A_1814 = arith.index_cast %get3A_1811 : i32 to index
      %get3A_1815 = arith.index_cast %get3A_1812 : i32 to index
      %get3A_1816 = arith.constant 112 : index
      %get3A_1817 = tpu.vector_load %arg6[%get3A_1813, %get3A_1814, %get3A_1815, %get3A_1816] {strides = array<i32>} : memref<2x2x8x128xf32, #tpu.memory_space<vmem>>, vector<16xf32>,
      %add3A_1818 = arith.constant 112 : i32
      %add3A_1819 = vector.broadcast %add3A_1818 : i32 to vector<16xi32>
      %add3A_1820 = arith.addi %iota3A, %add3A_1819 : vector<16xi32>
      %broadcast_in_dim3A_1821 = arith.constant 11 : i32
      %broadcast_in_dim3A_1822 = vector.broadcast %broadcast_in_dim3A_1821 : i32 to vector<16xi32>
      %scatter3A_1823 = arith.constant 0 : i32
      %scatter3A_1824 = arith.constant 0 : i32
      %scatter3A_1825 = tpu.memref_slice %arg8[%select_n3A_215, %scatter3A_1823, %scatter3A_1824] : memref<2x128x16xf32, #tpu.memory_space<vmem>> -> memref<1x128x16xf32, #tpu.memory_space<vmem>>
      %scatter3A_1826 = tpu.memref_squeeze %scatter3A_1825 : memref<1x128x16xf32, #tpu.memory_space<vmem>> -> memref<128x16xf32, #tpu.memory_space<vmem>>
      tpu.vector_store_idx %scatter3A_1826[%add3A_1820, %broadcast_in_dim3A_1822], %get3A_1817 : memref<128x16xf32, #tpu.memory_space<vmem>>[vector<16xi32>, vector<16xi32>], vector<16xf32>,
      %get3A_1827 = arith.constant 1 : i32
      %get3A_1828 = arith.constant 4 : i32
      %get3A_1829 = arith.index_cast %select_n3A_215 : i32 to index
      %get3A_1830 = arith.index_cast %get3A_1827 : i32 to index
      %get3A_1831 = arith.index_cast %get3A_1828 : i32 to index
      %get3A_1832 = arith.constant 0 : index
      %get3A_1833 = tpu.vector_load %arg6[%get3A_1829, %get3A_1830, %get3A_1831, %get3A_1832] {strides = array<i32>} : memref<2x2x8x128xf32, #tpu.memory_space<vmem>>, vector<16xf32>,
      %add3A_1834 = arith.constant 0 : i32
      %add3A_1835 = vector.broadcast %add3A_1834 : i32 to vector<16xi32>
      %add3A_1836 = arith.addi %iota3A, %add3A_1835 : vector<16xi32>
      %broadcast_in_dim3A_1837 = arith.constant 12 : i32
      %broadcast_in_dim3A_1838 = vector.broadcast %broadcast_in_dim3A_1837 : i32 to vector<16xi32>
      %scatter3A_1839 = arith.constant 0 : i32
      %scatter3A_1840 = arith.constant 0 : i32
      %scatter3A_1841 = tpu.memref_slice %arg8[%select_n3A_215, %scatter3A_1839, %scatter3A_1840] : memref<2x128x16xf32, #tpu.memory_space<vmem>> -> memref<1x128x16xf32, #tpu.memory_space<vmem>>
      %scatter3A_1842 = tpu.memref_squeeze %scatter3A_1841 : memref<1x128x16xf32, #tpu.memory_space<vmem>> -> memref<128x16xf32, #tpu.memory_space<vmem>>
      tpu.vector_store_idx %scatter3A_1842[%add3A_1836, %broadcast_in_dim3A_1838], %get3A_1833 : memref<128x16xf32, #tpu.memory_space<vmem>>[vector<16xi32>, vector<16xi32>], vector<16xf32>,
      %get3A_1843 = arith.constant 1 : i32
      %get3A_1844 = arith.constant 4 : i32
      %get3A_1845 = arith.index_cast %select_n3A_215 : i32 to index
      %get3A_1846 = arith.index_cast %get3A_1843 : i32 to index
      %get3A_1847 = arith.index_cast %get3A_1844 : i32 to index
      %get3A_1848 = arith.constant 16 : index
      %get3A_1849 = tpu.vector_load %arg6[%get3A_1845, %get3A_1846, %get3A_1847, %get3A_1848] {strides = array<i32>} : memref<2x2x8x128xf32, #tpu.memory_space<vmem>>, vector<16xf32>,
      %add3A_1850 = arith.constant 16 : i32
      %add3A_1851 = vector.broadcast %add3A_1850 : i32 to vector<16xi32>
      %add3A_1852 = arith.addi %iota3A, %add3A_1851 : vector<16xi32>
      %broadcast_in_dim3A_1853 = arith.constant 12 : i32
      %broadcast_in_dim3A_1854 = vector.broadcast %broadcast_in_dim3A_1853 : i32 to vector<16xi32>
      %scatter3A_1855 = arith.constant 0 : i32
      %scatter3A_1856 = arith.constant 0 : i32
      %scatter3A_1857 = tpu.memref_slice %arg8[%select_n3A_215, %scatter3A_1855, %scatter3A_1856] : memref<2x128x16xf32, #tpu.memory_space<vmem>> -> memref<1x128x16xf32, #tpu.memory_space<vmem>>
      %scatter3A_1858 = tpu.memref_squeeze %scatter3A_1857 : memref<1x128x16xf32, #tpu.memory_space<vmem>> -> memref<128x16xf32, #tpu.memory_space<vmem>>
      tpu.vector_store_idx %scatter3A_1858[%add3A_1852, %broadcast_in_dim3A_1854], %get3A_1849 : memref<128x16xf32, #tpu.memory_space<vmem>>[vector<16xi32>, vector<16xi32>], vector<16xf32>,
      %get3A_1859 = arith.constant 1 : i32
      %get3A_1860 = arith.constant 4 : i32
      %get3A_1861 = arith.index_cast %select_n3A_215 : i32 to index
      %get3A_1862 = arith.index_cast %get3A_1859 : i32 to index
      %get3A_1863 = arith.index_cast %get3A_1860 : i32 to index
      %get3A_1864 = arith.constant 32 : index
      %get3A_1865 = tpu.vector_load %arg6[%get3A_1861, %get3A_1862, %get3A_1863, %get3A_1864] {strides = array<i32>} : memref<2x2x8x128xf32, #tpu.memory_space<vmem>>, vector<16xf32>,
      %add3A_1866 = arith.constant 32 : i32
      %add3A_1867 = vector.broadcast %add3A_1866 : i32 to vector<16xi32>
      %add3A_1868 = arith.addi %iota3A, %add3A_1867 : vector<16xi32>
      %broadcast_in_dim3A_1869 = arith.constant 12 : i32
      %broadcast_in_dim3A_1870 = vector.broadcast %broadcast_in_dim3A_1869 : i32 to vector<16xi32>
      %scatter3A_1871 = arith.constant 0 : i32
      %scatter3A_1872 = arith.constant 0 : i32
      %scatter3A_1873 = tpu.memref_slice %arg8[%select_n3A_215, %scatter3A_1871, %scatter3A_1872] : memref<2x128x16xf32, #tpu.memory_space<vmem>> -> memref<1x128x16xf32, #tpu.memory_space<vmem>>
      %scatter3A_1874 = tpu.memref_squeeze %scatter3A_1873 : memref<1x128x16xf32, #tpu.memory_space<vmem>> -> memref<128x16xf32, #tpu.memory_space<vmem>>
      tpu.vector_store_idx %scatter3A_1874[%add3A_1868, %broadcast_in_dim3A_1870], %get3A_1865 : memref<128x16xf32, #tpu.memory_space<vmem>>[vector<16xi32>, vector<16xi32>], vector<16xf32>,
      %get3A_1875 = arith.constant 1 : i32
      %get3A_1876 = arith.constant 4 : i32
      %get3A_1877 = arith.index_cast %select_n3A_215 : i32 to index
      %get3A_1878 = arith.index_cast %get3A_1875 : i32 to index
      %get3A_1879 = arith.index_cast %get3A_1876 : i32 to index
      %get3A_1880 = arith.constant 48 : index
      %get3A_1881 = tpu.vector_load %arg6[%get3A_1877, %get3A_1878, %get3A_1879, %get3A_1880] {strides = array<i32>} : memref<2x2x8x128xf32, #tpu.memory_space<vmem>>, vector<16xf32>,
      %add3A_1882 = arith.constant 48 : i32
      %add3A_1883 = vector.broadcast %add3A_1882 : i32 to vector<16xi32>
      %add3A_1884 = arith.addi %iota3A, %add3A_1883 : vector<16xi32>
      %broadcast_in_dim3A_1885 = arith.constant 12 : i32
      %broadcast_in_dim3A_1886 = vector.broadcast %broadcast_in_dim3A_1885 : i32 to vector<16xi32>
      %scatter3A_1887 = arith.constant 0 : i32
      %scatter3A_1888 = arith.constant 0 : i32
      %scatter3A_1889 = tpu.memref_slice %arg8[%select_n3A_215, %scatter3A_1887, %scatter3A_1888] : memref<2x128x16xf32, #tpu.memory_space<vmem>> -> memref<1x128x16xf32, #tpu.memory_space<vmem>>
      %scatter3A_1890 = tpu.memref_squeeze %scatter3A_1889 : memref<1x128x16xf32, #tpu.memory_space<vmem>> -> memref<128x16xf32, #tpu.memory_space<vmem>>
      tpu.vector_store_idx %scatter3A_1890[%add3A_1884, %broadcast_in_dim3A_1886], %get3A_1881 : memref<128x16xf32, #tpu.memory_space<vmem>>[vector<16xi32>, vector<16xi32>], vector<16xf32>,
      %get3A_1891 = arith.constant 1 : i32
      %get3A_1892 = arith.constant 4 : i32
      %get3A_1893 = arith.index_cast %select_n3A_215 : i32 to index
      %get3A_1894 = arith.index_cast %get3A_1891 : i32 to index
      %get3A_1895 = arith.index_cast %get3A_1892 : i32 to index
      %get3A_1896 = arith.constant 64 : index
      %get3A_1897 = tpu.vector_load %arg6[%get3A_1893, %get3A_1894, %get3A_1895, %get3A_1896] {strides = array<i32>} : memref<2x2x8x128xf32, #tpu.memory_space<vmem>>, vector<16xf32>,
      %add3A_1898 = arith.constant 64 : i32
      %add3A_1899 = vector.broadcast %add3A_1898 : i32 to vector<16xi32>
      %add3A_1900 = arith.addi %iota3A, %add3A_1899 : vector<16xi32>
      %broadcast_in_dim3A_1901 = arith.constant 12 : i32
      %broadcast_in_dim3A_1902 = vector.broadcast %broadcast_in_dim3A_1901 : i32 to vector<16xi32>
      %scatter3A_1903 = arith.constant 0 : i32
      %scatter3A_1904 = arith.constant 0 : i32
      %scatter3A_1905 = tpu.memref_slice %arg8[%select_n3A_215, %scatter3A_1903, %scatter3A_1904] : memref<2x128x16xf32, #tpu.memory_space<vmem>> -> memref<1x128x16xf32, #tpu.memory_space<vmem>>
      %scatter3A_1906 = tpu.memref_squeeze %scatter3A_1905 : memref<1x128x16xf32, #tpu.memory_space<vmem>> -> memref<128x16xf32, #tpu.memory_space<vmem>>
      tpu.vector_store_idx %scatter3A_1906[%add3A_1900, %broadcast_in_dim3A_1902], %get3A_1897 : memref<128x16xf32, #tpu.memory_space<vmem>>[vector<16xi32>, vector<16xi32>], vector<16xf32>,
      %get3A_1907 = arith.constant 1 : i32
      %get3A_1908 = arith.constant 4 : i32
      %get3A_1909 = arith.index_cast %select_n3A_215 : i32 to index
      %get3A_1910 = arith.index_cast %get3A_1907 : i32 to index
      %get3A_1911 = arith.index_cast %get3A_1908 : i32 to index
      %get3A_1912 = arith.constant 80 : index
      %get3A_1913 = tpu.vector_load %arg6[%get3A_1909, %get3A_1910, %get3A_1911, %get3A_1912] {strides = array<i32>} : memref<2x2x8x128xf32, #tpu.memory_space<vmem>>, vector<16xf32>,
      %add3A_1914 = arith.constant 80 : i32
      %add3A_1915 = vector.broadcast %add3A_1914 : i32 to vector<16xi32>
      %add3A_1916 = arith.addi %iota3A, %add3A_1915 : vector<16xi32>
      %broadcast_in_dim3A_1917 = arith.constant 12 : i32
      %broadcast_in_dim3A_1918 = vector.broadcast %broadcast_in_dim3A_1917 : i32 to vector<16xi32>
      %scatter3A_1919 = arith.constant 0 : i32
      %scatter3A_1920 = arith.constant 0 : i32
      %scatter3A_1921 = tpu.memref_slice %arg8[%select_n3A_215, %scatter3A_1919, %scatter3A_1920] : memref<2x128x16xf32, #tpu.memory_space<vmem>> -> memref<1x128x16xf32, #tpu.memory_space<vmem>>
      %scatter3A_1922 = tpu.memref_squeeze %scatter3A_1921 : memref<1x128x16xf32, #tpu.memory_space<vmem>> -> memref<128x16xf32, #tpu.memory_space<vmem>>
      tpu.vector_store_idx %scatter3A_1922[%add3A_1916, %broadcast_in_dim3A_1918], %get3A_1913 : memref<128x16xf32, #tpu.memory_space<vmem>>[vector<16xi32>, vector<16xi32>], vector<16xf32>,
      %get3A_1923 = arith.constant 1 : i32
      %get3A_1924 = arith.constant 4 : i32
      %get3A_1925 = arith.index_cast %select_n3A_215 : i32 to index
      %get3A_1926 = arith.index_cast %get3A_1923 : i32 to index
      %get3A_1927 = arith.index_cast %get3A_1924 : i32 to index
      %get3A_1928 = arith.constant 96 : index
      %get3A_1929 = tpu.vector_load %arg6[%get3A_1925, %get3A_1926, %get3A_1927, %get3A_1928] {strides = array<i32>} : memref<2x2x8x128xf32, #tpu.memory_space<vmem>>, vector<16xf32>,
      %add3A_1930 = arith.constant 96 : i32
      %add3A_1931 = vector.broadcast %add3A_1930 : i32 to vector<16xi32>
      %add3A_1932 = arith.addi %iota3A, %add3A_1931 : vector<16xi32>
      %broadcast_in_dim3A_1933 = arith.constant 12 : i32
      %broadcast_in_dim3A_1934 = vector.broadcast %broadcast_in_dim3A_1933 : i32 to vector<16xi32>
      %scatter3A_1935 = arith.constant 0 : i32
      %scatter3A_1936 = arith.constant 0 : i32
      %scatter3A_1937 = tpu.memref_slice %arg8[%select_n3A_215, %scatter3A_1935, %scatter3A_1936] : memref<2x128x16xf32, #tpu.memory_space<vmem>> -> memref<1x128x16xf32, #tpu.memory_space<vmem>>
      %scatter3A_1938 = tpu.memref_squeeze %scatter3A_1937 : memref<1x128x16xf32, #tpu.memory_space<vmem>> -> memref<128x16xf32, #tpu.memory_space<vmem>>
      tpu.vector_store_idx %scatter3A_1938[%add3A_1932, %broadcast_in_dim3A_1934], %get3A_1929 : memref<128x16xf32, #tpu.memory_space<vmem>>[vector<16xi32>, vector<16xi32>], vector<16xf32>,
      %get3A_1939 = arith.constant 1 : i32
      %get3A_1940 = arith.constant 4 : i32
      %get3A_1941 = arith.index_cast %select_n3A_215 : i32 to index
      %get3A_1942 = arith.index_cast %get3A_1939 : i32 to index
      %get3A_1943 = arith.index_cast %get3A_1940 : i32 to index
      %get3A_1944 = arith.constant 112 : index
      %get3A_1945 = tpu.vector_load %arg6[%get3A_1941, %get3A_1942, %get3A_1943, %get3A_1944] {strides = array<i32>} : memref<2x2x8x128xf32, #tpu.memory_space<vmem>>, vector<16xf32>,
      %add3A_1946 = arith.constant 112 : i32
      %add3A_1947 = vector.broadcast %add3A_1946 : i32 to vector<16xi32>
      %add3A_1948 = arith.addi %iota3A, %add3A_1947 : vector<16xi32>
      %broadcast_in_dim3A_1949 = arith.constant 12 : i32
      %broadcast_in_dim3A_1950 = vector.broadcast %broadcast_in_dim3A_1949 : i32 to vector<16xi32>
      %scatter3A_1951 = arith.constant 0 : i32
      %scatter3A_1952 = arith.constant 0 : i32
      %scatter3A_1953 = tpu.memref_slice %arg8[%select_n3A_215, %scatter3A_1951, %scatter3A_1952] : memref<2x128x16xf32, #tpu.memory_space<vmem>> -> memref<1x128x16xf32, #tpu.memory_space<vmem>>
      %scatter3A_1954 = tpu.memref_squeeze %scatter3A_1953 : memref<1x128x16xf32, #tpu.memory_space<vmem>> -> memref<128x16xf32, #tpu.memory_space<vmem>>
      tpu.vector_store_idx %scatter3A_1954[%add3A_1948, %broadcast_in_dim3A_1950], %get3A_1945 : memref<128x16xf32, #tpu.memory_space<vmem>>[vector<16xi32>, vector<16xi32>], vector<16xf32>,
      %get3A_1955 = arith.constant 1 : i32
      %get3A_1956 = arith.constant 5 : i32
      %get3A_1957 = arith.index_cast %select_n3A_215 : i32 to index
      %get3A_1958 = arith.index_cast %get3A_1955 : i32 to index
      %get3A_1959 = arith.index_cast %get3A_1956 : i32 to index
      %get3A_1960 = arith.constant 0 : index
      %get3A_1961 = tpu.vector_load %arg6[%get3A_1957, %get3A_1958, %get3A_1959, %get3A_1960] {strides = array<i32>} : memref<2x2x8x128xf32, #tpu.memory_space<vmem>>, vector<16xf32>,
      %add3A_1962 = arith.constant 0 : i32
      %add3A_1963 = vector.broadcast %add3A_1962 : i32 to vector<16xi32>
      %add3A_1964 = arith.addi %iota3A, %add3A_1963 : vector<16xi32>
      %broadcast_in_dim3A_1965 = arith.constant 13 : i32
      %broadcast_in_dim3A_1966 = vector.broadcast %broadcast_in_dim3A_1965 : i32 to vector<16xi32>
      %scatter3A_1967 = arith.constant 0 : i32
      %scatter3A_1968 = arith.constant 0 : i32
      %scatter3A_1969 = tpu.memref_slice %arg8[%select_n3A_215, %scatter3A_1967, %scatter3A_1968] : memref<2x128x16xf32, #tpu.memory_space<vmem>> -> memref<1x128x16xf32, #tpu.memory_space<vmem>>
      %scatter3A_1970 = tpu.memref_squeeze %scatter3A_1969 : memref<1x128x16xf32, #tpu.memory_space<vmem>> -> memref<128x16xf32, #tpu.memory_space<vmem>>
      tpu.vector_store_idx %scatter3A_1970[%add3A_1964, %broadcast_in_dim3A_1966], %get3A_1961 : memref<128x16xf32, #tpu.memory_space<vmem>>[vector<16xi32>, vector<16xi32>], vector<16xf32>,
      %get3A_1971 = arith.constant 1 : i32
      %get3A_1972 = arith.constant 5 : i32
      %get3A_1973 = arith.index_cast %select_n3A_215 : i32 to index
      %get3A_1974 = arith.index_cast %get3A_1971 : i32 to index
      %get3A_1975 = arith.index_cast %get3A_1972 : i32 to index
      %get3A_1976 = arith.constant 16 : index
      %get3A_1977 = tpu.vector_load %arg6[%get3A_1973, %get3A_1974, %get3A_1975, %get3A_1976] {strides = array<i32>} : memref<2x2x8x128xf32, #tpu.memory_space<vmem>>, vector<16xf32>,
      %add3A_1978 = arith.constant 16 : i32
      %add3A_1979 = vector.broadcast %add3A_1978 : i32 to vector<16xi32>
      %add3A_1980 = arith.addi %iota3A, %add3A_1979 : vector<16xi32>
      %broadcast_in_dim3A_1981 = arith.constant 13 : i32
      %broadcast_in_dim3A_1982 = vector.broadcast %broadcast_in_dim3A_1981 : i32 to vector<16xi32>
      %scatter3A_1983 = arith.constant 0 : i32
      %scatter3A_1984 = arith.constant 0 : i32
      %scatter3A_1985 = tpu.memref_slice %arg8[%select_n3A_215, %scatter3A_1983, %scatter3A_1984] : memref<2x128x16xf32, #tpu.memory_space<vmem>> -> memref<1x128x16xf32, #tpu.memory_space<vmem>>
      %scatter3A_1986 = tpu.memref_squeeze %scatter3A_1985 : memref<1x128x16xf32, #tpu.memory_space<vmem>> -> memref<128x16xf32, #tpu.memory_space<vmem>>
      tpu.vector_store_idx %scatter3A_1986[%add3A_1980, %broadcast_in_dim3A_1982], %get3A_1977 : memref<128x16xf32, #tpu.memory_space<vmem>>[vector<16xi32>, vector<16xi32>], vector<16xf32>,
      %get3A_1987 = arith.constant 1 : i32
      %get3A_1988 = arith.constant 5 : i32
      %get3A_1989 = arith.index_cast %select_n3A_215 : i32 to index
      %get3A_1990 = arith.index_cast %get3A_1987 : i32 to index
      %get3A_1991 = arith.index_cast %get3A_1988 : i32 to index
      %get3A_1992 = arith.constant 32 : index
      %get3A_1993 = tpu.vector_load %arg6[%get3A_1989, %get3A_1990, %get3A_1991, %get3A_1992] {strides = array<i32>} : memref<2x2x8x128xf32, #tpu.memory_space<vmem>>, vector<16xf32>,
      %add3A_1994 = arith.constant 32 : i32
      %add3A_1995 = vector.broadcast %add3A_1994 : i32 to vector<16xi32>
      %add3A_1996 = arith.addi %iota3A, %add3A_1995 : vector<16xi32>
      %broadcast_in_dim3A_1997 = arith.constant 13 : i32
      %broadcast_in_dim3A_1998 = vector.broadcast %broadcast_in_dim3A_1997 : i32 to vector<16xi32>
      %scatter3A_1999 = arith.constant 0 : i32
      %scatter3A_2000 = arith.constant 0 : i32
      %scatter3A_2001 = tpu.memref_slice %arg8[%select_n3A_215, %scatter3A_1999, %scatter3A_2000] : memref<2x128x16xf32, #tpu.memory_space<vmem>> -> memref<1x128x16xf32, #tpu.memory_space<vmem>>
      %scatter3A_2002 = tpu.memref_squeeze %scatter3A_2001 : memref<1x128x16xf32, #tpu.memory_space<vmem>> -> memref<128x16xf32, #tpu.memory_space<vmem>>
      tpu.vector_store_idx %scatter3A_2002[%add3A_1996, %broadcast_in_dim3A_1998], %get3A_1993 : memref<128x16xf32, #tpu.memory_space<vmem>>[vector<16xi32>, vector<16xi32>], vector<16xf32>,
      %get3A_2003 = arith.constant 1 : i32
      %get3A_2004 = arith.constant 5 : i32
      %get3A_2005 = arith.index_cast %select_n3A_215 : i32 to index
      %get3A_2006 = arith.index_cast %get3A_2003 : i32 to index
      %get3A_2007 = arith.index_cast %get3A_2004 : i32 to index
      %get3A_2008 = arith.constant 48 : index
      %get3A_2009 = tpu.vector_load %arg6[%get3A_2005, %get3A_2006, %get3A_2007, %get3A_2008] {strides = array<i32>} : memref<2x2x8x128xf32, #tpu.memory_space<vmem>>, vector<16xf32>,
      %add3A_2010 = arith.constant 48 : i32
      %add3A_2011 = vector.broadcast %add3A_2010 : i32 to vector<16xi32>
      %add3A_2012 = arith.addi %iota3A, %add3A_2011 : vector<16xi32>
      %broadcast_in_dim3A_2013 = arith.constant 13 : i32
      %broadcast_in_dim3A_2014 = vector.broadcast %broadcast_in_dim3A_2013 : i32 to vector<16xi32>
      %scatter3A_2015 = arith.constant 0 : i32
      %scatter3A_2016 = arith.constant 0 : i32
      %scatter3A_2017 = tpu.memref_slice %arg8[%select_n3A_215, %scatter3A_2015, %scatter3A_2016] : memref<2x128x16xf32, #tpu.memory_space<vmem>> -> memref<1x128x16xf32, #tpu.memory_space<vmem>>
      %scatter3A_2018 = tpu.memref_squeeze %scatter3A_2017 : memref<1x128x16xf32, #tpu.memory_space<vmem>> -> memref<128x16xf32, #tpu.memory_space<vmem>>
      tpu.vector_store_idx %scatter3A_2018[%add3A_2012, %broadcast_in_dim3A_2014], %get3A_2009 : memref<128x16xf32, #tpu.memory_space<vmem>>[vector<16xi32>, vector<16xi32>], vector<16xf32>,
      %get3A_2019 = arith.constant 1 : i32
      %get3A_2020 = arith.constant 5 : i32
      %get3A_2021 = arith.index_cast %select_n3A_215 : i32 to index
      %get3A_2022 = arith.index_cast %get3A_2019 : i32 to index
      %get3A_2023 = arith.index_cast %get3A_2020 : i32 to index
      %get3A_2024 = arith.constant 64 : index
      %get3A_2025 = tpu.vector_load %arg6[%get3A_2021, %get3A_2022, %get3A_2023, %get3A_2024] {strides = array<i32>} : memref<2x2x8x128xf32, #tpu.memory_space<vmem>>, vector<16xf32>,
      %add3A_2026 = arith.constant 64 : i32
      %add3A_2027 = vector.broadcast %add3A_2026 : i32 to vector<16xi32>
      %add3A_2028 = arith.addi %iota3A, %add3A_2027 : vector<16xi32>
      %broadcast_in_dim3A_2029 = arith.constant 13 : i32
      %broadcast_in_dim3A_2030 = vector.broadcast %broadcast_in_dim3A_2029 : i32 to vector<16xi32>
      %scatter3A_2031 = arith.constant 0 : i32
      %scatter3A_2032 = arith.constant 0 : i32
      %scatter3A_2033 = tpu.memref_slice %arg8[%select_n3A_215, %scatter3A_2031, %scatter3A_2032] : memref<2x128x16xf32, #tpu.memory_space<vmem>> -> memref<1x128x16xf32, #tpu.memory_space<vmem>>
      %scatter3A_2034 = tpu.memref_squeeze %scatter3A_2033 : memref<1x128x16xf32, #tpu.memory_space<vmem>> -> memref<128x16xf32, #tpu.memory_space<vmem>>
      tpu.vector_store_idx %scatter3A_2034[%add3A_2028, %broadcast_in_dim3A_2030], %get3A_2025 : memref<128x16xf32, #tpu.memory_space<vmem>>[vector<16xi32>, vector<16xi32>], vector<16xf32>,
      %get3A_2035 = arith.constant 1 : i32
      %get3A_2036 = arith.constant 5 : i32
      %get3A_2037 = arith.index_cast %select_n3A_215 : i32 to index
      %get3A_2038 = arith.index_cast %get3A_2035 : i32 to index
      %get3A_2039 = arith.index_cast %get3A_2036 : i32 to index
      %get3A_2040 = arith.constant 80 : index
      %get3A_2041 = tpu.vector_load %arg6[%get3A_2037, %get3A_2038, %get3A_2039, %get3A_2040] {strides = array<i32>} : memref<2x2x8x128xf32, #tpu.memory_space<vmem>>, vector<16xf32>,
      %add3A_2042 = arith.constant 80 : i32
      %add3A_2043 = vector.broadcast %add3A_2042 : i32 to vector<16xi32>
      %add3A_2044 = arith.addi %iota3A, %add3A_2043 : vector<16xi32>
      %broadcast_in_dim3A_2045 = arith.constant 13 : i32
      %broadcast_in_dim3A_2046 = vector.broadcast %broadcast_in_dim3A_2045 : i32 to vector<16xi32>
      %scatter3A_2047 = arith.constant 0 : i32
      %scatter3A_2048 = arith.constant 0 : i32
      %scatter3A_2049 = tpu.memref_slice %arg8[%select_n3A_215, %scatter3A_2047, %scatter3A_2048] : memref<2x128x16xf32, #tpu.memory_space<vmem>> -> memref<1x128x16xf32, #tpu.memory_space<vmem>>
      %scatter3A_2050 = tpu.memref_squeeze %scatter3A_2049 : memref<1x128x16xf32, #tpu.memory_space<vmem>> -> memref<128x16xf32, #tpu.memory_space<vmem>>
      tpu.vector_store_idx %scatter3A_2050[%add3A_2044, %broadcast_in_dim3A_2046], %get3A_2041 : memref<128x16xf32, #tpu.memory_space<vmem>>[vector<16xi32>, vector<16xi32>], vector<16xf32>,
      %get3A_2051 = arith.constant 1 : i32
      %get3A_2052 = arith.constant 5 : i32
      %get3A_2053 = arith.index_cast %select_n3A_215 : i32 to index
      %get3A_2054 = arith.index_cast %get3A_2051 : i32 to index
      %get3A_2055 = arith.index_cast %get3A_2052 : i32 to index
      %get3A_2056 = arith.constant 96 : index
      %get3A_2057 = tpu.vector_load %arg6[%get3A_2053, %get3A_2054, %get3A_2055, %get3A_2056] {strides = array<i32>} : memref<2x2x8x128xf32, #tpu.memory_space<vmem>>, vector<16xf32>,
      %add3A_2058 = arith.constant 96 : i32
      %add3A_2059 = vector.broadcast %add3A_2058 : i32 to vector<16xi32>
      %add3A_2060 = arith.addi %iota3A, %add3A_2059 : vector<16xi32>
      %broadcast_in_dim3A_2061 = arith.constant 13 : i32
      %broadcast_in_dim3A_2062 = vector.broadcast %broadcast_in_dim3A_2061 : i32 to vector<16xi32>
      %scatter3A_2063 = arith.constant 0 : i32
      %scatter3A_2064 = arith.constant 0 : i32
      %scatter3A_2065 = tpu.memref_slice %arg8[%select_n3A_215, %scatter3A_2063, %scatter3A_2064] : memref<2x128x16xf32, #tpu.memory_space<vmem>> -> memref<1x128x16xf32, #tpu.memory_space<vmem>>
      %scatter3A_2066 = tpu.memref_squeeze %scatter3A_2065 : memref<1x128x16xf32, #tpu.memory_space<vmem>> -> memref<128x16xf32, #tpu.memory_space<vmem>>
      tpu.vector_store_idx %scatter3A_2066[%add3A_2060, %broadcast_in_dim3A_2062], %get3A_2057 : memref<128x16xf32, #tpu.memory_space<vmem>>[vector<16xi32>, vector<16xi32>], vector<16xf32>,
      %get3A_2067 = arith.constant 1 : i32
      %get3A_2068 = arith.constant 5 : i32
      %get3A_2069 = arith.index_cast %select_n3A_215 : i32 to index
      %get3A_2070 = arith.index_cast %get3A_2067 : i32 to index
      %get3A_2071 = arith.index_cast %get3A_2068 : i32 to index
      %get3A_2072 = arith.constant 112 : index
      %get3A_2073 = tpu.vector_load %arg6[%get3A_2069, %get3A_2070, %get3A_2071, %get3A_2072] {strides = array<i32>} : memref<2x2x8x128xf32, #tpu.memory_space<vmem>>, vector<16xf32>,
      %add3A_2074 = arith.constant 112 : i32
      %add3A_2075 = vector.broadcast %add3A_2074 : i32 to vector<16xi32>
      %add3A_2076 = arith.addi %iota3A, %add3A_2075 : vector<16xi32>
      %broadcast_in_dim3A_2077 = arith.constant 13 : i32
      %broadcast_in_dim3A_2078 = vector.broadcast %broadcast_in_dim3A_2077 : i32 to vector<16xi32>
      %scatter3A_2079 = arith.constant 0 : i32
      %scatter3A_2080 = arith.constant 0 : i32
      %scatter3A_2081 = tpu.memref_slice %arg8[%select_n3A_215, %scatter3A_2079, %scatter3A_2080] : memref<2x128x16xf32, #tpu.memory_space<vmem>> -> memref<1x128x16xf32, #tpu.memory_space<vmem>>
      %scatter3A_2082 = tpu.memref_squeeze %scatter3A_2081 : memref<1x128x16xf32, #tpu.memory_space<vmem>> -> memref<128x16xf32, #tpu.memory_space<vmem>>
      tpu.vector_store_idx %scatter3A_2082[%add3A_2076, %broadcast_in_dim3A_2078], %get3A_2073 : memref<128x16xf32, #tpu.memory_space<vmem>>[vector<16xi32>, vector<16xi32>], vector<16xf32>,
      %get3A_2083 = arith.constant 1 : i32
      %get3A_2084 = arith.constant 6 : i32
      %get3A_2085 = arith.index_cast %select_n3A_215 : i32 to index
      %get3A_2086 = arith.index_cast %get3A_2083 : i32 to index
      %get3A_2087 = arith.index_cast %get3A_2084 : i32 to index
      %get3A_2088 = arith.constant 0 : index
      %get3A_2089 = tpu.vector_load %arg6[%get3A_2085, %get3A_2086, %get3A_2087, %get3A_2088] {strides = array<i32>} : memref<2x2x8x128xf32, #tpu.memory_space<vmem>>, vector<16xf32>,
      %add3A_2090 = arith.constant 0 : i32
      %add3A_2091 = vector.broadcast %add3A_2090 : i32 to vector<16xi32>
      %add3A_2092 = arith.addi %iota3A, %add3A_2091 : vector<16xi32>
      %broadcast_in_dim3A_2093 = arith.constant 14 : i32
      %broadcast_in_dim3A_2094 = vector.broadcast %broadcast_in_dim3A_2093 : i32 to vector<16xi32>
      %scatter3A_2095 = arith.constant 0 : i32
      %scatter3A_2096 = arith.constant 0 : i32
      %scatter3A_2097 = tpu.memref_slice %arg8[%select_n3A_215, %scatter3A_2095, %scatter3A_2096] : memref<2x128x16xf32, #tpu.memory_space<vmem>> -> memref<1x128x16xf32, #tpu.memory_space<vmem>>
      %scatter3A_2098 = tpu.memref_squeeze %scatter3A_2097 : memref<1x128x16xf32, #tpu.memory_space<vmem>> -> memref<128x16xf32, #tpu.memory_space<vmem>>
      tpu.vector_store_idx %scatter3A_2098[%add3A_2092, %broadcast_in_dim3A_2094], %get3A_2089 : memref<128x16xf32, #tpu.memory_space<vmem>>[vector<16xi32>, vector<16xi32>], vector<16xf32>,
      %get3A_2099 = arith.constant 1 : i32
      %get3A_2100 = arith.constant 6 : i32
      %get3A_2101 = arith.index_cast %select_n3A_215 : i32 to index
      %get3A_2102 = arith.index_cast %get3A_2099 : i32 to index
      %get3A_2103 = arith.index_cast %get3A_2100 : i32 to index
      %get3A_2104 = arith.constant 16 : index
      %get3A_2105 = tpu.vector_load %arg6[%get3A_2101, %get3A_2102, %get3A_2103, %get3A_2104] {strides = array<i32>} : memref<2x2x8x128xf32, #tpu.memory_space<vmem>>, vector<16xf32>,
      %add3A_2106 = arith.constant 16 : i32
      %add3A_2107 = vector.broadcast %add3A_2106 : i32 to vector<16xi32>
      %add3A_2108 = arith.addi %iota3A, %add3A_2107 : vector<16xi32>
      %broadcast_in_dim3A_2109 = arith.constant 14 : i32
      %broadcast_in_dim3A_2110 = vector.broadcast %broadcast_in_dim3A_2109 : i32 to vector<16xi32>
      %scatter3A_2111 = arith.constant 0 : i32
      %scatter3A_2112 = arith.constant 0 : i32
      %scatter3A_2113 = tpu.memref_slice %arg8[%select_n3A_215, %scatter3A_2111, %scatter3A_2112] : memref<2x128x16xf32, #tpu.memory_space<vmem>> -> memref<1x128x16xf32, #tpu.memory_space<vmem>>
      %scatter3A_2114 = tpu.memref_squeeze %scatter3A_2113 : memref<1x128x16xf32, #tpu.memory_space<vmem>> -> memref<128x16xf32, #tpu.memory_space<vmem>>
      tpu.vector_store_idx %scatter3A_2114[%add3A_2108, %broadcast_in_dim3A_2110], %get3A_2105 : memref<128x16xf32, #tpu.memory_space<vmem>>[vector<16xi32>, vector<16xi32>], vector<16xf32>,
      %get3A_2115 = arith.constant 1 : i32
      %get3A_2116 = arith.constant 6 : i32
      %get3A_2117 = arith.index_cast %select_n3A_215 : i32 to index
      %get3A_2118 = arith.index_cast %get3A_2115 : i32 to index
      %get3A_2119 = arith.index_cast %get3A_2116 : i32 to index
      %get3A_2120 = arith.constant 32 : index
      %get3A_2121 = tpu.vector_load %arg6[%get3A_2117, %get3A_2118, %get3A_2119, %get3A_2120] {strides = array<i32>} : memref<2x2x8x128xf32, #tpu.memory_space<vmem>>, vector<16xf32>,
      %add3A_2122 = arith.constant 32 : i32
      %add3A_2123 = vector.broadcast %add3A_2122 : i32 to vector<16xi32>
      %add3A_2124 = arith.addi %iota3A, %add3A_2123 : vector<16xi32>
      %broadcast_in_dim3A_2125 = arith.constant 14 : i32
      %broadcast_in_dim3A_2126 = vector.broadcast %broadcast_in_dim3A_2125 : i32 to vector<16xi32>
      %scatter3A_2127 = arith.constant 0 : i32
      %scatter3A_2128 = arith.constant 0 : i32
      %scatter3A_2129 = tpu.memref_slice %arg8[%select_n3A_215, %scatter3A_2127, %scatter3A_2128] : memref<2x128x16xf32, #tpu.memory_space<vmem>> -> memref<1x128x16xf32, #tpu.memory_space<vmem>>
      %scatter3A_2130 = tpu.memref_squeeze %scatter3A_2129 : memref<1x128x16xf32, #tpu.memory_space<vmem>> -> memref<128x16xf32, #tpu.memory_space<vmem>>
      tpu.vector_store_idx %scatter3A_2130[%add3A_2124, %broadcast_in_dim3A_2126], %get3A_2121 : memref<128x16xf32, #tpu.memory_space<vmem>>[vector<16xi32>, vector<16xi32>], vector<16xf32>,
      %get3A_2131 = arith.constant 1 : i32
      %get3A_2132 = arith.constant 6 : i32
      %get3A_2133 = arith.index_cast %select_n3A_215 : i32 to index
      %get3A_2134 = arith.index_cast %get3A_2131 : i32 to index
      %get3A_2135 = arith.index_cast %get3A_2132 : i32 to index
      %get3A_2136 = arith.constant 48 : index
      %get3A_2137 = tpu.vector_load %arg6[%get3A_2133, %get3A_2134, %get3A_2135, %get3A_2136] {strides = array<i32>} : memref<2x2x8x128xf32, #tpu.memory_space<vmem>>, vector<16xf32>,
      %add3A_2138 = arith.constant 48 : i32
      %add3A_2139 = vector.broadcast %add3A_2138 : i32 to vector<16xi32>
      %add3A_2140 = arith.addi %iota3A, %add3A_2139 : vector<16xi32>
      %broadcast_in_dim3A_2141 = arith.constant 14 : i32
      %broadcast_in_dim3A_2142 = vector.broadcast %broadcast_in_dim3A_2141 : i32 to vector<16xi32>
      %scatter3A_2143 = arith.constant 0 : i32
      %scatter3A_2144 = arith.constant 0 : i32
      %scatter3A_2145 = tpu.memref_slice %arg8[%select_n3A_215, %scatter3A_2143, %scatter3A_2144] : memref<2x128x16xf32, #tpu.memory_space<vmem>> -> memref<1x128x16xf32, #tpu.memory_space<vmem>>
      %scatter3A_2146 = tpu.memref_squeeze %scatter3A_2145 : memref<1x128x16xf32, #tpu.memory_space<vmem>> -> memref<128x16xf32, #tpu.memory_space<vmem>>
      tpu.vector_store_idx %scatter3A_2146[%add3A_2140, %broadcast_in_dim3A_2142], %get3A_2137 : memref<128x16xf32, #tpu.memory_space<vmem>>[vector<16xi32>, vector<16xi32>], vector<16xf32>,
      %get3A_2147 = arith.constant 1 : i32
      %get3A_2148 = arith.constant 6 : i32
      %get3A_2149 = arith.index_cast %select_n3A_215 : i32 to index
      %get3A_2150 = arith.index_cast %get3A_2147 : i32 to index
      %get3A_2151 = arith.index_cast %get3A_2148 : i32 to index
      %get3A_2152 = arith.constant 64 : index
      %get3A_2153 = tpu.vector_load %arg6[%get3A_2149, %get3A_2150, %get3A_2151, %get3A_2152] {strides = array<i32>} : memref<2x2x8x128xf32, #tpu.memory_space<vmem>>, vector<16xf32>,
      %add3A_2154 = arith.constant 64 : i32
      %add3A_2155 = vector.broadcast %add3A_2154 : i32 to vector<16xi32>
      %add3A_2156 = arith.addi %iota3A, %add3A_2155 : vector<16xi32>
      %broadcast_in_dim3A_2157 = arith.constant 14 : i32
      %broadcast_in_dim3A_2158 = vector.broadcast %broadcast_in_dim3A_2157 : i32 to vector<16xi32>
      %scatter3A_2159 = arith.constant 0 : i32
      %scatter3A_2160 = arith.constant 0 : i32
      %scatter3A_2161 = tpu.memref_slice %arg8[%select_n3A_215, %scatter3A_2159, %scatter3A_2160] : memref<2x128x16xf32, #tpu.memory_space<vmem>> -> memref<1x128x16xf32, #tpu.memory_space<vmem>>
      %scatter3A_2162 = tpu.memref_squeeze %scatter3A_2161 : memref<1x128x16xf32, #tpu.memory_space<vmem>> -> memref<128x16xf32, #tpu.memory_space<vmem>>
      tpu.vector_store_idx %scatter3A_2162[%add3A_2156, %broadcast_in_dim3A_2158], %get3A_2153 : memref<128x16xf32, #tpu.memory_space<vmem>>[vector<16xi32>, vector<16xi32>], vector<16xf32>,
      %get3A_2163 = arith.constant 1 : i32
      %get3A_2164 = arith.constant 6 : i32
      %get3A_2165 = arith.index_cast %select_n3A_215 : i32 to index
      %get3A_2166 = arith.index_cast %get3A_2163 : i32 to index
      %get3A_2167 = arith.index_cast %get3A_2164 : i32 to index
      %get3A_2168 = arith.constant 80 : index
      %get3A_2169 = tpu.vector_load %arg6[%get3A_2165, %get3A_2166, %get3A_2167, %get3A_2168] {strides = array<i32>} : memref<2x2x8x128xf32, #tpu.memory_space<vmem>>, vector<16xf32>,
      %add3A_2170 = arith.constant 80 : i32
      %add3A_2171 = vector.broadcast %add3A_2170 : i32 to vector<16xi32>
      %add3A_2172 = arith.addi %iota3A, %add3A_2171 : vector<16xi32>
      %broadcast_in_dim3A_2173 = arith.constant 14 : i32
      %broadcast_in_dim3A_2174 = vector.broadcast %broadcast_in_dim3A_2173 : i32 to vector<16xi32>
      %scatter3A_2175 = arith.constant 0 : i32
      %scatter3A_2176 = arith.constant 0 : i32
      %scatter3A_2177 = tpu.memref_slice %arg8[%select_n3A_215, %scatter3A_2175, %scatter3A_2176] : memref<2x128x16xf32, #tpu.memory_space<vmem>> -> memref<1x128x16xf32, #tpu.memory_space<vmem>>
      %scatter3A_2178 = tpu.memref_squeeze %scatter3A_2177 : memref<1x128x16xf32, #tpu.memory_space<vmem>> -> memref<128x16xf32, #tpu.memory_space<vmem>>
      tpu.vector_store_idx %scatter3A_2178[%add3A_2172, %broadcast_in_dim3A_2174], %get3A_2169 : memref<128x16xf32, #tpu.memory_space<vmem>>[vector<16xi32>, vector<16xi32>], vector<16xf32>,
      %get3A_2179 = arith.constant 1 : i32
      %get3A_2180 = arith.constant 6 : i32
      %get3A_2181 = arith.index_cast %select_n3A_215 : i32 to index
      %get3A_2182 = arith.index_cast %get3A_2179 : i32 to index
      %get3A_2183 = arith.index_cast %get3A_2180 : i32 to index
      %get3A_2184 = arith.constant 96 : index
      %get3A_2185 = tpu.vector_load %arg6[%get3A_2181, %get3A_2182, %get3A_2183, %get3A_2184] {strides = array<i32>} : memref<2x2x8x128xf32, #tpu.memory_space<vmem>>, vector<16xf32>,
      %add3A_2186 = arith.constant 96 : i32
      %add3A_2187 = vector.broadcast %add3A_2186 : i32 to vector<16xi32>
      %add3A_2188 = arith.addi %iota3A, %add3A_2187 : vector<16xi32>
      %broadcast_in_dim3A_2189 = arith.constant 14 : i32
      %broadcast_in_dim3A_2190 = vector.broadcast %broadcast_in_dim3A_2189 : i32 to vector<16xi32>
      %scatter3A_2191 = arith.constant 0 : i32
      %scatter3A_2192 = arith.constant 0 : i32
      %scatter3A_2193 = tpu.memref_slice %arg8[%select_n3A_215, %scatter3A_2191, %scatter3A_2192] : memref<2x128x16xf32, #tpu.memory_space<vmem>> -> memref<1x128x16xf32, #tpu.memory_space<vmem>>
      %scatter3A_2194 = tpu.memref_squeeze %scatter3A_2193 : memref<1x128x16xf32, #tpu.memory_space<vmem>> -> memref<128x16xf32, #tpu.memory_space<vmem>>
      tpu.vector_store_idx %scatter3A_2194[%add3A_2188, %broadcast_in_dim3A_2190], %get3A_2185 : memref<128x16xf32, #tpu.memory_space<vmem>>[vector<16xi32>, vector<16xi32>], vector<16xf32>,
      %get3A_2195 = arith.constant 1 : i32
      %get3A_2196 = arith.constant 6 : i32
      %get3A_2197 = arith.index_cast %select_n3A_215 : i32 to index
      %get3A_2198 = arith.index_cast %get3A_2195 : i32 to index
      %get3A_2199 = arith.index_cast %get3A_2196 : i32 to index
      %get3A_2200 = arith.constant 112 : index
      %get3A_2201 = tpu.vector_load %arg6[%get3A_2197, %get3A_2198, %get3A_2199, %get3A_2200] {strides = array<i32>} : memref<2x2x8x128xf32, #tpu.memory_space<vmem>>, vector<16xf32>,
      %add3A_2202 = arith.constant 112 : i32
      %add3A_2203 = vector.broadcast %add3A_2202 : i32 to vector<16xi32>
      %add3A_2204 = arith.addi %iota3A, %add3A_2203 : vector<16xi32>
      %broadcast_in_dim3A_2205 = arith.constant 14 : i32
      %broadcast_in_dim3A_2206 = vector.broadcast %broadcast_in_dim3A_2205 : i32 to vector<16xi32>
      %scatter3A_2207 = arith.constant 0 : i32
      %scatter3A_2208 = arith.constant 0 : i32
      %scatter3A_2209 = tpu.memref_slice %arg8[%select_n3A_215, %scatter3A_2207, %scatter3A_2208] : memref<2x128x16xf32, #tpu.memory_space<vmem>> -> memref<1x128x16xf32, #tpu.memory_space<vmem>>
      %scatter3A_2210 = tpu.memref_squeeze %scatter3A_2209 : memref<1x128x16xf32, #tpu.memory_space<vmem>> -> memref<128x16xf32, #tpu.memory_space<vmem>>
      tpu.vector_store_idx %scatter3A_2210[%add3A_2204, %broadcast_in_dim3A_2206], %get3A_2201 : memref<128x16xf32, #tpu.memory_space<vmem>>[vector<16xi32>, vector<16xi32>], vector<16xf32>,
      %get3A_2211 = arith.constant 1 : i32
      %get3A_2212 = arith.constant 7 : i32
      %get3A_2213 = arith.index_cast %select_n3A_215 : i32 to index
      %get3A_2214 = arith.index_cast %get3A_2211 : i32 to index
      %get3A_2215 = arith.index_cast %get3A_2212 : i32 to index
      %get3A_2216 = arith.constant 0 : index
      %get3A_2217 = tpu.vector_load %arg6[%get3A_2213, %get3A_2214, %get3A_2215, %get3A_2216] {strides = array<i32>} : memref<2x2x8x128xf32, #tpu.memory_space<vmem>>, vector<16xf32>,
      %add3A_2218 = arith.constant 0 : i32
      %add3A_2219 = vector.broadcast %add3A_2218 : i32 to vector<16xi32>
      %add3A_2220 = arith.addi %iota3A, %add3A_2219 : vector<16xi32>
      %broadcast_in_dim3A_2221 = arith.constant 15 : i32
      %broadcast_in_dim3A_2222 = vector.broadcast %broadcast_in_dim3A_2221 : i32 to vector<16xi32>
      %scatter3A_2223 = arith.constant 0 : i32
      %scatter3A_2224 = arith.constant 0 : i32
      %scatter3A_2225 = tpu.memref_slice %arg8[%select_n3A_215, %scatter3A_2223, %scatter3A_2224] : memref<2x128x16xf32, #tpu.memory_space<vmem>> -> memref<1x128x16xf32, #tpu.memory_space<vmem>>
      %scatter3A_2226 = tpu.memref_squeeze %scatter3A_2225 : memref<1x128x16xf32, #tpu.memory_space<vmem>> -> memref<128x16xf32, #tpu.memory_space<vmem>>
      tpu.vector_store_idx %scatter3A_2226[%add3A_2220, %broadcast_in_dim3A_2222], %get3A_2217 : memref<128x16xf32, #tpu.memory_space<vmem>>[vector<16xi32>, vector<16xi32>], vector<16xf32>,
      %get3A_2227 = arith.constant 1 : i32
      %get3A_2228 = arith.constant 7 : i32
      %get3A_2229 = arith.index_cast %select_n3A_215 : i32 to index
      %get3A_2230 = arith.index_cast %get3A_2227 : i32 to index
      %get3A_2231 = arith.index_cast %get3A_2228 : i32 to index
      %get3A_2232 = arith.constant 16 : index
      %get3A_2233 = tpu.vector_load %arg6[%get3A_2229, %get3A_2230, %get3A_2231, %get3A_2232] {strides = array<i32>} : memref<2x2x8x128xf32, #tpu.memory_space<vmem>>, vector<16xf32>,
      %add3A_2234 = arith.constant 16 : i32
      %add3A_2235 = vector.broadcast %add3A_2234 : i32 to vector<16xi32>
      %add3A_2236 = arith.addi %iota3A, %add3A_2235 : vector<16xi32>
      %broadcast_in_dim3A_2237 = arith.constant 15 : i32
      %broadcast_in_dim3A_2238 = vector.broadcast %broadcast_in_dim3A_2237 : i32 to vector<16xi32>
      %scatter3A_2239 = arith.constant 0 : i32
      %scatter3A_2240 = arith.constant 0 : i32
      %scatter3A_2241 = tpu.memref_slice %arg8[%select_n3A_215, %scatter3A_2239, %scatter3A_2240] : memref<2x128x16xf32, #tpu.memory_space<vmem>> -> memref<1x128x16xf32, #tpu.memory_space<vmem>>
      %scatter3A_2242 = tpu.memref_squeeze %scatter3A_2241 : memref<1x128x16xf32, #tpu.memory_space<vmem>> -> memref<128x16xf32, #tpu.memory_space<vmem>>
      tpu.vector_store_idx %scatter3A_2242[%add3A_2236, %broadcast_in_dim3A_2238], %get3A_2233 : memref<128x16xf32, #tpu.memory_space<vmem>>[vector<16xi32>, vector<16xi32>], vector<16xf32>,
      %get3A_2243 = arith.constant 1 : i32
      %get3A_2244 = arith.constant 7 : i32
      %get3A_2245 = arith.index_cast %select_n3A_215 : i32 to index
      %get3A_2246 = arith.index_cast %get3A_2243 : i32 to index
      %get3A_2247 = arith.index_cast %get3A_2244 : i32 to index
      %get3A_2248 = arith.constant 32 : index
      %get3A_2249 = tpu.vector_load %arg6[%get3A_2245, %get3A_2246, %get3A_2247, %get3A_2248] {strides = array<i32>} : memref<2x2x8x128xf32, #tpu.memory_space<vmem>>, vector<16xf32>,
      %add3A_2250 = arith.constant 32 : i32
      %add3A_2251 = vector.broadcast %add3A_2250 : i32 to vector<16xi32>
      %add3A_2252 = arith.addi %iota3A, %add3A_2251 : vector<16xi32>
      %broadcast_in_dim3A_2253 = arith.constant 15 : i32
      %broadcast_in_dim3A_2254 = vector.broadcast %broadcast_in_dim3A_2253 : i32 to vector<16xi32>
      %scatter3A_2255 = arith.constant 0 : i32
      %scatter3A_2256 = arith.constant 0 : i32
      %scatter3A_2257 = tpu.memref_slice %arg8[%select_n3A_215, %scatter3A_2255, %scatter3A_2256] : memref<2x128x16xf32, #tpu.memory_space<vmem>> -> memref<1x128x16xf32, #tpu.memory_space<vmem>>
      %scatter3A_2258 = tpu.memref_squeeze %scatter3A_2257 : memref<1x128x16xf32, #tpu.memory_space<vmem>> -> memref<128x16xf32, #tpu.memory_space<vmem>>
      tpu.vector_store_idx %scatter3A_2258[%add3A_2252, %broadcast_in_dim3A_2254], %get3A_2249 : memref<128x16xf32, #tpu.memory_space<vmem>>[vector<16xi32>, vector<16xi32>], vector<16xf32>,
      %get3A_2259 = arith.constant 1 : i32
      %get3A_2260 = arith.constant 7 : i32
      %get3A_2261 = arith.index_cast %select_n3A_215 : i32 to index
      %get3A_2262 = arith.index_cast %get3A_2259 : i32 to index
      %get3A_2263 = arith.index_cast %get3A_2260 : i32 to index
      %get3A_2264 = arith.constant 48 : index
      %get3A_2265 = tpu.vector_load %arg6[%get3A_2261, %get3A_2262, %get3A_2263, %get3A_2264] {strides = array<i32>} : memref<2x2x8x128xf32, #tpu.memory_space<vmem>>, vector<16xf32>,
      %add3A_2266 = arith.constant 48 : i32
      %add3A_2267 = vector.broadcast %add3A_2266 : i32 to vector<16xi32>
      %add3A_2268 = arith.addi %iota3A, %add3A_2267 : vector<16xi32>
      %broadcast_in_dim3A_2269 = arith.constant 15 : i32
      %broadcast_in_dim3A_2270 = vector.broadcast %broadcast_in_dim3A_2269 : i32 to vector<16xi32>
      %scatter3A_2271 = arith.constant 0 : i32
      %scatter3A_2272 = arith.constant 0 : i32
      %scatter3A_2273 = tpu.memref_slice %arg8[%select_n3A_215, %scatter3A_2271, %scatter3A_2272] : memref<2x128x16xf32, #tpu.memory_space<vmem>> -> memref<1x128x16xf32, #tpu.memory_space<vmem>>
      %scatter3A_2274 = tpu.memref_squeeze %scatter3A_2273 : memref<1x128x16xf32, #tpu.memory_space<vmem>> -> memref<128x16xf32, #tpu.memory_space<vmem>>
      tpu.vector_store_idx %scatter3A_2274[%add3A_2268, %broadcast_in_dim3A_2270], %get3A_2265 : memref<128x16xf32, #tpu.memory_space<vmem>>[vector<16xi32>, vector<16xi32>], vector<16xf32>,
      %get3A_2275 = arith.constant 1 : i32
      %get3A_2276 = arith.constant 7 : i32
      %get3A_2277 = arith.index_cast %select_n3A_215 : i32 to index
      %get3A_2278 = arith.index_cast %get3A_2275 : i32 to index
      %get3A_2279 = arith.index_cast %get3A_2276 : i32 to index
      %get3A_2280 = arith.constant 64 : index
      %get3A_2281 = tpu.vector_load %arg6[%get3A_2277, %get3A_2278, %get3A_2279, %get3A_2280] {strides = array<i32>} : memref<2x2x8x128xf32, #tpu.memory_space<vmem>>, vector<16xf32>,
      %add3A_2282 = arith.constant 64 : i32
      %add3A_2283 = vector.broadcast %add3A_2282 : i32 to vector<16xi32>
      %add3A_2284 = arith.addi %iota3A, %add3A_2283 : vector<16xi32>
      %broadcast_in_dim3A_2285 = arith.constant 15 : i32
      %broadcast_in_dim3A_2286 = vector.broadcast %broadcast_in_dim3A_2285 : i32 to vector<16xi32>
      %scatter3A_2287 = arith.constant 0 : i32
      %scatter3A_2288 = arith.constant 0 : i32
      %scatter3A_2289 = tpu.memref_slice %arg8[%select_n3A_215, %scatter3A_2287, %scatter3A_2288] : memref<2x128x16xf32, #tpu.memory_space<vmem>> -> memref<1x128x16xf32, #tpu.memory_space<vmem>>
      %scatter3A_2290 = tpu.memref_squeeze %scatter3A_2289 : memref<1x128x16xf32, #tpu.memory_space<vmem>> -> memref<128x16xf32, #tpu.memory_space<vmem>>
      tpu.vector_store_idx %scatter3A_2290[%add3A_2284, %broadcast_in_dim3A_2286], %get3A_2281 : memref<128x16xf32, #tpu.memory_space<vmem>>[vector<16xi32>, vector<16xi32>], vector<16xf32>,
      %get3A_2291 = arith.constant 1 : i32
      %get3A_2292 = arith.constant 7 : i32
      %get3A_2293 = arith.index_cast %select_n3A_215 : i32 to index
      %get3A_2294 = arith.index_cast %get3A_2291 : i32 to index
      %get3A_2295 = arith.index_cast %get3A_2292 : i32 to index
      %get3A_2296 = arith.constant 80 : index
      %get3A_2297 = tpu.vector_load %arg6[%get3A_2293, %get3A_2294, %get3A_2295, %get3A_2296] {strides = array<i32>} : memref<2x2x8x128xf32, #tpu.memory_space<vmem>>, vector<16xf32>,
      %add3A_2298 = arith.constant 80 : i32
      %add3A_2299 = vector.broadcast %add3A_2298 : i32 to vector<16xi32>
      %add3A_2300 = arith.addi %iota3A, %add3A_2299 : vector<16xi32>
      %broadcast_in_dim3A_2301 = arith.constant 15 : i32
      %broadcast_in_dim3A_2302 = vector.broadcast %broadcast_in_dim3A_2301 : i32 to vector<16xi32>
      %scatter3A_2303 = arith.constant 0 : i32
      %scatter3A_2304 = arith.constant 0 : i32
      %scatter3A_2305 = tpu.memref_slice %arg8[%select_n3A_215, %scatter3A_2303, %scatter3A_2304] : memref<2x128x16xf32, #tpu.memory_space<vmem>> -> memref<1x128x16xf32, #tpu.memory_space<vmem>>
      %scatter3A_2306 = tpu.memref_squeeze %scatter3A_2305 : memref<1x128x16xf32, #tpu.memory_space<vmem>> -> memref<128x16xf32, #tpu.memory_space<vmem>>
      tpu.vector_store_idx %scatter3A_2306[%add3A_2300, %broadcast_in_dim3A_2302], %get3A_2297 : memref<128x16xf32, #tpu.memory_space<vmem>>[vector<16xi32>, vector<16xi32>], vector<16xf32>,
      %get3A_2307 = arith.constant 1 : i32
      %get3A_2308 = arith.constant 7 : i32
      %get3A_2309 = arith.index_cast %select_n3A_215 : i32 to index
      %get3A_2310 = arith.index_cast %get3A_2307 : i32 to index
      %get3A_2311 = arith.index_cast %get3A_2308 : i32 to index
      %get3A_2312 = arith.constant 96 : index
      %get3A_2313 = tpu.vector_load %arg6[%get3A_2309, %get3A_2310, %get3A_2311, %get3A_2312] {strides = array<i32>} : memref<2x2x8x128xf32, #tpu.memory_space<vmem>>, vector<16xf32>,
      %add3A_2314 = arith.constant 96 : i32
      %add3A_2315 = vector.broadcast %add3A_2314 : i32 to vector<16xi32>
      %add3A_2316 = arith.addi %iota3A, %add3A_2315 : vector<16xi32>
      %broadcast_in_dim3A_2317 = arith.constant 15 : i32
      %broadcast_in_dim3A_2318 = vector.broadcast %broadcast_in_dim3A_2317 : i32 to vector<16xi32>
      %scatter3A_2319 = arith.constant 0 : i32
      %scatter3A_2320 = arith.constant 0 : i32
      %scatter3A_2321 = tpu.memref_slice %arg8[%select_n3A_215, %scatter3A_2319, %scatter3A_2320] : memref<2x128x16xf32, #tpu.memory_space<vmem>> -> memref<1x128x16xf32, #tpu.memory_space<vmem>>
      %scatter3A_2322 = tpu.memref_squeeze %scatter3A_2321 : memref<1x128x16xf32, #tpu.memory_space<vmem>> -> memref<128x16xf32, #tpu.memory_space<vmem>>
      tpu.vector_store_idx %scatter3A_2322[%add3A_2316, %broadcast_in_dim3A_2318], %get3A_2313 : memref<128x16xf32, #tpu.memory_space<vmem>>[vector<16xi32>, vector<16xi32>], vector<16xf32>,
      %get3A_2323 = arith.constant 1 : i32
      %get3A_2324 = arith.constant 7 : i32
      %get3A_2325 = arith.index_cast %select_n3A_215 : i32 to index
      %get3A_2326 = arith.index_cast %get3A_2323 : i32 to index
      %get3A_2327 = arith.index_cast %get3A_2324 : i32 to index
      %get3A_2328 = arith.constant 112 : index
      %get3A_2329 = tpu.vector_load %arg6[%get3A_2325, %get3A_2326, %get3A_2327, %get3A_2328] {strides = array<i32>} : memref<2x2x8x128xf32, #tpu.memory_space<vmem>>, vector<16xf32>,
      %add3A_2330 = arith.constant 112 : i32
      %add3A_2331 = vector.broadcast %add3A_2330 : i32 to vector<16xi32>
      %add3A_2332 = arith.addi %iota3A, %add3A_2331 : vector<16xi32>
      %broadcast_in_dim3A_2333 = arith.constant 15 : i32
      %broadcast_in_dim3A_2334 = vector.broadcast %broadcast_in_dim3A_2333 : i32 to vector<16xi32>
      %scatter3A_2335 = arith.constant 0 : i32
      %scatter3A_2336 = arith.constant 0 : i32
      %scatter3A_2337 = tpu.memref_slice %arg8[%select_n3A_215, %scatter3A_2335, %scatter3A_2336] : memref<2x128x16xf32, #tpu.memory_space<vmem>> -> memref<1x128x16xf32, #tpu.memory_space<vmem>>
      %scatter3A_2338 = tpu.memref_squeeze %scatter3A_2337 : memref<1x128x16xf32, #tpu.memory_space<vmem>> -> memref<128x16xf32, #tpu.memory_space<vmem>>
      tpu.vector_store_idx %scatter3A_2338[%add3A_2332, %broadcast_in_dim3A_2334], %get3A_2329 : memref<128x16xf32, #tpu.memory_space<vmem>>[vector<16xi32>, vector<16xi32>], vector<16xf32>,
      %get3A_2339 = arith.constant 0 : i32
      %get3A_2340 = arith.index_cast %select_n3A_232 : i32 to index
      %get3A_2341 = arith.index_cast %get3A_2339 : i32 to index
      %get3A_2342 = arith.constant 0 : index
      %get3A_2343 = tpu.vector_load %arg7[%get3A_2340, %get3A_2341, %get3A_2342] {strides = array<i32>} : memref<3x1x128xi32, #tpu.memory_space<vmem>>, vector<16xi32>,
      tpu.vector_store_idx %arg10[%get3A_2343], %broadcast_in_dim3A_139 {add = true} : memref<51200xf32, #tpu.memory_space<vmem>>[vector<16xi32>], vector<16xf32>,
      %get3A_2344 = arith.constant 0 : i32
      %get3A_2345 = arith.index_cast %select_n3A_232 : i32 to index
      %get3A_2346 = arith.index_cast %get3A_2344 : i32 to index
      %get3A_2347 = arith.constant 16 : index
      %get3A_2348 = tpu.vector_load %arg7[%get3A_2345, %get3A_2346, %get3A_2347] {strides = array<i32>} : memref<3x1x128xi32, #tpu.memory_space<vmem>>, vector<16xi32>,
      tpu.vector_store_idx %arg10[%get3A_2348], %broadcast_in_dim3A_139 {add = true} : memref<51200xf32, #tpu.memory_space<vmem>>[vector<16xi32>], vector<16xf32>,
      %get3A_2349 = arith.constant 0 : i32
      %get3A_2350 = arith.index_cast %select_n3A_232 : i32 to index
      %get3A_2351 = arith.index_cast %get3A_2349 : i32 to index
      %get3A_2352 = arith.constant 32 : index
      %get3A_2353 = tpu.vector_load %arg7[%get3A_2350, %get3A_2351, %get3A_2352] {strides = array<i32>} : memref<3x1x128xi32, #tpu.memory_space<vmem>>, vector<16xi32>,
      tpu.vector_store_idx %arg10[%get3A_2353], %broadcast_in_dim3A_139 {add = true} : memref<51200xf32, #tpu.memory_space<vmem>>[vector<16xi32>], vector<16xf32>,
      %get3A_2354 = arith.constant 0 : i32
      %get3A_2355 = arith.index_cast %select_n3A_232 : i32 to index
      %get3A_2356 = arith.index_cast %get3A_2354 : i32 to index
      %get3A_2357 = arith.constant 48 : index
      %get3A_2358 = tpu.vector_load %arg7[%get3A_2355, %get3A_2356, %get3A_2357] {strides = array<i32>} : memref<3x1x128xi32, #tpu.memory_space<vmem>>, vector<16xi32>,
      tpu.vector_store_idx %arg10[%get3A_2358], %broadcast_in_dim3A_139 {add = true} : memref<51200xf32, #tpu.memory_space<vmem>>[vector<16xi32>], vector<16xf32>,
      %get3A_2359 = arith.constant 0 : i32
      %get3A_2360 = arith.index_cast %select_n3A_232 : i32 to index
      %get3A_2361 = arith.index_cast %get3A_2359 : i32 to index
      %get3A_2362 = arith.constant 64 : index
      %get3A_2363 = tpu.vector_load %arg7[%get3A_2360, %get3A_2361, %get3A_2362] {strides = array<i32>} : memref<3x1x128xi32, #tpu.memory_space<vmem>>, vector<16xi32>,
      tpu.vector_store_idx %arg10[%get3A_2363], %broadcast_in_dim3A_139 {add = true} : memref<51200xf32, #tpu.memory_space<vmem>>[vector<16xi32>], vector<16xf32>,
      %get3A_2364 = arith.constant 0 : i32
      %get3A_2365 = arith.index_cast %select_n3A_232 : i32 to index
      %get3A_2366 = arith.index_cast %get3A_2364 : i32 to index
      %get3A_2367 = arith.constant 80 : index
      %get3A_2368 = tpu.vector_load %arg7[%get3A_2365, %get3A_2366, %get3A_2367] {strides = array<i32>} : memref<3x1x128xi32, #tpu.memory_space<vmem>>, vector<16xi32>,
      tpu.vector_store_idx %arg10[%get3A_2368], %broadcast_in_dim3A_139 {add = true} : memref<51200xf32, #tpu.memory_space<vmem>>[vector<16xi32>], vector<16xf32>,
      %get3A_2369 = arith.constant 0 : i32
      %get3A_2370 = arith.index_cast %select_n3A_232 : i32 to index
      %get3A_2371 = arith.index_cast %get3A_2369 : i32 to index
      %get3A_2372 = arith.constant 96 : index
      %get3A_2373 = tpu.vector_load %arg7[%get3A_2370, %get3A_2371, %get3A_2372] {strides = array<i32>} : memref<3x1x128xi32, #tpu.memory_space<vmem>>, vector<16xi32>,
      tpu.vector_store_idx %arg10[%get3A_2373], %broadcast_in_dim3A_139 {add = true} : memref<51200xf32, #tpu.memory_space<vmem>>[vector<16xi32>], vector<16xf32>,
      %get3A_2374 = arith.constant 0 : i32
      %get3A_2375 = arith.index_cast %select_n3A_232 : i32 to index
      %get3A_2376 = arith.index_cast %get3A_2374 : i32 to index
      %get3A_2377 = arith.constant 112 : index
      %get3A_2378 = tpu.vector_load %arg7[%get3A_2375, %get3A_2376, %get3A_2377] {strides = array<i32>} : memref<3x1x128xi32, #tpu.memory_space<vmem>>, vector<16xi32>,
      tpu.vector_store_idx %arg10[%get3A_2378], %broadcast_in_dim3A_139 {add = true} : memref<51200xf32, #tpu.memory_space<vmem>>[vector<16xi32>], vector<16xf32>,
      %gt3A = arith.cmpi sgt, %while3A_197, %select_n3A : i32
      %convert_element_type3A_2379 = arith.extui %gt3A : i1 to i32
      %cond3A_2380 = arith.constant 0 : i32
      %cond3A_2381 = arith.cmpi ne, %convert_element_type3A_2379, %cond3A_2380 : i32
      scf.if %cond3A_2381 {
        %sub3A_2396 = arith.constant 1 : i32
        %sub3A_2397 = arith.subi %while3A_197, %sub3A_2396 : i32
        %sub3A_2398 = arith.subi %sub3A_2397, %select_n3A : i32
        %jit3A_2399 = arith.constant 2 : i32
        %eq3A_2400 = arith.constant 0 : i32
        %eq3A_2401 = arith.cmpi eq, %jit3A_2399, %eq3A_2400 : i32
        %jit3A_2402 = arith.constant 1 : i32
        %select_n3A_2403 = arith.select %eq3A_2401, %jit3A_2402, %jit3A_2399 : i32
        %rem3A_2404 = arith.remsi %sub3A_2398, %select_n3A_2403 : i32
        %ne3A_2405 = arith.constant 0 : i32
        %ne3A_2406 = arith.cmpi ne, %rem3A_2404, %ne3A_2405 : i32
        %lt3A_2407 = arith.constant 0 : i32
        %lt3A_2408 = arith.cmpi slt, %rem3A_2404, %lt3A_2407 : i32
        %lt3A_2409 = arith.constant 0 : i32
        %lt3A_2410 = arith.cmpi slt, %select_n3A_2403, %lt3A_2409 : i32
        %ne3A_2411 = arith.xori %lt3A_2408, %lt3A_2410 : i1
        %and3A_2412 = arith.andi %ne3A_2411, %ne3A_2406 : i1
        %add3A_2413 = arith.addi %rem3A_2404, %select_n3A_2403 : i32
        %select_n3A_2414 = arith.select %and3A_2412, %add3A_2413, %rem3A_2404 : i32
        %sub3A_2415 = arith.subi %sub3A_2397, %select_n3A : i32
        %jit3A_2416 = arith.constant 3 : i32
        %eq3A_2417 = arith.constant 0 : i32
        %eq3A_2418 = arith.cmpi eq, %jit3A_2416, %eq3A_2417 : i32
        %jit3A_2419 = arith.constant 1 : i32
        %select_n3A_2420 = arith.select %eq3A_2418, %jit3A_2419, %jit3A_2416 : i32
        %rem3A_2421 = arith.remsi %sub3A_2415, %select_n3A_2420 : i32
        %ne3A_2422 = arith.constant 0 : i32
        %ne3A_2423 = arith.cmpi ne, %rem3A_2421, %ne3A_2422 : i32
        %lt3A_2424 = arith.constant 0 : i32
        %lt3A_2425 = arith.cmpi slt, %rem3A_2421, %lt3A_2424 : i32
        %lt3A_2426 = arith.constant 0 : i32
        %lt3A_2427 = arith.cmpi slt, %select_n3A_2420, %lt3A_2426 : i32
        %ne3A_2428 = arith.xori %lt3A_2425, %lt3A_2427 : i1
        %and3A_2429 = arith.andi %ne3A_2428, %ne3A_2423 : i1
        %add3A_2430 = arith.addi %rem3A_2421, %select_n3A_2420 : i32
        %select_n3A_2431 = arith.select %and3A_2429, %add3A_2430, %rem3A_2421 : i32
        %dma_wait3A_2432 = arith.constant 0 : i32
        %dma_wait3A_2433 = arith.constant 0 : i32
        %dma_wait3A_2434 = arith.constant 0 : i32
        %dma_wait3A_2435 = tpu.memref_slice %arg8[%select_n3A_2414, %dma_wait3A_2433, %dma_wait3A_2434] : memref<2x128x16xf32, #tpu.memory_space<vmem>> -> memref<1x128x16xf32, #tpu.memory_space<vmem>>
        %dma_wait3A_2436 = tpu.memref_squeeze %dma_wait3A_2435 : memref<1x128x16xf32, #tpu.memory_space<vmem>> -> memref<128x16xf32, #tpu.memory_space<vmem>>
        %dma_wait3A_2437 = arith.constant 0 : i32
        %dma_wait3A_2438 = tpu.memref_slice %arg7[%select_n3A_2431, %dma_wait3A_2432, %dma_wait3A_2437] : memref<3x1x128xi32, #tpu.memory_space<vmem>> -> memref<1x1x128xi32, #tpu.memory_space<vmem>>
        %dma_wait3A_2439 = tpu.memref_squeeze %dma_wait3A_2438 : memref<1x1x128xi32, #tpu.memory_space<vmem>> -> memref<128xi32, #tpu.memory_space<vmem>>
        %dma_wait3A_2440 = arith.constant 0 : i32
        %dma_wait3A_2441 = arith.constant 0 : i32
        %dma_wait3A_2442 = tpu.memref_slice %arg11[%dma_wait3A_2440, %dma_wait3A_2441] : memref<51200x16xf32, #tpu.memory_space<vmem_shared>> -> memref<51200x16xf32, #tpu.memory_space<vmem_shared>>
        %dma_wait3A_2443 = tpu.memref_slice %arg13[%select_n3A_2414] : memref<2x!tpu.dma_semaphore, #tpu.memory_space<semaphore_mem>> -> memref<1x!tpu.dma_semaphore, #tpu.memory_space<semaphore_mem>>
        %dma_wait3A_2444 = tpu.memref_squeeze %dma_wait3A_2443 : memref<1x!tpu.dma_semaphore, #tpu.memory_space<semaphore_mem>> -> memref<!tpu.dma_semaphore, #tpu.memory_space<semaphore_mem>>
        tpu.wait_indirect_dma semaphore(%dma_wait3A_2444 : memref<!tpu.dma_semaphore, #tpu.memory_space<semaphore_mem>>) src(%dma_wait3A_2436 : memref<128x16xf32, #tpu.memory_space<vmem>>) dst(%dma_wait3A_2442 : memref<51200x16xf32, #tpu.memory_space<vmem_shared>>)
      } else {
      }
      %dma_start3A_2382 = arith.constant 0 : i32
      %dma_start3A_2383 = arith.constant 0 : i32
      %dma_start3A_2384 = arith.constant 0 : i32
      %dma_start3A_2385 = tpu.memref_slice %arg8[%select_n3A_215, %dma_start3A_2383, %dma_start3A_2384] : memref<2x128x16xf32, #tpu.memory_space<vmem>> -> memref<1x128x16xf32, #tpu.memory_space<vmem>>
      %dma_start3A_2386 = tpu.memref_squeeze %dma_start3A_2385 : memref<1x128x16xf32, #tpu.memory_space<vmem>> -> memref<128x16xf32, #tpu.memory_space<vmem>>
      %dma_start3A_2387 = arith.constant 0 : i32
      %dma_start3A_2388 = tpu.memref_slice %arg7[%select_n3A_232, %dma_start3A_2382, %dma_start3A_2387] : memref<3x1x128xi32, #tpu.memory_space<vmem>> -> memref<1x1x128xi32, #tpu.memory_space<vmem>>
      %dma_start3A_2389 = tpu.memref_squeeze %dma_start3A_2388 : memref<1x1x128xi32, #tpu.memory_space<vmem>> -> memref<128xi32, #tpu.memory_space<vmem>>
      %dma_start3A_2390 = arith.constant 0 : i32
      %dma_start3A_2391 = arith.constant 0 : i32
      %dma_start3A_2392 = tpu.memref_slice %arg11[%dma_start3A_2390, %dma_start3A_2391] : memref<51200x16xf32, #tpu.memory_space<vmem_shared>> -> memref<51200x16xf32, #tpu.memory_space<vmem_shared>>
      %dma_start3A_2393 = tpu.memref_slice %arg13[%select_n3A_215] : memref<2x!tpu.dma_semaphore, #tpu.memory_space<semaphore_mem>> -> memref<1x!tpu.dma_semaphore, #tpu.memory_space<semaphore_mem>>
      %dma_start3A_2394 = tpu.memref_squeeze %dma_start3A_2393 : memref<1x!tpu.dma_semaphore, #tpu.memory_space<semaphore_mem>> -> memref<!tpu.dma_semaphore, #tpu.memory_space<semaphore_mem>>
      tpu.enqueue_indirect_dma source(%dma_start3A_2386 : memref<128x16xf32, #tpu.memory_space<vmem>>) target(%dma_start3A_2392 : memref<51200x16xf32, #tpu.memory_space<vmem_shared>>) offsets(%dma_start3A_2389 : memref<128xi32, #tpu.memory_space<vmem>>) semaphore(%dma_start3A_2394 : memref<!tpu.dma_semaphore, #tpu.memory_space<semaphore_mem>>) {add = true}
      %while3A_2395 = arith.constant 0 : i32
      scf.yield %while3A_2395 : i32
    }
    %while3A_148 = arith.constant 1 : i32
    %while3A_149 = scf.for %while3A_197 = %while3A_145 to %while3A_141 step %while3A_148 iter_args(%while3A_198 = %while3A_147) -> (i32)  : i32 {
      %sub3A_199 = arith.subi %while3A_197, %select_n3A : i32
      %jit3A_200 = arith.constant 2 : i32
      %eq3A_201 = arith.constant 0 : i32
      %eq3A_202 = arith.cmpi eq, %jit3A_200, %eq3A_201 : i32
      %jit3A_203 = arith.constant 1 : i32
      %select_n3A_204 = arith.select %eq3A_202, %jit3A_203, %jit3A_200 : i32
      %rem3A_205 = arith.remsi %sub3A_199, %select_n3A_204 : i32
      %ne3A_206 = arith.constant 0 : i32
      %ne3A_207 = arith.cmpi ne, %rem3A_205, %ne3A_206 : i32
      %lt3A_208 = arith.constant 0 : i32
      %lt3A_209 = arith.cmpi slt, %rem3A_205, %lt3A_208 : i32
      %lt3A_210 = arith.constant 0 : i32
      %lt3A_211 = arith.cmpi slt, %select_n3A_204, %lt3A_210 : i32
      %ne3A_212 = arith.xori %lt3A_209, %lt3A_211 : i1
      %and3A_213 = arith.andi %ne3A_212, %ne3A_207 : i1
      %add3A_214 = arith.addi %rem3A_205, %select_n3A_204 : i32
      %select_n3A_215 = arith.select %and3A_213, %add3A_214, %rem3A_205 : i32
      %sub3A_216 = arith.subi %while3A_197, %select_n3A : i32
      %jit3A_217 = arith.constant 3 : i32
      %eq3A_218 = arith.constant 0 : i32
      %eq3A_219 = arith.cmpi eq, %jit3A_217, %eq3A_218 : i32
      %jit3A_220 = arith.constant 1 : i32
      %select_n3A_221 = arith.select %eq3A_219, %jit3A_220, %jit3A_217 : i32
      %rem3A_222 = arith.remsi %sub3A_216, %select_n3A_221 : i32
      %ne3A_223 = arith.constant 0 : i32
      %ne3A_224 = arith.cmpi ne, %rem3A_222, %ne3A_223 : i32
      %lt3A_225 = arith.constant 0 : i32
      %lt3A_226 = arith.cmpi slt, %rem3A_222, %lt3A_225 : i32
      %lt3A_227 = arith.constant 0 : i32
      %lt3A_228 = arith.cmpi slt, %select_n3A_221, %lt3A_227 : i32
      %ne3A_229 = arith.xori %lt3A_226, %lt3A_228 : i1
      %and3A_230 = arith.andi %ne3A_229, %ne3A_224 : i1
      %add3A_231 = arith.addi %rem3A_222, %select_n3A_221 : i32
      %select_n3A_232 = arith.select %and3A_230, %add3A_231, %rem3A_222 : i32
      %dma_wait3A_233 = arith.constant 0 : i32
      %dma_wait3A_234 = arith.constant 0 : i32
      %dma_wait3A_235 = arith.constant 0 : i32
      %dma_wait3A_236 = arith.constant 0 : i32
      %dma_wait3A_237 = tpu.memref_slice %arg6[%select_n3A_215, %dma_wait3A_234, %dma_wait3A_235, %dma_wait3A_236] : memref<2x2x8x128xf32, #tpu.memory_space<vmem>> -> memref<1x1x8x128xf32, #tpu.memory_space<vmem>>
      %dma_wait3A_238 = tpu.memref_squeeze %dma_wait3A_237 : memref<1x1x8x128xf32, #tpu.memory_space<vmem>> -> memref<8x128xf32, #tpu.memory_space<vmem>>
      %dma_wait3A_239 = arith.constant 0 : i32
      %dma_wait3A_240 = arith.constant 0 : i32
      %dma_wait3A_241 = tpu.memref_slice %arg2[%dma_wait3A_233, %while3A_197, %dma_wait3A_239, %dma_wait3A_240] : memref<2x6250x8x128xf32, #tpu.memory_space<hbm>> -> memref<1x1x8x128xf32, #tpu.memory_space<hbm>>
      %dma_wait3A_242 = tpu.memref_squeeze %dma_wait3A_241 : memref<1x1x8x128xf32, #tpu.memory_space<hbm>> -> memref<8x128xf32, #tpu.memory_space<hbm>>
      %dma_wait3A_243 = tpu.memref_slice %arg12[%select_n3A_215] : memref<2x!tpu.dma_semaphore, #tpu.memory_space<semaphore_mem>> -> memref<1x!tpu.dma_semaphore, #tpu.memory_space<semaphore_mem>>
      %dma_wait3A_244 = tpu.memref_squeeze %dma_wait3A_243 : memref<1x!tpu.dma_semaphore, #tpu.memory_space<semaphore_mem>> -> memref<!tpu.dma_semaphore, #tpu.memory_space<semaphore_mem>>
      %dma_wait3A_245 = arith.constant 0 : i32
      %dma_wait3A_246 = arith.constant 0 : i32
      %dma_wait3A_247 = tpu.memref_slice %arg6[%select_n3A_215, %dma_wait3A_234, %dma_wait3A_245, %dma_wait3A_246] : memref<2x2x8x128xf32, #tpu.memory_space<vmem>> -> memref<1x1x8x128xf32, #tpu.memory_space<vmem>>
      %dma_wait3A_248 = tpu.memref_squeeze %dma_wait3A_247 : memref<1x1x8x128xf32, #tpu.memory_space<vmem>> -> memref<8x128xf32, #tpu.memory_space<vmem>>
      %dma_wait3A_249 = arith.constant 0 : i32
      %dma_wait3A_250 = arith.constant 0 : i32
      %dma_wait3A_251 = tpu.memref_slice %arg2[%dma_wait3A_233, %while3A_197, %dma_wait3A_249, %dma_wait3A_250] : memref<2x6250x8x128xf32, #tpu.memory_space<hbm>> -> memref<1x1x8x128xf32, #tpu.memory_space<hbm>>
      %dma_wait3A_252 = tpu.memref_squeeze %dma_wait3A_251 : memref<1x1x8x128xf32, #tpu.memory_space<hbm>> -> memref<8x128xf32, #tpu.memory_space<hbm>>
      tpu.wait_dma2 semaphore(%dma_wait3A_244 : memref<!tpu.dma_semaphore, #tpu.memory_space<semaphore_mem>>) src(%dma_wait3A_252 : memref<8x128xf32, #tpu.memory_space<hbm>>) dst(%dma_wait3A_248 : memref<8x128xf32, #tpu.memory_space<vmem>>)
      %dma_wait3A_253 = arith.constant 1 : i32
      %dma_wait3A_254 = arith.constant 1 : i32
      %dma_wait3A_255 = arith.constant 0 : i32
      %dma_wait3A_256 = arith.constant 0 : i32
      %dma_wait3A_257 = tpu.memref_slice %arg6[%select_n3A_215, %dma_wait3A_254, %dma_wait3A_255, %dma_wait3A_256] : memref<2x2x8x128xf32, #tpu.memory_space<vmem>> -> memref<1x1x8x128xf32, #tpu.memory_space<vmem>>
      %dma_wait3A_258 = tpu.memref_squeeze %dma_wait3A_257 : memref<1x1x8x128xf32, #tpu.memory_space<vmem>> -> memref<8x128xf32, #tpu.memory_space<vmem>>
      %dma_wait3A_259 = arith.constant 0 : i32
      %dma_wait3A_260 = arith.constant 0 : i32
      %dma_wait3A_261 = tpu.memref_slice %arg2[%dma_wait3A_253, %while3A_197, %dma_wait3A_259, %dma_wait3A_260] : memref<2x6250x8x128xf32, #tpu.memory_space<hbm>> -> memref<1x1x8x128xf32, #tpu.memory_space<hbm>>
      %dma_wait3A_262 = tpu.memref_squeeze %dma_wait3A_261 : memref<1x1x8x128xf32, #tpu.memory_space<hbm>> -> memref<8x128xf32, #tpu.memory_space<hbm>>
      %dma_wait3A_263 = tpu.memref_slice %arg12[%select_n3A_215] : memref<2x!tpu.dma_semaphore, #tpu.memory_space<semaphore_mem>> -> memref<1x!tpu.dma_semaphore, #tpu.memory_space<semaphore_mem>>
      %dma_wait3A_264 = tpu.memref_squeeze %dma_wait3A_263 : memref<1x!tpu.dma_semaphore, #tpu.memory_space<semaphore_mem>> -> memref<!tpu.dma_semaphore, #tpu.memory_space<semaphore_mem>>
      %dma_wait3A_265 = arith.constant 0 : i32
      %dma_wait3A_266 = arith.constant 0 : i32
      %dma_wait3A_267 = tpu.memref_slice %arg6[%select_n3A_215, %dma_wait3A_254, %dma_wait3A_265, %dma_wait3A_266] : memref<2x2x8x128xf32, #tpu.memory_space<vmem>> -> memref<1x1x8x128xf32, #tpu.memory_space<vmem>>
      %dma_wait3A_268 = tpu.memref_squeeze %dma_wait3A_267 : memref<1x1x8x128xf32, #tpu.memory_space<vmem>> -> memref<8x128xf32, #tpu.memory_space<vmem>>
      %dma_wait3A_269 = arith.constant 0 : i32
      %dma_wait3A_270 = arith.constant 0 : i32
      %dma_wait3A_271 = tpu.memref_slice %arg2[%dma_wait3A_253, %while3A_197, %dma_wait3A_269, %dma_wait3A_270] : memref<2x6250x8x128xf32, #tpu.memory_space<hbm>> -> memref<1x1x8x128xf32, #tpu.memory_space<hbm>>
      %dma_wait3A_272 = tpu.memref_squeeze %dma_wait3A_271 : memref<1x1x8x128xf32, #tpu.memory_space<hbm>> -> memref<8x128xf32, #tpu.memory_space<hbm>>
      tpu.wait_dma2 semaphore(%dma_wait3A_264 : memref<!tpu.dma_semaphore, #tpu.memory_space<semaphore_mem>>) src(%dma_wait3A_272 : memref<8x128xf32, #tpu.memory_space<hbm>>) dst(%dma_wait3A_268 : memref<8x128xf32, #tpu.memory_space<vmem>>)
      %dma_wait3A_273 = arith.constant 1 : i32
      %dma_wait3A_274 = arith.constant 0 : i32
      %dma_wait3A_275 = arith.constant 0 : i32
      %dma_wait3A_276 = tpu.memref_slice %arg7[%select_n3A_232, %dma_wait3A_274, %dma_wait3A_275] : memref<3x1x128xi32, #tpu.memory_space<vmem>> -> memref<1x1x128xi32, #tpu.memory_space<vmem>>
      %dma_wait3A_277 = tpu.memref_squeeze %dma_wait3A_276 : memref<1x1x128xi32, #tpu.memory_space<vmem>> -> memref<128xi32, #tpu.memory_space<vmem>>
      %dma_wait3A_278 = arith.constant 0 : i32
      %dma_wait3A_279 = tpu.memref_slice %arg3[%while3A_197, %dma_wait3A_273, %dma_wait3A_278] : memref<6250x2x128xi32, #tpu.memory_space<hbm>> -> memref<1x1x128xi32, #tpu.memory_space<hbm>>
      %dma_wait3A_280 = tpu.memref_squeeze %dma_wait3A_279 : memref<1x1x128xi32, #tpu.memory_space<hbm>> -> memref<128xi32, #tpu.memory_space<hbm>>
      %dma_wait3A_281 = tpu.memref_slice %arg12[%select_n3A_215] : memref<2x!tpu.dma_semaphore, #tpu.memory_space<semaphore_mem>> -> memref<1x!tpu.dma_semaphore, #tpu.memory_space<semaphore_mem>>
      %dma_wait3A_282 = tpu.memref_squeeze %dma_wait3A_281 : memref<1x!tpu.dma_semaphore, #tpu.memory_space<semaphore_mem>> -> memref<!tpu.dma_semaphore, #tpu.memory_space<semaphore_mem>>
      %dma_wait3A_283 = arith.constant 0 : i32
      %dma_wait3A_284 = tpu.memref_slice %arg7[%select_n3A_232, %dma_wait3A_274, %dma_wait3A_283] : memref<3x1x128xi32, #tpu.memory_space<vmem>> -> memref<1x1x128xi32, #tpu.memory_space<vmem>>
      %dma_wait3A_285 = tpu.memref_squeeze %dma_wait3A_284 : memref<1x1x128xi32, #tpu.memory_space<vmem>> -> memref<128xi32, #tpu.memory_space<vmem>>
      %dma_wait3A_286 = arith.constant 0 : i32
      %dma_wait3A_287 = tpu.memref_slice %arg3[%while3A_197, %dma_wait3A_273, %dma_wait3A_286] : memref<6250x2x128xi32, #tpu.memory_space<hbm>> -> memref<1x1x128xi32, #tpu.memory_space<hbm>>
      %dma_wait3A_288 = tpu.memref_squeeze %dma_wait3A_287 : memref<1x1x128xi32, #tpu.memory_space<hbm>> -> memref<128xi32, #tpu.memory_space<hbm>>
      tpu.wait_dma2 semaphore(%dma_wait3A_282 : memref<!tpu.dma_semaphore, #tpu.memory_space<semaphore_mem>>) src(%dma_wait3A_288 : memref<128xi32, #tpu.memory_space<hbm>>) dst(%dma_wait3A_285 : memref<128xi32, #tpu.memory_space<vmem>>)
      %add3A_289 = arith.constant 1 : i32
      %add3A_290 = arith.addi %while3A_197, %add3A_289 : i32
      %lt3A_291 = arith.cmpi slt, %add3A_290, %select_n3A_77 : i32
      %convert_element_type3A = arith.extui %lt3A_291 : i1 to i32
      %cond3A = arith.constant 0 : i32
      %cond3A_292 = arith.cmpi ne, %convert_element_type3A, %cond3A : i32
      scf.if %cond3A_292 {
        %add3A_2396 = arith.constant 1 : i32
        %add3A_2397 = arith.addi %while3A_197, %add3A_2396 : i32
        %sub3A_2398 = arith.constant 1 : i32
        %sub3A_2399 = arith.subi %sub3A_2398, %select_n3A_215 : i32
        %add3A_2400 = arith.constant 1 : i32
        %add3A_2401 = arith.addi %while3A_197, %add3A_2400 : i32
        %sub3A_2402 = arith.subi %add3A_2401, %select_n3A : i32
        %jit3A_2403 = arith.constant 3 : i32
        %eq3A_2404 = arith.constant 0 : i32
        %eq3A_2405 = arith.cmpi eq, %jit3A_2403, %eq3A_2404 : i32
        %jit3A_2406 = arith.constant 1 : i32
        %select_n3A_2407 = arith.select %eq3A_2405, %jit3A_2406, %jit3A_2403 : i32
        %rem3A_2408 = arith.remsi %sub3A_2402, %select_n3A_2407 : i32
        %ne3A_2409 = arith.constant 0 : i32
        %ne3A_2410 = arith.cmpi ne, %rem3A_2408, %ne3A_2409 : i32
        %lt3A_2411 = arith.constant 0 : i32
        %lt3A_2412 = arith.cmpi slt, %rem3A_2408, %lt3A_2411 : i32
        %lt3A_2413 = arith.constant 0 : i32
        %lt3A_2414 = arith.cmpi slt, %select_n3A_2407, %lt3A_2413 : i32
        %ne3A_2415 = arith.xori %lt3A_2412, %lt3A_2414 : i1
        %and3A_2416 = arith.andi %ne3A_2415, %ne3A_2410 : i1
        %add3A_2417 = arith.addi %rem3A_2408, %select_n3A_2407 : i32
        %select_n3A_2418 = arith.select %and3A_2416, %add3A_2417, %rem3A_2408 : i32
        %dma_start3A_2419 = arith.constant 0 : i32
        %dma_start3A_2420 = arith.constant 0 : i32
        %dma_start3A_2421 = arith.constant 0 : i32
        %dma_start3A_2422 = arith.constant 0 : i32
        %dma_start3A_2423 = tpu.memref_slice %arg6[%sub3A_2399, %dma_start3A_2420, %dma_start3A_2421, %dma_start3A_2422] : memref<2x2x8x128xf32, #tpu.memory_space<vmem>> -> memref<1x1x8x128xf32, #tpu.memory_space<vmem>>
        %dma_start3A_2424 = tpu.memref_squeeze %dma_start3A_2423 : memref<1x1x8x128xf32, #tpu.memory_space<vmem>> -> memref<8x128xf32, #tpu.memory_space<vmem>>
        %dma_start3A_2425 = arith.constant 0 : i32
        %dma_start3A_2426 = arith.constant 0 : i32
        %dma_start3A_2427 = tpu.memref_slice %arg2[%dma_start3A_2419, %add3A_2397, %dma_start3A_2425, %dma_start3A_2426] : memref<2x6250x8x128xf32, #tpu.memory_space<hbm>> -> memref<1x1x8x128xf32, #tpu.memory_space<hbm>>
        %dma_start3A_2428 = tpu.memref_squeeze %dma_start3A_2427 : memref<1x1x8x128xf32, #tpu.memory_space<hbm>> -> memref<8x128xf32, #tpu.memory_space<hbm>>
        %dma_start3A_2429 = tpu.memref_slice %arg12[%sub3A_2399] : memref<2x!tpu.dma_semaphore, #tpu.memory_space<semaphore_mem>> -> memref<1x!tpu.dma_semaphore, #tpu.memory_space<semaphore_mem>>
        %dma_start3A_2430 = tpu.memref_squeeze %dma_start3A_2429 : memref<1x!tpu.dma_semaphore, #tpu.memory_space<semaphore_mem>> -> memref<!tpu.dma_semaphore, #tpu.memory_space<semaphore_mem>>
        %dma_start3A_2431 = arith.constant 0 : i32
        %dma_start3A_2432 = arith.constant 0 : i32
        %dma_start3A_2433 = tpu.memref_slice %arg6[%sub3A_2399, %dma_start3A_2420, %dma_start3A_2431, %dma_start3A_2432] : memref<2x2x8x128xf32, #tpu.memory_space<vmem>> -> memref<1x1x8x128xf32, #tpu.memory_space<vmem>>
        %dma_start3A_2434 = tpu.memref_squeeze %dma_start3A_2433 : memref<1x1x8x128xf32, #tpu.memory_space<vmem>> -> memref<8x128xf32, #tpu.memory_space<vmem>>
        %dma_start3A_2435 = arith.constant 0 : i32
        %dma_start3A_2436 = arith.constant 0 : i32
        %dma_start3A_2437 = tpu.memref_slice %arg2[%dma_start3A_2419, %add3A_2397, %dma_start3A_2435, %dma_start3A_2436] : memref<2x6250x8x128xf32, #tpu.memory_space<hbm>> -> memref<1x1x8x128xf32, #tpu.memory_space<hbm>>
        %dma_start3A_2438 = tpu.memref_squeeze %dma_start3A_2437 : memref<1x1x8x128xf32, #tpu.memory_space<hbm>> -> memref<8x128xf32, #tpu.memory_space<hbm>>
        tpu.enqueue_dma source(%dma_start3A_2438 : memref<8x128xf32, #tpu.memory_space<hbm>>) target(%dma_start3A_2434 : memref<8x128xf32, #tpu.memory_space<vmem>>) target_semaphore(%dma_start3A_2430 : memref<!tpu.dma_semaphore, #tpu.memory_space<semaphore_mem>>)
        %dma_start3A_2439 = arith.constant 1 : i32
        %dma_start3A_2440 = arith.constant 1 : i32
        %dma_start3A_2441 = arith.constant 0 : i32
        %dma_start3A_2442 = arith.constant 0 : i32
        %dma_start3A_2443 = tpu.memref_slice %arg6[%sub3A_2399, %dma_start3A_2440, %dma_start3A_2441, %dma_start3A_2442] : memref<2x2x8x128xf32, #tpu.memory_space<vmem>> -> memref<1x1x8x128xf32, #tpu.memory_space<vmem>>
        %dma_start3A_2444 = tpu.memref_squeeze %dma_start3A_2443 : memref<1x1x8x128xf32, #tpu.memory_space<vmem>> -> memref<8x128xf32, #tpu.memory_space<vmem>>
        %dma_start3A_2445 = arith.constant 0 : i32
        %dma_start3A_2446 = arith.constant 0 : i32
        %dma_start3A_2447 = tpu.memref_slice %arg2[%dma_start3A_2439, %add3A_2397, %dma_start3A_2445, %dma_start3A_2446] : memref<2x6250x8x128xf32, #tpu.memory_space<hbm>> -> memref<1x1x8x128xf32, #tpu.memory_space<hbm>>
        %dma_start3A_2448 = tpu.memref_squeeze %dma_start3A_2447 : memref<1x1x8x128xf32, #tpu.memory_space<hbm>> -> memref<8x128xf32, #tpu.memory_space<hbm>>
        %dma_start3A_2449 = tpu.memref_slice %arg12[%sub3A_2399] : memref<2x!tpu.dma_semaphore, #tpu.memory_space<semaphore_mem>> -> memref<1x!tpu.dma_semaphore, #tpu.memory_space<semaphore_mem>>
        %dma_start3A_2450 = tpu.memref_squeeze %dma_start3A_2449 : memref<1x!tpu.dma_semaphore, #tpu.memory_space<semaphore_mem>> -> memref<!tpu.dma_semaphore, #tpu.memory_space<semaphore_mem>>
        %dma_start3A_2451 = arith.constant 0 : i32
        %dma_start3A_2452 = arith.constant 0 : i32
        %dma_start3A_2453 = tpu.memref_slice %arg6[%sub3A_2399, %dma_start3A_2440, %dma_start3A_2451, %dma_start3A_2452] : memref<2x2x8x128xf32, #tpu.memory_space<vmem>> -> memref<1x1x8x128xf32, #tpu.memory_space<vmem>>
        %dma_start3A_2454 = tpu.memref_squeeze %dma_start3A_2453 : memref<1x1x8x128xf32, #tpu.memory_space<vmem>> -> memref<8x128xf32, #tpu.memory_space<vmem>>
        %dma_start3A_2455 = arith.constant 0 : i32
        %dma_start3A_2456 = arith.constant 0 : i32
        %dma_start3A_2457 = tpu.memref_slice %arg2[%dma_start3A_2439, %add3A_2397, %dma_start3A_2455, %dma_start3A_2456] : memref<2x6250x8x128xf32, #tpu.memory_space<hbm>> -> memref<1x1x8x128xf32, #tpu.memory_space<hbm>>
        %dma_start3A_2458 = tpu.memref_squeeze %dma_start3A_2457 : memref<1x1x8x128xf32, #tpu.memory_space<hbm>> -> memref<8x128xf32, #tpu.memory_space<hbm>>
        tpu.enqueue_dma source(%dma_start3A_2458 : memref<8x128xf32, #tpu.memory_space<hbm>>) target(%dma_start3A_2454 : memref<8x128xf32, #tpu.memory_space<vmem>>) target_semaphore(%dma_start3A_2450 : memref<!tpu.dma_semaphore, #tpu.memory_space<semaphore_mem>>)
        %dma_start3A_2459 = arith.constant 1 : i32
        %dma_start3A_2460 = arith.constant 0 : i32
        %dma_start3A_2461 = arith.constant 0 : i32
        %dma_start3A_2462 = tpu.memref_slice %arg7[%select_n3A_2418, %dma_start3A_2460, %dma_start3A_2461] : memref<3x1x128xi32, #tpu.memory_space<vmem>> -> memref<1x1x128xi32, #tpu.memory_space<vmem>>
        %dma_start3A_2463 = tpu.memref_squeeze %dma_start3A_2462 : memref<1x1x128xi32, #tpu.memory_space<vmem>> -> memref<128xi32, #tpu.memory_space<vmem>>
        %dma_start3A_2464 = arith.constant 0 : i32
        %dma_start3A_2465 = tpu.memref_slice %arg3[%add3A_2397, %dma_start3A_2459, %dma_start3A_2464] : memref<6250x2x128xi32, #tpu.memory_space<hbm>> -> memref<1x1x128xi32, #tpu.memory_space<hbm>>
        %dma_start3A_2466 = tpu.memref_squeeze %dma_start3A_2465 : memref<1x1x128xi32, #tpu.memory_space<hbm>> -> memref<128xi32, #tpu.memory_space<hbm>>
        %dma_start3A_2467 = tpu.memref_slice %arg12[%sub3A_2399] : memref<2x!tpu.dma_semaphore, #tpu.memory_space<semaphore_mem>> -> memref<1x!tpu.dma_semaphore, #tpu.memory_space<semaphore_mem>>
        %dma_start3A_2468 = tpu.memref_squeeze %dma_start3A_2467 : memref<1x!tpu.dma_semaphore, #tpu.memory_space<semaphore_mem>> -> memref<!tpu.dma_semaphore, #tpu.memory_space<semaphore_mem>>
        %dma_start3A_2469 = arith.constant 0 : i32
        %dma_start3A_2470 = tpu.memref_slice %arg7[%select_n3A_2418, %dma_start3A_2460, %dma_start3A_2469] : memref<3x1x128xi32, #tpu.memory_space<vmem>> -> memref<1x1x128xi32, #tpu.memory_space<vmem>>
        %dma_start3A_2471 = tpu.memref_squeeze %dma_start3A_2470 : memref<1x1x128xi32, #tpu.memory_space<vmem>> -> memref<128xi32, #tpu.memory_space<vmem>>
        %dma_start3A_2472 = arith.constant 0 : i32
        %dma_start3A_2473 = tpu.memref_slice %arg3[%add3A_2397, %dma_start3A_2459, %dma_start3A_2472] : memref<6250x2x128xi32, #tpu.memory_space<hbm>> -> memref<1x1x128xi32, #tpu.memory_space<hbm>>
        %dma_start3A_2474 = tpu.memref_squeeze %dma_start3A_2473 : memref<1x1x128xi32, #tpu.memory_space<hbm>> -> memref<128xi32, #tpu.memory_space<hbm>>
        tpu.enqueue_dma source(%dma_start3A_2474 : memref<128xi32, #tpu.memory_space<hbm>>) target(%dma_start3A_2471 : memref<128xi32, #tpu.memory_space<vmem>>) target_semaphore(%dma_start3A_2468 : memref<!tpu.dma_semaphore, #tpu.memory_space<semaphore_mem>>)
      } else {
      }
      %get3A = arith.constant 0 : i32
      %get3A_293 = arith.constant 0 : i32
      %get3A_294 = arith.index_cast %select_n3A_215 : i32 to index
      %get3A_295 = arith.index_cast %get3A : i32 to index
      %get3A_296 = arith.index_cast %get3A_293 : i32 to index
      %get3A_297 = arith.constant 0 : index
      %get3A_298 = tpu.vector_load %arg6[%get3A_294, %get3A_295, %get3A_296, %get3A_297] {strides = array<i32>} : memref<2x2x8x128xf32, #tpu.memory_space<vmem>>, vector<16xf32>,
      %add3A_299 = arith.constant 0 : i32
      %add3A_300 = vector.broadcast %add3A_299 : i32 to vector<16xi32>
      %add3A_301 = arith.addi %iota3A, %add3A_300 : vector<16xi32>
      %broadcast_in_dim3A_302 = arith.constant 0 : i32
      %broadcast_in_dim3A_303 = vector.broadcast %broadcast_in_dim3A_302 : i32 to vector<16xi32>
      %scatter3A = arith.constant 0 : i32
      %scatter3A_304 = arith.constant 0 : i32
      %scatter3A_305 = tpu.memref_slice %arg8[%select_n3A_215, %scatter3A, %scatter3A_304] : memref<2x128x16xf32, #tpu.memory_space<vmem>> -> memref<1x128x16xf32, #tpu.memory_space<vmem>>
      %scatter3A_306 = tpu.memref_squeeze %scatter3A_305 : memref<1x128x16xf32, #tpu.memory_space<vmem>> -> memref<128x16xf32, #tpu.memory_space<vmem>>
      tpu.vector_store_idx %scatter3A_306[%add3A_301, %broadcast_in_dim3A_303], %get3A_298 : memref<128x16xf32, #tpu.memory_space<vmem>>[vector<16xi32>, vector<16xi32>], vector<16xf32>,
      %get3A_307 = arith.constant 0 : i32
      %get3A_308 = arith.constant 0 : i32
      %get3A_309 = arith.index_cast %select_n3A_215 : i32 to index
      %get3A_310 = arith.index_cast %get3A_307 : i32 to index
      %get3A_311 = arith.index_cast %get3A_308 : i32 to index
      %get3A_312 = arith.constant 16 : index
      %get3A_313 = tpu.vector_load %arg6[%get3A_309, %get3A_310, %get3A_311, %get3A_312] {strides = array<i32>} : memref<2x2x8x128xf32, #tpu.memory_space<vmem>>, vector<16xf32>,
      %add3A_314 = arith.constant 16 : i32
      %add3A_315 = vector.broadcast %add3A_314 : i32 to vector<16xi32>
      %add3A_316 = arith.addi %iota3A, %add3A_315 : vector<16xi32>
      %broadcast_in_dim3A_317 = arith.constant 0 : i32
      %broadcast_in_dim3A_318 = vector.broadcast %broadcast_in_dim3A_317 : i32 to vector<16xi32>
      %scatter3A_319 = arith.constant 0 : i32
      %scatter3A_320 = arith.constant 0 : i32
      %scatter3A_321 = tpu.memref_slice %arg8[%select_n3A_215, %scatter3A_319, %scatter3A_320] : memref<2x128x16xf32, #tpu.memory_space<vmem>> -> memref<1x128x16xf32, #tpu.memory_space<vmem>>
      %scatter3A_322 = tpu.memref_squeeze %scatter3A_321 : memref<1x128x16xf32, #tpu.memory_space<vmem>> -> memref<128x16xf32, #tpu.memory_space<vmem>>
      tpu.vector_store_idx %scatter3A_322[%add3A_316, %broadcast_in_dim3A_318], %get3A_313 : memref<128x16xf32, #tpu.memory_space<vmem>>[vector<16xi32>, vector<16xi32>], vector<16xf32>,
      %get3A_323 = arith.constant 0 : i32
      %get3A_324 = arith.constant 0 : i32
      %get3A_325 = arith.index_cast %select_n3A_215 : i32 to index
      %get3A_326 = arith.index_cast %get3A_323 : i32 to index
      %get3A_327 = arith.index_cast %get3A_324 : i32 to index
      %get3A_328 = arith.constant 32 : index
      %get3A_329 = tpu.vector_load %arg6[%get3A_325, %get3A_326, %get3A_327, %get3A_328] {strides = array<i32>} : memref<2x2x8x128xf32, #tpu.memory_space<vmem>>, vector<16xf32>,
      %add3A_330 = arith.constant 32 : i32
      %add3A_331 = vector.broadcast %add3A_330 : i32 to vector<16xi32>
      %add3A_332 = arith.addi %iota3A, %add3A_331 : vector<16xi32>
      %broadcast_in_dim3A_333 = arith.constant 0 : i32
      %broadcast_in_dim3A_334 = vector.broadcast %broadcast_in_dim3A_333 : i32 to vector<16xi32>
      %scatter3A_335 = arith.constant 0 : i32
      %scatter3A_336 = arith.constant 0 : i32
      %scatter3A_337 = tpu.memref_slice %arg8[%select_n3A_215, %scatter3A_335, %scatter3A_336] : memref<2x128x16xf32, #tpu.memory_space<vmem>> -> memref<1x128x16xf32, #tpu.memory_space<vmem>>
      %scatter3A_338 = tpu.memref_squeeze %scatter3A_337 : memref<1x128x16xf32, #tpu.memory_space<vmem>> -> memref<128x16xf32, #tpu.memory_space<vmem>>
      tpu.vector_store_idx %scatter3A_338[%add3A_332, %broadcast_in_dim3A_334], %get3A_329 : memref<128x16xf32, #tpu.memory_space<vmem>>[vector<16xi32>, vector<16xi32>], vector<16xf32>,
      %get3A_339 = arith.constant 0 : i32
      %get3A_340 = arith.constant 0 : i32
      %get3A_341 = arith.index_cast %select_n3A_215 : i32 to index
      %get3A_342 = arith.index_cast %get3A_339 : i32 to index
      %get3A_343 = arith.index_cast %get3A_340 : i32 to index
      %get3A_344 = arith.constant 48 : index
      %get3A_345 = tpu.vector_load %arg6[%get3A_341, %get3A_342, %get3A_343, %get3A_344] {strides = array<i32>} : memref<2x2x8x128xf32, #tpu.memory_space<vmem>>, vector<16xf32>,
      %add3A_346 = arith.constant 48 : i32
      %add3A_347 = vector.broadcast %add3A_346 : i32 to vector<16xi32>
      %add3A_348 = arith.addi %iota3A, %add3A_347 : vector<16xi32>
      %broadcast_in_dim3A_349 = arith.constant 0 : i32
      %broadcast_in_dim3A_350 = vector.broadcast %broadcast_in_dim3A_349 : i32 to vector<16xi32>
      %scatter3A_351 = arith.constant 0 : i32
      %scatter3A_352 = arith.constant 0 : i32
      %scatter3A_353 = tpu.memref_slice %arg8[%select_n3A_215, %scatter3A_351, %scatter3A_352] : memref<2x128x16xf32, #tpu.memory_space<vmem>> -> memref<1x128x16xf32, #tpu.memory_space<vmem>>
      %scatter3A_354 = tpu.memref_squeeze %scatter3A_353 : memref<1x128x16xf32, #tpu.memory_space<vmem>> -> memref<128x16xf32, #tpu.memory_space<vmem>>
      tpu.vector_store_idx %scatter3A_354[%add3A_348, %broadcast_in_dim3A_350], %get3A_345 : memref<128x16xf32, #tpu.memory_space<vmem>>[vector<16xi32>, vector<16xi32>], vector<16xf32>,
      %get3A_355 = arith.constant 0 : i32
      %get3A_356 = arith.constant 0 : i32
      %get3A_357 = arith.index_cast %select_n3A_215 : i32 to index
      %get3A_358 = arith.index_cast %get3A_355 : i32 to index
      %get3A_359 = arith.index_cast %get3A_356 : i32 to index
      %get3A_360 = arith.constant 64 : index
      %get3A_361 = tpu.vector_load %arg6[%get3A_357, %get3A_358, %get3A_359, %get3A_360] {strides = array<i32>} : memref<2x2x8x128xf32, #tpu.memory_space<vmem>>, vector<16xf32>,
      %add3A_362 = arith.constant 64 : i32
      %add3A_363 = vector.broadcast %add3A_362 : i32 to vector<16xi32>
      %add3A_364 = arith.addi %iota3A, %add3A_363 : vector<16xi32>
      %broadcast_in_dim3A_365 = arith.constant 0 : i32
      %broadcast_in_dim3A_366 = vector.broadcast %broadcast_in_dim3A_365 : i32 to vector<16xi32>
      %scatter3A_367 = arith.constant 0 : i32
      %scatter3A_368 = arith.constant 0 : i32
      %scatter3A_369 = tpu.memref_slice %arg8[%select_n3A_215, %scatter3A_367, %scatter3A_368] : memref<2x128x16xf32, #tpu.memory_space<vmem>> -> memref<1x128x16xf32, #tpu.memory_space<vmem>>
      %scatter3A_370 = tpu.memref_squeeze %scatter3A_369 : memref<1x128x16xf32, #tpu.memory_space<vmem>> -> memref<128x16xf32, #tpu.memory_space<vmem>>
      tpu.vector_store_idx %scatter3A_370[%add3A_364, %broadcast_in_dim3A_366], %get3A_361 : memref<128x16xf32, #tpu.memory_space<vmem>>[vector<16xi32>, vector<16xi32>], vector<16xf32>,
      %get3A_371 = arith.constant 0 : i32
      %get3A_372 = arith.constant 0 : i32
      %get3A_373 = arith.index_cast %select_n3A_215 : i32 to index
      %get3A_374 = arith.index_cast %get3A_371 : i32 to index
      %get3A_375 = arith.index_cast %get3A_372 : i32 to index
      %get3A_376 = arith.constant 80 : index
      %get3A_377 = tpu.vector_load %arg6[%get3A_373, %get3A_374, %get3A_375, %get3A_376] {strides = array<i32>} : memref<2x2x8x128xf32, #tpu.memory_space<vmem>>, vector<16xf32>,
      %add3A_378 = arith.constant 80 : i32
      %add3A_379 = vector.broadcast %add3A_378 : i32 to vector<16xi32>
      %add3A_380 = arith.addi %iota3A, %add3A_379 : vector<16xi32>
      %broadcast_in_dim3A_381 = arith.constant 0 : i32
      %broadcast_in_dim3A_382 = vector.broadcast %broadcast_in_dim3A_381 : i32 to vector<16xi32>
      %scatter3A_383 = arith.constant 0 : i32
      %scatter3A_384 = arith.constant 0 : i32
      %scatter3A_385 = tpu.memref_slice %arg8[%select_n3A_215, %scatter3A_383, %scatter3A_384] : memref<2x128x16xf32, #tpu.memory_space<vmem>> -> memref<1x128x16xf32, #tpu.memory_space<vmem>>
      %scatter3A_386 = tpu.memref_squeeze %scatter3A_385 : memref<1x128x16xf32, #tpu.memory_space<vmem>> -> memref<128x16xf32, #tpu.memory_space<vmem>>
      tpu.vector_store_idx %scatter3A_386[%add3A_380, %broadcast_in_dim3A_382], %get3A_377 : memref<128x16xf32, #tpu.memory_space<vmem>>[vector<16xi32>, vector<16xi32>], vector<16xf32>,
      %get3A_387 = arith.constant 0 : i32
      %get3A_388 = arith.constant 0 : i32
      %get3A_389 = arith.index_cast %select_n3A_215 : i32 to index
      %get3A_390 = arith.index_cast %get3A_387 : i32 to index
      %get3A_391 = arith.index_cast %get3A_388 : i32 to index
      %get3A_392 = arith.constant 96 : index
      %get3A_393 = tpu.vector_load %arg6[%get3A_389, %get3A_390, %get3A_391, %get3A_392] {strides = array<i32>} : memref<2x2x8x128xf32, #tpu.memory_space<vmem>>, vector<16xf32>,
      %add3A_394 = arith.constant 96 : i32
      %add3A_395 = vector.broadcast %add3A_394 : i32 to vector<16xi32>
      %add3A_396 = arith.addi %iota3A, %add3A_395 : vector<16xi32>
      %broadcast_in_dim3A_397 = arith.constant 0 : i32
      %broadcast_in_dim3A_398 = vector.broadcast %broadcast_in_dim3A_397 : i32 to vector<16xi32>
      %scatter3A_399 = arith.constant 0 : i32
      %scatter3A_400 = arith.constant 0 : i32
      %scatter3A_401 = tpu.memref_slice %arg8[%select_n3A_215, %scatter3A_399, %scatter3A_400] : memref<2x128x16xf32, #tpu.memory_space<vmem>> -> memref<1x128x16xf32, #tpu.memory_space<vmem>>
      %scatter3A_402 = tpu.memref_squeeze %scatter3A_401 : memref<1x128x16xf32, #tpu.memory_space<vmem>> -> memref<128x16xf32, #tpu.memory_space<vmem>>
      tpu.vector_store_idx %scatter3A_402[%add3A_396, %broadcast_in_dim3A_398], %get3A_393 : memref<128x16xf32, #tpu.memory_space<vmem>>[vector<16xi32>, vector<16xi32>], vector<16xf32>,
      %get3A_403 = arith.constant 0 : i32
      %get3A_404 = arith.constant 0 : i32
      %get3A_405 = arith.index_cast %select_n3A_215 : i32 to index
      %get3A_406 = arith.index_cast %get3A_403 : i32 to index
      %get3A_407 = arith.index_cast %get3A_404 : i32 to index
      %get3A_408 = arith.constant 112 : index
      %get3A_409 = tpu.vector_load %arg6[%get3A_405, %get3A_406, %get3A_407, %get3A_408] {strides = array<i32>} : memref<2x2x8x128xf32, #tpu.memory_space<vmem>>, vector<16xf32>,
      %add3A_410 = arith.constant 112 : i32
      %add3A_411 = vector.broadcast %add3A_410 : i32 to vector<16xi32>
      %add3A_412 = arith.addi %iota3A, %add3A_411 : vector<16xi32>
      %broadcast_in_dim3A_413 = arith.constant 0 : i32
      %broadcast_in_dim3A_414 = vector.broadcast %broadcast_in_dim3A_413 : i32 to vector<16xi32>
      %scatter3A_415 = arith.constant 0 : i32
      %scatter3A_416 = arith.constant 0 : i32
      %scatter3A_417 = tpu.memref_slice %arg8[%select_n3A_215, %scatter3A_415, %scatter3A_416] : memref<2x128x16xf32, #tpu.memory_space<vmem>> -> memref<1x128x16xf32, #tpu.memory_space<vmem>>
      %scatter3A_418 = tpu.memref_squeeze %scatter3A_417 : memref<1x128x16xf32, #tpu.memory_space<vmem>> -> memref<128x16xf32, #tpu.memory_space<vmem>>
      tpu.vector_store_idx %scatter3A_418[%add3A_412, %broadcast_in_dim3A_414], %get3A_409 : memref<128x16xf32, #tpu.memory_space<vmem>>[vector<16xi32>, vector<16xi32>], vector<16xf32>,
      %get3A_419 = arith.constant 0 : i32
      %get3A_420 = arith.constant 1 : i32
      %get3A_421 = arith.index_cast %select_n3A_215 : i32 to index
      %get3A_422 = arith.index_cast %get3A_419 : i32 to index
      %get3A_423 = arith.index_cast %get3A_420 : i32 to index
      %get3A_424 = arith.constant 0 : index
      %get3A_425 = tpu.vector_load %arg6[%get3A_421, %get3A_422, %get3A_423, %get3A_424] {strides = array<i32>} : memref<2x2x8x128xf32, #tpu.memory_space<vmem>>, vector<16xf32>,
      %add3A_426 = arith.constant 0 : i32
      %add3A_427 = vector.broadcast %add3A_426 : i32 to vector<16xi32>
      %add3A_428 = arith.addi %iota3A, %add3A_427 : vector<16xi32>
      %broadcast_in_dim3A_429 = arith.constant 1 : i32
      %broadcast_in_dim3A_430 = vector.broadcast %broadcast_in_dim3A_429 : i32 to vector<16xi32>
      %scatter3A_431 = arith.constant 0 : i32
      %scatter3A_432 = arith.constant 0 : i32
      %scatter3A_433 = tpu.memref_slice %arg8[%select_n3A_215, %scatter3A_431, %scatter3A_432] : memref<2x128x16xf32, #tpu.memory_space<vmem>> -> memref<1x128x16xf32, #tpu.memory_space<vmem>>
      %scatter3A_434 = tpu.memref_squeeze %scatter3A_433 : memref<1x128x16xf32, #tpu.memory_space<vmem>> -> memref<128x16xf32, #tpu.memory_space<vmem>>
      tpu.vector_store_idx %scatter3A_434[%add3A_428, %broadcast_in_dim3A_430], %get3A_425 : memref<128x16xf32, #tpu.memory_space<vmem>>[vector<16xi32>, vector<16xi32>], vector<16xf32>,
      %get3A_435 = arith.constant 0 : i32
      %get3A_436 = arith.constant 1 : i32
      %get3A_437 = arith.index_cast %select_n3A_215 : i32 to index
      %get3A_438 = arith.index_cast %get3A_435 : i32 to index
      %get3A_439 = arith.index_cast %get3A_436 : i32 to index
      %get3A_440 = arith.constant 16 : index
      %get3A_441 = tpu.vector_load %arg6[%get3A_437, %get3A_438, %get3A_439, %get3A_440] {strides = array<i32>} : memref<2x2x8x128xf32, #tpu.memory_space<vmem>>, vector<16xf32>,
      %add3A_442 = arith.constant 16 : i32
      %add3A_443 = vector.broadcast %add3A_442 : i32 to vector<16xi32>
      %add3A_444 = arith.addi %iota3A, %add3A_443 : vector<16xi32>
      %broadcast_in_dim3A_445 = arith.constant 1 : i32
      %broadcast_in_dim3A_446 = vector.broadcast %broadcast_in_dim3A_445 : i32 to vector<16xi32>
      %scatter3A_447 = arith.constant 0 : i32
      %scatter3A_448 = arith.constant 0 : i32
      %scatter3A_449 = tpu.memref_slice %arg8[%select_n3A_215, %scatter3A_447, %scatter3A_448] : memref<2x128x16xf32, #tpu.memory_space<vmem>> -> memref<1x128x16xf32, #tpu.memory_space<vmem>>
      %scatter3A_450 = tpu.memref_squeeze %scatter3A_449 : memref<1x128x16xf32, #tpu.memory_space<vmem>> -> memref<128x16xf32, #tpu.memory_space<vmem>>
      tpu.vector_store_idx %scatter3A_450[%add3A_444, %broadcast_in_dim3A_446], %get3A_441 : memref<128x16xf32, #tpu.memory_space<vmem>>[vector<16xi32>, vector<16xi32>], vector<16xf32>,
      %get3A_451 = arith.constant 0 : i32
      %get3A_452 = arith.constant 1 : i32
      %get3A_453 = arith.index_cast %select_n3A_215 : i32 to index
      %get3A_454 = arith.index_cast %get3A_451 : i32 to index
      %get3A_455 = arith.index_cast %get3A_452 : i32 to index
      %get3A_456 = arith.constant 32 : index
      %get3A_457 = tpu.vector_load %arg6[%get3A_453, %get3A_454, %get3A_455, %get3A_456] {strides = array<i32>} : memref<2x2x8x128xf32, #tpu.memory_space<vmem>>, vector<16xf32>,
      %add3A_458 = arith.constant 32 : i32
      %add3A_459 = vector.broadcast %add3A_458 : i32 to vector<16xi32>
      %add3A_460 = arith.addi %iota3A, %add3A_459 : vector<16xi32>
      %broadcast_in_dim3A_461 = arith.constant 1 : i32
      %broadcast_in_dim3A_462 = vector.broadcast %broadcast_in_dim3A_461 : i32 to vector<16xi32>
      %scatter3A_463 = arith.constant 0 : i32
      %scatter3A_464 = arith.constant 0 : i32
      %scatter3A_465 = tpu.memref_slice %arg8[%select_n3A_215, %scatter3A_463, %scatter3A_464] : memref<2x128x16xf32, #tpu.memory_space<vmem>> -> memref<1x128x16xf32, #tpu.memory_space<vmem>>
      %scatter3A_466 = tpu.memref_squeeze %scatter3A_465 : memref<1x128x16xf32, #tpu.memory_space<vmem>> -> memref<128x16xf32, #tpu.memory_space<vmem>>
      tpu.vector_store_idx %scatter3A_466[%add3A_460, %broadcast_in_dim3A_462], %get3A_457 : memref<128x16xf32, #tpu.memory_space<vmem>>[vector<16xi32>, vector<16xi32>], vector<16xf32>,
      %get3A_467 = arith.constant 0 : i32
      %get3A_468 = arith.constant 1 : i32
      %get3A_469 = arith.index_cast %select_n3A_215 : i32 to index
      %get3A_470 = arith.index_cast %get3A_467 : i32 to index
      %get3A_471 = arith.index_cast %get3A_468 : i32 to index
      %get3A_472 = arith.constant 48 : index
      %get3A_473 = tpu.vector_load %arg6[%get3A_469, %get3A_470, %get3A_471, %get3A_472] {strides = array<i32>} : memref<2x2x8x128xf32, #tpu.memory_space<vmem>>, vector<16xf32>,
      %add3A_474 = arith.constant 48 : i32
      %add3A_475 = vector.broadcast %add3A_474 : i32 to vector<16xi32>
      %add3A_476 = arith.addi %iota3A, %add3A_475 : vector<16xi32>
      %broadcast_in_dim3A_477 = arith.constant 1 : i32
      %broadcast_in_dim3A_478 = vector.broadcast %broadcast_in_dim3A_477 : i32 to vector<16xi32>
      %scatter3A_479 = arith.constant 0 : i32
      %scatter3A_480 = arith.constant 0 : i32
      %scatter3A_481 = tpu.memref_slice %arg8[%select_n3A_215, %scatter3A_479, %scatter3A_480] : memref<2x128x16xf32, #tpu.memory_space<vmem>> -> memref<1x128x16xf32, #tpu.memory_space<vmem>>
      %scatter3A_482 = tpu.memref_squeeze %scatter3A_481 : memref<1x128x16xf32, #tpu.memory_space<vmem>> -> memref<128x16xf32, #tpu.memory_space<vmem>>
      tpu.vector_store_idx %scatter3A_482[%add3A_476, %broadcast_in_dim3A_478], %get3A_473 : memref<128x16xf32, #tpu.memory_space<vmem>>[vector<16xi32>, vector<16xi32>], vector<16xf32>,
      %get3A_483 = arith.constant 0 : i32
      %get3A_484 = arith.constant 1 : i32
      %get3A_485 = arith.index_cast %select_n3A_215 : i32 to index
      %get3A_486 = arith.index_cast %get3A_483 : i32 to index
      %get3A_487 = arith.index_cast %get3A_484 : i32 to index
      %get3A_488 = arith.constant 64 : index
      %get3A_489 = tpu.vector_load %arg6[%get3A_485, %get3A_486, %get3A_487, %get3A_488] {strides = array<i32>} : memref<2x2x8x128xf32, #tpu.memory_space<vmem>>, vector<16xf32>,
      %add3A_490 = arith.constant 64 : i32
      %add3A_491 = vector.broadcast %add3A_490 : i32 to vector<16xi32>
      %add3A_492 = arith.addi %iota3A, %add3A_491 : vector<16xi32>
      %broadcast_in_dim3A_493 = arith.constant 1 : i32
      %broadcast_in_dim3A_494 = vector.broadcast %broadcast_in_dim3A_493 : i32 to vector<16xi32>
      %scatter3A_495 = arith.constant 0 : i32
      %scatter3A_496 = arith.constant 0 : i32
      %scatter3A_497 = tpu.memref_slice %arg8[%select_n3A_215, %scatter3A_495, %scatter3A_496] : memref<2x128x16xf32, #tpu.memory_space<vmem>> -> memref<1x128x16xf32, #tpu.memory_space<vmem>>
      %scatter3A_498 = tpu.memref_squeeze %scatter3A_497 : memref<1x128x16xf32, #tpu.memory_space<vmem>> -> memref<128x16xf32, #tpu.memory_space<vmem>>
      tpu.vector_store_idx %scatter3A_498[%add3A_492, %broadcast_in_dim3A_494], %get3A_489 : memref<128x16xf32, #tpu.memory_space<vmem>>[vector<16xi32>, vector<16xi32>], vector<16xf32>,
      %get3A_499 = arith.constant 0 : i32
      %get3A_500 = arith.constant 1 : i32
      %get3A_501 = arith.index_cast %select_n3A_215 : i32 to index
      %get3A_502 = arith.index_cast %get3A_499 : i32 to index
      %get3A_503 = arith.index_cast %get3A_500 : i32 to index
      %get3A_504 = arith.constant 80 : index
      %get3A_505 = tpu.vector_load %arg6[%get3A_501, %get3A_502, %get3A_503, %get3A_504] {strides = array<i32>} : memref<2x2x8x128xf32, #tpu.memory_space<vmem>>, vector<16xf32>,
      %add3A_506 = arith.constant 80 : i32
      %add3A_507 = vector.broadcast %add3A_506 : i32 to vector<16xi32>
      %add3A_508 = arith.addi %iota3A, %add3A_507 : vector<16xi32>
      %broadcast_in_dim3A_509 = arith.constant 1 : i32
      %broadcast_in_dim3A_510 = vector.broadcast %broadcast_in_dim3A_509 : i32 to vector<16xi32>
      %scatter3A_511 = arith.constant 0 : i32
      %scatter3A_512 = arith.constant 0 : i32
      %scatter3A_513 = tpu.memref_slice %arg8[%select_n3A_215, %scatter3A_511, %scatter3A_512] : memref<2x128x16xf32, #tpu.memory_space<vmem>> -> memref<1x128x16xf32, #tpu.memory_space<vmem>>
      %scatter3A_514 = tpu.memref_squeeze %scatter3A_513 : memref<1x128x16xf32, #tpu.memory_space<vmem>> -> memref<128x16xf32, #tpu.memory_space<vmem>>
      tpu.vector_store_idx %scatter3A_514[%add3A_508, %broadcast_in_dim3A_510], %get3A_505 : memref<128x16xf32, #tpu.memory_space<vmem>>[vector<16xi32>, vector<16xi32>], vector<16xf32>,
      %get3A_515 = arith.constant 0 : i32
      %get3A_516 = arith.constant 1 : i32
      %get3A_517 = arith.index_cast %select_n3A_215 : i32 to index
      %get3A_518 = arith.index_cast %get3A_515 : i32 to index
      %get3A_519 = arith.index_cast %get3A_516 : i32 to index
      %get3A_520 = arith.constant 96 : index
      %get3A_521 = tpu.vector_load %arg6[%get3A_517, %get3A_518, %get3A_519, %get3A_520] {strides = array<i32>} : memref<2x2x8x128xf32, #tpu.memory_space<vmem>>, vector<16xf32>,
      %add3A_522 = arith.constant 96 : i32
      %add3A_523 = vector.broadcast %add3A_522 : i32 to vector<16xi32>
      %add3A_524 = arith.addi %iota3A, %add3A_523 : vector<16xi32>
      %broadcast_in_dim3A_525 = arith.constant 1 : i32
      %broadcast_in_dim3A_526 = vector.broadcast %broadcast_in_dim3A_525 : i32 to vector<16xi32>
      %scatter3A_527 = arith.constant 0 : i32
      %scatter3A_528 = arith.constant 0 : i32
      %scatter3A_529 = tpu.memref_slice %arg8[%select_n3A_215, %scatter3A_527, %scatter3A_528] : memref<2x128x16xf32, #tpu.memory_space<vmem>> -> memref<1x128x16xf32, #tpu.memory_space<vmem>>
      %scatter3A_530 = tpu.memref_squeeze %scatter3A_529 : memref<1x128x16xf32, #tpu.memory_space<vmem>> -> memref<128x16xf32, #tpu.memory_space<vmem>>
      tpu.vector_store_idx %scatter3A_530[%add3A_524, %broadcast_in_dim3A_526], %get3A_521 : memref<128x16xf32, #tpu.memory_space<vmem>>[vector<16xi32>, vector<16xi32>], vector<16xf32>,
      %get3A_531 = arith.constant 0 : i32
      %get3A_532 = arith.constant 1 : i32
      %get3A_533 = arith.index_cast %select_n3A_215 : i32 to index
      %get3A_534 = arith.index_cast %get3A_531 : i32 to index
      %get3A_535 = arith.index_cast %get3A_532 : i32 to index
      %get3A_536 = arith.constant 112 : index
      %get3A_537 = tpu.vector_load %arg6[%get3A_533, %get3A_534, %get3A_535, %get3A_536] {strides = array<i32>} : memref<2x2x8x128xf32, #tpu.memory_space<vmem>>, vector<16xf32>,
      %add3A_538 = arith.constant 112 : i32
      %add3A_539 = vector.broadcast %add3A_538 : i32 to vector<16xi32>
      %add3A_540 = arith.addi %iota3A, %add3A_539 : vector<16xi32>
      %broadcast_in_dim3A_541 = arith.constant 1 : i32
      %broadcast_in_dim3A_542 = vector.broadcast %broadcast_in_dim3A_541 : i32 to vector<16xi32>
      %scatter3A_543 = arith.constant 0 : i32
      %scatter3A_544 = arith.constant 0 : i32
      %scatter3A_545 = tpu.memref_slice %arg8[%select_n3A_215, %scatter3A_543, %scatter3A_544] : memref<2x128x16xf32, #tpu.memory_space<vmem>> -> memref<1x128x16xf32, #tpu.memory_space<vmem>>
      %scatter3A_546 = tpu.memref_squeeze %scatter3A_545 : memref<1x128x16xf32, #tpu.memory_space<vmem>> -> memref<128x16xf32, #tpu.memory_space<vmem>>
      tpu.vector_store_idx %scatter3A_546[%add3A_540, %broadcast_in_dim3A_542], %get3A_537 : memref<128x16xf32, #tpu.memory_space<vmem>>[vector<16xi32>, vector<16xi32>], vector<16xf32>,
      %get3A_547 = arith.constant 0 : i32
      %get3A_548 = arith.constant 2 : i32
      %get3A_549 = arith.index_cast %select_n3A_215 : i32 to index
      %get3A_550 = arith.index_cast %get3A_547 : i32 to index
      %get3A_551 = arith.index_cast %get3A_548 : i32 to index
      %get3A_552 = arith.constant 0 : index
      %get3A_553 = tpu.vector_load %arg6[%get3A_549, %get3A_550, %get3A_551, %get3A_552] {strides = array<i32>} : memref<2x2x8x128xf32, #tpu.memory_space<vmem>>, vector<16xf32>,
      %add3A_554 = arith.constant 0 : i32
      %add3A_555 = vector.broadcast %add3A_554 : i32 to vector<16xi32>
      %add3A_556 = arith.addi %iota3A, %add3A_555 : vector<16xi32>
      %broadcast_in_dim3A_557 = arith.constant 2 : i32
      %broadcast_in_dim3A_558 = vector.broadcast %broadcast_in_dim3A_557 : i32 to vector<16xi32>
      %scatter3A_559 = arith.constant 0 : i32
      %scatter3A_560 = arith.constant 0 : i32
      %scatter3A_561 = tpu.memref_slice %arg8[%select_n3A_215, %scatter3A_559, %scatter3A_560] : memref<2x128x16xf32, #tpu.memory_space<vmem>> -> memref<1x128x16xf32, #tpu.memory_space<vmem>>
      %scatter3A_562 = tpu.memref_squeeze %scatter3A_561 : memref<1x128x16xf32, #tpu.memory_space<vmem>> -> memref<128x16xf32, #tpu.memory_space<vmem>>
      tpu.vector_store_idx %scatter3A_562[%add3A_556, %broadcast_in_dim3A_558], %get3A_553 : memref<128x16xf32, #tpu.memory_space<vmem>>[vector<16xi32>, vector<16xi32>], vector<16xf32>,
      %get3A_563 = arith.constant 0 : i32
      %get3A_564 = arith.constant 2 : i32
      %get3A_565 = arith.index_cast %select_n3A_215 : i32 to index
      %get3A_566 = arith.index_cast %get3A_563 : i32 to index
      %get3A_567 = arith.index_cast %get3A_564 : i32 to index
      %get3A_568 = arith.constant 16 : index
      %get3A_569 = tpu.vector_load %arg6[%get3A_565, %get3A_566, %get3A_567, %get3A_568] {strides = array<i32>} : memref<2x2x8x128xf32, #tpu.memory_space<vmem>>, vector<16xf32>,
      %add3A_570 = arith.constant 16 : i32
      %add3A_571 = vector.broadcast %add3A_570 : i32 to vector<16xi32>
      %add3A_572 = arith.addi %iota3A, %add3A_571 : vector<16xi32>
      %broadcast_in_dim3A_573 = arith.constant 2 : i32
      %broadcast_in_dim3A_574 = vector.broadcast %broadcast_in_dim3A_573 : i32 to vector<16xi32>
      %scatter3A_575 = arith.constant 0 : i32
      %scatter3A_576 = arith.constant 0 : i32
      %scatter3A_577 = tpu.memref_slice %arg8[%select_n3A_215, %scatter3A_575, %scatter3A_576] : memref<2x128x16xf32, #tpu.memory_space<vmem>> -> memref<1x128x16xf32, #tpu.memory_space<vmem>>
      %scatter3A_578 = tpu.memref_squeeze %scatter3A_577 : memref<1x128x16xf32, #tpu.memory_space<vmem>> -> memref<128x16xf32, #tpu.memory_space<vmem>>
      tpu.vector_store_idx %scatter3A_578[%add3A_572, %broadcast_in_dim3A_574], %get3A_569 : memref<128x16xf32, #tpu.memory_space<vmem>>[vector<16xi32>, vector<16xi32>], vector<16xf32>,
      %get3A_579 = arith.constant 0 : i32
      %get3A_580 = arith.constant 2 : i32
      %get3A_581 = arith.index_cast %select_n3A_215 : i32 to index
      %get3A_582 = arith.index_cast %get3A_579 : i32 to index
      %get3A_583 = arith.index_cast %get3A_580 : i32 to index
      %get3A_584 = arith.constant 32 : index
      %get3A_585 = tpu.vector_load %arg6[%get3A_581, %get3A_582, %get3A_583, %get3A_584] {strides = array<i32>} : memref<2x2x8x128xf32, #tpu.memory_space<vmem>>, vector<16xf32>,
      %add3A_586 = arith.constant 32 : i32
      %add3A_587 = vector.broadcast %add3A_586 : i32 to vector<16xi32>
      %add3A_588 = arith.addi %iota3A, %add3A_587 : vector<16xi32>
      %broadcast_in_dim3A_589 = arith.constant 2 : i32
      %broadcast_in_dim3A_590 = vector.broadcast %broadcast_in_dim3A_589 : i32 to vector<16xi32>
      %scatter3A_591 = arith.constant 0 : i32
      %scatter3A_592 = arith.constant 0 : i32
      %scatter3A_593 = tpu.memref_slice %arg8[%select_n3A_215, %scatter3A_591, %scatter3A_592] : memref<2x128x16xf32, #tpu.memory_space<vmem>> -> memref<1x128x16xf32, #tpu.memory_space<vmem>>
      %scatter3A_594 = tpu.memref_squeeze %scatter3A_593 : memref<1x128x16xf32, #tpu.memory_space<vmem>> -> memref<128x16xf32, #tpu.memory_space<vmem>>
      tpu.vector_store_idx %scatter3A_594[%add3A_588, %broadcast_in_dim3A_590], %get3A_585 : memref<128x16xf32, #tpu.memory_space<vmem>>[vector<16xi32>, vector<16xi32>], vector<16xf32>,
      %get3A_595 = arith.constant 0 : i32
      %get3A_596 = arith.constant 2 : i32
      %get3A_597 = arith.index_cast %select_n3A_215 : i32 to index
      %get3A_598 = arith.index_cast %get3A_595 : i32 to index
      %get3A_599 = arith.index_cast %get3A_596 : i32 to index
      %get3A_600 = arith.constant 48 : index
      %get3A_601 = tpu.vector_load %arg6[%get3A_597, %get3A_598, %get3A_599, %get3A_600] {strides = array<i32>} : memref<2x2x8x128xf32, #tpu.memory_space<vmem>>, vector<16xf32>,
      %add3A_602 = arith.constant 48 : i32
      %add3A_603 = vector.broadcast %add3A_602 : i32 to vector<16xi32>
      %add3A_604 = arith.addi %iota3A, %add3A_603 : vector<16xi32>
      %broadcast_in_dim3A_605 = arith.constant 2 : i32
      %broadcast_in_dim3A_606 = vector.broadcast %broadcast_in_dim3A_605 : i32 to vector<16xi32>
      %scatter3A_607 = arith.constant 0 : i32
      %scatter3A_608 = arith.constant 0 : i32
      %scatter3A_609 = tpu.memref_slice %arg8[%select_n3A_215, %scatter3A_607, %scatter3A_608] : memref<2x128x16xf32, #tpu.memory_space<vmem>> -> memref<1x128x16xf32, #tpu.memory_space<vmem>>
      %scatter3A_610 = tpu.memref_squeeze %scatter3A_609 : memref<1x128x16xf32, #tpu.memory_space<vmem>> -> memref<128x16xf32, #tpu.memory_space<vmem>>
      tpu.vector_store_idx %scatter3A_610[%add3A_604, %broadcast_in_dim3A_606], %get3A_601 : memref<128x16xf32, #tpu.memory_space<vmem>>[vector<16xi32>, vector<16xi32>], vector<16xf32>,
      %get3A_611 = arith.constant 0 : i32
      %get3A_612 = arith.constant 2 : i32
      %get3A_613 = arith.index_cast %select_n3A_215 : i32 to index
      %get3A_614 = arith.index_cast %get3A_611 : i32 to index
      %get3A_615 = arith.index_cast %get3A_612 : i32 to index
      %get3A_616 = arith.constant 64 : index
      %get3A_617 = tpu.vector_load %arg6[%get3A_613, %get3A_614, %get3A_615, %get3A_616] {strides = array<i32>} : memref<2x2x8x128xf32, #tpu.memory_space<vmem>>, vector<16xf32>,
      %add3A_618 = arith.constant 64 : i32
      %add3A_619 = vector.broadcast %add3A_618 : i32 to vector<16xi32>
      %add3A_620 = arith.addi %iota3A, %add3A_619 : vector<16xi32>
      %broadcast_in_dim3A_621 = arith.constant 2 : i32
      %broadcast_in_dim3A_622 = vector.broadcast %broadcast_in_dim3A_621 : i32 to vector<16xi32>
      %scatter3A_623 = arith.constant 0 : i32
      %scatter3A_624 = arith.constant 0 : i32
      %scatter3A_625 = tpu.memref_slice %arg8[%select_n3A_215, %scatter3A_623, %scatter3A_624] : memref<2x128x16xf32, #tpu.memory_space<vmem>> -> memref<1x128x16xf32, #tpu.memory_space<vmem>>
      %scatter3A_626 = tpu.memref_squeeze %scatter3A_625 : memref<1x128x16xf32, #tpu.memory_space<vmem>> -> memref<128x16xf32, #tpu.memory_space<vmem>>
      tpu.vector_store_idx %scatter3A_626[%add3A_620, %broadcast_in_dim3A_622], %get3A_617 : memref<128x16xf32, #tpu.memory_space<vmem>>[vector<16xi32>, vector<16xi32>], vector<16xf32>,
      %get3A_627 = arith.constant 0 : i32
      %get3A_628 = arith.constant 2 : i32
      %get3A_629 = arith.index_cast %select_n3A_215 : i32 to index
      %get3A_630 = arith.index_cast %get3A_627 : i32 to index
      %get3A_631 = arith.index_cast %get3A_628 : i32 to index
      %get3A_632 = arith.constant 80 : index
      %get3A_633 = tpu.vector_load %arg6[%get3A_629, %get3A_630, %get3A_631, %get3A_632] {strides = array<i32>} : memref<2x2x8x128xf32, #tpu.memory_space<vmem>>, vector<16xf32>,
      %add3A_634 = arith.constant 80 : i32
      %add3A_635 = vector.broadcast %add3A_634 : i32 to vector<16xi32>
      %add3A_636 = arith.addi %iota3A, %add3A_635 : vector<16xi32>
      %broadcast_in_dim3A_637 = arith.constant 2 : i32
      %broadcast_in_dim3A_638 = vector.broadcast %broadcast_in_dim3A_637 : i32 to vector<16xi32>
      %scatter3A_639 = arith.constant 0 : i32
      %scatter3A_640 = arith.constant 0 : i32
      %scatter3A_641 = tpu.memref_slice %arg8[%select_n3A_215, %scatter3A_639, %scatter3A_640] : memref<2x128x16xf32, #tpu.memory_space<vmem>> -> memref<1x128x16xf32, #tpu.memory_space<vmem>>
      %scatter3A_642 = tpu.memref_squeeze %scatter3A_641 : memref<1x128x16xf32, #tpu.memory_space<vmem>> -> memref<128x16xf32, #tpu.memory_space<vmem>>
      tpu.vector_store_idx %scatter3A_642[%add3A_636, %broadcast_in_dim3A_638], %get3A_633 : memref<128x16xf32, #tpu.memory_space<vmem>>[vector<16xi32>, vector<16xi32>], vector<16xf32>,
      %get3A_643 = arith.constant 0 : i32
      %get3A_644 = arith.constant 2 : i32
      %get3A_645 = arith.index_cast %select_n3A_215 : i32 to index
      %get3A_646 = arith.index_cast %get3A_643 : i32 to index
      %get3A_647 = arith.index_cast %get3A_644 : i32 to index
      %get3A_648 = arith.constant 96 : index
      %get3A_649 = tpu.vector_load %arg6[%get3A_645, %get3A_646, %get3A_647, %get3A_648] {strides = array<i32>} : memref<2x2x8x128xf32, #tpu.memory_space<vmem>>, vector<16xf32>,
      %add3A_650 = arith.constant 96 : i32
      %add3A_651 = vector.broadcast %add3A_650 : i32 to vector<16xi32>
      %add3A_652 = arith.addi %iota3A, %add3A_651 : vector<16xi32>
      %broadcast_in_dim3A_653 = arith.constant 2 : i32
      %broadcast_in_dim3A_654 = vector.broadcast %broadcast_in_dim3A_653 : i32 to vector<16xi32>
      %scatter3A_655 = arith.constant 0 : i32
      %scatter3A_656 = arith.constant 0 : i32
      %scatter3A_657 = tpu.memref_slice %arg8[%select_n3A_215, %scatter3A_655, %scatter3A_656] : memref<2x128x16xf32, #tpu.memory_space<vmem>> -> memref<1x128x16xf32, #tpu.memory_space<vmem>>
      %scatter3A_658 = tpu.memref_squeeze %scatter3A_657 : memref<1x128x16xf32, #tpu.memory_space<vmem>> -> memref<128x16xf32, #tpu.memory_space<vmem>>
      tpu.vector_store_idx %scatter3A_658[%add3A_652, %broadcast_in_dim3A_654], %get3A_649 : memref<128x16xf32, #tpu.memory_space<vmem>>[vector<16xi32>, vector<16xi32>], vector<16xf32>,
      %get3A_659 = arith.constant 0 : i32
      %get3A_660 = arith.constant 2 : i32
      %get3A_661 = arith.index_cast %select_n3A_215 : i32 to index
      %get3A_662 = arith.index_cast %get3A_659 : i32 to index
      %get3A_663 = arith.index_cast %get3A_660 : i32 to index
      %get3A_664 = arith.constant 112 : index
      %get3A_665 = tpu.vector_load %arg6[%get3A_661, %get3A_662, %get3A_663, %get3A_664] {strides = array<i32>} : memref<2x2x8x128xf32, #tpu.memory_space<vmem>>, vector<16xf32>,
      %add3A_666 = arith.constant 112 : i32
      %add3A_667 = vector.broadcast %add3A_666 : i32 to vector<16xi32>
      %add3A_668 = arith.addi %iota3A, %add3A_667 : vector<16xi32>
      %broadcast_in_dim3A_669 = arith.constant 2 : i32
      %broadcast_in_dim3A_670 = vector.broadcast %broadcast_in_dim3A_669 : i32 to vector<16xi32>
      %scatter3A_671 = arith.constant 0 : i32
      %scatter3A_672 = arith.constant 0 : i32
      %scatter3A_673 = tpu.memref_slice %arg8[%select_n3A_215, %scatter3A_671, %scatter3A_672] : memref<2x128x16xf32, #tpu.memory_space<vmem>> -> memref<1x128x16xf32, #tpu.memory_space<vmem>>
      %scatter3A_674 = tpu.memref_squeeze %scatter3A_673 : memref<1x128x16xf32, #tpu.memory_space<vmem>> -> memref<128x16xf32, #tpu.memory_space<vmem>>
      tpu.vector_store_idx %scatter3A_674[%add3A_668, %broadcast_in_dim3A_670], %get3A_665 : memref<128x16xf32, #tpu.memory_space<vmem>>[vector<16xi32>, vector<16xi32>], vector<16xf32>,
      %get3A_675 = arith.constant 0 : i32
      %get3A_676 = arith.constant 3 : i32
      %get3A_677 = arith.index_cast %select_n3A_215 : i32 to index
      %get3A_678 = arith.index_cast %get3A_675 : i32 to index
      %get3A_679 = arith.index_cast %get3A_676 : i32 to index
      %get3A_680 = arith.constant 0 : index
      %get3A_681 = tpu.vector_load %arg6[%get3A_677, %get3A_678, %get3A_679, %get3A_680] {strides = array<i32>} : memref<2x2x8x128xf32, #tpu.memory_space<vmem>>, vector<16xf32>,
      %add3A_682 = arith.constant 0 : i32
      %add3A_683 = vector.broadcast %add3A_682 : i32 to vector<16xi32>
      %add3A_684 = arith.addi %iota3A, %add3A_683 : vector<16xi32>
      %broadcast_in_dim3A_685 = arith.constant 3 : i32
      %broadcast_in_dim3A_686 = vector.broadcast %broadcast_in_dim3A_685 : i32 to vector<16xi32>
      %scatter3A_687 = arith.constant 0 : i32
      %scatter3A_688 = arith.constant 0 : i32
      %scatter3A_689 = tpu.memref_slice %arg8[%select_n3A_215, %scatter3A_687, %scatter3A_688] : memref<2x128x16xf32, #tpu.memory_space<vmem>> -> memref<1x128x16xf32, #tpu.memory_space<vmem>>
      %scatter3A_690 = tpu.memref_squeeze %scatter3A_689 : memref<1x128x16xf32, #tpu.memory_space<vmem>> -> memref<128x16xf32, #tpu.memory_space<vmem>>
      tpu.vector_store_idx %scatter3A_690[%add3A_684, %broadcast_in_dim3A_686], %get3A_681 : memref<128x16xf32, #tpu.memory_space<vmem>>[vector<16xi32>, vector<16xi32>], vector<16xf32>,
      %get3A_691 = arith.constant 0 : i32
      %get3A_692 = arith.constant 3 : i32
      %get3A_693 = arith.index_cast %select_n3A_215 : i32 to index
      %get3A_694 = arith.index_cast %get3A_691 : i32 to index
      %get3A_695 = arith.index_cast %get3A_692 : i32 to index
      %get3A_696 = arith.constant 16 : index
      %get3A_697 = tpu.vector_load %arg6[%get3A_693, %get3A_694, %get3A_695, %get3A_696] {strides = array<i32>} : memref<2x2x8x128xf32, #tpu.memory_space<vmem>>, vector<16xf32>,
      %add3A_698 = arith.constant 16 : i32
      %add3A_699 = vector.broadcast %add3A_698 : i32 to vector<16xi32>
      %add3A_700 = arith.addi %iota3A, %add3A_699 : vector<16xi32>
      %broadcast_in_dim3A_701 = arith.constant 3 : i32
      %broadcast_in_dim3A_702 = vector.broadcast %broadcast_in_dim3A_701 : i32 to vector<16xi32>
      %scatter3A_703 = arith.constant 0 : i32
      %scatter3A_704 = arith.constant 0 : i32
      %scatter3A_705 = tpu.memref_slice %arg8[%select_n3A_215, %scatter3A_703, %scatter3A_704] : memref<2x128x16xf32, #tpu.memory_space<vmem>> -> memref<1x128x16xf32, #tpu.memory_space<vmem>>
      %scatter3A_706 = tpu.memref_squeeze %scatter3A_705 : memref<1x128x16xf32, #tpu.memory_space<vmem>> -> memref<128x16xf32, #tpu.memory_space<vmem>>
      tpu.vector_store_idx %scatter3A_706[%add3A_700, %broadcast_in_dim3A_702], %get3A_697 : memref<128x16xf32, #tpu.memory_space<vmem>>[vector<16xi32>, vector<16xi32>], vector<16xf32>,
      %get3A_707 = arith.constant 0 : i32
      %get3A_708 = arith.constant 3 : i32
      %get3A_709 = arith.index_cast %select_n3A_215 : i32 to index
      %get3A_710 = arith.index_cast %get3A_707 : i32 to index
      %get3A_711 = arith.index_cast %get3A_708 : i32 to index
      %get3A_712 = arith.constant 32 : index
      %get3A_713 = tpu.vector_load %arg6[%get3A_709, %get3A_710, %get3A_711, %get3A_712] {strides = array<i32>} : memref<2x2x8x128xf32, #tpu.memory_space<vmem>>, vector<16xf32>,
      %add3A_714 = arith.constant 32 : i32
      %add3A_715 = vector.broadcast %add3A_714 : i32 to vector<16xi32>
      %add3A_716 = arith.addi %iota3A, %add3A_715 : vector<16xi32>
      %broadcast_in_dim3A_717 = arith.constant 3 : i32
      %broadcast_in_dim3A_718 = vector.broadcast %broadcast_in_dim3A_717 : i32 to vector<16xi32>
      %scatter3A_719 = arith.constant 0 : i32
      %scatter3A_720 = arith.constant 0 : i32
      %scatter3A_721 = tpu.memref_slice %arg8[%select_n3A_215, %scatter3A_719, %scatter3A_720] : memref<2x128x16xf32, #tpu.memory_space<vmem>> -> memref<1x128x16xf32, #tpu.memory_space<vmem>>
      %scatter3A_722 = tpu.memref_squeeze %scatter3A_721 : memref<1x128x16xf32, #tpu.memory_space<vmem>> -> memref<128x16xf32, #tpu.memory_space<vmem>>
      tpu.vector_store_idx %scatter3A_722[%add3A_716, %broadcast_in_dim3A_718], %get3A_713 : memref<128x16xf32, #tpu.memory_space<vmem>>[vector<16xi32>, vector<16xi32>], vector<16xf32>,
      %get3A_723 = arith.constant 0 : i32
      %get3A_724 = arith.constant 3 : i32
      %get3A_725 = arith.index_cast %select_n3A_215 : i32 to index
      %get3A_726 = arith.index_cast %get3A_723 : i32 to index
      %get3A_727 = arith.index_cast %get3A_724 : i32 to index
      %get3A_728 = arith.constant 48 : index
      %get3A_729 = tpu.vector_load %arg6[%get3A_725, %get3A_726, %get3A_727, %get3A_728] {strides = array<i32>} : memref<2x2x8x128xf32, #tpu.memory_space<vmem>>, vector<16xf32>,
      %add3A_730 = arith.constant 48 : i32
      %add3A_731 = vector.broadcast %add3A_730 : i32 to vector<16xi32>
      %add3A_732 = arith.addi %iota3A, %add3A_731 : vector<16xi32>
      %broadcast_in_dim3A_733 = arith.constant 3 : i32
      %broadcast_in_dim3A_734 = vector.broadcast %broadcast_in_dim3A_733 : i32 to vector<16xi32>
      %scatter3A_735 = arith.constant 0 : i32
      %scatter3A_736 = arith.constant 0 : i32
      %scatter3A_737 = tpu.memref_slice %arg8[%select_n3A_215, %scatter3A_735, %scatter3A_736] : memref<2x128x16xf32, #tpu.memory_space<vmem>> -> memref<1x128x16xf32, #tpu.memory_space<vmem>>
      %scatter3A_738 = tpu.memref_squeeze %scatter3A_737 : memref<1x128x16xf32, #tpu.memory_space<vmem>> -> memref<128x16xf32, #tpu.memory_space<vmem>>
      tpu.vector_store_idx %scatter3A_738[%add3A_732, %broadcast_in_dim3A_734], %get3A_729 : memref<128x16xf32, #tpu.memory_space<vmem>>[vector<16xi32>, vector<16xi32>], vector<16xf32>,
      %get3A_739 = arith.constant 0 : i32
      %get3A_740 = arith.constant 3 : i32
      %get3A_741 = arith.index_cast %select_n3A_215 : i32 to index
      %get3A_742 = arith.index_cast %get3A_739 : i32 to index
      %get3A_743 = arith.index_cast %get3A_740 : i32 to index
      %get3A_744 = arith.constant 64 : index
      %get3A_745 = tpu.vector_load %arg6[%get3A_741, %get3A_742, %get3A_743, %get3A_744] {strides = array<i32>} : memref<2x2x8x128xf32, #tpu.memory_space<vmem>>, vector<16xf32>,
      %add3A_746 = arith.constant 64 : i32
      %add3A_747 = vector.broadcast %add3A_746 : i32 to vector<16xi32>
      %add3A_748 = arith.addi %iota3A, %add3A_747 : vector<16xi32>
      %broadcast_in_dim3A_749 = arith.constant 3 : i32
      %broadcast_in_dim3A_750 = vector.broadcast %broadcast_in_dim3A_749 : i32 to vector<16xi32>
      %scatter3A_751 = arith.constant 0 : i32
      %scatter3A_752 = arith.constant 0 : i32
      %scatter3A_753 = tpu.memref_slice %arg8[%select_n3A_215, %scatter3A_751, %scatter3A_752] : memref<2x128x16xf32, #tpu.memory_space<vmem>> -> memref<1x128x16xf32, #tpu.memory_space<vmem>>
      %scatter3A_754 = tpu.memref_squeeze %scatter3A_753 : memref<1x128x16xf32, #tpu.memory_space<vmem>> -> memref<128x16xf32, #tpu.memory_space<vmem>>
      tpu.vector_store_idx %scatter3A_754[%add3A_748, %broadcast_in_dim3A_750], %get3A_745 : memref<128x16xf32, #tpu.memory_space<vmem>>[vector<16xi32>, vector<16xi32>], vector<16xf32>,
      %get3A_755 = arith.constant 0 : i32
      %get3A_756 = arith.constant 3 : i32
      %get3A_757 = arith.index_cast %select_n3A_215 : i32 to index
      %get3A_758 = arith.index_cast %get3A_755 : i32 to index
      %get3A_759 = arith.index_cast %get3A_756 : i32 to index
      %get3A_760 = arith.constant 80 : index
      %get3A_761 = tpu.vector_load %arg6[%get3A_757, %get3A_758, %get3A_759, %get3A_760] {strides = array<i32>} : memref<2x2x8x128xf32, #tpu.memory_space<vmem>>, vector<16xf32>,
      %add3A_762 = arith.constant 80 : i32
      %add3A_763 = vector.broadcast %add3A_762 : i32 to vector<16xi32>
      %add3A_764 = arith.addi %iota3A, %add3A_763 : vector<16xi32>
      %broadcast_in_dim3A_765 = arith.constant 3 : i32
      %broadcast_in_dim3A_766 = vector.broadcast %broadcast_in_dim3A_765 : i32 to vector<16xi32>
      %scatter3A_767 = arith.constant 0 : i32
      %scatter3A_768 = arith.constant 0 : i32
      %scatter3A_769 = tpu.memref_slice %arg8[%select_n3A_215, %scatter3A_767, %scatter3A_768] : memref<2x128x16xf32, #tpu.memory_space<vmem>> -> memref<1x128x16xf32, #tpu.memory_space<vmem>>
      %scatter3A_770 = tpu.memref_squeeze %scatter3A_769 : memref<1x128x16xf32, #tpu.memory_space<vmem>> -> memref<128x16xf32, #tpu.memory_space<vmem>>
      tpu.vector_store_idx %scatter3A_770[%add3A_764, %broadcast_in_dim3A_766], %get3A_761 : memref<128x16xf32, #tpu.memory_space<vmem>>[vector<16xi32>, vector<16xi32>], vector<16xf32>,
      %get3A_771 = arith.constant 0 : i32
      %get3A_772 = arith.constant 3 : i32
      %get3A_773 = arith.index_cast %select_n3A_215 : i32 to index
      %get3A_774 = arith.index_cast %get3A_771 : i32 to index
      %get3A_775 = arith.index_cast %get3A_772 : i32 to index
      %get3A_776 = arith.constant 96 : index
      %get3A_777 = tpu.vector_load %arg6[%get3A_773, %get3A_774, %get3A_775, %get3A_776] {strides = array<i32>} : memref<2x2x8x128xf32, #tpu.memory_space<vmem>>, vector<16xf32>,
      %add3A_778 = arith.constant 96 : i32
      %add3A_779 = vector.broadcast %add3A_778 : i32 to vector<16xi32>
      %add3A_780 = arith.addi %iota3A, %add3A_779 : vector<16xi32>
      %broadcast_in_dim3A_781 = arith.constant 3 : i32
      %broadcast_in_dim3A_782 = vector.broadcast %broadcast_in_dim3A_781 : i32 to vector<16xi32>
      %scatter3A_783 = arith.constant 0 : i32
      %scatter3A_784 = arith.constant 0 : i32
      %scatter3A_785 = tpu.memref_slice %arg8[%select_n3A_215, %scatter3A_783, %scatter3A_784] : memref<2x128x16xf32, #tpu.memory_space<vmem>> -> memref<1x128x16xf32, #tpu.memory_space<vmem>>
      %scatter3A_786 = tpu.memref_squeeze %scatter3A_785 : memref<1x128x16xf32, #tpu.memory_space<vmem>> -> memref<128x16xf32, #tpu.memory_space<vmem>>
      tpu.vector_store_idx %scatter3A_786[%add3A_780, %broadcast_in_dim3A_782], %get3A_777 : memref<128x16xf32, #tpu.memory_space<vmem>>[vector<16xi32>, vector<16xi32>], vector<16xf32>,
      %get3A_787 = arith.constant 0 : i32
      %get3A_788 = arith.constant 3 : i32
      %get3A_789 = arith.index_cast %select_n3A_215 : i32 to index
      %get3A_790 = arith.index_cast %get3A_787 : i32 to index
      %get3A_791 = arith.index_cast %get3A_788 : i32 to index
      %get3A_792 = arith.constant 112 : index
      %get3A_793 = tpu.vector_load %arg6[%get3A_789, %get3A_790, %get3A_791, %get3A_792] {strides = array<i32>} : memref<2x2x8x128xf32, #tpu.memory_space<vmem>>, vector<16xf32>,
      %add3A_794 = arith.constant 112 : i32
      %add3A_795 = vector.broadcast %add3A_794 : i32 to vector<16xi32>
      %add3A_796 = arith.addi %iota3A, %add3A_795 : vector<16xi32>
      %broadcast_in_dim3A_797 = arith.constant 3 : i32
      %broadcast_in_dim3A_798 = vector.broadcast %broadcast_in_dim3A_797 : i32 to vector<16xi32>
      %scatter3A_799 = arith.constant 0 : i32
      %scatter3A_800 = arith.constant 0 : i32
      %scatter3A_801 = tpu.memref_slice %arg8[%select_n3A_215, %scatter3A_799, %scatter3A_800] : memref<2x128x16xf32, #tpu.memory_space<vmem>> -> memref<1x128x16xf32, #tpu.memory_space<vmem>>
      %scatter3A_802 = tpu.memref_squeeze %scatter3A_801 : memref<1x128x16xf32, #tpu.memory_space<vmem>> -> memref<128x16xf32, #tpu.memory_space<vmem>>
      tpu.vector_store_idx %scatter3A_802[%add3A_796, %broadcast_in_dim3A_798], %get3A_793 : memref<128x16xf32, #tpu.memory_space<vmem>>[vector<16xi32>, vector<16xi32>], vector<16xf32>,
      %get3A_803 = arith.constant 0 : i32
      %get3A_804 = arith.constant 4 : i32
      %get3A_805 = arith.index_cast %select_n3A_215 : i32 to index
      %get3A_806 = arith.index_cast %get3A_803 : i32 to index
      %get3A_807 = arith.index_cast %get3A_804 : i32 to index
      %get3A_808 = arith.constant 0 : index
      %get3A_809 = tpu.vector_load %arg6[%get3A_805, %get3A_806, %get3A_807, %get3A_808] {strides = array<i32>} : memref<2x2x8x128xf32, #tpu.memory_space<vmem>>, vector<16xf32>,
      %add3A_810 = arith.constant 0 : i32
      %add3A_811 = vector.broadcast %add3A_810 : i32 to vector<16xi32>
      %add3A_812 = arith.addi %iota3A, %add3A_811 : vector<16xi32>
      %broadcast_in_dim3A_813 = arith.constant 4 : i32
      %broadcast_in_dim3A_814 = vector.broadcast %broadcast_in_dim3A_813 : i32 to vector<16xi32>
      %scatter3A_815 = arith.constant 0 : i32
      %scatter3A_816 = arith.constant 0 : i32
      %scatter3A_817 = tpu.memref_slice %arg8[%select_n3A_215, %scatter3A_815, %scatter3A_816] : memref<2x128x16xf32, #tpu.memory_space<vmem>> -> memref<1x128x16xf32, #tpu.memory_space<vmem>>
      %scatter3A_818 = tpu.memref_squeeze %scatter3A_817 : memref<1x128x16xf32, #tpu.memory_space<vmem>> -> memref<128x16xf32, #tpu.memory_space<vmem>>
      tpu.vector_store_idx %scatter3A_818[%add3A_812, %broadcast_in_dim3A_814], %get3A_809 : memref<128x16xf32, #tpu.memory_space<vmem>>[vector<16xi32>, vector<16xi32>], vector<16xf32>,
      %get3A_819 = arith.constant 0 : i32
      %get3A_820 = arith.constant 4 : i32
      %get3A_821 = arith.index_cast %select_n3A_215 : i32 to index
      %get3A_822 = arith.index_cast %get3A_819 : i32 to index
      %get3A_823 = arith.index_cast %get3A_820 : i32 to index
      %get3A_824 = arith.constant 16 : index
      %get3A_825 = tpu.vector_load %arg6[%get3A_821, %get3A_822, %get3A_823, %get3A_824] {strides = array<i32>} : memref<2x2x8x128xf32, #tpu.memory_space<vmem>>, vector<16xf32>,
      %add3A_826 = arith.constant 16 : i32
      %add3A_827 = vector.broadcast %add3A_826 : i32 to vector<16xi32>
      %add3A_828 = arith.addi %iota3A, %add3A_827 : vector<16xi32>
      %broadcast_in_dim3A_829 = arith.constant 4 : i32
      %broadcast_in_dim3A_830 = vector.broadcast %broadcast_in_dim3A_829 : i32 to vector<16xi32>
      %scatter3A_831 = arith.constant 0 : i32
      %scatter3A_832 = arith.constant 0 : i32
      %scatter3A_833 = tpu.memref_slice %arg8[%select_n3A_215, %scatter3A_831, %scatter3A_832] : memref<2x128x16xf32, #tpu.memory_space<vmem>> -> memref<1x128x16xf32, #tpu.memory_space<vmem>>
      %scatter3A_834 = tpu.memref_squeeze %scatter3A_833 : memref<1x128x16xf32, #tpu.memory_space<vmem>> -> memref<128x16xf32, #tpu.memory_space<vmem>>
      tpu.vector_store_idx %scatter3A_834[%add3A_828, %broadcast_in_dim3A_830], %get3A_825 : memref<128x16xf32, #tpu.memory_space<vmem>>[vector<16xi32>, vector<16xi32>], vector<16xf32>,
      %get3A_835 = arith.constant 0 : i32
      %get3A_836 = arith.constant 4 : i32
      %get3A_837 = arith.index_cast %select_n3A_215 : i32 to index
      %get3A_838 = arith.index_cast %get3A_835 : i32 to index
      %get3A_839 = arith.index_cast %get3A_836 : i32 to index
      %get3A_840 = arith.constant 32 : index
      %get3A_841 = tpu.vector_load %arg6[%get3A_837, %get3A_838, %get3A_839, %get3A_840] {strides = array<i32>} : memref<2x2x8x128xf32, #tpu.memory_space<vmem>>, vector<16xf32>,
      %add3A_842 = arith.constant 32 : i32
      %add3A_843 = vector.broadcast %add3A_842 : i32 to vector<16xi32>
      %add3A_844 = arith.addi %iota3A, %add3A_843 : vector<16xi32>
      %broadcast_in_dim3A_845 = arith.constant 4 : i32
      %broadcast_in_dim3A_846 = vector.broadcast %broadcast_in_dim3A_845 : i32 to vector<16xi32>
      %scatter3A_847 = arith.constant 0 : i32
      %scatter3A_848 = arith.constant 0 : i32
      %scatter3A_849 = tpu.memref_slice %arg8[%select_n3A_215, %scatter3A_847, %scatter3A_848] : memref<2x128x16xf32, #tpu.memory_space<vmem>> -> memref<1x128x16xf32, #tpu.memory_space<vmem>>
      %scatter3A_850 = tpu.memref_squeeze %scatter3A_849 : memref<1x128x16xf32, #tpu.memory_space<vmem>> -> memref<128x16xf32, #tpu.memory_space<vmem>>
      tpu.vector_store_idx %scatter3A_850[%add3A_844, %broadcast_in_dim3A_846], %get3A_841 : memref<128x16xf32, #tpu.memory_space<vmem>>[vector<16xi32>, vector<16xi32>], vector<16xf32>,
      %get3A_851 = arith.constant 0 : i32
      %get3A_852 = arith.constant 4 : i32
      %get3A_853 = arith.index_cast %select_n3A_215 : i32 to index
      %get3A_854 = arith.index_cast %get3A_851 : i32 to index
      %get3A_855 = arith.index_cast %get3A_852 : i32 to index
      %get3A_856 = arith.constant 48 : index
      %get3A_857 = tpu.vector_load %arg6[%get3A_853, %get3A_854, %get3A_855, %get3A_856] {strides = array<i32>} : memref<2x2x8x128xf32, #tpu.memory_space<vmem>>, vector<16xf32>,
      %add3A_858 = arith.constant 48 : i32
      %add3A_859 = vector.broadcast %add3A_858 : i32 to vector<16xi32>
      %add3A_860 = arith.addi %iota3A, %add3A_859 : vector<16xi32>
      %broadcast_in_dim3A_861 = arith.constant 4 : i32
      %broadcast_in_dim3A_862 = vector.broadcast %broadcast_in_dim3A_861 : i32 to vector<16xi32>
      %scatter3A_863 = arith.constant 0 : i32
      %scatter3A_864 = arith.constant 0 : i32
      %scatter3A_865 = tpu.memref_slice %arg8[%select_n3A_215, %scatter3A_863, %scatter3A_864] : memref<2x128x16xf32, #tpu.memory_space<vmem>> -> memref<1x128x16xf32, #tpu.memory_space<vmem>>
      %scatter3A_866 = tpu.memref_squeeze %scatter3A_865 : memref<1x128x16xf32, #tpu.memory_space<vmem>> -> memref<128x16xf32, #tpu.memory_space<vmem>>
      tpu.vector_store_idx %scatter3A_866[%add3A_860, %broadcast_in_dim3A_862], %get3A_857 : memref<128x16xf32, #tpu.memory_space<vmem>>[vector<16xi32>, vector<16xi32>], vector<16xf32>,
      %get3A_867 = arith.constant 0 : i32
      %get3A_868 = arith.constant 4 : i32
      %get3A_869 = arith.index_cast %select_n3A_215 : i32 to index
      %get3A_870 = arith.index_cast %get3A_867 : i32 to index
      %get3A_871 = arith.index_cast %get3A_868 : i32 to index
      %get3A_872 = arith.constant 64 : index
      %get3A_873 = tpu.vector_load %arg6[%get3A_869, %get3A_870, %get3A_871, %get3A_872] {strides = array<i32>} : memref<2x2x8x128xf32, #tpu.memory_space<vmem>>, vector<16xf32>,
      %add3A_874 = arith.constant 64 : i32
      %add3A_875 = vector.broadcast %add3A_874 : i32 to vector<16xi32>
      %add3A_876 = arith.addi %iota3A, %add3A_875 : vector<16xi32>
      %broadcast_in_dim3A_877 = arith.constant 4 : i32
      %broadcast_in_dim3A_878 = vector.broadcast %broadcast_in_dim3A_877 : i32 to vector<16xi32>
      %scatter3A_879 = arith.constant 0 : i32
      %scatter3A_880 = arith.constant 0 : i32
      %scatter3A_881 = tpu.memref_slice %arg8[%select_n3A_215, %scatter3A_879, %scatter3A_880] : memref<2x128x16xf32, #tpu.memory_space<vmem>> -> memref<1x128x16xf32, #tpu.memory_space<vmem>>
      %scatter3A_882 = tpu.memref_squeeze %scatter3A_881 : memref<1x128x16xf32, #tpu.memory_space<vmem>> -> memref<128x16xf32, #tpu.memory_space<vmem>>
      tpu.vector_store_idx %scatter3A_882[%add3A_876, %broadcast_in_dim3A_878], %get3A_873 : memref<128x16xf32, #tpu.memory_space<vmem>>[vector<16xi32>, vector<16xi32>], vector<16xf32>,
      %get3A_883 = arith.constant 0 : i32
      %get3A_884 = arith.constant 4 : i32
      %get3A_885 = arith.index_cast %select_n3A_215 : i32 to index
      %get3A_886 = arith.index_cast %get3A_883 : i32 to index
      %get3A_887 = arith.index_cast %get3A_884 : i32 to index
      %get3A_888 = arith.constant 80 : index
      %get3A_889 = tpu.vector_load %arg6[%get3A_885, %get3A_886, %get3A_887, %get3A_888] {strides = array<i32>} : memref<2x2x8x128xf32, #tpu.memory_space<vmem>>, vector<16xf32>,
      %add3A_890 = arith.constant 80 : i32
      %add3A_891 = vector.broadcast %add3A_890 : i32 to vector<16xi32>
      %add3A_892 = arith.addi %iota3A, %add3A_891 : vector<16xi32>
      %broadcast_in_dim3A_893 = arith.constant 4 : i32
      %broadcast_in_dim3A_894 = vector.broadcast %broadcast_in_dim3A_893 : i32 to vector<16xi32>
      %scatter3A_895 = arith.constant 0 : i32
      %scatter3A_896 = arith.constant 0 : i32
      %scatter3A_897 = tpu.memref_slice %arg8[%select_n3A_215, %scatter3A_895, %scatter3A_896] : memref<2x128x16xf32, #tpu.memory_space<vmem>> -> memref<1x128x16xf32, #tpu.memory_space<vmem>>
      %scatter3A_898 = tpu.memref_squeeze %scatter3A_897 : memref<1x128x16xf32, #tpu.memory_space<vmem>> -> memref<128x16xf32, #tpu.memory_space<vmem>>
      tpu.vector_store_idx %scatter3A_898[%add3A_892, %broadcast_in_dim3A_894], %get3A_889 : memref<128x16xf32, #tpu.memory_space<vmem>>[vector<16xi32>, vector<16xi32>], vector<16xf32>,
      %get3A_899 = arith.constant 0 : i32
      %get3A_900 = arith.constant 4 : i32
      %get3A_901 = arith.index_cast %select_n3A_215 : i32 to index
      %get3A_902 = arith.index_cast %get3A_899 : i32 to index
      %get3A_903 = arith.index_cast %get3A_900 : i32 to index
      %get3A_904 = arith.constant 96 : index
      %get3A_905 = tpu.vector_load %arg6[%get3A_901, %get3A_902, %get3A_903, %get3A_904] {strides = array<i32>} : memref<2x2x8x128xf32, #tpu.memory_space<vmem>>, vector<16xf32>,
      %add3A_906 = arith.constant 96 : i32
      %add3A_907 = vector.broadcast %add3A_906 : i32 to vector<16xi32>
      %add3A_908 = arith.addi %iota3A, %add3A_907 : vector<16xi32>
      %broadcast_in_dim3A_909 = arith.constant 4 : i32
      %broadcast_in_dim3A_910 = vector.broadcast %broadcast_in_dim3A_909 : i32 to vector<16xi32>
      %scatter3A_911 = arith.constant 0 : i32
      %scatter3A_912 = arith.constant 0 : i32
      %scatter3A_913 = tpu.memref_slice %arg8[%select_n3A_215, %scatter3A_911, %scatter3A_912] : memref<2x128x16xf32, #tpu.memory_space<vmem>> -> memref<1x128x16xf32, #tpu.memory_space<vmem>>
      %scatter3A_914 = tpu.memref_squeeze %scatter3A_913 : memref<1x128x16xf32, #tpu.memory_space<vmem>> -> memref<128x16xf32, #tpu.memory_space<vmem>>
      tpu.vector_store_idx %scatter3A_914[%add3A_908, %broadcast_in_dim3A_910], %get3A_905 : memref<128x16xf32, #tpu.memory_space<vmem>>[vector<16xi32>, vector<16xi32>], vector<16xf32>,
      %get3A_915 = arith.constant 0 : i32
      %get3A_916 = arith.constant 4 : i32
      %get3A_917 = arith.index_cast %select_n3A_215 : i32 to index
      %get3A_918 = arith.index_cast %get3A_915 : i32 to index
      %get3A_919 = arith.index_cast %get3A_916 : i32 to index
      %get3A_920 = arith.constant 112 : index
      %get3A_921 = tpu.vector_load %arg6[%get3A_917, %get3A_918, %get3A_919, %get3A_920] {strides = array<i32>} : memref<2x2x8x128xf32, #tpu.memory_space<vmem>>, vector<16xf32>,
      %add3A_922 = arith.constant 112 : i32
      %add3A_923 = vector.broadcast %add3A_922 : i32 to vector<16xi32>
      %add3A_924 = arith.addi %iota3A, %add3A_923 : vector<16xi32>
      %broadcast_in_dim3A_925 = arith.constant 4 : i32
      %broadcast_in_dim3A_926 = vector.broadcast %broadcast_in_dim3A_925 : i32 to vector<16xi32>
      %scatter3A_927 = arith.constant 0 : i32
      %scatter3A_928 = arith.constant 0 : i32
      %scatter3A_929 = tpu.memref_slice %arg8[%select_n3A_215, %scatter3A_927, %scatter3A_928] : memref<2x128x16xf32, #tpu.memory_space<vmem>> -> memref<1x128x16xf32, #tpu.memory_space<vmem>>
      %scatter3A_930 = tpu.memref_squeeze %scatter3A_929 : memref<1x128x16xf32, #tpu.memory_space<vmem>> -> memref<128x16xf32, #tpu.memory_space<vmem>>
      tpu.vector_store_idx %scatter3A_930[%add3A_924, %broadcast_in_dim3A_926], %get3A_921 : memref<128x16xf32, #tpu.memory_space<vmem>>[vector<16xi32>, vector<16xi32>], vector<16xf32>,
      %get3A_931 = arith.constant 0 : i32
      %get3A_932 = arith.constant 5 : i32
      %get3A_933 = arith.index_cast %select_n3A_215 : i32 to index
      %get3A_934 = arith.index_cast %get3A_931 : i32 to index
      %get3A_935 = arith.index_cast %get3A_932 : i32 to index
      %get3A_936 = arith.constant 0 : index
      %get3A_937 = tpu.vector_load %arg6[%get3A_933, %get3A_934, %get3A_935, %get3A_936] {strides = array<i32>} : memref<2x2x8x128xf32, #tpu.memory_space<vmem>>, vector<16xf32>,
      %add3A_938 = arith.constant 0 : i32
      %add3A_939 = vector.broadcast %add3A_938 : i32 to vector<16xi32>
      %add3A_940 = arith.addi %iota3A, %add3A_939 : vector<16xi32>
      %broadcast_in_dim3A_941 = arith.constant 5 : i32
      %broadcast_in_dim3A_942 = vector.broadcast %broadcast_in_dim3A_941 : i32 to vector<16xi32>
      %scatter3A_943 = arith.constant 0 : i32
      %scatter3A_944 = arith.constant 0 : i32
      %scatter3A_945 = tpu.memref_slice %arg8[%select_n3A_215, %scatter3A_943, %scatter3A_944] : memref<2x128x16xf32, #tpu.memory_space<vmem>> -> memref<1x128x16xf32, #tpu.memory_space<vmem>>
      %scatter3A_946 = tpu.memref_squeeze %scatter3A_945 : memref<1x128x16xf32, #tpu.memory_space<vmem>> -> memref<128x16xf32, #tpu.memory_space<vmem>>
      tpu.vector_store_idx %scatter3A_946[%add3A_940, %broadcast_in_dim3A_942], %get3A_937 : memref<128x16xf32, #tpu.memory_space<vmem>>[vector<16xi32>, vector<16xi32>], vector<16xf32>,
      %get3A_947 = arith.constant 0 : i32
      %get3A_948 = arith.constant 5 : i32
      %get3A_949 = arith.index_cast %select_n3A_215 : i32 to index
      %get3A_950 = arith.index_cast %get3A_947 : i32 to index
      %get3A_951 = arith.index_cast %get3A_948 : i32 to index
      %get3A_952 = arith.constant 16 : index
      %get3A_953 = tpu.vector_load %arg6[%get3A_949, %get3A_950, %get3A_951, %get3A_952] {strides = array<i32>} : memref<2x2x8x128xf32, #tpu.memory_space<vmem>>, vector<16xf32>,
      %add3A_954 = arith.constant 16 : i32
      %add3A_955 = vector.broadcast %add3A_954 : i32 to vector<16xi32>
      %add3A_956 = arith.addi %iota3A, %add3A_955 : vector<16xi32>
      %broadcast_in_dim3A_957 = arith.constant 5 : i32
      %broadcast_in_dim3A_958 = vector.broadcast %broadcast_in_dim3A_957 : i32 to vector<16xi32>
      %scatter3A_959 = arith.constant 0 : i32
      %scatter3A_960 = arith.constant 0 : i32
      %scatter3A_961 = tpu.memref_slice %arg8[%select_n3A_215, %scatter3A_959, %scatter3A_960] : memref<2x128x16xf32, #tpu.memory_space<vmem>> -> memref<1x128x16xf32, #tpu.memory_space<vmem>>
      %scatter3A_962 = tpu.memref_squeeze %scatter3A_961 : memref<1x128x16xf32, #tpu.memory_space<vmem>> -> memref<128x16xf32, #tpu.memory_space<vmem>>
      tpu.vector_store_idx %scatter3A_962[%add3A_956, %broadcast_in_dim3A_958], %get3A_953 : memref<128x16xf32, #tpu.memory_space<vmem>>[vector<16xi32>, vector<16xi32>], vector<16xf32>,
      %get3A_963 = arith.constant 0 : i32
      %get3A_964 = arith.constant 5 : i32
      %get3A_965 = arith.index_cast %select_n3A_215 : i32 to index
      %get3A_966 = arith.index_cast %get3A_963 : i32 to index
      %get3A_967 = arith.index_cast %get3A_964 : i32 to index
      %get3A_968 = arith.constant 32 : index
      %get3A_969 = tpu.vector_load %arg6[%get3A_965, %get3A_966, %get3A_967, %get3A_968] {strides = array<i32>} : memref<2x2x8x128xf32, #tpu.memory_space<vmem>>, vector<16xf32>,
      %add3A_970 = arith.constant 32 : i32
      %add3A_971 = vector.broadcast %add3A_970 : i32 to vector<16xi32>
      %add3A_972 = arith.addi %iota3A, %add3A_971 : vector<16xi32>
      %broadcast_in_dim3A_973 = arith.constant 5 : i32
      %broadcast_in_dim3A_974 = vector.broadcast %broadcast_in_dim3A_973 : i32 to vector<16xi32>
      %scatter3A_975 = arith.constant 0 : i32
      %scatter3A_976 = arith.constant 0 : i32
      %scatter3A_977 = tpu.memref_slice %arg8[%select_n3A_215, %scatter3A_975, %scatter3A_976] : memref<2x128x16xf32, #tpu.memory_space<vmem>> -> memref<1x128x16xf32, #tpu.memory_space<vmem>>
      %scatter3A_978 = tpu.memref_squeeze %scatter3A_977 : memref<1x128x16xf32, #tpu.memory_space<vmem>> -> memref<128x16xf32, #tpu.memory_space<vmem>>
      tpu.vector_store_idx %scatter3A_978[%add3A_972, %broadcast_in_dim3A_974], %get3A_969 : memref<128x16xf32, #tpu.memory_space<vmem>>[vector<16xi32>, vector<16xi32>], vector<16xf32>,
      %get3A_979 = arith.constant 0 : i32
      %get3A_980 = arith.constant 5 : i32
      %get3A_981 = arith.index_cast %select_n3A_215 : i32 to index
      %get3A_982 = arith.index_cast %get3A_979 : i32 to index
      %get3A_983 = arith.index_cast %get3A_980 : i32 to index
      %get3A_984 = arith.constant 48 : index
      %get3A_985 = tpu.vector_load %arg6[%get3A_981, %get3A_982, %get3A_983, %get3A_984] {strides = array<i32>} : memref<2x2x8x128xf32, #tpu.memory_space<vmem>>, vector<16xf32>,
      %add3A_986 = arith.constant 48 : i32
      %add3A_987 = vector.broadcast %add3A_986 : i32 to vector<16xi32>
      %add3A_988 = arith.addi %iota3A, %add3A_987 : vector<16xi32>
      %broadcast_in_dim3A_989 = arith.constant 5 : i32
      %broadcast_in_dim3A_990 = vector.broadcast %broadcast_in_dim3A_989 : i32 to vector<16xi32>
      %scatter3A_991 = arith.constant 0 : i32
      %scatter3A_992 = arith.constant 0 : i32
      %scatter3A_993 = tpu.memref_slice %arg8[%select_n3A_215, %scatter3A_991, %scatter3A_992] : memref<2x128x16xf32, #tpu.memory_space<vmem>> -> memref<1x128x16xf32, #tpu.memory_space<vmem>>
      %scatter3A_994 = tpu.memref_squeeze %scatter3A_993 : memref<1x128x16xf32, #tpu.memory_space<vmem>> -> memref<128x16xf32, #tpu.memory_space<vmem>>
      tpu.vector_store_idx %scatter3A_994[%add3A_988, %broadcast_in_dim3A_990], %get3A_985 : memref<128x16xf32, #tpu.memory_space<vmem>>[vector<16xi32>, vector<16xi32>], vector<16xf32>,
      %get3A_995 = arith.constant 0 : i32
      %get3A_996 = arith.constant 5 : i32
      %get3A_997 = arith.index_cast %select_n3A_215 : i32 to index
      %get3A_998 = arith.index_cast %get3A_995 : i32 to index
      %get3A_999 = arith.index_cast %get3A_996 : i32 to index
      %get3A_1000 = arith.constant 64 : index
      %get3A_1001 = tpu.vector_load %arg6[%get3A_997, %get3A_998, %get3A_999, %get3A_1000] {strides = array<i32>} : memref<2x2x8x128xf32, #tpu.memory_space<vmem>>, vector<16xf32>,
      %add3A_1002 = arith.constant 64 : i32
      %add3A_1003 = vector.broadcast %add3A_1002 : i32 to vector<16xi32>
      %add3A_1004 = arith.addi %iota3A, %add3A_1003 : vector<16xi32>
      %broadcast_in_dim3A_1005 = arith.constant 5 : i32
      %broadcast_in_dim3A_1006 = vector.broadcast %broadcast_in_dim3A_1005 : i32 to vector<16xi32>
      %scatter3A_1007 = arith.constant 0 : i32
      %scatter3A_1008 = arith.constant 0 : i32
      %scatter3A_1009 = tpu.memref_slice %arg8[%select_n3A_215, %scatter3A_1007, %scatter3A_1008] : memref<2x128x16xf32, #tpu.memory_space<vmem>> -> memref<1x128x16xf32, #tpu.memory_space<vmem>>
      %scatter3A_1010 = tpu.memref_squeeze %scatter3A_1009 : memref<1x128x16xf32, #tpu.memory_space<vmem>> -> memref<128x16xf32, #tpu.memory_space<vmem>>
      tpu.vector_store_idx %scatter3A_1010[%add3A_1004, %broadcast_in_dim3A_1006], %get3A_1001 : memref<128x16xf32, #tpu.memory_space<vmem>>[vector<16xi32>, vector<16xi32>], vector<16xf32>,
      %get3A_1011 = arith.constant 0 : i32
      %get3A_1012 = arith.constant 5 : i32
      %get3A_1013 = arith.index_cast %select_n3A_215 : i32 to index
      %get3A_1014 = arith.index_cast %get3A_1011 : i32 to index
      %get3A_1015 = arith.index_cast %get3A_1012 : i32 to index
      %get3A_1016 = arith.constant 80 : index
      %get3A_1017 = tpu.vector_load %arg6[%get3A_1013, %get3A_1014, %get3A_1015, %get3A_1016] {strides = array<i32>} : memref<2x2x8x128xf32, #tpu.memory_space<vmem>>, vector<16xf32>,
      %add3A_1018 = arith.constant 80 : i32
      %add3A_1019 = vector.broadcast %add3A_1018 : i32 to vector<16xi32>
      %add3A_1020 = arith.addi %iota3A, %add3A_1019 : vector<16xi32>
      %broadcast_in_dim3A_1021 = arith.constant 5 : i32
      %broadcast_in_dim3A_1022 = vector.broadcast %broadcast_in_dim3A_1021 : i32 to vector<16xi32>
      %scatter3A_1023 = arith.constant 0 : i32
      %scatter3A_1024 = arith.constant 0 : i32
      %scatter3A_1025 = tpu.memref_slice %arg8[%select_n3A_215, %scatter3A_1023, %scatter3A_1024] : memref<2x128x16xf32, #tpu.memory_space<vmem>> -> memref<1x128x16xf32, #tpu.memory_space<vmem>>
      %scatter3A_1026 = tpu.memref_squeeze %scatter3A_1025 : memref<1x128x16xf32, #tpu.memory_space<vmem>> -> memref<128x16xf32, #tpu.memory_space<vmem>>
      tpu.vector_store_idx %scatter3A_1026[%add3A_1020, %broadcast_in_dim3A_1022], %get3A_1017 : memref<128x16xf32, #tpu.memory_space<vmem>>[vector<16xi32>, vector<16xi32>], vector<16xf32>,
      %get3A_1027 = arith.constant 0 : i32
      %get3A_1028 = arith.constant 5 : i32
      %get3A_1029 = arith.index_cast %select_n3A_215 : i32 to index
      %get3A_1030 = arith.index_cast %get3A_1027 : i32 to index
      %get3A_1031 = arith.index_cast %get3A_1028 : i32 to index
      %get3A_1032 = arith.constant 96 : index
      %get3A_1033 = tpu.vector_load %arg6[%get3A_1029, %get3A_1030, %get3A_1031, %get3A_1032] {strides = array<i32>} : memref<2x2x8x128xf32, #tpu.memory_space<vmem>>, vector<16xf32>,
      %add3A_1034 = arith.constant 96 : i32
      %add3A_1035 = vector.broadcast %add3A_1034 : i32 to vector<16xi32>
      %add3A_1036 = arith.addi %iota3A, %add3A_1035 : vector<16xi32>
      %broadcast_in_dim3A_1037 = arith.constant 5 : i32
      %broadcast_in_dim3A_1038 = vector.broadcast %broadcast_in_dim3A_1037 : i32 to vector<16xi32>
      %scatter3A_1039 = arith.constant 0 : i32
      %scatter3A_1040 = arith.constant 0 : i32
      %scatter3A_1041 = tpu.memref_slice %arg8[%select_n3A_215, %scatter3A_1039, %scatter3A_1040] : memref<2x128x16xf32, #tpu.memory_space<vmem>> -> memref<1x128x16xf32, #tpu.memory_space<vmem>>
      %scatter3A_1042 = tpu.memref_squeeze %scatter3A_1041 : memref<1x128x16xf32, #tpu.memory_space<vmem>> -> memref<128x16xf32, #tpu.memory_space<vmem>>
      tpu.vector_store_idx %scatter3A_1042[%add3A_1036, %broadcast_in_dim3A_1038], %get3A_1033 : memref<128x16xf32, #tpu.memory_space<vmem>>[vector<16xi32>, vector<16xi32>], vector<16xf32>,
      %get3A_1043 = arith.constant 0 : i32
      %get3A_1044 = arith.constant 5 : i32
      %get3A_1045 = arith.index_cast %select_n3A_215 : i32 to index
      %get3A_1046 = arith.index_cast %get3A_1043 : i32 to index
      %get3A_1047 = arith.index_cast %get3A_1044 : i32 to index
      %get3A_1048 = arith.constant 112 : index
      %get3A_1049 = tpu.vector_load %arg6[%get3A_1045, %get3A_1046, %get3A_1047, %get3A_1048] {strides = array<i32>} : memref<2x2x8x128xf32, #tpu.memory_space<vmem>>, vector<16xf32>,
      %add3A_1050 = arith.constant 112 : i32
      %add3A_1051 = vector.broadcast %add3A_1050 : i32 to vector<16xi32>
      %add3A_1052 = arith.addi %iota3A, %add3A_1051 : vector<16xi32>
      %broadcast_in_dim3A_1053 = arith.constant 5 : i32
      %broadcast_in_dim3A_1054 = vector.broadcast %broadcast_in_dim3A_1053 : i32 to vector<16xi32>
      %scatter3A_1055 = arith.constant 0 : i32
      %scatter3A_1056 = arith.constant 0 : i32
      %scatter3A_1057 = tpu.memref_slice %arg8[%select_n3A_215, %scatter3A_1055, %scatter3A_1056] : memref<2x128x16xf32, #tpu.memory_space<vmem>> -> memref<1x128x16xf32, #tpu.memory_space<vmem>>
      %scatter3A_1058 = tpu.memref_squeeze %scatter3A_1057 : memref<1x128x16xf32, #tpu.memory_space<vmem>> -> memref<128x16xf32, #tpu.memory_space<vmem>>
      tpu.vector_store_idx %scatter3A_1058[%add3A_1052, %broadcast_in_dim3A_1054], %get3A_1049 : memref<128x16xf32, #tpu.memory_space<vmem>>[vector<16xi32>, vector<16xi32>], vector<16xf32>,
      %get3A_1059 = arith.constant 0 : i32
      %get3A_1060 = arith.constant 6 : i32
      %get3A_1061 = arith.index_cast %select_n3A_215 : i32 to index
      %get3A_1062 = arith.index_cast %get3A_1059 : i32 to index
      %get3A_1063 = arith.index_cast %get3A_1060 : i32 to index
      %get3A_1064 = arith.constant 0 : index
      %get3A_1065 = tpu.vector_load %arg6[%get3A_1061, %get3A_1062, %get3A_1063, %get3A_1064] {strides = array<i32>} : memref<2x2x8x128xf32, #tpu.memory_space<vmem>>, vector<16xf32>,
      %add3A_1066 = arith.constant 0 : i32
      %add3A_1067 = vector.broadcast %add3A_1066 : i32 to vector<16xi32>
      %add3A_1068 = arith.addi %iota3A, %add3A_1067 : vector<16xi32>
      %broadcast_in_dim3A_1069 = arith.constant 6 : i32
      %broadcast_in_dim3A_1070 = vector.broadcast %broadcast_in_dim3A_1069 : i32 to vector<16xi32>
      %scatter3A_1071 = arith.constant 0 : i32
      %scatter3A_1072 = arith.constant 0 : i32
      %scatter3A_1073 = tpu.memref_slice %arg8[%select_n3A_215, %scatter3A_1071, %scatter3A_1072] : memref<2x128x16xf32, #tpu.memory_space<vmem>> -> memref<1x128x16xf32, #tpu.memory_space<vmem>>
      %scatter3A_1074 = tpu.memref_squeeze %scatter3A_1073 : memref<1x128x16xf32, #tpu.memory_space<vmem>> -> memref<128x16xf32, #tpu.memory_space<vmem>>
      tpu.vector_store_idx %scatter3A_1074[%add3A_1068, %broadcast_in_dim3A_1070], %get3A_1065 : memref<128x16xf32, #tpu.memory_space<vmem>>[vector<16xi32>, vector<16xi32>], vector<16xf32>,
      %get3A_1075 = arith.constant 0 : i32
      %get3A_1076 = arith.constant 6 : i32
      %get3A_1077 = arith.index_cast %select_n3A_215 : i32 to index
      %get3A_1078 = arith.index_cast %get3A_1075 : i32 to index
      %get3A_1079 = arith.index_cast %get3A_1076 : i32 to index
      %get3A_1080 = arith.constant 16 : index
      %get3A_1081 = tpu.vector_load %arg6[%get3A_1077, %get3A_1078, %get3A_1079, %get3A_1080] {strides = array<i32>} : memref<2x2x8x128xf32, #tpu.memory_space<vmem>>, vector<16xf32>,
      %add3A_1082 = arith.constant 16 : i32
      %add3A_1083 = vector.broadcast %add3A_1082 : i32 to vector<16xi32>
      %add3A_1084 = arith.addi %iota3A, %add3A_1083 : vector<16xi32>
      %broadcast_in_dim3A_1085 = arith.constant 6 : i32
      %broadcast_in_dim3A_1086 = vector.broadcast %broadcast_in_dim3A_1085 : i32 to vector<16xi32>
      %scatter3A_1087 = arith.constant 0 : i32
      %scatter3A_1088 = arith.constant 0 : i32
      %scatter3A_1089 = tpu.memref_slice %arg8[%select_n3A_215, %scatter3A_1087, %scatter3A_1088] : memref<2x128x16xf32, #tpu.memory_space<vmem>> -> memref<1x128x16xf32, #tpu.memory_space<vmem>>
      %scatter3A_1090 = tpu.memref_squeeze %scatter3A_1089 : memref<1x128x16xf32, #tpu.memory_space<vmem>> -> memref<128x16xf32, #tpu.memory_space<vmem>>
      tpu.vector_store_idx %scatter3A_1090[%add3A_1084, %broadcast_in_dim3A_1086], %get3A_1081 : memref<128x16xf32, #tpu.memory_space<vmem>>[vector<16xi32>, vector<16xi32>], vector<16xf32>,
      %get3A_1091 = arith.constant 0 : i32
      %get3A_1092 = arith.constant 6 : i32
      %get3A_1093 = arith.index_cast %select_n3A_215 : i32 to index
      %get3A_1094 = arith.index_cast %get3A_1091 : i32 to index
      %get3A_1095 = arith.index_cast %get3A_1092 : i32 to index
      %get3A_1096 = arith.constant 32 : index
      %get3A_1097 = tpu.vector_load %arg6[%get3A_1093, %get3A_1094, %get3A_1095, %get3A_1096] {strides = array<i32>} : memref<2x2x8x128xf32, #tpu.memory_space<vmem>>, vector<16xf32>,
      %add3A_1098 = arith.constant 32 : i32
      %add3A_1099 = vector.broadcast %add3A_1098 : i32 to vector<16xi32>
      %add3A_1100 = arith.addi %iota3A, %add3A_1099 : vector<16xi32>
      %broadcast_in_dim3A_1101 = arith.constant 6 : i32
      %broadcast_in_dim3A_1102 = vector.broadcast %broadcast_in_dim3A_1101 : i32 to vector<16xi32>
      %scatter3A_1103 = arith.constant 0 : i32
      %scatter3A_1104 = arith.constant 0 : i32
      %scatter3A_1105 = tpu.memref_slice %arg8[%select_n3A_215, %scatter3A_1103, %scatter3A_1104] : memref<2x128x16xf32, #tpu.memory_space<vmem>> -> memref<1x128x16xf32, #tpu.memory_space<vmem>>
      %scatter3A_1106 = tpu.memref_squeeze %scatter3A_1105 : memref<1x128x16xf32, #tpu.memory_space<vmem>> -> memref<128x16xf32, #tpu.memory_space<vmem>>
      tpu.vector_store_idx %scatter3A_1106[%add3A_1100, %broadcast_in_dim3A_1102], %get3A_1097 : memref<128x16xf32, #tpu.memory_space<vmem>>[vector<16xi32>, vector<16xi32>], vector<16xf32>,
      %get3A_1107 = arith.constant 0 : i32
      %get3A_1108 = arith.constant 6 : i32
      %get3A_1109 = arith.index_cast %select_n3A_215 : i32 to index
      %get3A_1110 = arith.index_cast %get3A_1107 : i32 to index
      %get3A_1111 = arith.index_cast %get3A_1108 : i32 to index
      %get3A_1112 = arith.constant 48 : index
      %get3A_1113 = tpu.vector_load %arg6[%get3A_1109, %get3A_1110, %get3A_1111, %get3A_1112] {strides = array<i32>} : memref<2x2x8x128xf32, #tpu.memory_space<vmem>>, vector<16xf32>,
      %add3A_1114 = arith.constant 48 : i32
      %add3A_1115 = vector.broadcast %add3A_1114 : i32 to vector<16xi32>
      %add3A_1116 = arith.addi %iota3A, %add3A_1115 : vector<16xi32>
      %broadcast_in_dim3A_1117 = arith.constant 6 : i32
      %broadcast_in_dim3A_1118 = vector.broadcast %broadcast_in_dim3A_1117 : i32 to vector<16xi32>
      %scatter3A_1119 = arith.constant 0 : i32
      %scatter3A_1120 = arith.constant 0 : i32
      %scatter3A_1121 = tpu.memref_slice %arg8[%select_n3A_215, %scatter3A_1119, %scatter3A_1120] : memref<2x128x16xf32, #tpu.memory_space<vmem>> -> memref<1x128x16xf32, #tpu.memory_space<vmem>>
      %scatter3A_1122 = tpu.memref_squeeze %scatter3A_1121 : memref<1x128x16xf32, #tpu.memory_space<vmem>> -> memref<128x16xf32, #tpu.memory_space<vmem>>
      tpu.vector_store_idx %scatter3A_1122[%add3A_1116, %broadcast_in_dim3A_1118], %get3A_1113 : memref<128x16xf32, #tpu.memory_space<vmem>>[vector<16xi32>, vector<16xi32>], vector<16xf32>,
      %get3A_1123 = arith.constant 0 : i32
      %get3A_1124 = arith.constant 6 : i32
      %get3A_1125 = arith.index_cast %select_n3A_215 : i32 to index
      %get3A_1126 = arith.index_cast %get3A_1123 : i32 to index
      %get3A_1127 = arith.index_cast %get3A_1124 : i32 to index
      %get3A_1128 = arith.constant 64 : index
      %get3A_1129 = tpu.vector_load %arg6[%get3A_1125, %get3A_1126, %get3A_1127, %get3A_1128] {strides = array<i32>} : memref<2x2x8x128xf32, #tpu.memory_space<vmem>>, vector<16xf32>,
      %add3A_1130 = arith.constant 64 : i32
      %add3A_1131 = vector.broadcast %add3A_1130 : i32 to vector<16xi32>
      %add3A_1132 = arith.addi %iota3A, %add3A_1131 : vector<16xi32>
      %broadcast_in_dim3A_1133 = arith.constant 6 : i32
      %broadcast_in_dim3A_1134 = vector.broadcast %broadcast_in_dim3A_1133 : i32 to vector<16xi32>
      %scatter3A_1135 = arith.constant 0 : i32
      %scatter3A_1136 = arith.constant 0 : i32
      %scatter3A_1137 = tpu.memref_slice %arg8[%select_n3A_215, %scatter3A_1135, %scatter3A_1136] : memref<2x128x16xf32, #tpu.memory_space<vmem>> -> memref<1x128x16xf32, #tpu.memory_space<vmem>>
      %scatter3A_1138 = tpu.memref_squeeze %scatter3A_1137 : memref<1x128x16xf32, #tpu.memory_space<vmem>> -> memref<128x16xf32, #tpu.memory_space<vmem>>
      tpu.vector_store_idx %scatter3A_1138[%add3A_1132, %broadcast_in_dim3A_1134], %get3A_1129 : memref<128x16xf32, #tpu.memory_space<vmem>>[vector<16xi32>, vector<16xi32>], vector<16xf32>,
      %get3A_1139 = arith.constant 0 : i32
      %get3A_1140 = arith.constant 6 : i32
      %get3A_1141 = arith.index_cast %select_n3A_215 : i32 to index
      %get3A_1142 = arith.index_cast %get3A_1139 : i32 to index
      %get3A_1143 = arith.index_cast %get3A_1140 : i32 to index
      %get3A_1144 = arith.constant 80 : index
      %get3A_1145 = tpu.vector_load %arg6[%get3A_1141, %get3A_1142, %get3A_1143, %get3A_1144] {strides = array<i32>} : memref<2x2x8x128xf32, #tpu.memory_space<vmem>>, vector<16xf32>,
      %add3A_1146 = arith.constant 80 : i32
      %add3A_1147 = vector.broadcast %add3A_1146 : i32 to vector<16xi32>
      %add3A_1148 = arith.addi %iota3A, %add3A_1147 : vector<16xi32>
      %broadcast_in_dim3A_1149 = arith.constant 6 : i32
      %broadcast_in_dim3A_1150 = vector.broadcast %broadcast_in_dim3A_1149 : i32 to vector<16xi32>
      %scatter3A_1151 = arith.constant 0 : i32
      %scatter3A_1152 = arith.constant 0 : i32
      %scatter3A_1153 = tpu.memref_slice %arg8[%select_n3A_215, %scatter3A_1151, %scatter3A_1152] : memref<2x128x16xf32, #tpu.memory_space<vmem>> -> memref<1x128x16xf32, #tpu.memory_space<vmem>>
      %scatter3A_1154 = tpu.memref_squeeze %scatter3A_1153 : memref<1x128x16xf32, #tpu.memory_space<vmem>> -> memref<128x16xf32, #tpu.memory_space<vmem>>
      tpu.vector_store_idx %scatter3A_1154[%add3A_1148, %broadcast_in_dim3A_1150], %get3A_1145 : memref<128x16xf32, #tpu.memory_space<vmem>>[vector<16xi32>, vector<16xi32>], vector<16xf32>,
      %get3A_1155 = arith.constant 0 : i32
      %get3A_1156 = arith.constant 6 : i32
      %get3A_1157 = arith.index_cast %select_n3A_215 : i32 to index
      %get3A_1158 = arith.index_cast %get3A_1155 : i32 to index
      %get3A_1159 = arith.index_cast %get3A_1156 : i32 to index
      %get3A_1160 = arith.constant 96 : index
      %get3A_1161 = tpu.vector_load %arg6[%get3A_1157, %get3A_1158, %get3A_1159, %get3A_1160] {strides = array<i32>} : memref<2x2x8x128xf32, #tpu.memory_space<vmem>>, vector<16xf32>,
      %add3A_1162 = arith.constant 96 : i32
      %add3A_1163 = vector.broadcast %add3A_1162 : i32 to vector<16xi32>
      %add3A_1164 = arith.addi %iota3A, %add3A_1163 : vector<16xi32>
      %broadcast_in_dim3A_1165 = arith.constant 6 : i32
      %broadcast_in_dim3A_1166 = vector.broadcast %broadcast_in_dim3A_1165 : i32 to vector<16xi32>
      %scatter3A_1167 = arith.constant 0 : i32
      %scatter3A_1168 = arith.constant 0 : i32
      %scatter3A_1169 = tpu.memref_slice %arg8[%select_n3A_215, %scatter3A_1167, %scatter3A_1168] : memref<2x128x16xf32, #tpu.memory_space<vmem>> -> memref<1x128x16xf32, #tpu.memory_space<vmem>>
      %scatter3A_1170 = tpu.memref_squeeze %scatter3A_1169 : memref<1x128x16xf32, #tpu.memory_space<vmem>> -> memref<128x16xf32, #tpu.memory_space<vmem>>
      tpu.vector_store_idx %scatter3A_1170[%add3A_1164, %broadcast_in_dim3A_1166], %get3A_1161 : memref<128x16xf32, #tpu.memory_space<vmem>>[vector<16xi32>, vector<16xi32>], vector<16xf32>,
      %get3A_1171 = arith.constant 0 : i32
      %get3A_1172 = arith.constant 6 : i32
      %get3A_1173 = arith.index_cast %select_n3A_215 : i32 to index
      %get3A_1174 = arith.index_cast %get3A_1171 : i32 to index
      %get3A_1175 = arith.index_cast %get3A_1172 : i32 to index
      %get3A_1176 = arith.constant 112 : index
      %get3A_1177 = tpu.vector_load %arg6[%get3A_1173, %get3A_1174, %get3A_1175, %get3A_1176] {strides = array<i32>} : memref<2x2x8x128xf32, #tpu.memory_space<vmem>>, vector<16xf32>,
      %add3A_1178 = arith.constant 112 : i32
      %add3A_1179 = vector.broadcast %add3A_1178 : i32 to vector<16xi32>
      %add3A_1180 = arith.addi %iota3A, %add3A_1179 : vector<16xi32>
      %broadcast_in_dim3A_1181 = arith.constant 6 : i32
      %broadcast_in_dim3A_1182 = vector.broadcast %broadcast_in_dim3A_1181 : i32 to vector<16xi32>
      %scatter3A_1183 = arith.constant 0 : i32
      %scatter3A_1184 = arith.constant 0 : i32
      %scatter3A_1185 = tpu.memref_slice %arg8[%select_n3A_215, %scatter3A_1183, %scatter3A_1184] : memref<2x128x16xf32, #tpu.memory_space<vmem>> -> memref<1x128x16xf32, #tpu.memory_space<vmem>>
      %scatter3A_1186 = tpu.memref_squeeze %scatter3A_1185 : memref<1x128x16xf32, #tpu.memory_space<vmem>> -> memref<128x16xf32, #tpu.memory_space<vmem>>
      tpu.vector_store_idx %scatter3A_1186[%add3A_1180, %broadcast_in_dim3A_1182], %get3A_1177 : memref<128x16xf32, #tpu.memory_space<vmem>>[vector<16xi32>, vector<16xi32>], vector<16xf32>,
      %get3A_1187 = arith.constant 0 : i32
      %get3A_1188 = arith.constant 7 : i32
      %get3A_1189 = arith.index_cast %select_n3A_215 : i32 to index
      %get3A_1190 = arith.index_cast %get3A_1187 : i32 to index
      %get3A_1191 = arith.index_cast %get3A_1188 : i32 to index
      %get3A_1192 = arith.constant 0 : index
      %get3A_1193 = tpu.vector_load %arg6[%get3A_1189, %get3A_1190, %get3A_1191, %get3A_1192] {strides = array<i32>} : memref<2x2x8x128xf32, #tpu.memory_space<vmem>>, vector<16xf32>,
      %add3A_1194 = arith.constant 0 : i32
      %add3A_1195 = vector.broadcast %add3A_1194 : i32 to vector<16xi32>
      %add3A_1196 = arith.addi %iota3A, %add3A_1195 : vector<16xi32>
      %broadcast_in_dim3A_1197 = arith.constant 7 : i32
      %broadcast_in_dim3A_1198 = vector.broadcast %broadcast_in_dim3A_1197 : i32 to vector<16xi32>
      %scatter3A_1199 = arith.constant 0 : i32
      %scatter3A_1200 = arith.constant 0 : i32
      %scatter3A_1201 = tpu.memref_slice %arg8[%select_n3A_215, %scatter3A_1199, %scatter3A_1200] : memref<2x128x16xf32, #tpu.memory_space<vmem>> -> memref<1x128x16xf32, #tpu.memory_space<vmem>>
      %scatter3A_1202 = tpu.memref_squeeze %scatter3A_1201 : memref<1x128x16xf32, #tpu.memory_space<vmem>> -> memref<128x16xf32, #tpu.memory_space<vmem>>
      tpu.vector_store_idx %scatter3A_1202[%add3A_1196, %broadcast_in_dim3A_1198], %get3A_1193 : memref<128x16xf32, #tpu.memory_space<vmem>>[vector<16xi32>, vector<16xi32>], vector<16xf32>,
      %get3A_1203 = arith.constant 0 : i32
      %get3A_1204 = arith.constant 7 : i32
      %get3A_1205 = arith.index_cast %select_n3A_215 : i32 to index
      %get3A_1206 = arith.index_cast %get3A_1203 : i32 to index
      %get3A_1207 = arith.index_cast %get3A_1204 : i32 to index
      %get3A_1208 = arith.constant 16 : index
      %get3A_1209 = tpu.vector_load %arg6[%get3A_1205, %get3A_1206, %get3A_1207, %get3A_1208] {strides = array<i32>} : memref<2x2x8x128xf32, #tpu.memory_space<vmem>>, vector<16xf32>,
      %add3A_1210 = arith.constant 16 : i32
      %add3A_1211 = vector.broadcast %add3A_1210 : i32 to vector<16xi32>
      %add3A_1212 = arith.addi %iota3A, %add3A_1211 : vector<16xi32>
      %broadcast_in_dim3A_1213 = arith.constant 7 : i32
      %broadcast_in_dim3A_1214 = vector.broadcast %broadcast_in_dim3A_1213 : i32 to vector<16xi32>
      %scatter3A_1215 = arith.constant 0 : i32
      %scatter3A_1216 = arith.constant 0 : i32
      %scatter3A_1217 = tpu.memref_slice %arg8[%select_n3A_215, %scatter3A_1215, %scatter3A_1216] : memref<2x128x16xf32, #tpu.memory_space<vmem>> -> memref<1x128x16xf32, #tpu.memory_space<vmem>>
      %scatter3A_1218 = tpu.memref_squeeze %scatter3A_1217 : memref<1x128x16xf32, #tpu.memory_space<vmem>> -> memref<128x16xf32, #tpu.memory_space<vmem>>
      tpu.vector_store_idx %scatter3A_1218[%add3A_1212, %broadcast_in_dim3A_1214], %get3A_1209 : memref<128x16xf32, #tpu.memory_space<vmem>>[vector<16xi32>, vector<16xi32>], vector<16xf32>,
      %get3A_1219 = arith.constant 0 : i32
      %get3A_1220 = arith.constant 7 : i32
      %get3A_1221 = arith.index_cast %select_n3A_215 : i32 to index
      %get3A_1222 = arith.index_cast %get3A_1219 : i32 to index
      %get3A_1223 = arith.index_cast %get3A_1220 : i32 to index
      %get3A_1224 = arith.constant 32 : index
      %get3A_1225 = tpu.vector_load %arg6[%get3A_1221, %get3A_1222, %get3A_1223, %get3A_1224] {strides = array<i32>} : memref<2x2x8x128xf32, #tpu.memory_space<vmem>>, vector<16xf32>,
      %add3A_1226 = arith.constant 32 : i32
      %add3A_1227 = vector.broadcast %add3A_1226 : i32 to vector<16xi32>
      %add3A_1228 = arith.addi %iota3A, %add3A_1227 : vector<16xi32>
      %broadcast_in_dim3A_1229 = arith.constant 7 : i32
      %broadcast_in_dim3A_1230 = vector.broadcast %broadcast_in_dim3A_1229 : i32 to vector<16xi32>
      %scatter3A_1231 = arith.constant 0 : i32
      %scatter3A_1232 = arith.constant 0 : i32
      %scatter3A_1233 = tpu.memref_slice %arg8[%select_n3A_215, %scatter3A_1231, %scatter3A_1232] : memref<2x128x16xf32, #tpu.memory_space<vmem>> -> memref<1x128x16xf32, #tpu.memory_space<vmem>>
      %scatter3A_1234 = tpu.memref_squeeze %scatter3A_1233 : memref<1x128x16xf32, #tpu.memory_space<vmem>> -> memref<128x16xf32, #tpu.memory_space<vmem>>
      tpu.vector_store_idx %scatter3A_1234[%add3A_1228, %broadcast_in_dim3A_1230], %get3A_1225 : memref<128x16xf32, #tpu.memory_space<vmem>>[vector<16xi32>, vector<16xi32>], vector<16xf32>,
      %get3A_1235 = arith.constant 0 : i32
      %get3A_1236 = arith.constant 7 : i32
      %get3A_1237 = arith.index_cast %select_n3A_215 : i32 to index
      %get3A_1238 = arith.index_cast %get3A_1235 : i32 to index
      %get3A_1239 = arith.index_cast %get3A_1236 : i32 to index
      %get3A_1240 = arith.constant 48 : index
      %get3A_1241 = tpu.vector_load %arg6[%get3A_1237, %get3A_1238, %get3A_1239, %get3A_1240] {strides = array<i32>} : memref<2x2x8x128xf32, #tpu.memory_space<vmem>>, vector<16xf32>,
      %add3A_1242 = arith.constant 48 : i32
      %add3A_1243 = vector.broadcast %add3A_1242 : i32 to vector<16xi32>
      %add3A_1244 = arith.addi %iota3A, %add3A_1243 : vector<16xi32>
      %broadcast_in_dim3A_1245 = arith.constant 7 : i32
      %broadcast_in_dim3A_1246 = vector.broadcast %broadcast_in_dim3A_1245 : i32 to vector<16xi32>
      %scatter3A_1247 = arith.constant 0 : i32
      %scatter3A_1248 = arith.constant 0 : i32
      %scatter3A_1249 = tpu.memref_slice %arg8[%select_n3A_215, %scatter3A_1247, %scatter3A_1248] : memref<2x128x16xf32, #tpu.memory_space<vmem>> -> memref<1x128x16xf32, #tpu.memory_space<vmem>>
      %scatter3A_1250 = tpu.memref_squeeze %scatter3A_1249 : memref<1x128x16xf32, #tpu.memory_space<vmem>> -> memref<128x16xf32, #tpu.memory_space<vmem>>
      tpu.vector_store_idx %scatter3A_1250[%add3A_1244, %broadcast_in_dim3A_1246], %get3A_1241 : memref<128x16xf32, #tpu.memory_space<vmem>>[vector<16xi32>, vector<16xi32>], vector<16xf32>,
      %get3A_1251 = arith.constant 0 : i32
      %get3A_1252 = arith.constant 7 : i32
      %get3A_1253 = arith.index_cast %select_n3A_215 : i32 to index
      %get3A_1254 = arith.index_cast %get3A_1251 : i32 to index
      %get3A_1255 = arith.index_cast %get3A_1252 : i32 to index
      %get3A_1256 = arith.constant 64 : index
      %get3A_1257 = tpu.vector_load %arg6[%get3A_1253, %get3A_1254, %get3A_1255, %get3A_1256] {strides = array<i32>} : memref<2x2x8x128xf32, #tpu.memory_space<vmem>>, vector<16xf32>,
      %add3A_1258 = arith.constant 64 : i32
      %add3A_1259 = vector.broadcast %add3A_1258 : i32 to vector<16xi32>
      %add3A_1260 = arith.addi %iota3A, %add3A_1259 : vector<16xi32>
      %broadcast_in_dim3A_1261 = arith.constant 7 : i32
      %broadcast_in_dim3A_1262 = vector.broadcast %broadcast_in_dim3A_1261 : i32 to vector<16xi32>
      %scatter3A_1263 = arith.constant 0 : i32
      %scatter3A_1264 = arith.constant 0 : i32
      %scatter3A_1265 = tpu.memref_slice %arg8[%select_n3A_215, %scatter3A_1263, %scatter3A_1264] : memref<2x128x16xf32, #tpu.memory_space<vmem>> -> memref<1x128x16xf32, #tpu.memory_space<vmem>>
      %scatter3A_1266 = tpu.memref_squeeze %scatter3A_1265 : memref<1x128x16xf32, #tpu.memory_space<vmem>> -> memref<128x16xf32, #tpu.memory_space<vmem>>
      tpu.vector_store_idx %scatter3A_1266[%add3A_1260, %broadcast_in_dim3A_1262], %get3A_1257 : memref<128x16xf32, #tpu.memory_space<vmem>>[vector<16xi32>, vector<16xi32>], vector<16xf32>,
      %get3A_1267 = arith.constant 0 : i32
      %get3A_1268 = arith.constant 7 : i32
      %get3A_1269 = arith.index_cast %select_n3A_215 : i32 to index
      %get3A_1270 = arith.index_cast %get3A_1267 : i32 to index
      %get3A_1271 = arith.index_cast %get3A_1268 : i32 to index
      %get3A_1272 = arith.constant 80 : index
      %get3A_1273 = tpu.vector_load %arg6[%get3A_1269, %get3A_1270, %get3A_1271, %get3A_1272] {strides = array<i32>} : memref<2x2x8x128xf32, #tpu.memory_space<vmem>>, vector<16xf32>,
      %add3A_1274 = arith.constant 80 : i32
      %add3A_1275 = vector.broadcast %add3A_1274 : i32 to vector<16xi32>
      %add3A_1276 = arith.addi %iota3A, %add3A_1275 : vector<16xi32>
      %broadcast_in_dim3A_1277 = arith.constant 7 : i32
      %broadcast_in_dim3A_1278 = vector.broadcast %broadcast_in_dim3A_1277 : i32 to vector<16xi32>
      %scatter3A_1279 = arith.constant 0 : i32
      %scatter3A_1280 = arith.constant 0 : i32
      %scatter3A_1281 = tpu.memref_slice %arg8[%select_n3A_215, %scatter3A_1279, %scatter3A_1280] : memref<2x128x16xf32, #tpu.memory_space<vmem>> -> memref<1x128x16xf32, #tpu.memory_space<vmem>>
      %scatter3A_1282 = tpu.memref_squeeze %scatter3A_1281 : memref<1x128x16xf32, #tpu.memory_space<vmem>> -> memref<128x16xf32, #tpu.memory_space<vmem>>
      tpu.vector_store_idx %scatter3A_1282[%add3A_1276, %broadcast_in_dim3A_1278], %get3A_1273 : memref<128x16xf32, #tpu.memory_space<vmem>>[vector<16xi32>, vector<16xi32>], vector<16xf32>,
      %get3A_1283 = arith.constant 0 : i32
      %get3A_1284 = arith.constant 7 : i32
      %get3A_1285 = arith.index_cast %select_n3A_215 : i32 to index
      %get3A_1286 = arith.index_cast %get3A_1283 : i32 to index
      %get3A_1287 = arith.index_cast %get3A_1284 : i32 to index
      %get3A_1288 = arith.constant 96 : index
      %get3A_1289 = tpu.vector_load %arg6[%get3A_1285, %get3A_1286, %get3A_1287, %get3A_1288] {strides = array<i32>} : memref<2x2x8x128xf32, #tpu.memory_space<vmem>>, vector<16xf32>,
      %add3A_1290 = arith.constant 96 : i32
      %add3A_1291 = vector.broadcast %add3A_1290 : i32 to vector<16xi32>
      %add3A_1292 = arith.addi %iota3A, %add3A_1291 : vector<16xi32>
      %broadcast_in_dim3A_1293 = arith.constant 7 : i32
      %broadcast_in_dim3A_1294 = vector.broadcast %broadcast_in_dim3A_1293 : i32 to vector<16xi32>
      %scatter3A_1295 = arith.constant 0 : i32
      %scatter3A_1296 = arith.constant 0 : i32
      %scatter3A_1297 = tpu.memref_slice %arg8[%select_n3A_215, %scatter3A_1295, %scatter3A_1296] : memref<2x128x16xf32, #tpu.memory_space<vmem>> -> memref<1x128x16xf32, #tpu.memory_space<vmem>>
      %scatter3A_1298 = tpu.memref_squeeze %scatter3A_1297 : memref<1x128x16xf32, #tpu.memory_space<vmem>> -> memref<128x16xf32, #tpu.memory_space<vmem>>
      tpu.vector_store_idx %scatter3A_1298[%add3A_1292, %broadcast_in_dim3A_1294], %get3A_1289 : memref<128x16xf32, #tpu.memory_space<vmem>>[vector<16xi32>, vector<16xi32>], vector<16xf32>,
      %get3A_1299 = arith.constant 0 : i32
      %get3A_1300 = arith.constant 7 : i32
      %get3A_1301 = arith.index_cast %select_n3A_215 : i32 to index
      %get3A_1302 = arith.index_cast %get3A_1299 : i32 to index
      %get3A_1303 = arith.index_cast %get3A_1300 : i32 to index
      %get3A_1304 = arith.constant 112 : index
      %get3A_1305 = tpu.vector_load %arg6[%get3A_1301, %get3A_1302, %get3A_1303, %get3A_1304] {strides = array<i32>} : memref<2x2x8x128xf32, #tpu.memory_space<vmem>>, vector<16xf32>,
      %add3A_1306 = arith.constant 112 : i32
      %add3A_1307 = vector.broadcast %add3A_1306 : i32 to vector<16xi32>
      %add3A_1308 = arith.addi %iota3A, %add3A_1307 : vector<16xi32>
      %broadcast_in_dim3A_1309 = arith.constant 7 : i32
      %broadcast_in_dim3A_1310 = vector.broadcast %broadcast_in_dim3A_1309 : i32 to vector<16xi32>
      %scatter3A_1311 = arith.constant 0 : i32
      %scatter3A_1312 = arith.constant 0 : i32
      %scatter3A_1313 = tpu.memref_slice %arg8[%select_n3A_215, %scatter3A_1311, %scatter3A_1312] : memref<2x128x16xf32, #tpu.memory_space<vmem>> -> memref<1x128x16xf32, #tpu.memory_space<vmem>>
      %scatter3A_1314 = tpu.memref_squeeze %scatter3A_1313 : memref<1x128x16xf32, #tpu.memory_space<vmem>> -> memref<128x16xf32, #tpu.memory_space<vmem>>
      tpu.vector_store_idx %scatter3A_1314[%add3A_1308, %broadcast_in_dim3A_1310], %get3A_1305 : memref<128x16xf32, #tpu.memory_space<vmem>>[vector<16xi32>, vector<16xi32>], vector<16xf32>,
      %get3A_1315 = arith.constant 1 : i32
      %get3A_1316 = arith.constant 0 : i32
      %get3A_1317 = arith.index_cast %select_n3A_215 : i32 to index
      %get3A_1318 = arith.index_cast %get3A_1315 : i32 to index
      %get3A_1319 = arith.index_cast %get3A_1316 : i32 to index
      %get3A_1320 = arith.constant 0 : index
      %get3A_1321 = tpu.vector_load %arg6[%get3A_1317, %get3A_1318, %get3A_1319, %get3A_1320] {strides = array<i32>} : memref<2x2x8x128xf32, #tpu.memory_space<vmem>>, vector<16xf32>,
      %add3A_1322 = arith.constant 0 : i32
      %add3A_1323 = vector.broadcast %add3A_1322 : i32 to vector<16xi32>
      %add3A_1324 = arith.addi %iota3A, %add3A_1323 : vector<16xi32>
      %broadcast_in_dim3A_1325 = arith.constant 8 : i32
      %broadcast_in_dim3A_1326 = vector.broadcast %broadcast_in_dim3A_1325 : i32 to vector<16xi32>
      %scatter3A_1327 = arith.constant 0 : i32
      %scatter3A_1328 = arith.constant 0 : i32
      %scatter3A_1329 = tpu.memref_slice %arg8[%select_n3A_215, %scatter3A_1327, %scatter3A_1328] : memref<2x128x16xf32, #tpu.memory_space<vmem>> -> memref<1x128x16xf32, #tpu.memory_space<vmem>>
      %scatter3A_1330 = tpu.memref_squeeze %scatter3A_1329 : memref<1x128x16xf32, #tpu.memory_space<vmem>> -> memref<128x16xf32, #tpu.memory_space<vmem>>
      tpu.vector_store_idx %scatter3A_1330[%add3A_1324, %broadcast_in_dim3A_1326], %get3A_1321 : memref<128x16xf32, #tpu.memory_space<vmem>>[vector<16xi32>, vector<16xi32>], vector<16xf32>,
      %get3A_1331 = arith.constant 1 : i32
      %get3A_1332 = arith.constant 0 : i32
      %get3A_1333 = arith.index_cast %select_n3A_215 : i32 to index
      %get3A_1334 = arith.index_cast %get3A_1331 : i32 to index
      %get3A_1335 = arith.index_cast %get3A_1332 : i32 to index
      %get3A_1336 = arith.constant 16 : index
      %get3A_1337 = tpu.vector_load %arg6[%get3A_1333, %get3A_1334, %get3A_1335, %get3A_1336] {strides = array<i32>} : memref<2x2x8x128xf32, #tpu.memory_space<vmem>>, vector<16xf32>,
      %add3A_1338 = arith.constant 16 : i32
      %add3A_1339 = vector.broadcast %add3A_1338 : i32 to vector<16xi32>
      %add3A_1340 = arith.addi %iota3A, %add3A_1339 : vector<16xi32>
      %broadcast_in_dim3A_1341 = arith.constant 8 : i32
      %broadcast_in_dim3A_1342 = vector.broadcast %broadcast_in_dim3A_1341 : i32 to vector<16xi32>
      %scatter3A_1343 = arith.constant 0 : i32
      %scatter3A_1344 = arith.constant 0 : i32
      %scatter3A_1345 = tpu.memref_slice %arg8[%select_n3A_215, %scatter3A_1343, %scatter3A_1344] : memref<2x128x16xf32, #tpu.memory_space<vmem>> -> memref<1x128x16xf32, #tpu.memory_space<vmem>>
      %scatter3A_1346 = tpu.memref_squeeze %scatter3A_1345 : memref<1x128x16xf32, #tpu.memory_space<vmem>> -> memref<128x16xf32, #tpu.memory_space<vmem>>
      tpu.vector_store_idx %scatter3A_1346[%add3A_1340, %broadcast_in_dim3A_1342], %get3A_1337 : memref<128x16xf32, #tpu.memory_space<vmem>>[vector<16xi32>, vector<16xi32>], vector<16xf32>,
      %get3A_1347 = arith.constant 1 : i32
      %get3A_1348 = arith.constant 0 : i32
      %get3A_1349 = arith.index_cast %select_n3A_215 : i32 to index
      %get3A_1350 = arith.index_cast %get3A_1347 : i32 to index
      %get3A_1351 = arith.index_cast %get3A_1348 : i32 to index
      %get3A_1352 = arith.constant 32 : index
      %get3A_1353 = tpu.vector_load %arg6[%get3A_1349, %get3A_1350, %get3A_1351, %get3A_1352] {strides = array<i32>} : memref<2x2x8x128xf32, #tpu.memory_space<vmem>>, vector<16xf32>,
      %add3A_1354 = arith.constant 32 : i32
      %add3A_1355 = vector.broadcast %add3A_1354 : i32 to vector<16xi32>
      %add3A_1356 = arith.addi %iota3A, %add3A_1355 : vector<16xi32>
      %broadcast_in_dim3A_1357 = arith.constant 8 : i32
      %broadcast_in_dim3A_1358 = vector.broadcast %broadcast_in_dim3A_1357 : i32 to vector<16xi32>
      %scatter3A_1359 = arith.constant 0 : i32
      %scatter3A_1360 = arith.constant 0 : i32
      %scatter3A_1361 = tpu.memref_slice %arg8[%select_n3A_215, %scatter3A_1359, %scatter3A_1360] : memref<2x128x16xf32, #tpu.memory_space<vmem>> -> memref<1x128x16xf32, #tpu.memory_space<vmem>>
      %scatter3A_1362 = tpu.memref_squeeze %scatter3A_1361 : memref<1x128x16xf32, #tpu.memory_space<vmem>> -> memref<128x16xf32, #tpu.memory_space<vmem>>
      tpu.vector_store_idx %scatter3A_1362[%add3A_1356, %broadcast_in_dim3A_1358], %get3A_1353 : memref<128x16xf32, #tpu.memory_space<vmem>>[vector<16xi32>, vector<16xi32>], vector<16xf32>,
      %get3A_1363 = arith.constant 1 : i32
      %get3A_1364 = arith.constant 0 : i32
      %get3A_1365 = arith.index_cast %select_n3A_215 : i32 to index
      %get3A_1366 = arith.index_cast %get3A_1363 : i32 to index
      %get3A_1367 = arith.index_cast %get3A_1364 : i32 to index
      %get3A_1368 = arith.constant 48 : index
      %get3A_1369 = tpu.vector_load %arg6[%get3A_1365, %get3A_1366, %get3A_1367, %get3A_1368] {strides = array<i32>} : memref<2x2x8x128xf32, #tpu.memory_space<vmem>>, vector<16xf32>,
      %add3A_1370 = arith.constant 48 : i32
      %add3A_1371 = vector.broadcast %add3A_1370 : i32 to vector<16xi32>
      %add3A_1372 = arith.addi %iota3A, %add3A_1371 : vector<16xi32>
      %broadcast_in_dim3A_1373 = arith.constant 8 : i32
      %broadcast_in_dim3A_1374 = vector.broadcast %broadcast_in_dim3A_1373 : i32 to vector<16xi32>
      %scatter3A_1375 = arith.constant 0 : i32
      %scatter3A_1376 = arith.constant 0 : i32
      %scatter3A_1377 = tpu.memref_slice %arg8[%select_n3A_215, %scatter3A_1375, %scatter3A_1376] : memref<2x128x16xf32, #tpu.memory_space<vmem>> -> memref<1x128x16xf32, #tpu.memory_space<vmem>>
      %scatter3A_1378 = tpu.memref_squeeze %scatter3A_1377 : memref<1x128x16xf32, #tpu.memory_space<vmem>> -> memref<128x16xf32, #tpu.memory_space<vmem>>
      tpu.vector_store_idx %scatter3A_1378[%add3A_1372, %broadcast_in_dim3A_1374], %get3A_1369 : memref<128x16xf32, #tpu.memory_space<vmem>>[vector<16xi32>, vector<16xi32>], vector<16xf32>,
      %get3A_1379 = arith.constant 1 : i32
      %get3A_1380 = arith.constant 0 : i32
      %get3A_1381 = arith.index_cast %select_n3A_215 : i32 to index
      %get3A_1382 = arith.index_cast %get3A_1379 : i32 to index
      %get3A_1383 = arith.index_cast %get3A_1380 : i32 to index
      %get3A_1384 = arith.constant 64 : index
      %get3A_1385 = tpu.vector_load %arg6[%get3A_1381, %get3A_1382, %get3A_1383, %get3A_1384] {strides = array<i32>} : memref<2x2x8x128xf32, #tpu.memory_space<vmem>>, vector<16xf32>,
      %add3A_1386 = arith.constant 64 : i32
      %add3A_1387 = vector.broadcast %add3A_1386 : i32 to vector<16xi32>
      %add3A_1388 = arith.addi %iota3A, %add3A_1387 : vector<16xi32>
      %broadcast_in_dim3A_1389 = arith.constant 8 : i32
      %broadcast_in_dim3A_1390 = vector.broadcast %broadcast_in_dim3A_1389 : i32 to vector<16xi32>
      %scatter3A_1391 = arith.constant 0 : i32
      %scatter3A_1392 = arith.constant 0 : i32
      %scatter3A_1393 = tpu.memref_slice %arg8[%select_n3A_215, %scatter3A_1391, %scatter3A_1392] : memref<2x128x16xf32, #tpu.memory_space<vmem>> -> memref<1x128x16xf32, #tpu.memory_space<vmem>>
      %scatter3A_1394 = tpu.memref_squeeze %scatter3A_1393 : memref<1x128x16xf32, #tpu.memory_space<vmem>> -> memref<128x16xf32, #tpu.memory_space<vmem>>
      tpu.vector_store_idx %scatter3A_1394[%add3A_1388, %broadcast_in_dim3A_1390], %get3A_1385 : memref<128x16xf32, #tpu.memory_space<vmem>>[vector<16xi32>, vector<16xi32>], vector<16xf32>,
      %get3A_1395 = arith.constant 1 : i32
      %get3A_1396 = arith.constant 0 : i32
      %get3A_1397 = arith.index_cast %select_n3A_215 : i32 to index
      %get3A_1398 = arith.index_cast %get3A_1395 : i32 to index
      %get3A_1399 = arith.index_cast %get3A_1396 : i32 to index
      %get3A_1400 = arith.constant 80 : index
      %get3A_1401 = tpu.vector_load %arg6[%get3A_1397, %get3A_1398, %get3A_1399, %get3A_1400] {strides = array<i32>} : memref<2x2x8x128xf32, #tpu.memory_space<vmem>>, vector<16xf32>,
      %add3A_1402 = arith.constant 80 : i32
      %add3A_1403 = vector.broadcast %add3A_1402 : i32 to vector<16xi32>
      %add3A_1404 = arith.addi %iota3A, %add3A_1403 : vector<16xi32>
      %broadcast_in_dim3A_1405 = arith.constant 8 : i32
      %broadcast_in_dim3A_1406 = vector.broadcast %broadcast_in_dim3A_1405 : i32 to vector<16xi32>
      %scatter3A_1407 = arith.constant 0 : i32
      %scatter3A_1408 = arith.constant 0 : i32
      %scatter3A_1409 = tpu.memref_slice %arg8[%select_n3A_215, %scatter3A_1407, %scatter3A_1408] : memref<2x128x16xf32, #tpu.memory_space<vmem>> -> memref<1x128x16xf32, #tpu.memory_space<vmem>>
      %scatter3A_1410 = tpu.memref_squeeze %scatter3A_1409 : memref<1x128x16xf32, #tpu.memory_space<vmem>> -> memref<128x16xf32, #tpu.memory_space<vmem>>
      tpu.vector_store_idx %scatter3A_1410[%add3A_1404, %broadcast_in_dim3A_1406], %get3A_1401 : memref<128x16xf32, #tpu.memory_space<vmem>>[vector<16xi32>, vector<16xi32>], vector<16xf32>,
      %get3A_1411 = arith.constant 1 : i32
      %get3A_1412 = arith.constant 0 : i32
      %get3A_1413 = arith.index_cast %select_n3A_215 : i32 to index
      %get3A_1414 = arith.index_cast %get3A_1411 : i32 to index
      %get3A_1415 = arith.index_cast %get3A_1412 : i32 to index
      %get3A_1416 = arith.constant 96 : index
      %get3A_1417 = tpu.vector_load %arg6[%get3A_1413, %get3A_1414, %get3A_1415, %get3A_1416] {strides = array<i32>} : memref<2x2x8x128xf32, #tpu.memory_space<vmem>>, vector<16xf32>,
      %add3A_1418 = arith.constant 96 : i32
      %add3A_1419 = vector.broadcast %add3A_1418 : i32 to vector<16xi32>
      %add3A_1420 = arith.addi %iota3A, %add3A_1419 : vector<16xi32>
      %broadcast_in_dim3A_1421 = arith.constant 8 : i32
      %broadcast_in_dim3A_1422 = vector.broadcast %broadcast_in_dim3A_1421 : i32 to vector<16xi32>
      %scatter3A_1423 = arith.constant 0 : i32
      %scatter3A_1424 = arith.constant 0 : i32
      %scatter3A_1425 = tpu.memref_slice %arg8[%select_n3A_215, %scatter3A_1423, %scatter3A_1424] : memref<2x128x16xf32, #tpu.memory_space<vmem>> -> memref<1x128x16xf32, #tpu.memory_space<vmem>>
      %scatter3A_1426 = tpu.memref_squeeze %scatter3A_1425 : memref<1x128x16xf32, #tpu.memory_space<vmem>> -> memref<128x16xf32, #tpu.memory_space<vmem>>
      tpu.vector_store_idx %scatter3A_1426[%add3A_1420, %broadcast_in_dim3A_1422], %get3A_1417 : memref<128x16xf32, #tpu.memory_space<vmem>>[vector<16xi32>, vector<16xi32>], vector<16xf32>,
      %get3A_1427 = arith.constant 1 : i32
      %get3A_1428 = arith.constant 0 : i32
      %get3A_1429 = arith.index_cast %select_n3A_215 : i32 to index
      %get3A_1430 = arith.index_cast %get3A_1427 : i32 to index
      %get3A_1431 = arith.index_cast %get3A_1428 : i32 to index
      %get3A_1432 = arith.constant 112 : index
      %get3A_1433 = tpu.vector_load %arg6[%get3A_1429, %get3A_1430, %get3A_1431, %get3A_1432] {strides = array<i32>} : memref<2x2x8x128xf32, #tpu.memory_space<vmem>>, vector<16xf32>,
      %add3A_1434 = arith.constant 112 : i32
      %add3A_1435 = vector.broadcast %add3A_1434 : i32 to vector<16xi32>
      %add3A_1436 = arith.addi %iota3A, %add3A_1435 : vector<16xi32>
      %broadcast_in_dim3A_1437 = arith.constant 8 : i32
      %broadcast_in_dim3A_1438 = vector.broadcast %broadcast_in_dim3A_1437 : i32 to vector<16xi32>
      %scatter3A_1439 = arith.constant 0 : i32
      %scatter3A_1440 = arith.constant 0 : i32
      %scatter3A_1441 = tpu.memref_slice %arg8[%select_n3A_215, %scatter3A_1439, %scatter3A_1440] : memref<2x128x16xf32, #tpu.memory_space<vmem>> -> memref<1x128x16xf32, #tpu.memory_space<vmem>>
      %scatter3A_1442 = tpu.memref_squeeze %scatter3A_1441 : memref<1x128x16xf32, #tpu.memory_space<vmem>> -> memref<128x16xf32, #tpu.memory_space<vmem>>
      tpu.vector_store_idx %scatter3A_1442[%add3A_1436, %broadcast_in_dim3A_1438], %get3A_1433 : memref<128x16xf32, #tpu.memory_space<vmem>>[vector<16xi32>, vector<16xi32>], vector<16xf32>,
      %get3A_1443 = arith.constant 1 : i32
      %get3A_1444 = arith.constant 1 : i32
      %get3A_1445 = arith.index_cast %select_n3A_215 : i32 to index
      %get3A_1446 = arith.index_cast %get3A_1443 : i32 to index
      %get3A_1447 = arith.index_cast %get3A_1444 : i32 to index
      %get3A_1448 = arith.constant 0 : index
      %get3A_1449 = tpu.vector_load %arg6[%get3A_1445, %get3A_1446, %get3A_1447, %get3A_1448] {strides = array<i32>} : memref<2x2x8x128xf32, #tpu.memory_space<vmem>>, vector<16xf32>,
      %add3A_1450 = arith.constant 0 : i32
      %add3A_1451 = vector.broadcast %add3A_1450 : i32 to vector<16xi32>
      %add3A_1452 = arith.addi %iota3A, %add3A_1451 : vector<16xi32>
      %broadcast_in_dim3A_1453 = arith.constant 9 : i32
      %broadcast_in_dim3A_1454 = vector.broadcast %broadcast_in_dim3A_1453 : i32 to vector<16xi32>
      %scatter3A_1455 = arith.constant 0 : i32
      %scatter3A_1456 = arith.constant 0 : i32
      %scatter3A_1457 = tpu.memref_slice %arg8[%select_n3A_215, %scatter3A_1455, %scatter3A_1456] : memref<2x128x16xf32, #tpu.memory_space<vmem>> -> memref<1x128x16xf32, #tpu.memory_space<vmem>>
      %scatter3A_1458 = tpu.memref_squeeze %scatter3A_1457 : memref<1x128x16xf32, #tpu.memory_space<vmem>> -> memref<128x16xf32, #tpu.memory_space<vmem>>
      tpu.vector_store_idx %scatter3A_1458[%add3A_1452, %broadcast_in_dim3A_1454], %get3A_1449 : memref<128x16xf32, #tpu.memory_space<vmem>>[vector<16xi32>, vector<16xi32>], vector<16xf32>,
      %get3A_1459 = arith.constant 1 : i32
      %get3A_1460 = arith.constant 1 : i32
      %get3A_1461 = arith.index_cast %select_n3A_215 : i32 to index
      %get3A_1462 = arith.index_cast %get3A_1459 : i32 to index
      %get3A_1463 = arith.index_cast %get3A_1460 : i32 to index
      %get3A_1464 = arith.constant 16 : index
      %get3A_1465 = tpu.vector_load %arg6[%get3A_1461, %get3A_1462, %get3A_1463, %get3A_1464] {strides = array<i32>} : memref<2x2x8x128xf32, #tpu.memory_space<vmem>>, vector<16xf32>,
      %add3A_1466 = arith.constant 16 : i32
      %add3A_1467 = vector.broadcast %add3A_1466 : i32 to vector<16xi32>
      %add3A_1468 = arith.addi %iota3A, %add3A_1467 : vector<16xi32>
      %broadcast_in_dim3A_1469 = arith.constant 9 : i32
      %broadcast_in_dim3A_1470 = vector.broadcast %broadcast_in_dim3A_1469 : i32 to vector<16xi32>
      %scatter3A_1471 = arith.constant 0 : i32
      %scatter3A_1472 = arith.constant 0 : i32
      %scatter3A_1473 = tpu.memref_slice %arg8[%select_n3A_215, %scatter3A_1471, %scatter3A_1472] : memref<2x128x16xf32, #tpu.memory_space<vmem>> -> memref<1x128x16xf32, #tpu.memory_space<vmem>>
      %scatter3A_1474 = tpu.memref_squeeze %scatter3A_1473 : memref<1x128x16xf32, #tpu.memory_space<vmem>> -> memref<128x16xf32, #tpu.memory_space<vmem>>
      tpu.vector_store_idx %scatter3A_1474[%add3A_1468, %broadcast_in_dim3A_1470], %get3A_1465 : memref<128x16xf32, #tpu.memory_space<vmem>>[vector<16xi32>, vector<16xi32>], vector<16xf32>,
      %get3A_1475 = arith.constant 1 : i32
      %get3A_1476 = arith.constant 1 : i32
      %get3A_1477 = arith.index_cast %select_n3A_215 : i32 to index
      %get3A_1478 = arith.index_cast %get3A_1475 : i32 to index
      %get3A_1479 = arith.index_cast %get3A_1476 : i32 to index
      %get3A_1480 = arith.constant 32 : index
      %get3A_1481 = tpu.vector_load %arg6[%get3A_1477, %get3A_1478, %get3A_1479, %get3A_1480] {strides = array<i32>} : memref<2x2x8x128xf32, #tpu.memory_space<vmem>>, vector<16xf32>,
      %add3A_1482 = arith.constant 32 : i32
      %add3A_1483 = vector.broadcast %add3A_1482 : i32 to vector<16xi32>
      %add3A_1484 = arith.addi %iota3A, %add3A_1483 : vector<16xi32>
      %broadcast_in_dim3A_1485 = arith.constant 9 : i32
      %broadcast_in_dim3A_1486 = vector.broadcast %broadcast_in_dim3A_1485 : i32 to vector<16xi32>
      %scatter3A_1487 = arith.constant 0 : i32
      %scatter3A_1488 = arith.constant 0 : i32
      %scatter3A_1489 = tpu.memref_slice %arg8[%select_n3A_215, %scatter3A_1487, %scatter3A_1488] : memref<2x128x16xf32, #tpu.memory_space<vmem>> -> memref<1x128x16xf32, #tpu.memory_space<vmem>>
      %scatter3A_1490 = tpu.memref_squeeze %scatter3A_1489 : memref<1x128x16xf32, #tpu.memory_space<vmem>> -> memref<128x16xf32, #tpu.memory_space<vmem>>
      tpu.vector_store_idx %scatter3A_1490[%add3A_1484, %broadcast_in_dim3A_1486], %get3A_1481 : memref<128x16xf32, #tpu.memory_space<vmem>>[vector<16xi32>, vector<16xi32>], vector<16xf32>,
      %get3A_1491 = arith.constant 1 : i32
      %get3A_1492 = arith.constant 1 : i32
      %get3A_1493 = arith.index_cast %select_n3A_215 : i32 to index
      %get3A_1494 = arith.index_cast %get3A_1491 : i32 to index
      %get3A_1495 = arith.index_cast %get3A_1492 : i32 to index
      %get3A_1496 = arith.constant 48 : index
      %get3A_1497 = tpu.vector_load %arg6[%get3A_1493, %get3A_1494, %get3A_1495, %get3A_1496] {strides = array<i32>} : memref<2x2x8x128xf32, #tpu.memory_space<vmem>>, vector<16xf32>,
      %add3A_1498 = arith.constant 48 : i32
      %add3A_1499 = vector.broadcast %add3A_1498 : i32 to vector<16xi32>
      %add3A_1500 = arith.addi %iota3A, %add3A_1499 : vector<16xi32>
      %broadcast_in_dim3A_1501 = arith.constant 9 : i32
      %broadcast_in_dim3A_1502 = vector.broadcast %broadcast_in_dim3A_1501 : i32 to vector<16xi32>
      %scatter3A_1503 = arith.constant 0 : i32
      %scatter3A_1504 = arith.constant 0 : i32
      %scatter3A_1505 = tpu.memref_slice %arg8[%select_n3A_215, %scatter3A_1503, %scatter3A_1504] : memref<2x128x16xf32, #tpu.memory_space<vmem>> -> memref<1x128x16xf32, #tpu.memory_space<vmem>>
      %scatter3A_1506 = tpu.memref_squeeze %scatter3A_1505 : memref<1x128x16xf32, #tpu.memory_space<vmem>> -> memref<128x16xf32, #tpu.memory_space<vmem>>
      tpu.vector_store_idx %scatter3A_1506[%add3A_1500, %broadcast_in_dim3A_1502], %get3A_1497 : memref<128x16xf32, #tpu.memory_space<vmem>>[vector<16xi32>, vector<16xi32>], vector<16xf32>,
      %get3A_1507 = arith.constant 1 : i32
      %get3A_1508 = arith.constant 1 : i32
      %get3A_1509 = arith.index_cast %select_n3A_215 : i32 to index
      %get3A_1510 = arith.index_cast %get3A_1507 : i32 to index
      %get3A_1511 = arith.index_cast %get3A_1508 : i32 to index
      %get3A_1512 = arith.constant 64 : index
      %get3A_1513 = tpu.vector_load %arg6[%get3A_1509, %get3A_1510, %get3A_1511, %get3A_1512] {strides = array<i32>} : memref<2x2x8x128xf32, #tpu.memory_space<vmem>>, vector<16xf32>,
      %add3A_1514 = arith.constant 64 : i32
      %add3A_1515 = vector.broadcast %add3A_1514 : i32 to vector<16xi32>
      %add3A_1516 = arith.addi %iota3A, %add3A_1515 : vector<16xi32>
      %broadcast_in_dim3A_1517 = arith.constant 9 : i32
      %broadcast_in_dim3A_1518 = vector.broadcast %broadcast_in_dim3A_1517 : i32 to vector<16xi32>
      %scatter3A_1519 = arith.constant 0 : i32
      %scatter3A_1520 = arith.constant 0 : i32
      %scatter3A_1521 = tpu.memref_slice %arg8[%select_n3A_215, %scatter3A_1519, %scatter3A_1520] : memref<2x128x16xf32, #tpu.memory_space<vmem>> -> memref<1x128x16xf32, #tpu.memory_space<vmem>>
      %scatter3A_1522 = tpu.memref_squeeze %scatter3A_1521 : memref<1x128x16xf32, #tpu.memory_space<vmem>> -> memref<128x16xf32, #tpu.memory_space<vmem>>
      tpu.vector_store_idx %scatter3A_1522[%add3A_1516, %broadcast_in_dim3A_1518], %get3A_1513 : memref<128x16xf32, #tpu.memory_space<vmem>>[vector<16xi32>, vector<16xi32>], vector<16xf32>,
      %get3A_1523 = arith.constant 1 : i32
      %get3A_1524 = arith.constant 1 : i32
      %get3A_1525 = arith.index_cast %select_n3A_215 : i32 to index
      %get3A_1526 = arith.index_cast %get3A_1523 : i32 to index
      %get3A_1527 = arith.index_cast %get3A_1524 : i32 to index
      %get3A_1528 = arith.constant 80 : index
      %get3A_1529 = tpu.vector_load %arg6[%get3A_1525, %get3A_1526, %get3A_1527, %get3A_1528] {strides = array<i32>} : memref<2x2x8x128xf32, #tpu.memory_space<vmem>>, vector<16xf32>,
      %add3A_1530 = arith.constant 80 : i32
      %add3A_1531 = vector.broadcast %add3A_1530 : i32 to vector<16xi32>
      %add3A_1532 = arith.addi %iota3A, %add3A_1531 : vector<16xi32>
      %broadcast_in_dim3A_1533 = arith.constant 9 : i32
      %broadcast_in_dim3A_1534 = vector.broadcast %broadcast_in_dim3A_1533 : i32 to vector<16xi32>
      %scatter3A_1535 = arith.constant 0 : i32
      %scatter3A_1536 = arith.constant 0 : i32
      %scatter3A_1537 = tpu.memref_slice %arg8[%select_n3A_215, %scatter3A_1535, %scatter3A_1536] : memref<2x128x16xf32, #tpu.memory_space<vmem>> -> memref<1x128x16xf32, #tpu.memory_space<vmem>>
      %scatter3A_1538 = tpu.memref_squeeze %scatter3A_1537 : memref<1x128x16xf32, #tpu.memory_space<vmem>> -> memref<128x16xf32, #tpu.memory_space<vmem>>
      tpu.vector_store_idx %scatter3A_1538[%add3A_1532, %broadcast_in_dim3A_1534], %get3A_1529 : memref<128x16xf32, #tpu.memory_space<vmem>>[vector<16xi32>, vector<16xi32>], vector<16xf32>,
      %get3A_1539 = arith.constant 1 : i32
      %get3A_1540 = arith.constant 1 : i32
      %get3A_1541 = arith.index_cast %select_n3A_215 : i32 to index
      %get3A_1542 = arith.index_cast %get3A_1539 : i32 to index
      %get3A_1543 = arith.index_cast %get3A_1540 : i32 to index
      %get3A_1544 = arith.constant 96 : index
      %get3A_1545 = tpu.vector_load %arg6[%get3A_1541, %get3A_1542, %get3A_1543, %get3A_1544] {strides = array<i32>} : memref<2x2x8x128xf32, #tpu.memory_space<vmem>>, vector<16xf32>,
      %add3A_1546 = arith.constant 96 : i32
      %add3A_1547 = vector.broadcast %add3A_1546 : i32 to vector<16xi32>
      %add3A_1548 = arith.addi %iota3A, %add3A_1547 : vector<16xi32>
      %broadcast_in_dim3A_1549 = arith.constant 9 : i32
      %broadcast_in_dim3A_1550 = vector.broadcast %broadcast_in_dim3A_1549 : i32 to vector<16xi32>
      %scatter3A_1551 = arith.constant 0 : i32
      %scatter3A_1552 = arith.constant 0 : i32
      %scatter3A_1553 = tpu.memref_slice %arg8[%select_n3A_215, %scatter3A_1551, %scatter3A_1552] : memref<2x128x16xf32, #tpu.memory_space<vmem>> -> memref<1x128x16xf32, #tpu.memory_space<vmem>>
      %scatter3A_1554 = tpu.memref_squeeze %scatter3A_1553 : memref<1x128x16xf32, #tpu.memory_space<vmem>> -> memref<128x16xf32, #tpu.memory_space<vmem>>
      tpu.vector_store_idx %scatter3A_1554[%add3A_1548, %broadcast_in_dim3A_1550], %get3A_1545 : memref<128x16xf32, #tpu.memory_space<vmem>>[vector<16xi32>, vector<16xi32>], vector<16xf32>,
      %get3A_1555 = arith.constant 1 : i32
      %get3A_1556 = arith.constant 1 : i32
      %get3A_1557 = arith.index_cast %select_n3A_215 : i32 to index
      %get3A_1558 = arith.index_cast %get3A_1555 : i32 to index
      %get3A_1559 = arith.index_cast %get3A_1556 : i32 to index
      %get3A_1560 = arith.constant 112 : index
      %get3A_1561 = tpu.vector_load %arg6[%get3A_1557, %get3A_1558, %get3A_1559, %get3A_1560] {strides = array<i32>} : memref<2x2x8x128xf32, #tpu.memory_space<vmem>>, vector<16xf32>,
      %add3A_1562 = arith.constant 112 : i32
      %add3A_1563 = vector.broadcast %add3A_1562 : i32 to vector<16xi32>
      %add3A_1564 = arith.addi %iota3A, %add3A_1563 : vector<16xi32>
      %broadcast_in_dim3A_1565 = arith.constant 9 : i32
      %broadcast_in_dim3A_1566 = vector.broadcast %broadcast_in_dim3A_1565 : i32 to vector<16xi32>
      %scatter3A_1567 = arith.constant 0 : i32
      %scatter3A_1568 = arith.constant 0 : i32
      %scatter3A_1569 = tpu.memref_slice %arg8[%select_n3A_215, %scatter3A_1567, %scatter3A_1568] : memref<2x128x16xf32, #tpu.memory_space<vmem>> -> memref<1x128x16xf32, #tpu.memory_space<vmem>>
      %scatter3A_1570 = tpu.memref_squeeze %scatter3A_1569 : memref<1x128x16xf32, #tpu.memory_space<vmem>> -> memref<128x16xf32, #tpu.memory_space<vmem>>
      tpu.vector_store_idx %scatter3A_1570[%add3A_1564, %broadcast_in_dim3A_1566], %get3A_1561 : memref<128x16xf32, #tpu.memory_space<vmem>>[vector<16xi32>, vector<16xi32>], vector<16xf32>,
      %get3A_1571 = arith.constant 1 : i32
      %get3A_1572 = arith.constant 2 : i32
      %get3A_1573 = arith.index_cast %select_n3A_215 : i32 to index
      %get3A_1574 = arith.index_cast %get3A_1571 : i32 to index
      %get3A_1575 = arith.index_cast %get3A_1572 : i32 to index
      %get3A_1576 = arith.constant 0 : index
      %get3A_1577 = tpu.vector_load %arg6[%get3A_1573, %get3A_1574, %get3A_1575, %get3A_1576] {strides = array<i32>} : memref<2x2x8x128xf32, #tpu.memory_space<vmem>>, vector<16xf32>,
      %add3A_1578 = arith.constant 0 : i32
      %add3A_1579 = vector.broadcast %add3A_1578 : i32 to vector<16xi32>
      %add3A_1580 = arith.addi %iota3A, %add3A_1579 : vector<16xi32>
      %broadcast_in_dim3A_1581 = arith.constant 10 : i32
      %broadcast_in_dim3A_1582 = vector.broadcast %broadcast_in_dim3A_1581 : i32 to vector<16xi32>
      %scatter3A_1583 = arith.constant 0 : i32
      %scatter3A_1584 = arith.constant 0 : i32
      %scatter3A_1585 = tpu.memref_slice %arg8[%select_n3A_215, %scatter3A_1583, %scatter3A_1584] : memref<2x128x16xf32, #tpu.memory_space<vmem>> -> memref<1x128x16xf32, #tpu.memory_space<vmem>>
      %scatter3A_1586 = tpu.memref_squeeze %scatter3A_1585 : memref<1x128x16xf32, #tpu.memory_space<vmem>> -> memref<128x16xf32, #tpu.memory_space<vmem>>
      tpu.vector_store_idx %scatter3A_1586[%add3A_1580, %broadcast_in_dim3A_1582], %get3A_1577 : memref<128x16xf32, #tpu.memory_space<vmem>>[vector<16xi32>, vector<16xi32>], vector<16xf32>,
      %get3A_1587 = arith.constant 1 : i32
      %get3A_1588 = arith.constant 2 : i32
      %get3A_1589 = arith.index_cast %select_n3A_215 : i32 to index
      %get3A_1590 = arith.index_cast %get3A_1587 : i32 to index
      %get3A_1591 = arith.index_cast %get3A_1588 : i32 to index
      %get3A_1592 = arith.constant 16 : index
      %get3A_1593 = tpu.vector_load %arg6[%get3A_1589, %get3A_1590, %get3A_1591, %get3A_1592] {strides = array<i32>} : memref<2x2x8x128xf32, #tpu.memory_space<vmem>>, vector<16xf32>,
      %add3A_1594 = arith.constant 16 : i32
      %add3A_1595 = vector.broadcast %add3A_1594 : i32 to vector<16xi32>
      %add3A_1596 = arith.addi %iota3A, %add3A_1595 : vector<16xi32>
      %broadcast_in_dim3A_1597 = arith.constant 10 : i32
      %broadcast_in_dim3A_1598 = vector.broadcast %broadcast_in_dim3A_1597 : i32 to vector<16xi32>
      %scatter3A_1599 = arith.constant 0 : i32
      %scatter3A_1600 = arith.constant 0 : i32
      %scatter3A_1601 = tpu.memref_slice %arg8[%select_n3A_215, %scatter3A_1599, %scatter3A_1600] : memref<2x128x16xf32, #tpu.memory_space<vmem>> -> memref<1x128x16xf32, #tpu.memory_space<vmem>>
      %scatter3A_1602 = tpu.memref_squeeze %scatter3A_1601 : memref<1x128x16xf32, #tpu.memory_space<vmem>> -> memref<128x16xf32, #tpu.memory_space<vmem>>
      tpu.vector_store_idx %scatter3A_1602[%add3A_1596, %broadcast_in_dim3A_1598], %get3A_1593 : memref<128x16xf32, #tpu.memory_space<vmem>>[vector<16xi32>, vector<16xi32>], vector<16xf32>,
      %get3A_1603 = arith.constant 1 : i32
      %get3A_1604 = arith.constant 2 : i32
      %get3A_1605 = arith.index_cast %select_n3A_215 : i32 to index
      %get3A_1606 = arith.index_cast %get3A_1603 : i32 to index
      %get3A_1607 = arith.index_cast %get3A_1604 : i32 to index
      %get3A_1608 = arith.constant 32 : index
      %get3A_1609 = tpu.vector_load %arg6[%get3A_1605, %get3A_1606, %get3A_1607, %get3A_1608] {strides = array<i32>} : memref<2x2x8x128xf32, #tpu.memory_space<vmem>>, vector<16xf32>,
      %add3A_1610 = arith.constant 32 : i32
      %add3A_1611 = vector.broadcast %add3A_1610 : i32 to vector<16xi32>
      %add3A_1612 = arith.addi %iota3A, %add3A_1611 : vector<16xi32>
      %broadcast_in_dim3A_1613 = arith.constant 10 : i32
      %broadcast_in_dim3A_1614 = vector.broadcast %broadcast_in_dim3A_1613 : i32 to vector<16xi32>
      %scatter3A_1615 = arith.constant 0 : i32
      %scatter3A_1616 = arith.constant 0 : i32
      %scatter3A_1617 = tpu.memref_slice %arg8[%select_n3A_215, %scatter3A_1615, %scatter3A_1616] : memref<2x128x16xf32, #tpu.memory_space<vmem>> -> memref<1x128x16xf32, #tpu.memory_space<vmem>>
      %scatter3A_1618 = tpu.memref_squeeze %scatter3A_1617 : memref<1x128x16xf32, #tpu.memory_space<vmem>> -> memref<128x16xf32, #tpu.memory_space<vmem>>
      tpu.vector_store_idx %scatter3A_1618[%add3A_1612, %broadcast_in_dim3A_1614], %get3A_1609 : memref<128x16xf32, #tpu.memory_space<vmem>>[vector<16xi32>, vector<16xi32>], vector<16xf32>,
      %get3A_1619 = arith.constant 1 : i32
      %get3A_1620 = arith.constant 2 : i32
      %get3A_1621 = arith.index_cast %select_n3A_215 : i32 to index
      %get3A_1622 = arith.index_cast %get3A_1619 : i32 to index
      %get3A_1623 = arith.index_cast %get3A_1620 : i32 to index
      %get3A_1624 = arith.constant 48 : index
      %get3A_1625 = tpu.vector_load %arg6[%get3A_1621, %get3A_1622, %get3A_1623, %get3A_1624] {strides = array<i32>} : memref<2x2x8x128xf32, #tpu.memory_space<vmem>>, vector<16xf32>,
      %add3A_1626 = arith.constant 48 : i32
      %add3A_1627 = vector.broadcast %add3A_1626 : i32 to vector<16xi32>
      %add3A_1628 = arith.addi %iota3A, %add3A_1627 : vector<16xi32>
      %broadcast_in_dim3A_1629 = arith.constant 10 : i32
      %broadcast_in_dim3A_1630 = vector.broadcast %broadcast_in_dim3A_1629 : i32 to vector<16xi32>
      %scatter3A_1631 = arith.constant 0 : i32
      %scatter3A_1632 = arith.constant 0 : i32
      %scatter3A_1633 = tpu.memref_slice %arg8[%select_n3A_215, %scatter3A_1631, %scatter3A_1632] : memref<2x128x16xf32, #tpu.memory_space<vmem>> -> memref<1x128x16xf32, #tpu.memory_space<vmem>>
      %scatter3A_1634 = tpu.memref_squeeze %scatter3A_1633 : memref<1x128x16xf32, #tpu.memory_space<vmem>> -> memref<128x16xf32, #tpu.memory_space<vmem>>
      tpu.vector_store_idx %scatter3A_1634[%add3A_1628, %broadcast_in_dim3A_1630], %get3A_1625 : memref<128x16xf32, #tpu.memory_space<vmem>>[vector<16xi32>, vector<16xi32>], vector<16xf32>,
      %get3A_1635 = arith.constant 1 : i32
      %get3A_1636 = arith.constant 2 : i32
      %get3A_1637 = arith.index_cast %select_n3A_215 : i32 to index
      %get3A_1638 = arith.index_cast %get3A_1635 : i32 to index
      %get3A_1639 = arith.index_cast %get3A_1636 : i32 to index
      %get3A_1640 = arith.constant 64 : index
      %get3A_1641 = tpu.vector_load %arg6[%get3A_1637, %get3A_1638, %get3A_1639, %get3A_1640] {strides = array<i32>} : memref<2x2x8x128xf32, #tpu.memory_space<vmem>>, vector<16xf32>,
      %add3A_1642 = arith.constant 64 : i32
      %add3A_1643 = vector.broadcast %add3A_1642 : i32 to vector<16xi32>
      %add3A_1644 = arith.addi %iota3A, %add3A_1643 : vector<16xi32>
      %broadcast_in_dim3A_1645 = arith.constant 10 : i32
      %broadcast_in_dim3A_1646 = vector.broadcast %broadcast_in_dim3A_1645 : i32 to vector<16xi32>
      %scatter3A_1647 = arith.constant 0 : i32
      %scatter3A_1648 = arith.constant 0 : i32
      %scatter3A_1649 = tpu.memref_slice %arg8[%select_n3A_215, %scatter3A_1647, %scatter3A_1648] : memref<2x128x16xf32, #tpu.memory_space<vmem>> -> memref<1x128x16xf32, #tpu.memory_space<vmem>>
      %scatter3A_1650 = tpu.memref_squeeze %scatter3A_1649 : memref<1x128x16xf32, #tpu.memory_space<vmem>> -> memref<128x16xf32, #tpu.memory_space<vmem>>
      tpu.vector_store_idx %scatter3A_1650[%add3A_1644, %broadcast_in_dim3A_1646], %get3A_1641 : memref<128x16xf32, #tpu.memory_space<vmem>>[vector<16xi32>, vector<16xi32>], vector<16xf32>,
      %get3A_1651 = arith.constant 1 : i32
      %get3A_1652 = arith.constant 2 : i32
      %get3A_1653 = arith.index_cast %select_n3A_215 : i32 to index
      %get3A_1654 = arith.index_cast %get3A_1651 : i32 to index
      %get3A_1655 = arith.index_cast %get3A_1652 : i32 to index
      %get3A_1656 = arith.constant 80 : index
      %get3A_1657 = tpu.vector_load %arg6[%get3A_1653, %get3A_1654, %get3A_1655, %get3A_1656] {strides = array<i32>} : memref<2x2x8x128xf32, #tpu.memory_space<vmem>>, vector<16xf32>,
      %add3A_1658 = arith.constant 80 : i32
      %add3A_1659 = vector.broadcast %add3A_1658 : i32 to vector<16xi32>
      %add3A_1660 = arith.addi %iota3A, %add3A_1659 : vector<16xi32>
      %broadcast_in_dim3A_1661 = arith.constant 10 : i32
      %broadcast_in_dim3A_1662 = vector.broadcast %broadcast_in_dim3A_1661 : i32 to vector<16xi32>
      %scatter3A_1663 = arith.constant 0 : i32
      %scatter3A_1664 = arith.constant 0 : i32
      %scatter3A_1665 = tpu.memref_slice %arg8[%select_n3A_215, %scatter3A_1663, %scatter3A_1664] : memref<2x128x16xf32, #tpu.memory_space<vmem>> -> memref<1x128x16xf32, #tpu.memory_space<vmem>>
      %scatter3A_1666 = tpu.memref_squeeze %scatter3A_1665 : memref<1x128x16xf32, #tpu.memory_space<vmem>> -> memref<128x16xf32, #tpu.memory_space<vmem>>
      tpu.vector_store_idx %scatter3A_1666[%add3A_1660, %broadcast_in_dim3A_1662], %get3A_1657 : memref<128x16xf32, #tpu.memory_space<vmem>>[vector<16xi32>, vector<16xi32>], vector<16xf32>,
      %get3A_1667 = arith.constant 1 : i32
      %get3A_1668 = arith.constant 2 : i32
      %get3A_1669 = arith.index_cast %select_n3A_215 : i32 to index
      %get3A_1670 = arith.index_cast %get3A_1667 : i32 to index
      %get3A_1671 = arith.index_cast %get3A_1668 : i32 to index
      %get3A_1672 = arith.constant 96 : index
      %get3A_1673 = tpu.vector_load %arg6[%get3A_1669, %get3A_1670, %get3A_1671, %get3A_1672] {strides = array<i32>} : memref<2x2x8x128xf32, #tpu.memory_space<vmem>>, vector<16xf32>,
      %add3A_1674 = arith.constant 96 : i32
      %add3A_1675 = vector.broadcast %add3A_1674 : i32 to vector<16xi32>
      %add3A_1676 = arith.addi %iota3A, %add3A_1675 : vector<16xi32>
      %broadcast_in_dim3A_1677 = arith.constant 10 : i32
      %broadcast_in_dim3A_1678 = vector.broadcast %broadcast_in_dim3A_1677 : i32 to vector<16xi32>
      %scatter3A_1679 = arith.constant 0 : i32
      %scatter3A_1680 = arith.constant 0 : i32
      %scatter3A_1681 = tpu.memref_slice %arg8[%select_n3A_215, %scatter3A_1679, %scatter3A_1680] : memref<2x128x16xf32, #tpu.memory_space<vmem>> -> memref<1x128x16xf32, #tpu.memory_space<vmem>>
      %scatter3A_1682 = tpu.memref_squeeze %scatter3A_1681 : memref<1x128x16xf32, #tpu.memory_space<vmem>> -> memref<128x16xf32, #tpu.memory_space<vmem>>
      tpu.vector_store_idx %scatter3A_1682[%add3A_1676, %broadcast_in_dim3A_1678], %get3A_1673 : memref<128x16xf32, #tpu.memory_space<vmem>>[vector<16xi32>, vector<16xi32>], vector<16xf32>,
      %get3A_1683 = arith.constant 1 : i32
      %get3A_1684 = arith.constant 2 : i32
      %get3A_1685 = arith.index_cast %select_n3A_215 : i32 to index
      %get3A_1686 = arith.index_cast %get3A_1683 : i32 to index
      %get3A_1687 = arith.index_cast %get3A_1684 : i32 to index
      %get3A_1688 = arith.constant 112 : index
      %get3A_1689 = tpu.vector_load %arg6[%get3A_1685, %get3A_1686, %get3A_1687, %get3A_1688] {strides = array<i32>} : memref<2x2x8x128xf32, #tpu.memory_space<vmem>>, vector<16xf32>,
      %add3A_1690 = arith.constant 112 : i32
      %add3A_1691 = vector.broadcast %add3A_1690 : i32 to vector<16xi32>
      %add3A_1692 = arith.addi %iota3A, %add3A_1691 : vector<16xi32>
      %broadcast_in_dim3A_1693 = arith.constant 10 : i32
      %broadcast_in_dim3A_1694 = vector.broadcast %broadcast_in_dim3A_1693 : i32 to vector<16xi32>
      %scatter3A_1695 = arith.constant 0 : i32
      %scatter3A_1696 = arith.constant 0 : i32
      %scatter3A_1697 = tpu.memref_slice %arg8[%select_n3A_215, %scatter3A_1695, %scatter3A_1696] : memref<2x128x16xf32, #tpu.memory_space<vmem>> -> memref<1x128x16xf32, #tpu.memory_space<vmem>>
      %scatter3A_1698 = tpu.memref_squeeze %scatter3A_1697 : memref<1x128x16xf32, #tpu.memory_space<vmem>> -> memref<128x16xf32, #tpu.memory_space<vmem>>
      tpu.vector_store_idx %scatter3A_1698[%add3A_1692, %broadcast_in_dim3A_1694], %get3A_1689 : memref<128x16xf32, #tpu.memory_space<vmem>>[vector<16xi32>, vector<16xi32>], vector<16xf32>,
      %get3A_1699 = arith.constant 1 : i32
      %get3A_1700 = arith.constant 3 : i32
      %get3A_1701 = arith.index_cast %select_n3A_215 : i32 to index
      %get3A_1702 = arith.index_cast %get3A_1699 : i32 to index
      %get3A_1703 = arith.index_cast %get3A_1700 : i32 to index
      %get3A_1704 = arith.constant 0 : index
      %get3A_1705 = tpu.vector_load %arg6[%get3A_1701, %get3A_1702, %get3A_1703, %get3A_1704] {strides = array<i32>} : memref<2x2x8x128xf32, #tpu.memory_space<vmem>>, vector<16xf32>,
      %add3A_1706 = arith.constant 0 : i32
      %add3A_1707 = vector.broadcast %add3A_1706 : i32 to vector<16xi32>
      %add3A_1708 = arith.addi %iota3A, %add3A_1707 : vector<16xi32>
      %broadcast_in_dim3A_1709 = arith.constant 11 : i32
      %broadcast_in_dim3A_1710 = vector.broadcast %broadcast_in_dim3A_1709 : i32 to vector<16xi32>
      %scatter3A_1711 = arith.constant 0 : i32
      %scatter3A_1712 = arith.constant 0 : i32
      %scatter3A_1713 = tpu.memref_slice %arg8[%select_n3A_215, %scatter3A_1711, %scatter3A_1712] : memref<2x128x16xf32, #tpu.memory_space<vmem>> -> memref<1x128x16xf32, #tpu.memory_space<vmem>>
      %scatter3A_1714 = tpu.memref_squeeze %scatter3A_1713 : memref<1x128x16xf32, #tpu.memory_space<vmem>> -> memref<128x16xf32, #tpu.memory_space<vmem>>
      tpu.vector_store_idx %scatter3A_1714[%add3A_1708, %broadcast_in_dim3A_1710], %get3A_1705 : memref<128x16xf32, #tpu.memory_space<vmem>>[vector<16xi32>, vector<16xi32>], vector<16xf32>,
      %get3A_1715 = arith.constant 1 : i32
      %get3A_1716 = arith.constant 3 : i32
      %get3A_1717 = arith.index_cast %select_n3A_215 : i32 to index
      %get3A_1718 = arith.index_cast %get3A_1715 : i32 to index
      %get3A_1719 = arith.index_cast %get3A_1716 : i32 to index
      %get3A_1720 = arith.constant 16 : index
      %get3A_1721 = tpu.vector_load %arg6[%get3A_1717, %get3A_1718, %get3A_1719, %get3A_1720] {strides = array<i32>} : memref<2x2x8x128xf32, #tpu.memory_space<vmem>>, vector<16xf32>,
      %add3A_1722 = arith.constant 16 : i32
      %add3A_1723 = vector.broadcast %add3A_1722 : i32 to vector<16xi32>
      %add3A_1724 = arith.addi %iota3A, %add3A_1723 : vector<16xi32>
      %broadcast_in_dim3A_1725 = arith.constant 11 : i32
      %broadcast_in_dim3A_1726 = vector.broadcast %broadcast_in_dim3A_1725 : i32 to vector<16xi32>
      %scatter3A_1727 = arith.constant 0 : i32
      %scatter3A_1728 = arith.constant 0 : i32
      %scatter3A_1729 = tpu.memref_slice %arg8[%select_n3A_215, %scatter3A_1727, %scatter3A_1728] : memref<2x128x16xf32, #tpu.memory_space<vmem>> -> memref<1x128x16xf32, #tpu.memory_space<vmem>>
      %scatter3A_1730 = tpu.memref_squeeze %scatter3A_1729 : memref<1x128x16xf32, #tpu.memory_space<vmem>> -> memref<128x16xf32, #tpu.memory_space<vmem>>
      tpu.vector_store_idx %scatter3A_1730[%add3A_1724, %broadcast_in_dim3A_1726], %get3A_1721 : memref<128x16xf32, #tpu.memory_space<vmem>>[vector<16xi32>, vector<16xi32>], vector<16xf32>,
      %get3A_1731 = arith.constant 1 : i32
      %get3A_1732 = arith.constant 3 : i32
      %get3A_1733 = arith.index_cast %select_n3A_215 : i32 to index
      %get3A_1734 = arith.index_cast %get3A_1731 : i32 to index
      %get3A_1735 = arith.index_cast %get3A_1732 : i32 to index
      %get3A_1736 = arith.constant 32 : index
      %get3A_1737 = tpu.vector_load %arg6[%get3A_1733, %get3A_1734, %get3A_1735, %get3A_1736] {strides = array<i32>} : memref<2x2x8x128xf32, #tpu.memory_space<vmem>>, vector<16xf32>,
      %add3A_1738 = arith.constant 32 : i32
      %add3A_1739 = vector.broadcast %add3A_1738 : i32 to vector<16xi32>
      %add3A_1740 = arith.addi %iota3A, %add3A_1739 : vector<16xi32>
      %broadcast_in_dim3A_1741 = arith.constant 11 : i32
      %broadcast_in_dim3A_1742 = vector.broadcast %broadcast_in_dim3A_1741 : i32 to vector<16xi32>
      %scatter3A_1743 = arith.constant 0 : i32
      %scatter3A_1744 = arith.constant 0 : i32
      %scatter3A_1745 = tpu.memref_slice %arg8[%select_n3A_215, %scatter3A_1743, %scatter3A_1744] : memref<2x128x16xf32, #tpu.memory_space<vmem>> -> memref<1x128x16xf32, #tpu.memory_space<vmem>>
      %scatter3A_1746 = tpu.memref_squeeze %scatter3A_1745 : memref<1x128x16xf32, #tpu.memory_space<vmem>> -> memref<128x16xf32, #tpu.memory_space<vmem>>
      tpu.vector_store_idx %scatter3A_1746[%add3A_1740, %broadcast_in_dim3A_1742], %get3A_1737 : memref<128x16xf32, #tpu.memory_space<vmem>>[vector<16xi32>, vector<16xi32>], vector<16xf32>,
      %get3A_1747 = arith.constant 1 : i32
      %get3A_1748 = arith.constant 3 : i32
      %get3A_1749 = arith.index_cast %select_n3A_215 : i32 to index
      %get3A_1750 = arith.index_cast %get3A_1747 : i32 to index
      %get3A_1751 = arith.index_cast %get3A_1748 : i32 to index
      %get3A_1752 = arith.constant 48 : index
      %get3A_1753 = tpu.vector_load %arg6[%get3A_1749, %get3A_1750, %get3A_1751, %get3A_1752] {strides = array<i32>} : memref<2x2x8x128xf32, #tpu.memory_space<vmem>>, vector<16xf32>,
      %add3A_1754 = arith.constant 48 : i32
      %add3A_1755 = vector.broadcast %add3A_1754 : i32 to vector<16xi32>
      %add3A_1756 = arith.addi %iota3A, %add3A_1755 : vector<16xi32>
      %broadcast_in_dim3A_1757 = arith.constant 11 : i32
      %broadcast_in_dim3A_1758 = vector.broadcast %broadcast_in_dim3A_1757 : i32 to vector<16xi32>
      %scatter3A_1759 = arith.constant 0 : i32
      %scatter3A_1760 = arith.constant 0 : i32
      %scatter3A_1761 = tpu.memref_slice %arg8[%select_n3A_215, %scatter3A_1759, %scatter3A_1760] : memref<2x128x16xf32, #tpu.memory_space<vmem>> -> memref<1x128x16xf32, #tpu.memory_space<vmem>>
      %scatter3A_1762 = tpu.memref_squeeze %scatter3A_1761 : memref<1x128x16xf32, #tpu.memory_space<vmem>> -> memref<128x16xf32, #tpu.memory_space<vmem>>
      tpu.vector_store_idx %scatter3A_1762[%add3A_1756, %broadcast_in_dim3A_1758], %get3A_1753 : memref<128x16xf32, #tpu.memory_space<vmem>>[vector<16xi32>, vector<16xi32>], vector<16xf32>,
      %get3A_1763 = arith.constant 1 : i32
      %get3A_1764 = arith.constant 3 : i32
      %get3A_1765 = arith.index_cast %select_n3A_215 : i32 to index
      %get3A_1766 = arith.index_cast %get3A_1763 : i32 to index
      %get3A_1767 = arith.index_cast %get3A_1764 : i32 to index
      %get3A_1768 = arith.constant 64 : index
      %get3A_1769 = tpu.vector_load %arg6[%get3A_1765, %get3A_1766, %get3A_1767, %get3A_1768] {strides = array<i32>} : memref<2x2x8x128xf32, #tpu.memory_space<vmem>>, vector<16xf32>,
      %add3A_1770 = arith.constant 64 : i32
      %add3A_1771 = vector.broadcast %add3A_1770 : i32 to vector<16xi32>
      %add3A_1772 = arith.addi %iota3A, %add3A_1771 : vector<16xi32>
      %broadcast_in_dim3A_1773 = arith.constant 11 : i32
      %broadcast_in_dim3A_1774 = vector.broadcast %broadcast_in_dim3A_1773 : i32 to vector<16xi32>
      %scatter3A_1775 = arith.constant 0 : i32
      %scatter3A_1776 = arith.constant 0 : i32
      %scatter3A_1777 = tpu.memref_slice %arg8[%select_n3A_215, %scatter3A_1775, %scatter3A_1776] : memref<2x128x16xf32, #tpu.memory_space<vmem>> -> memref<1x128x16xf32, #tpu.memory_space<vmem>>
      %scatter3A_1778 = tpu.memref_squeeze %scatter3A_1777 : memref<1x128x16xf32, #tpu.memory_space<vmem>> -> memref<128x16xf32, #tpu.memory_space<vmem>>
      tpu.vector_store_idx %scatter3A_1778[%add3A_1772, %broadcast_in_dim3A_1774], %get3A_1769 : memref<128x16xf32, #tpu.memory_space<vmem>>[vector<16xi32>, vector<16xi32>], vector<16xf32>,
      %get3A_1779 = arith.constant 1 : i32
      %get3A_1780 = arith.constant 3 : i32
      %get3A_1781 = arith.index_cast %select_n3A_215 : i32 to index
      %get3A_1782 = arith.index_cast %get3A_1779 : i32 to index
      %get3A_1783 = arith.index_cast %get3A_1780 : i32 to index
      %get3A_1784 = arith.constant 80 : index
      %get3A_1785 = tpu.vector_load %arg6[%get3A_1781, %get3A_1782, %get3A_1783, %get3A_1784] {strides = array<i32>} : memref<2x2x8x128xf32, #tpu.memory_space<vmem>>, vector<16xf32>,
      %add3A_1786 = arith.constant 80 : i32
      %add3A_1787 = vector.broadcast %add3A_1786 : i32 to vector<16xi32>
      %add3A_1788 = arith.addi %iota3A, %add3A_1787 : vector<16xi32>
      %broadcast_in_dim3A_1789 = arith.constant 11 : i32
      %broadcast_in_dim3A_1790 = vector.broadcast %broadcast_in_dim3A_1789 : i32 to vector<16xi32>
      %scatter3A_1791 = arith.constant 0 : i32
      %scatter3A_1792 = arith.constant 0 : i32
      %scatter3A_1793 = tpu.memref_slice %arg8[%select_n3A_215, %scatter3A_1791, %scatter3A_1792] : memref<2x128x16xf32, #tpu.memory_space<vmem>> -> memref<1x128x16xf32, #tpu.memory_space<vmem>>
      %scatter3A_1794 = tpu.memref_squeeze %scatter3A_1793 : memref<1x128x16xf32, #tpu.memory_space<vmem>> -> memref<128x16xf32, #tpu.memory_space<vmem>>
      tpu.vector_store_idx %scatter3A_1794[%add3A_1788, %broadcast_in_dim3A_1790], %get3A_1785 : memref<128x16xf32, #tpu.memory_space<vmem>>[vector<16xi32>, vector<16xi32>], vector<16xf32>,
      %get3A_1795 = arith.constant 1 : i32
      %get3A_1796 = arith.constant 3 : i32
      %get3A_1797 = arith.index_cast %select_n3A_215 : i32 to index
      %get3A_1798 = arith.index_cast %get3A_1795 : i32 to index
      %get3A_1799 = arith.index_cast %get3A_1796 : i32 to index
      %get3A_1800 = arith.constant 96 : index
      %get3A_1801 = tpu.vector_load %arg6[%get3A_1797, %get3A_1798, %get3A_1799, %get3A_1800] {strides = array<i32>} : memref<2x2x8x128xf32, #tpu.memory_space<vmem>>, vector<16xf32>,
      %add3A_1802 = arith.constant 96 : i32
      %add3A_1803 = vector.broadcast %add3A_1802 : i32 to vector<16xi32>
      %add3A_1804 = arith.addi %iota3A, %add3A_1803 : vector<16xi32>
      %broadcast_in_dim3A_1805 = arith.constant 11 : i32
      %broadcast_in_dim3A_1806 = vector.broadcast %broadcast_in_dim3A_1805 : i32 to vector<16xi32>
      %scatter3A_1807 = arith.constant 0 : i32
      %scatter3A_1808 = arith.constant 0 : i32
      %scatter3A_1809 = tpu.memref_slice %arg8[%select_n3A_215, %scatter3A_1807, %scatter3A_1808] : memref<2x128x16xf32, #tpu.memory_space<vmem>> -> memref<1x128x16xf32, #tpu.memory_space<vmem>>
      %scatter3A_1810 = tpu.memref_squeeze %scatter3A_1809 : memref<1x128x16xf32, #tpu.memory_space<vmem>> -> memref<128x16xf32, #tpu.memory_space<vmem>>
      tpu.vector_store_idx %scatter3A_1810[%add3A_1804, %broadcast_in_dim3A_1806], %get3A_1801 : memref<128x16xf32, #tpu.memory_space<vmem>>[vector<16xi32>, vector<16xi32>], vector<16xf32>,
      %get3A_1811 = arith.constant 1 : i32
      %get3A_1812 = arith.constant 3 : i32
      %get3A_1813 = arith.index_cast %select_n3A_215 : i32 to index
      %get3A_1814 = arith.index_cast %get3A_1811 : i32 to index
      %get3A_1815 = arith.index_cast %get3A_1812 : i32 to index
      %get3A_1816 = arith.constant 112 : index
      %get3A_1817 = tpu.vector_load %arg6[%get3A_1813, %get3A_1814, %get3A_1815, %get3A_1816] {strides = array<i32>} : memref<2x2x8x128xf32, #tpu.memory_space<vmem>>, vector<16xf32>,
      %add3A_1818 = arith.constant 112 : i32
      %add3A_1819 = vector.broadcast %add3A_1818 : i32 to vector<16xi32>
      %add3A_1820 = arith.addi %iota3A, %add3A_1819 : vector<16xi32>
      %broadcast_in_dim3A_1821 = arith.constant 11 : i32
      %broadcast_in_dim3A_1822 = vector.broadcast %broadcast_in_dim3A_1821 : i32 to vector<16xi32>
      %scatter3A_1823 = arith.constant 0 : i32
      %scatter3A_1824 = arith.constant 0 : i32
      %scatter3A_1825 = tpu.memref_slice %arg8[%select_n3A_215, %scatter3A_1823, %scatter3A_1824] : memref<2x128x16xf32, #tpu.memory_space<vmem>> -> memref<1x128x16xf32, #tpu.memory_space<vmem>>
      %scatter3A_1826 = tpu.memref_squeeze %scatter3A_1825 : memref<1x128x16xf32, #tpu.memory_space<vmem>> -> memref<128x16xf32, #tpu.memory_space<vmem>>
      tpu.vector_store_idx %scatter3A_1826[%add3A_1820, %broadcast_in_dim3A_1822], %get3A_1817 : memref<128x16xf32, #tpu.memory_space<vmem>>[vector<16xi32>, vector<16xi32>], vector<16xf32>,
      %get3A_1827 = arith.constant 1 : i32
      %get3A_1828 = arith.constant 4 : i32
      %get3A_1829 = arith.index_cast %select_n3A_215 : i32 to index
      %get3A_1830 = arith.index_cast %get3A_1827 : i32 to index
      %get3A_1831 = arith.index_cast %get3A_1828 : i32 to index
      %get3A_1832 = arith.constant 0 : index
      %get3A_1833 = tpu.vector_load %arg6[%get3A_1829, %get3A_1830, %get3A_1831, %get3A_1832] {strides = array<i32>} : memref<2x2x8x128xf32, #tpu.memory_space<vmem>>, vector<16xf32>,
      %add3A_1834 = arith.constant 0 : i32
      %add3A_1835 = vector.broadcast %add3A_1834 : i32 to vector<16xi32>
      %add3A_1836 = arith.addi %iota3A, %add3A_1835 : vector<16xi32>
      %broadcast_in_dim3A_1837 = arith.constant 12 : i32
      %broadcast_in_dim3A_1838 = vector.broadcast %broadcast_in_dim3A_1837 : i32 to vector<16xi32>
      %scatter3A_1839 = arith.constant 0 : i32
      %scatter3A_1840 = arith.constant 0 : i32
      %scatter3A_1841 = tpu.memref_slice %arg8[%select_n3A_215, %scatter3A_1839, %scatter3A_1840] : memref<2x128x16xf32, #tpu.memory_space<vmem>> -> memref<1x128x16xf32, #tpu.memory_space<vmem>>
      %scatter3A_1842 = tpu.memref_squeeze %scatter3A_1841 : memref<1x128x16xf32, #tpu.memory_space<vmem>> -> memref<128x16xf32, #tpu.memory_space<vmem>>
      tpu.vector_store_idx %scatter3A_1842[%add3A_1836, %broadcast_in_dim3A_1838], %get3A_1833 : memref<128x16xf32, #tpu.memory_space<vmem>>[vector<16xi32>, vector<16xi32>], vector<16xf32>,
      %get3A_1843 = arith.constant 1 : i32
      %get3A_1844 = arith.constant 4 : i32
      %get3A_1845 = arith.index_cast %select_n3A_215 : i32 to index
      %get3A_1846 = arith.index_cast %get3A_1843 : i32 to index
      %get3A_1847 = arith.index_cast %get3A_1844 : i32 to index
      %get3A_1848 = arith.constant 16 : index
      %get3A_1849 = tpu.vector_load %arg6[%get3A_1845, %get3A_1846, %get3A_1847, %get3A_1848] {strides = array<i32>} : memref<2x2x8x128xf32, #tpu.memory_space<vmem>>, vector<16xf32>,
      %add3A_1850 = arith.constant 16 : i32
      %add3A_1851 = vector.broadcast %add3A_1850 : i32 to vector<16xi32>
      %add3A_1852 = arith.addi %iota3A, %add3A_1851 : vector<16xi32>
      %broadcast_in_dim3A_1853 = arith.constant 12 : i32
      %broadcast_in_dim3A_1854 = vector.broadcast %broadcast_in_dim3A_1853 : i32 to vector<16xi32>
      %scatter3A_1855 = arith.constant 0 : i32
      %scatter3A_1856 = arith.constant 0 : i32
      %scatter3A_1857 = tpu.memref_slice %arg8[%select_n3A_215, %scatter3A_1855, %scatter3A_1856] : memref<2x128x16xf32, #tpu.memory_space<vmem>> -> memref<1x128x16xf32, #tpu.memory_space<vmem>>
      %scatter3A_1858 = tpu.memref_squeeze %scatter3A_1857 : memref<1x128x16xf32, #tpu.memory_space<vmem>> -> memref<128x16xf32, #tpu.memory_space<vmem>>
      tpu.vector_store_idx %scatter3A_1858[%add3A_1852, %broadcast_in_dim3A_1854], %get3A_1849 : memref<128x16xf32, #tpu.memory_space<vmem>>[vector<16xi32>, vector<16xi32>], vector<16xf32>,
      %get3A_1859 = arith.constant 1 : i32
      %get3A_1860 = arith.constant 4 : i32
      %get3A_1861 = arith.index_cast %select_n3A_215 : i32 to index
      %get3A_1862 = arith.index_cast %get3A_1859 : i32 to index
      %get3A_1863 = arith.index_cast %get3A_1860 : i32 to index
      %get3A_1864 = arith.constant 32 : index
      %get3A_1865 = tpu.vector_load %arg6[%get3A_1861, %get3A_1862, %get3A_1863, %get3A_1864] {strides = array<i32>} : memref<2x2x8x128xf32, #tpu.memory_space<vmem>>, vector<16xf32>,
      %add3A_1866 = arith.constant 32 : i32
      %add3A_1867 = vector.broadcast %add3A_1866 : i32 to vector<16xi32>
      %add3A_1868 = arith.addi %iota3A, %add3A_1867 : vector<16xi32>
      %broadcast_in_dim3A_1869 = arith.constant 12 : i32
      %broadcast_in_dim3A_1870 = vector.broadcast %broadcast_in_dim3A_1869 : i32 to vector<16xi32>
      %scatter3A_1871 = arith.constant 0 : i32
      %scatter3A_1872 = arith.constant 0 : i32
      %scatter3A_1873 = tpu.memref_slice %arg8[%select_n3A_215, %scatter3A_1871, %scatter3A_1872] : memref<2x128x16xf32, #tpu.memory_space<vmem>> -> memref<1x128x16xf32, #tpu.memory_space<vmem>>
      %scatter3A_1874 = tpu.memref_squeeze %scatter3A_1873 : memref<1x128x16xf32, #tpu.memory_space<vmem>> -> memref<128x16xf32, #tpu.memory_space<vmem>>
      tpu.vector_store_idx %scatter3A_1874[%add3A_1868, %broadcast_in_dim3A_1870], %get3A_1865 : memref<128x16xf32, #tpu.memory_space<vmem>>[vector<16xi32>, vector<16xi32>], vector<16xf32>,
      %get3A_1875 = arith.constant 1 : i32
      %get3A_1876 = arith.constant 4 : i32
      %get3A_1877 = arith.index_cast %select_n3A_215 : i32 to index
      %get3A_1878 = arith.index_cast %get3A_1875 : i32 to index
      %get3A_1879 = arith.index_cast %get3A_1876 : i32 to index
      %get3A_1880 = arith.constant 48 : index
      %get3A_1881 = tpu.vector_load %arg6[%get3A_1877, %get3A_1878, %get3A_1879, %get3A_1880] {strides = array<i32>} : memref<2x2x8x128xf32, #tpu.memory_space<vmem>>, vector<16xf32>,
      %add3A_1882 = arith.constant 48 : i32
      %add3A_1883 = vector.broadcast %add3A_1882 : i32 to vector<16xi32>
      %add3A_1884 = arith.addi %iota3A, %add3A_1883 : vector<16xi32>
      %broadcast_in_dim3A_1885 = arith.constant 12 : i32
      %broadcast_in_dim3A_1886 = vector.broadcast %broadcast_in_dim3A_1885 : i32 to vector<16xi32>
      %scatter3A_1887 = arith.constant 0 : i32
      %scatter3A_1888 = arith.constant 0 : i32
      %scatter3A_1889 = tpu.memref_slice %arg8[%select_n3A_215, %scatter3A_1887, %scatter3A_1888] : memref<2x128x16xf32, #tpu.memory_space<vmem>> -> memref<1x128x16xf32, #tpu.memory_space<vmem>>
      %scatter3A_1890 = tpu.memref_squeeze %scatter3A_1889 : memref<1x128x16xf32, #tpu.memory_space<vmem>> -> memref<128x16xf32, #tpu.memory_space<vmem>>
      tpu.vector_store_idx %scatter3A_1890[%add3A_1884, %broadcast_in_dim3A_1886], %get3A_1881 : memref<128x16xf32, #tpu.memory_space<vmem>>[vector<16xi32>, vector<16xi32>], vector<16xf32>,
      %get3A_1891 = arith.constant 1 : i32
      %get3A_1892 = arith.constant 4 : i32
      %get3A_1893 = arith.index_cast %select_n3A_215 : i32 to index
      %get3A_1894 = arith.index_cast %get3A_1891 : i32 to index
      %get3A_1895 = arith.index_cast %get3A_1892 : i32 to index
      %get3A_1896 = arith.constant 64 : index
      %get3A_1897 = tpu.vector_load %arg6[%get3A_1893, %get3A_1894, %get3A_1895, %get3A_1896] {strides = array<i32>} : memref<2x2x8x128xf32, #tpu.memory_space<vmem>>, vector<16xf32>,
      %add3A_1898 = arith.constant 64 : i32
      %add3A_1899 = vector.broadcast %add3A_1898 : i32 to vector<16xi32>
      %add3A_1900 = arith.addi %iota3A, %add3A_1899 : vector<16xi32>
      %broadcast_in_dim3A_1901 = arith.constant 12 : i32
      %broadcast_in_dim3A_1902 = vector.broadcast %broadcast_in_dim3A_1901 : i32 to vector<16xi32>
      %scatter3A_1903 = arith.constant 0 : i32
      %scatter3A_1904 = arith.constant 0 : i32
      %scatter3A_1905 = tpu.memref_slice %arg8[%select_n3A_215, %scatter3A_1903, %scatter3A_1904] : memref<2x128x16xf32, #tpu.memory_space<vmem>> -> memref<1x128x16xf32, #tpu.memory_space<vmem>>
      %scatter3A_1906 = tpu.memref_squeeze %scatter3A_1905 : memref<1x128x16xf32, #tpu.memory_space<vmem>> -> memref<128x16xf32, #tpu.memory_space<vmem>>
      tpu.vector_store_idx %scatter3A_1906[%add3A_1900, %broadcast_in_dim3A_1902], %get3A_1897 : memref<128x16xf32, #tpu.memory_space<vmem>>[vector<16xi32>, vector<16xi32>], vector<16xf32>,
      %get3A_1907 = arith.constant 1 : i32
      %get3A_1908 = arith.constant 4 : i32
      %get3A_1909 = arith.index_cast %select_n3A_215 : i32 to index
      %get3A_1910 = arith.index_cast %get3A_1907 : i32 to index
      %get3A_1911 = arith.index_cast %get3A_1908 : i32 to index
      %get3A_1912 = arith.constant 80 : index
      %get3A_1913 = tpu.vector_load %arg6[%get3A_1909, %get3A_1910, %get3A_1911, %get3A_1912] {strides = array<i32>} : memref<2x2x8x128xf32, #tpu.memory_space<vmem>>, vector<16xf32>,
      %add3A_1914 = arith.constant 80 : i32
      %add3A_1915 = vector.broadcast %add3A_1914 : i32 to vector<16xi32>
      %add3A_1916 = arith.addi %iota3A, %add3A_1915 : vector<16xi32>
      %broadcast_in_dim3A_1917 = arith.constant 12 : i32
      %broadcast_in_dim3A_1918 = vector.broadcast %broadcast_in_dim3A_1917 : i32 to vector<16xi32>
      %scatter3A_1919 = arith.constant 0 : i32
      %scatter3A_1920 = arith.constant 0 : i32
      %scatter3A_1921 = tpu.memref_slice %arg8[%select_n3A_215, %scatter3A_1919, %scatter3A_1920] : memref<2x128x16xf32, #tpu.memory_space<vmem>> -> memref<1x128x16xf32, #tpu.memory_space<vmem>>
      %scatter3A_1922 = tpu.memref_squeeze %scatter3A_1921 : memref<1x128x16xf32, #tpu.memory_space<vmem>> -> memref<128x16xf32, #tpu.memory_space<vmem>>
      tpu.vector_store_idx %scatter3A_1922[%add3A_1916, %broadcast_in_dim3A_1918], %get3A_1913 : memref<128x16xf32, #tpu.memory_space<vmem>>[vector<16xi32>, vector<16xi32>], vector<16xf32>,
      %get3A_1923 = arith.constant 1 : i32
      %get3A_1924 = arith.constant 4 : i32
      %get3A_1925 = arith.index_cast %select_n3A_215 : i32 to index
      %get3A_1926 = arith.index_cast %get3A_1923 : i32 to index
      %get3A_1927 = arith.index_cast %get3A_1924 : i32 to index
      %get3A_1928 = arith.constant 96 : index
      %get3A_1929 = tpu.vector_load %arg6[%get3A_1925, %get3A_1926, %get3A_1927, %get3A_1928] {strides = array<i32>} : memref<2x2x8x128xf32, #tpu.memory_space<vmem>>, vector<16xf32>,
      %add3A_1930 = arith.constant 96 : i32
      %add3A_1931 = vector.broadcast %add3A_1930 : i32 to vector<16xi32>
      %add3A_1932 = arith.addi %iota3A, %add3A_1931 : vector<16xi32>
      %broadcast_in_dim3A_1933 = arith.constant 12 : i32
      %broadcast_in_dim3A_1934 = vector.broadcast %broadcast_in_dim3A_1933 : i32 to vector<16xi32>
      %scatter3A_1935 = arith.constant 0 : i32
      %scatter3A_1936 = arith.constant 0 : i32
      %scatter3A_1937 = tpu.memref_slice %arg8[%select_n3A_215, %scatter3A_1935, %scatter3A_1936] : memref<2x128x16xf32, #tpu.memory_space<vmem>> -> memref<1x128x16xf32, #tpu.memory_space<vmem>>
      %scatter3A_1938 = tpu.memref_squeeze %scatter3A_1937 : memref<1x128x16xf32, #tpu.memory_space<vmem>> -> memref<128x16xf32, #tpu.memory_space<vmem>>
      tpu.vector_store_idx %scatter3A_1938[%add3A_1932, %broadcast_in_dim3A_1934], %get3A_1929 : memref<128x16xf32, #tpu.memory_space<vmem>>[vector<16xi32>, vector<16xi32>], vector<16xf32>,
      %get3A_1939 = arith.constant 1 : i32
      %get3A_1940 = arith.constant 4 : i32
      %get3A_1941 = arith.index_cast %select_n3A_215 : i32 to index
      %get3A_1942 = arith.index_cast %get3A_1939 : i32 to index
      %get3A_1943 = arith.index_cast %get3A_1940 : i32 to index
      %get3A_1944 = arith.constant 112 : index
      %get3A_1945 = tpu.vector_load %arg6[%get3A_1941, %get3A_1942, %get3A_1943, %get3A_1944] {strides = array<i32>} : memref<2x2x8x128xf32, #tpu.memory_space<vmem>>, vector<16xf32>,
      %add3A_1946 = arith.constant 112 : i32
      %add3A_1947 = vector.broadcast %add3A_1946 : i32 to vector<16xi32>
      %add3A_1948 = arith.addi %iota3A, %add3A_1947 : vector<16xi32>
      %broadcast_in_dim3A_1949 = arith.constant 12 : i32
      %broadcast_in_dim3A_1950 = vector.broadcast %broadcast_in_dim3A_1949 : i32 to vector<16xi32>
      %scatter3A_1951 = arith.constant 0 : i32
      %scatter3A_1952 = arith.constant 0 : i32
      %scatter3A_1953 = tpu.memref_slice %arg8[%select_n3A_215, %scatter3A_1951, %scatter3A_1952] : memref<2x128x16xf32, #tpu.memory_space<vmem>> -> memref<1x128x16xf32, #tpu.memory_space<vmem>>
      %scatter3A_1954 = tpu.memref_squeeze %scatter3A_1953 : memref<1x128x16xf32, #tpu.memory_space<vmem>> -> memref<128x16xf32, #tpu.memory_space<vmem>>
      tpu.vector_store_idx %scatter3A_1954[%add3A_1948, %broadcast_in_dim3A_1950], %get3A_1945 : memref<128x16xf32, #tpu.memory_space<vmem>>[vector<16xi32>, vector<16xi32>], vector<16xf32>,
      %get3A_1955 = arith.constant 1 : i32
      %get3A_1956 = arith.constant 5 : i32
      %get3A_1957 = arith.index_cast %select_n3A_215 : i32 to index
      %get3A_1958 = arith.index_cast %get3A_1955 : i32 to index
      %get3A_1959 = arith.index_cast %get3A_1956 : i32 to index
      %get3A_1960 = arith.constant 0 : index
      %get3A_1961 = tpu.vector_load %arg6[%get3A_1957, %get3A_1958, %get3A_1959, %get3A_1960] {strides = array<i32>} : memref<2x2x8x128xf32, #tpu.memory_space<vmem>>, vector<16xf32>,
      %add3A_1962 = arith.constant 0 : i32
      %add3A_1963 = vector.broadcast %add3A_1962 : i32 to vector<16xi32>
      %add3A_1964 = arith.addi %iota3A, %add3A_1963 : vector<16xi32>
      %broadcast_in_dim3A_1965 = arith.constant 13 : i32
      %broadcast_in_dim3A_1966 = vector.broadcast %broadcast_in_dim3A_1965 : i32 to vector<16xi32>
      %scatter3A_1967 = arith.constant 0 : i32
      %scatter3A_1968 = arith.constant 0 : i32
      %scatter3A_1969 = tpu.memref_slice %arg8[%select_n3A_215, %scatter3A_1967, %scatter3A_1968] : memref<2x128x16xf32, #tpu.memory_space<vmem>> -> memref<1x128x16xf32, #tpu.memory_space<vmem>>
      %scatter3A_1970 = tpu.memref_squeeze %scatter3A_1969 : memref<1x128x16xf32, #tpu.memory_space<vmem>> -> memref<128x16xf32, #tpu.memory_space<vmem>>
      tpu.vector_store_idx %scatter3A_1970[%add3A_1964, %broadcast_in_dim3A_1966], %get3A_1961 : memref<128x16xf32, #tpu.memory_space<vmem>>[vector<16xi32>, vector<16xi32>], vector<16xf32>,
      %get3A_1971 = arith.constant 1 : i32
      %get3A_1972 = arith.constant 5 : i32
      %get3A_1973 = arith.index_cast %select_n3A_215 : i32 to index
      %get3A_1974 = arith.index_cast %get3A_1971 : i32 to index
      %get3A_1975 = arith.index_cast %get3A_1972 : i32 to index
      %get3A_1976 = arith.constant 16 : index
      %get3A_1977 = tpu.vector_load %arg6[%get3A_1973, %get3A_1974, %get3A_1975, %get3A_1976] {strides = array<i32>} : memref<2x2x8x128xf32, #tpu.memory_space<vmem>>, vector<16xf32>,
      %add3A_1978 = arith.constant 16 : i32
      %add3A_1979 = vector.broadcast %add3A_1978 : i32 to vector<16xi32>
      %add3A_1980 = arith.addi %iota3A, %add3A_1979 : vector<16xi32>
      %broadcast_in_dim3A_1981 = arith.constant 13 : i32
      %broadcast_in_dim3A_1982 = vector.broadcast %broadcast_in_dim3A_1981 : i32 to vector<16xi32>
      %scatter3A_1983 = arith.constant 0 : i32
      %scatter3A_1984 = arith.constant 0 : i32
      %scatter3A_1985 = tpu.memref_slice %arg8[%select_n3A_215, %scatter3A_1983, %scatter3A_1984] : memref<2x128x16xf32, #tpu.memory_space<vmem>> -> memref<1x128x16xf32, #tpu.memory_space<vmem>>
      %scatter3A_1986 = tpu.memref_squeeze %scatter3A_1985 : memref<1x128x16xf32, #tpu.memory_space<vmem>> -> memref<128x16xf32, #tpu.memory_space<vmem>>
      tpu.vector_store_idx %scatter3A_1986[%add3A_1980, %broadcast_in_dim3A_1982], %get3A_1977 : memref<128x16xf32, #tpu.memory_space<vmem>>[vector<16xi32>, vector<16xi32>], vector<16xf32>,
      %get3A_1987 = arith.constant 1 : i32
      %get3A_1988 = arith.constant 5 : i32
      %get3A_1989 = arith.index_cast %select_n3A_215 : i32 to index
      %get3A_1990 = arith.index_cast %get3A_1987 : i32 to index
      %get3A_1991 = arith.index_cast %get3A_1988 : i32 to index
      %get3A_1992 = arith.constant 32 : index
      %get3A_1993 = tpu.vector_load %arg6[%get3A_1989, %get3A_1990, %get3A_1991, %get3A_1992] {strides = array<i32>} : memref<2x2x8x128xf32, #tpu.memory_space<vmem>>, vector<16xf32>,
      %add3A_1994 = arith.constant 32 : i32
      %add3A_1995 = vector.broadcast %add3A_1994 : i32 to vector<16xi32>
      %add3A_1996 = arith.addi %iota3A, %add3A_1995 : vector<16xi32>
      %broadcast_in_dim3A_1997 = arith.constant 13 : i32
      %broadcast_in_dim3A_1998 = vector.broadcast %broadcast_in_dim3A_1997 : i32 to vector<16xi32>
      %scatter3A_1999 = arith.constant 0 : i32
      %scatter3A_2000 = arith.constant 0 : i32
      %scatter3A_2001 = tpu.memref_slice %arg8[%select_n3A_215, %scatter3A_1999, %scatter3A_2000] : memref<2x128x16xf32, #tpu.memory_space<vmem>> -> memref<1x128x16xf32, #tpu.memory_space<vmem>>
      %scatter3A_2002 = tpu.memref_squeeze %scatter3A_2001 : memref<1x128x16xf32, #tpu.memory_space<vmem>> -> memref<128x16xf32, #tpu.memory_space<vmem>>
      tpu.vector_store_idx %scatter3A_2002[%add3A_1996, %broadcast_in_dim3A_1998], %get3A_1993 : memref<128x16xf32, #tpu.memory_space<vmem>>[vector<16xi32>, vector<16xi32>], vector<16xf32>,
      %get3A_2003 = arith.constant 1 : i32
      %get3A_2004 = arith.constant 5 : i32
      %get3A_2005 = arith.index_cast %select_n3A_215 : i32 to index
      %get3A_2006 = arith.index_cast %get3A_2003 : i32 to index
      %get3A_2007 = arith.index_cast %get3A_2004 : i32 to index
      %get3A_2008 = arith.constant 48 : index
      %get3A_2009 = tpu.vector_load %arg6[%get3A_2005, %get3A_2006, %get3A_2007, %get3A_2008] {strides = array<i32>} : memref<2x2x8x128xf32, #tpu.memory_space<vmem>>, vector<16xf32>,
      %add3A_2010 = arith.constant 48 : i32
      %add3A_2011 = vector.broadcast %add3A_2010 : i32 to vector<16xi32>
      %add3A_2012 = arith.addi %iota3A, %add3A_2011 : vector<16xi32>
      %broadcast_in_dim3A_2013 = arith.constant 13 : i32
      %broadcast_in_dim3A_2014 = vector.broadcast %broadcast_in_dim3A_2013 : i32 to vector<16xi32>
      %scatter3A_2015 = arith.constant 0 : i32
      %scatter3A_2016 = arith.constant 0 : i32
      %scatter3A_2017 = tpu.memref_slice %arg8[%select_n3A_215, %scatter3A_2015, %scatter3A_2016] : memref<2x128x16xf32, #tpu.memory_space<vmem>> -> memref<1x128x16xf32, #tpu.memory_space<vmem>>
      %scatter3A_2018 = tpu.memref_squeeze %scatter3A_2017 : memref<1x128x16xf32, #tpu.memory_space<vmem>> -> memref<128x16xf32, #tpu.memory_space<vmem>>
      tpu.vector_store_idx %scatter3A_2018[%add3A_2012, %broadcast_in_dim3A_2014], %get3A_2009 : memref<128x16xf32, #tpu.memory_space<vmem>>[vector<16xi32>, vector<16xi32>], vector<16xf32>,
      %get3A_2019 = arith.constant 1 : i32
      %get3A_2020 = arith.constant 5 : i32
      %get3A_2021 = arith.index_cast %select_n3A_215 : i32 to index
      %get3A_2022 = arith.index_cast %get3A_2019 : i32 to index
      %get3A_2023 = arith.index_cast %get3A_2020 : i32 to index
      %get3A_2024 = arith.constant 64 : index
      %get3A_2025 = tpu.vector_load %arg6[%get3A_2021, %get3A_2022, %get3A_2023, %get3A_2024] {strides = array<i32>} : memref<2x2x8x128xf32, #tpu.memory_space<vmem>>, vector<16xf32>,
      %add3A_2026 = arith.constant 64 : i32
      %add3A_2027 = vector.broadcast %add3A_2026 : i32 to vector<16xi32>
      %add3A_2028 = arith.addi %iota3A, %add3A_2027 : vector<16xi32>
      %broadcast_in_dim3A_2029 = arith.constant 13 : i32
      %broadcast_in_dim3A_2030 = vector.broadcast %broadcast_in_dim3A_2029 : i32 to vector<16xi32>
      %scatter3A_2031 = arith.constant 0 : i32
      %scatter3A_2032 = arith.constant 0 : i32
      %scatter3A_2033 = tpu.memref_slice %arg8[%select_n3A_215, %scatter3A_2031, %scatter3A_2032] : memref<2x128x16xf32, #tpu.memory_space<vmem>> -> memref<1x128x16xf32, #tpu.memory_space<vmem>>
      %scatter3A_2034 = tpu.memref_squeeze %scatter3A_2033 : memref<1x128x16xf32, #tpu.memory_space<vmem>> -> memref<128x16xf32, #tpu.memory_space<vmem>>
      tpu.vector_store_idx %scatter3A_2034[%add3A_2028, %broadcast_in_dim3A_2030], %get3A_2025 : memref<128x16xf32, #tpu.memory_space<vmem>>[vector<16xi32>, vector<16xi32>], vector<16xf32>,
      %get3A_2035 = arith.constant 1 : i32
      %get3A_2036 = arith.constant 5 : i32
      %get3A_2037 = arith.index_cast %select_n3A_215 : i32 to index
      %get3A_2038 = arith.index_cast %get3A_2035 : i32 to index
      %get3A_2039 = arith.index_cast %get3A_2036 : i32 to index
      %get3A_2040 = arith.constant 80 : index
      %get3A_2041 = tpu.vector_load %arg6[%get3A_2037, %get3A_2038, %get3A_2039, %get3A_2040] {strides = array<i32>} : memref<2x2x8x128xf32, #tpu.memory_space<vmem>>, vector<16xf32>,
      %add3A_2042 = arith.constant 80 : i32
      %add3A_2043 = vector.broadcast %add3A_2042 : i32 to vector<16xi32>
      %add3A_2044 = arith.addi %iota3A, %add3A_2043 : vector<16xi32>
      %broadcast_in_dim3A_2045 = arith.constant 13 : i32
      %broadcast_in_dim3A_2046 = vector.broadcast %broadcast_in_dim3A_2045 : i32 to vector<16xi32>
      %scatter3A_2047 = arith.constant 0 : i32
      %scatter3A_2048 = arith.constant 0 : i32
      %scatter3A_2049 = tpu.memref_slice %arg8[%select_n3A_215, %scatter3A_2047, %scatter3A_2048] : memref<2x128x16xf32, #tpu.memory_space<vmem>> -> memref<1x128x16xf32, #tpu.memory_space<vmem>>
      %scatter3A_2050 = tpu.memref_squeeze %scatter3A_2049 : memref<1x128x16xf32, #tpu.memory_space<vmem>> -> memref<128x16xf32, #tpu.memory_space<vmem>>
      tpu.vector_store_idx %scatter3A_2050[%add3A_2044, %broadcast_in_dim3A_2046], %get3A_2041 : memref<128x16xf32, #tpu.memory_space<vmem>>[vector<16xi32>, vector<16xi32>], vector<16xf32>,
      %get3A_2051 = arith.constant 1 : i32
      %get3A_2052 = arith.constant 5 : i32
      %get3A_2053 = arith.index_cast %select_n3A_215 : i32 to index
      %get3A_2054 = arith.index_cast %get3A_2051 : i32 to index
      %get3A_2055 = arith.index_cast %get3A_2052 : i32 to index
      %get3A_2056 = arith.constant 96 : index
      %get3A_2057 = tpu.vector_load %arg6[%get3A_2053, %get3A_2054, %get3A_2055, %get3A_2056] {strides = array<i32>} : memref<2x2x8x128xf32, #tpu.memory_space<vmem>>, vector<16xf32>,
      %add3A_2058 = arith.constant 96 : i32
      %add3A_2059 = vector.broadcast %add3A_2058 : i32 to vector<16xi32>
      %add3A_2060 = arith.addi %iota3A, %add3A_2059 : vector<16xi32>
      %broadcast_in_dim3A_2061 = arith.constant 13 : i32
      %broadcast_in_dim3A_2062 = vector.broadcast %broadcast_in_dim3A_2061 : i32 to vector<16xi32>
      %scatter3A_2063 = arith.constant 0 : i32
      %scatter3A_2064 = arith.constant 0 : i32
      %scatter3A_2065 = tpu.memref_slice %arg8[%select_n3A_215, %scatter3A_2063, %scatter3A_2064] : memref<2x128x16xf32, #tpu.memory_space<vmem>> -> memref<1x128x16xf32, #tpu.memory_space<vmem>>
      %scatter3A_2066 = tpu.memref_squeeze %scatter3A_2065 : memref<1x128x16xf32, #tpu.memory_space<vmem>> -> memref<128x16xf32, #tpu.memory_space<vmem>>
      tpu.vector_store_idx %scatter3A_2066[%add3A_2060, %broadcast_in_dim3A_2062], %get3A_2057 : memref<128x16xf32, #tpu.memory_space<vmem>>[vector<16xi32>, vector<16xi32>], vector<16xf32>,
      %get3A_2067 = arith.constant 1 : i32
      %get3A_2068 = arith.constant 5 : i32
      %get3A_2069 = arith.index_cast %select_n3A_215 : i32 to index
      %get3A_2070 = arith.index_cast %get3A_2067 : i32 to index
      %get3A_2071 = arith.index_cast %get3A_2068 : i32 to index
      %get3A_2072 = arith.constant 112 : index
      %get3A_2073 = tpu.vector_load %arg6[%get3A_2069, %get3A_2070, %get3A_2071, %get3A_2072] {strides = array<i32>} : memref<2x2x8x128xf32, #tpu.memory_space<vmem>>, vector<16xf32>,
      %add3A_2074 = arith.constant 112 : i32
      %add3A_2075 = vector.broadcast %add3A_2074 : i32 to vector<16xi32>
      %add3A_2076 = arith.addi %iota3A, %add3A_2075 : vector<16xi32>
      %broadcast_in_dim3A_2077 = arith.constant 13 : i32
      %broadcast_in_dim3A_2078 = vector.broadcast %broadcast_in_dim3A_2077 : i32 to vector<16xi32>
      %scatter3A_2079 = arith.constant 0 : i32
      %scatter3A_2080 = arith.constant 0 : i32
      %scatter3A_2081 = tpu.memref_slice %arg8[%select_n3A_215, %scatter3A_2079, %scatter3A_2080] : memref<2x128x16xf32, #tpu.memory_space<vmem>> -> memref<1x128x16xf32, #tpu.memory_space<vmem>>
      %scatter3A_2082 = tpu.memref_squeeze %scatter3A_2081 : memref<1x128x16xf32, #tpu.memory_space<vmem>> -> memref<128x16xf32, #tpu.memory_space<vmem>>
      tpu.vector_store_idx %scatter3A_2082[%add3A_2076, %broadcast_in_dim3A_2078], %get3A_2073 : memref<128x16xf32, #tpu.memory_space<vmem>>[vector<16xi32>, vector<16xi32>], vector<16xf32>,
      %get3A_2083 = arith.constant 1 : i32
      %get3A_2084 = arith.constant 6 : i32
      %get3A_2085 = arith.index_cast %select_n3A_215 : i32 to index
      %get3A_2086 = arith.index_cast %get3A_2083 : i32 to index
      %get3A_2087 = arith.index_cast %get3A_2084 : i32 to index
      %get3A_2088 = arith.constant 0 : index
      %get3A_2089 = tpu.vector_load %arg6[%get3A_2085, %get3A_2086, %get3A_2087, %get3A_2088] {strides = array<i32>} : memref<2x2x8x128xf32, #tpu.memory_space<vmem>>, vector<16xf32>,
      %add3A_2090 = arith.constant 0 : i32
      %add3A_2091 = vector.broadcast %add3A_2090 : i32 to vector<16xi32>
      %add3A_2092 = arith.addi %iota3A, %add3A_2091 : vector<16xi32>
      %broadcast_in_dim3A_2093 = arith.constant 14 : i32
      %broadcast_in_dim3A_2094 = vector.broadcast %broadcast_in_dim3A_2093 : i32 to vector<16xi32>
      %scatter3A_2095 = arith.constant 0 : i32
      %scatter3A_2096 = arith.constant 0 : i32
      %scatter3A_2097 = tpu.memref_slice %arg8[%select_n3A_215, %scatter3A_2095, %scatter3A_2096] : memref<2x128x16xf32, #tpu.memory_space<vmem>> -> memref<1x128x16xf32, #tpu.memory_space<vmem>>
      %scatter3A_2098 = tpu.memref_squeeze %scatter3A_2097 : memref<1x128x16xf32, #tpu.memory_space<vmem>> -> memref<128x16xf32, #tpu.memory_space<vmem>>
      tpu.vector_store_idx %scatter3A_2098[%add3A_2092, %broadcast_in_dim3A_2094], %get3A_2089 : memref<128x16xf32, #tpu.memory_space<vmem>>[vector<16xi32>, vector<16xi32>], vector<16xf32>,
      %get3A_2099 = arith.constant 1 : i32
      %get3A_2100 = arith.constant 6 : i32
      %get3A_2101 = arith.index_cast %select_n3A_215 : i32 to index
      %get3A_2102 = arith.index_cast %get3A_2099 : i32 to index
      %get3A_2103 = arith.index_cast %get3A_2100 : i32 to index
      %get3A_2104 = arith.constant 16 : index
      %get3A_2105 = tpu.vector_load %arg6[%get3A_2101, %get3A_2102, %get3A_2103, %get3A_2104] {strides = array<i32>} : memref<2x2x8x128xf32, #tpu.memory_space<vmem>>, vector<16xf32>,
      %add3A_2106 = arith.constant 16 : i32
      %add3A_2107 = vector.broadcast %add3A_2106 : i32 to vector<16xi32>
      %add3A_2108 = arith.addi %iota3A, %add3A_2107 : vector<16xi32>
      %broadcast_in_dim3A_2109 = arith.constant 14 : i32
      %broadcast_in_dim3A_2110 = vector.broadcast %broadcast_in_dim3A_2109 : i32 to vector<16xi32>
      %scatter3A_2111 = arith.constant 0 : i32
      %scatter3A_2112 = arith.constant 0 : i32
      %scatter3A_2113 = tpu.memref_slice %arg8[%select_n3A_215, %scatter3A_2111, %scatter3A_2112] : memref<2x128x16xf32, #tpu.memory_space<vmem>> -> memref<1x128x16xf32, #tpu.memory_space<vmem>>
      %scatter3A_2114 = tpu.memref_squeeze %scatter3A_2113 : memref<1x128x16xf32, #tpu.memory_space<vmem>> -> memref<128x16xf32, #tpu.memory_space<vmem>>
      tpu.vector_store_idx %scatter3A_2114[%add3A_2108, %broadcast_in_dim3A_2110], %get3A_2105 : memref<128x16xf32, #tpu.memory_space<vmem>>[vector<16xi32>, vector<16xi32>], vector<16xf32>,
      %get3A_2115 = arith.constant 1 : i32
      %get3A_2116 = arith.constant 6 : i32
      %get3A_2117 = arith.index_cast %select_n3A_215 : i32 to index
      %get3A_2118 = arith.index_cast %get3A_2115 : i32 to index
      %get3A_2119 = arith.index_cast %get3A_2116 : i32 to index
      %get3A_2120 = arith.constant 32 : index
      %get3A_2121 = tpu.vector_load %arg6[%get3A_2117, %get3A_2118, %get3A_2119, %get3A_2120] {strides = array<i32>} : memref<2x2x8x128xf32, #tpu.memory_space<vmem>>, vector<16xf32>,
      %add3A_2122 = arith.constant 32 : i32
      %add3A_2123 = vector.broadcast %add3A_2122 : i32 to vector<16xi32>
      %add3A_2124 = arith.addi %iota3A, %add3A_2123 : vector<16xi32>
      %broadcast_in_dim3A_2125 = arith.constant 14 : i32
      %broadcast_in_dim3A_2126 = vector.broadcast %broadcast_in_dim3A_2125 : i32 to vector<16xi32>
      %scatter3A_2127 = arith.constant 0 : i32
      %scatter3A_2128 = arith.constant 0 : i32
      %scatter3A_2129 = tpu.memref_slice %arg8[%select_n3A_215, %scatter3A_2127, %scatter3A_2128] : memref<2x128x16xf32, #tpu.memory_space<vmem>> -> memref<1x128x16xf32, #tpu.memory_space<vmem>>
      %scatter3A_2130 = tpu.memref_squeeze %scatter3A_2129 : memref<1x128x16xf32, #tpu.memory_space<vmem>> -> memref<128x16xf32, #tpu.memory_space<vmem>>
      tpu.vector_store_idx %scatter3A_2130[%add3A_2124, %broadcast_in_dim3A_2126], %get3A_2121 : memref<128x16xf32, #tpu.memory_space<vmem>>[vector<16xi32>, vector<16xi32>], vector<16xf32>,
      %get3A_2131 = arith.constant 1 : i32
      %get3A_2132 = arith.constant 6 : i32
      %get3A_2133 = arith.index_cast %select_n3A_215 : i32 to index
      %get3A_2134 = arith.index_cast %get3A_2131 : i32 to index
      %get3A_2135 = arith.index_cast %get3A_2132 : i32 to index
      %get3A_2136 = arith.constant 48 : index
      %get3A_2137 = tpu.vector_load %arg6[%get3A_2133, %get3A_2134, %get3A_2135, %get3A_2136] {strides = array<i32>} : memref<2x2x8x128xf32, #tpu.memory_space<vmem>>, vector<16xf32>,
      %add3A_2138 = arith.constant 48 : i32
      %add3A_2139 = vector.broadcast %add3A_2138 : i32 to vector<16xi32>
      %add3A_2140 = arith.addi %iota3A, %add3A_2139 : vector<16xi32>
      %broadcast_in_dim3A_2141 = arith.constant 14 : i32
      %broadcast_in_dim3A_2142 = vector.broadcast %broadcast_in_dim3A_2141 : i32 to vector<16xi32>
      %scatter3A_2143 = arith.constant 0 : i32
      %scatter3A_2144 = arith.constant 0 : i32
      %scatter3A_2145 = tpu.memref_slice %arg8[%select_n3A_215, %scatter3A_2143, %scatter3A_2144] : memref<2x128x16xf32, #tpu.memory_space<vmem>> -> memref<1x128x16xf32, #tpu.memory_space<vmem>>
      %scatter3A_2146 = tpu.memref_squeeze %scatter3A_2145 : memref<1x128x16xf32, #tpu.memory_space<vmem>> -> memref<128x16xf32, #tpu.memory_space<vmem>>
      tpu.vector_store_idx %scatter3A_2146[%add3A_2140, %broadcast_in_dim3A_2142], %get3A_2137 : memref<128x16xf32, #tpu.memory_space<vmem>>[vector<16xi32>, vector<16xi32>], vector<16xf32>,
      %get3A_2147 = arith.constant 1 : i32
      %get3A_2148 = arith.constant 6 : i32
      %get3A_2149 = arith.index_cast %select_n3A_215 : i32 to index
      %get3A_2150 = arith.index_cast %get3A_2147 : i32 to index
      %get3A_2151 = arith.index_cast %get3A_2148 : i32 to index
      %get3A_2152 = arith.constant 64 : index
      %get3A_2153 = tpu.vector_load %arg6[%get3A_2149, %get3A_2150, %get3A_2151, %get3A_2152] {strides = array<i32>} : memref<2x2x8x128xf32, #tpu.memory_space<vmem>>, vector<16xf32>,
      %add3A_2154 = arith.constant 64 : i32
      %add3A_2155 = vector.broadcast %add3A_2154 : i32 to vector<16xi32>
      %add3A_2156 = arith.addi %iota3A, %add3A_2155 : vector<16xi32>
      %broadcast_in_dim3A_2157 = arith.constant 14 : i32
      %broadcast_in_dim3A_2158 = vector.broadcast %broadcast_in_dim3A_2157 : i32 to vector<16xi32>
      %scatter3A_2159 = arith.constant 0 : i32
      %scatter3A_2160 = arith.constant 0 : i32
      %scatter3A_2161 = tpu.memref_slice %arg8[%select_n3A_215, %scatter3A_2159, %scatter3A_2160] : memref<2x128x16xf32, #tpu.memory_space<vmem>> -> memref<1x128x16xf32, #tpu.memory_space<vmem>>
      %scatter3A_2162 = tpu.memref_squeeze %scatter3A_2161 : memref<1x128x16xf32, #tpu.memory_space<vmem>> -> memref<128x16xf32, #tpu.memory_space<vmem>>
      tpu.vector_store_idx %scatter3A_2162[%add3A_2156, %broadcast_in_dim3A_2158], %get3A_2153 : memref<128x16xf32, #tpu.memory_space<vmem>>[vector<16xi32>, vector<16xi32>], vector<16xf32>,
      %get3A_2163 = arith.constant 1 : i32
      %get3A_2164 = arith.constant 6 : i32
      %get3A_2165 = arith.index_cast %select_n3A_215 : i32 to index
      %get3A_2166 = arith.index_cast %get3A_2163 : i32 to index
      %get3A_2167 = arith.index_cast %get3A_2164 : i32 to index
      %get3A_2168 = arith.constant 80 : index
      %get3A_2169 = tpu.vector_load %arg6[%get3A_2165, %get3A_2166, %get3A_2167, %get3A_2168] {strides = array<i32>} : memref<2x2x8x128xf32, #tpu.memory_space<vmem>>, vector<16xf32>,
      %add3A_2170 = arith.constant 80 : i32
      %add3A_2171 = vector.broadcast %add3A_2170 : i32 to vector<16xi32>
      %add3A_2172 = arith.addi %iota3A, %add3A_2171 : vector<16xi32>
      %broadcast_in_dim3A_2173 = arith.constant 14 : i32
      %broadcast_in_dim3A_2174 = vector.broadcast %broadcast_in_dim3A_2173 : i32 to vector<16xi32>
      %scatter3A_2175 = arith.constant 0 : i32
      %scatter3A_2176 = arith.constant 0 : i32
      %scatter3A_2177 = tpu.memref_slice %arg8[%select_n3A_215, %scatter3A_2175, %scatter3A_2176] : memref<2x128x16xf32, #tpu.memory_space<vmem>> -> memref<1x128x16xf32, #tpu.memory_space<vmem>>
      %scatter3A_2178 = tpu.memref_squeeze %scatter3A_2177 : memref<1x128x16xf32, #tpu.memory_space<vmem>> -> memref<128x16xf32, #tpu.memory_space<vmem>>
      tpu.vector_store_idx %scatter3A_2178[%add3A_2172, %broadcast_in_dim3A_2174], %get3A_2169 : memref<128x16xf32, #tpu.memory_space<vmem>>[vector<16xi32>, vector<16xi32>], vector<16xf32>,
      %get3A_2179 = arith.constant 1 : i32
      %get3A_2180 = arith.constant 6 : i32
      %get3A_2181 = arith.index_cast %select_n3A_215 : i32 to index
      %get3A_2182 = arith.index_cast %get3A_2179 : i32 to index
      %get3A_2183 = arith.index_cast %get3A_2180 : i32 to index
      %get3A_2184 = arith.constant 96 : index
      %get3A_2185 = tpu.vector_load %arg6[%get3A_2181, %get3A_2182, %get3A_2183, %get3A_2184] {strides = array<i32>} : memref<2x2x8x128xf32, #tpu.memory_space<vmem>>, vector<16xf32>,
      %add3A_2186 = arith.constant 96 : i32
      %add3A_2187 = vector.broadcast %add3A_2186 : i32 to vector<16xi32>
      %add3A_2188 = arith.addi %iota3A, %add3A_2187 : vector<16xi32>
      %broadcast_in_dim3A_2189 = arith.constant 14 : i32
      %broadcast_in_dim3A_2190 = vector.broadcast %broadcast_in_dim3A_2189 : i32 to vector<16xi32>
      %scatter3A_2191 = arith.constant 0 : i32
      %scatter3A_2192 = arith.constant 0 : i32
      %scatter3A_2193 = tpu.memref_slice %arg8[%select_n3A_215, %scatter3A_2191, %scatter3A_2192] : memref<2x128x16xf32, #tpu.memory_space<vmem>> -> memref<1x128x16xf32, #tpu.memory_space<vmem>>
      %scatter3A_2194 = tpu.memref_squeeze %scatter3A_2193 : memref<1x128x16xf32, #tpu.memory_space<vmem>> -> memref<128x16xf32, #tpu.memory_space<vmem>>
      tpu.vector_store_idx %scatter3A_2194[%add3A_2188, %broadcast_in_dim3A_2190], %get3A_2185 : memref<128x16xf32, #tpu.memory_space<vmem>>[vector<16xi32>, vector<16xi32>], vector<16xf32>,
      %get3A_2195 = arith.constant 1 : i32
      %get3A_2196 = arith.constant 6 : i32
      %get3A_2197 = arith.index_cast %select_n3A_215 : i32 to index
      %get3A_2198 = arith.index_cast %get3A_2195 : i32 to index
      %get3A_2199 = arith.index_cast %get3A_2196 : i32 to index
      %get3A_2200 = arith.constant 112 : index
      %get3A_2201 = tpu.vector_load %arg6[%get3A_2197, %get3A_2198, %get3A_2199, %get3A_2200] {strides = array<i32>} : memref<2x2x8x128xf32, #tpu.memory_space<vmem>>, vector<16xf32>,
      %add3A_2202 = arith.constant 112 : i32
      %add3A_2203 = vector.broadcast %add3A_2202 : i32 to vector<16xi32>
      %add3A_2204 = arith.addi %iota3A, %add3A_2203 : vector<16xi32>
      %broadcast_in_dim3A_2205 = arith.constant 14 : i32
      %broadcast_in_dim3A_2206 = vector.broadcast %broadcast_in_dim3A_2205 : i32 to vector<16xi32>
      %scatter3A_2207 = arith.constant 0 : i32
      %scatter3A_2208 = arith.constant 0 : i32
      %scatter3A_2209 = tpu.memref_slice %arg8[%select_n3A_215, %scatter3A_2207, %scatter3A_2208] : memref<2x128x16xf32, #tpu.memory_space<vmem>> -> memref<1x128x16xf32, #tpu.memory_space<vmem>>
      %scatter3A_2210 = tpu.memref_squeeze %scatter3A_2209 : memref<1x128x16xf32, #tpu.memory_space<vmem>> -> memref<128x16xf32, #tpu.memory_space<vmem>>
      tpu.vector_store_idx %scatter3A_2210[%add3A_2204, %broadcast_in_dim3A_2206], %get3A_2201 : memref<128x16xf32, #tpu.memory_space<vmem>>[vector<16xi32>, vector<16xi32>], vector<16xf32>,
      %get3A_2211 = arith.constant 1 : i32
      %get3A_2212 = arith.constant 7 : i32
      %get3A_2213 = arith.index_cast %select_n3A_215 : i32 to index
      %get3A_2214 = arith.index_cast %get3A_2211 : i32 to index
      %get3A_2215 = arith.index_cast %get3A_2212 : i32 to index
      %get3A_2216 = arith.constant 0 : index
      %get3A_2217 = tpu.vector_load %arg6[%get3A_2213, %get3A_2214, %get3A_2215, %get3A_2216] {strides = array<i32>} : memref<2x2x8x128xf32, #tpu.memory_space<vmem>>, vector<16xf32>,
      %add3A_2218 = arith.constant 0 : i32
      %add3A_2219 = vector.broadcast %add3A_2218 : i32 to vector<16xi32>
      %add3A_2220 = arith.addi %iota3A, %add3A_2219 : vector<16xi32>
      %broadcast_in_dim3A_2221 = arith.constant 15 : i32
      %broadcast_in_dim3A_2222 = vector.broadcast %broadcast_in_dim3A_2221 : i32 to vector<16xi32>
      %scatter3A_2223 = arith.constant 0 : i32
      %scatter3A_2224 = arith.constant 0 : i32
      %scatter3A_2225 = tpu.memref_slice %arg8[%select_n3A_215, %scatter3A_2223, %scatter3A_2224] : memref<2x128x16xf32, #tpu.memory_space<vmem>> -> memref<1x128x16xf32, #tpu.memory_space<vmem>>
      %scatter3A_2226 = tpu.memref_squeeze %scatter3A_2225 : memref<1x128x16xf32, #tpu.memory_space<vmem>> -> memref<128x16xf32, #tpu.memory_space<vmem>>
      tpu.vector_store_idx %scatter3A_2226[%add3A_2220, %broadcast_in_dim3A_2222], %get3A_2217 : memref<128x16xf32, #tpu.memory_space<vmem>>[vector<16xi32>, vector<16xi32>], vector<16xf32>,
      %get3A_2227 = arith.constant 1 : i32
      %get3A_2228 = arith.constant 7 : i32
      %get3A_2229 = arith.index_cast %select_n3A_215 : i32 to index
      %get3A_2230 = arith.index_cast %get3A_2227 : i32 to index
      %get3A_2231 = arith.index_cast %get3A_2228 : i32 to index
      %get3A_2232 = arith.constant 16 : index
      %get3A_2233 = tpu.vector_load %arg6[%get3A_2229, %get3A_2230, %get3A_2231, %get3A_2232] {strides = array<i32>} : memref<2x2x8x128xf32, #tpu.memory_space<vmem>>, vector<16xf32>,
      %add3A_2234 = arith.constant 16 : i32
      %add3A_2235 = vector.broadcast %add3A_2234 : i32 to vector<16xi32>
      %add3A_2236 = arith.addi %iota3A, %add3A_2235 : vector<16xi32>
      %broadcast_in_dim3A_2237 = arith.constant 15 : i32
      %broadcast_in_dim3A_2238 = vector.broadcast %broadcast_in_dim3A_2237 : i32 to vector<16xi32>
      %scatter3A_2239 = arith.constant 0 : i32
      %scatter3A_2240 = arith.constant 0 : i32
      %scatter3A_2241 = tpu.memref_slice %arg8[%select_n3A_215, %scatter3A_2239, %scatter3A_2240] : memref<2x128x16xf32, #tpu.memory_space<vmem>> -> memref<1x128x16xf32, #tpu.memory_space<vmem>>
      %scatter3A_2242 = tpu.memref_squeeze %scatter3A_2241 : memref<1x128x16xf32, #tpu.memory_space<vmem>> -> memref<128x16xf32, #tpu.memory_space<vmem>>
      tpu.vector_store_idx %scatter3A_2242[%add3A_2236, %broadcast_in_dim3A_2238], %get3A_2233 : memref<128x16xf32, #tpu.memory_space<vmem>>[vector<16xi32>, vector<16xi32>], vector<16xf32>,
      %get3A_2243 = arith.constant 1 : i32
      %get3A_2244 = arith.constant 7 : i32
      %get3A_2245 = arith.index_cast %select_n3A_215 : i32 to index
      %get3A_2246 = arith.index_cast %get3A_2243 : i32 to index
      %get3A_2247 = arith.index_cast %get3A_2244 : i32 to index
      %get3A_2248 = arith.constant 32 : index
      %get3A_2249 = tpu.vector_load %arg6[%get3A_2245, %get3A_2246, %get3A_2247, %get3A_2248] {strides = array<i32>} : memref<2x2x8x128xf32, #tpu.memory_space<vmem>>, vector<16xf32>,
      %add3A_2250 = arith.constant 32 : i32
      %add3A_2251 = vector.broadcast %add3A_2250 : i32 to vector<16xi32>
      %add3A_2252 = arith.addi %iota3A, %add3A_2251 : vector<16xi32>
      %broadcast_in_dim3A_2253 = arith.constant 15 : i32
      %broadcast_in_dim3A_2254 = vector.broadcast %broadcast_in_dim3A_2253 : i32 to vector<16xi32>
      %scatter3A_2255 = arith.constant 0 : i32
      %scatter3A_2256 = arith.constant 0 : i32
      %scatter3A_2257 = tpu.memref_slice %arg8[%select_n3A_215, %scatter3A_2255, %scatter3A_2256] : memref<2x128x16xf32, #tpu.memory_space<vmem>> -> memref<1x128x16xf32, #tpu.memory_space<vmem>>
      %scatter3A_2258 = tpu.memref_squeeze %scatter3A_2257 : memref<1x128x16xf32, #tpu.memory_space<vmem>> -> memref<128x16xf32, #tpu.memory_space<vmem>>
      tpu.vector_store_idx %scatter3A_2258[%add3A_2252, %broadcast_in_dim3A_2254], %get3A_2249 : memref<128x16xf32, #tpu.memory_space<vmem>>[vector<16xi32>, vector<16xi32>], vector<16xf32>,
      %get3A_2259 = arith.constant 1 : i32
      %get3A_2260 = arith.constant 7 : i32
      %get3A_2261 = arith.index_cast %select_n3A_215 : i32 to index
      %get3A_2262 = arith.index_cast %get3A_2259 : i32 to index
      %get3A_2263 = arith.index_cast %get3A_2260 : i32 to index
      %get3A_2264 = arith.constant 48 : index
      %get3A_2265 = tpu.vector_load %arg6[%get3A_2261, %get3A_2262, %get3A_2263, %get3A_2264] {strides = array<i32>} : memref<2x2x8x128xf32, #tpu.memory_space<vmem>>, vector<16xf32>,
      %add3A_2266 = arith.constant 48 : i32
      %add3A_2267 = vector.broadcast %add3A_2266 : i32 to vector<16xi32>
      %add3A_2268 = arith.addi %iota3A, %add3A_2267 : vector<16xi32>
      %broadcast_in_dim3A_2269 = arith.constant 15 : i32
      %broadcast_in_dim3A_2270 = vector.broadcast %broadcast_in_dim3A_2269 : i32 to vector<16xi32>
      %scatter3A_2271 = arith.constant 0 : i32
      %scatter3A_2272 = arith.constant 0 : i32
      %scatter3A_2273 = tpu.memref_slice %arg8[%select_n3A_215, %scatter3A_2271, %scatter3A_2272] : memref<2x128x16xf32, #tpu.memory_space<vmem>> -> memref<1x128x16xf32, #tpu.memory_space<vmem>>
      %scatter3A_2274 = tpu.memref_squeeze %scatter3A_2273 : memref<1x128x16xf32, #tpu.memory_space<vmem>> -> memref<128x16xf32, #tpu.memory_space<vmem>>
      tpu.vector_store_idx %scatter3A_2274[%add3A_2268, %broadcast_in_dim3A_2270], %get3A_2265 : memref<128x16xf32, #tpu.memory_space<vmem>>[vector<16xi32>, vector<16xi32>], vector<16xf32>,
      %get3A_2275 = arith.constant 1 : i32
      %get3A_2276 = arith.constant 7 : i32
      %get3A_2277 = arith.index_cast %select_n3A_215 : i32 to index
      %get3A_2278 = arith.index_cast %get3A_2275 : i32 to index
      %get3A_2279 = arith.index_cast %get3A_2276 : i32 to index
      %get3A_2280 = arith.constant 64 : index
      %get3A_2281 = tpu.vector_load %arg6[%get3A_2277, %get3A_2278, %get3A_2279, %get3A_2280] {strides = array<i32>} : memref<2x2x8x128xf32, #tpu.memory_space<vmem>>, vector<16xf32>,
      %add3A_2282 = arith.constant 64 : i32
      %add3A_2283 = vector.broadcast %add3A_2282 : i32 to vector<16xi32>
      %add3A_2284 = arith.addi %iota3A, %add3A_2283 : vector<16xi32>
      %broadcast_in_dim3A_2285 = arith.constant 15 : i32
      %broadcast_in_dim3A_2286 = vector.broadcast %broadcast_in_dim3A_2285 : i32 to vector<16xi32>
      %scatter3A_2287 = arith.constant 0 : i32
      %scatter3A_2288 = arith.constant 0 : i32
      %scatter3A_2289 = tpu.memref_slice %arg8[%select_n3A_215, %scatter3A_2287, %scatter3A_2288] : memref<2x128x16xf32, #tpu.memory_space<vmem>> -> memref<1x128x16xf32, #tpu.memory_space<vmem>>
      %scatter3A_2290 = tpu.memref_squeeze %scatter3A_2289 : memref<1x128x16xf32, #tpu.memory_space<vmem>> -> memref<128x16xf32, #tpu.memory_space<vmem>>
      tpu.vector_store_idx %scatter3A_2290[%add3A_2284, %broadcast_in_dim3A_2286], %get3A_2281 : memref<128x16xf32, #tpu.memory_space<vmem>>[vector<16xi32>, vector<16xi32>], vector<16xf32>,
      %get3A_2291 = arith.constant 1 : i32
      %get3A_2292 = arith.constant 7 : i32
      %get3A_2293 = arith.index_cast %select_n3A_215 : i32 to index
      %get3A_2294 = arith.index_cast %get3A_2291 : i32 to index
      %get3A_2295 = arith.index_cast %get3A_2292 : i32 to index
      %get3A_2296 = arith.constant 80 : index
      %get3A_2297 = tpu.vector_load %arg6[%get3A_2293, %get3A_2294, %get3A_2295, %get3A_2296] {strides = array<i32>} : memref<2x2x8x128xf32, #tpu.memory_space<vmem>>, vector<16xf32>,
      %add3A_2298 = arith.constant 80 : i32
      %add3A_2299 = vector.broadcast %add3A_2298 : i32 to vector<16xi32>
      %add3A_2300 = arith.addi %iota3A, %add3A_2299 : vector<16xi32>
      %broadcast_in_dim3A_2301 = arith.constant 15 : i32
      %broadcast_in_dim3A_2302 = vector.broadcast %broadcast_in_dim3A_2301 : i32 to vector<16xi32>
      %scatter3A_2303 = arith.constant 0 : i32
      %scatter3A_2304 = arith.constant 0 : i32
      %scatter3A_2305 = tpu.memref_slice %arg8[%select_n3A_215, %scatter3A_2303, %scatter3A_2304] : memref<2x128x16xf32, #tpu.memory_space<vmem>> -> memref<1x128x16xf32, #tpu.memory_space<vmem>>
      %scatter3A_2306 = tpu.memref_squeeze %scatter3A_2305 : memref<1x128x16xf32, #tpu.memory_space<vmem>> -> memref<128x16xf32, #tpu.memory_space<vmem>>
      tpu.vector_store_idx %scatter3A_2306[%add3A_2300, %broadcast_in_dim3A_2302], %get3A_2297 : memref<128x16xf32, #tpu.memory_space<vmem>>[vector<16xi32>, vector<16xi32>], vector<16xf32>,
      %get3A_2307 = arith.constant 1 : i32
      %get3A_2308 = arith.constant 7 : i32
      %get3A_2309 = arith.index_cast %select_n3A_215 : i32 to index
      %get3A_2310 = arith.index_cast %get3A_2307 : i32 to index
      %get3A_2311 = arith.index_cast %get3A_2308 : i32 to index
      %get3A_2312 = arith.constant 96 : index
      %get3A_2313 = tpu.vector_load %arg6[%get3A_2309, %get3A_2310, %get3A_2311, %get3A_2312] {strides = array<i32>} : memref<2x2x8x128xf32, #tpu.memory_space<vmem>>, vector<16xf32>,
      %add3A_2314 = arith.constant 96 : i32
      %add3A_2315 = vector.broadcast %add3A_2314 : i32 to vector<16xi32>
      %add3A_2316 = arith.addi %iota3A, %add3A_2315 : vector<16xi32>
      %broadcast_in_dim3A_2317 = arith.constant 15 : i32
      %broadcast_in_dim3A_2318 = vector.broadcast %broadcast_in_dim3A_2317 : i32 to vector<16xi32>
      %scatter3A_2319 = arith.constant 0 : i32
      %scatter3A_2320 = arith.constant 0 : i32
      %scatter3A_2321 = tpu.memref_slice %arg8[%select_n3A_215, %scatter3A_2319, %scatter3A_2320] : memref<2x128x16xf32, #tpu.memory_space<vmem>> -> memref<1x128x16xf32, #tpu.memory_space<vmem>>
      %scatter3A_2322 = tpu.memref_squeeze %scatter3A_2321 : memref<1x128x16xf32, #tpu.memory_space<vmem>> -> memref<128x16xf32, #tpu.memory_space<vmem>>
      tpu.vector_store_idx %scatter3A_2322[%add3A_2316, %broadcast_in_dim3A_2318], %get3A_2313 : memref<128x16xf32, #tpu.memory_space<vmem>>[vector<16xi32>, vector<16xi32>], vector<16xf32>,
      %get3A_2323 = arith.constant 1 : i32
      %get3A_2324 = arith.constant 7 : i32
      %get3A_2325 = arith.index_cast %select_n3A_215 : i32 to index
      %get3A_2326 = arith.index_cast %get3A_2323 : i32 to index
      %get3A_2327 = arith.index_cast %get3A_2324 : i32 to index
      %get3A_2328 = arith.constant 112 : index
      %get3A_2329 = tpu.vector_load %arg6[%get3A_2325, %get3A_2326, %get3A_2327, %get3A_2328] {strides = array<i32>} : memref<2x2x8x128xf32, #tpu.memory_space<vmem>>, vector<16xf32>,
      %add3A_2330 = arith.constant 112 : i32
      %add3A_2331 = vector.broadcast %add3A_2330 : i32 to vector<16xi32>
      %add3A_2332 = arith.addi %iota3A, %add3A_2331 : vector<16xi32>
      %broadcast_in_dim3A_2333 = arith.constant 15 : i32
      %broadcast_in_dim3A_2334 = vector.broadcast %broadcast_in_dim3A_2333 : i32 to vector<16xi32>
      %scatter3A_2335 = arith.constant 0 : i32
      %scatter3A_2336 = arith.constant 0 : i32
      %scatter3A_2337 = tpu.memref_slice %arg8[%select_n3A_215, %scatter3A_2335, %scatter3A_2336] : memref<2x128x16xf32, #tpu.memory_space<vmem>> -> memref<1x128x16xf32, #tpu.memory_space<vmem>>
      %scatter3A_2338 = tpu.memref_squeeze %scatter3A_2337 : memref<1x128x16xf32, #tpu.memory_space<vmem>> -> memref<128x16xf32, #tpu.memory_space<vmem>>
      tpu.vector_store_idx %scatter3A_2338[%add3A_2332, %broadcast_in_dim3A_2334], %get3A_2329 : memref<128x16xf32, #tpu.memory_space<vmem>>[vector<16xi32>, vector<16xi32>], vector<16xf32>,
      %get3A_2339 = arith.constant 0 : i32
      %get3A_2340 = arith.index_cast %select_n3A_232 : i32 to index
      %get3A_2341 = arith.index_cast %get3A_2339 : i32 to index
      %get3A_2342 = arith.constant 0 : index
      %get3A_2343 = tpu.vector_load %arg7[%get3A_2340, %get3A_2341, %get3A_2342] {strides = array<i32>} : memref<3x1x128xi32, #tpu.memory_space<vmem>>, vector<16xi32>,
      tpu.vector_store_idx %arg10[%get3A_2343], %broadcast_in_dim3A_139 {add = true} : memref<51200xf32, #tpu.memory_space<vmem>>[vector<16xi32>], vector<16xf32>,
      %get3A_2344 = arith.constant 0 : i32
      %get3A_2345 = arith.index_cast %select_n3A_232 : i32 to index
      %get3A_2346 = arith.index_cast %get3A_2344 : i32 to index
      %get3A_2347 = arith.constant 16 : index
      %get3A_2348 = tpu.vector_load %arg7[%get3A_2345, %get3A_2346, %get3A_2347] {strides = array<i32>} : memref<3x1x128xi32, #tpu.memory_space<vmem>>, vector<16xi32>,
      tpu.vector_store_idx %arg10[%get3A_2348], %broadcast_in_dim3A_139 {add = true} : memref<51200xf32, #tpu.memory_space<vmem>>[vector<16xi32>], vector<16xf32>,
      %get3A_2349 = arith.constant 0 : i32
      %get3A_2350 = arith.index_cast %select_n3A_232 : i32 to index
      %get3A_2351 = arith.index_cast %get3A_2349 : i32 to index
      %get3A_2352 = arith.constant 32 : index
      %get3A_2353 = tpu.vector_load %arg7[%get3A_2350, %get3A_2351, %get3A_2352] {strides = array<i32>} : memref<3x1x128xi32, #tpu.memory_space<vmem>>, vector<16xi32>,
      tpu.vector_store_idx %arg10[%get3A_2353], %broadcast_in_dim3A_139 {add = true} : memref<51200xf32, #tpu.memory_space<vmem>>[vector<16xi32>], vector<16xf32>,
      %get3A_2354 = arith.constant 0 : i32
      %get3A_2355 = arith.index_cast %select_n3A_232 : i32 to index
      %get3A_2356 = arith.index_cast %get3A_2354 : i32 to index
      %get3A_2357 = arith.constant 48 : index
      %get3A_2358 = tpu.vector_load %arg7[%get3A_2355, %get3A_2356, %get3A_2357] {strides = array<i32>} : memref<3x1x128xi32, #tpu.memory_space<vmem>>, vector<16xi32>,
      tpu.vector_store_idx %arg10[%get3A_2358], %broadcast_in_dim3A_139 {add = true} : memref<51200xf32, #tpu.memory_space<vmem>>[vector<16xi32>], vector<16xf32>,
      %get3A_2359 = arith.constant 0 : i32
      %get3A_2360 = arith.index_cast %select_n3A_232 : i32 to index
      %get3A_2361 = arith.index_cast %get3A_2359 : i32 to index
      %get3A_2362 = arith.constant 64 : index
      %get3A_2363 = tpu.vector_load %arg7[%get3A_2360, %get3A_2361, %get3A_2362] {strides = array<i32>} : memref<3x1x128xi32, #tpu.memory_space<vmem>>, vector<16xi32>,
      tpu.vector_store_idx %arg10[%get3A_2363], %broadcast_in_dim3A_139 {add = true} : memref<51200xf32, #tpu.memory_space<vmem>>[vector<16xi32>], vector<16xf32>,
      %get3A_2364 = arith.constant 0 : i32
      %get3A_2365 = arith.index_cast %select_n3A_232 : i32 to index
      %get3A_2366 = arith.index_cast %get3A_2364 : i32 to index
      %get3A_2367 = arith.constant 80 : index
      %get3A_2368 = tpu.vector_load %arg7[%get3A_2365, %get3A_2366, %get3A_2367] {strides = array<i32>} : memref<3x1x128xi32, #tpu.memory_space<vmem>>, vector<16xi32>,
      tpu.vector_store_idx %arg10[%get3A_2368], %broadcast_in_dim3A_139 {add = true} : memref<51200xf32, #tpu.memory_space<vmem>>[vector<16xi32>], vector<16xf32>,
      %get3A_2369 = arith.constant 0 : i32
      %get3A_2370 = arith.index_cast %select_n3A_232 : i32 to index
      %get3A_2371 = arith.index_cast %get3A_2369 : i32 to index
      %get3A_2372 = arith.constant 96 : index
      %get3A_2373 = tpu.vector_load %arg7[%get3A_2370, %get3A_2371, %get3A_2372] {strides = array<i32>} : memref<3x1x128xi32, #tpu.memory_space<vmem>>, vector<16xi32>,
      tpu.vector_store_idx %arg10[%get3A_2373], %broadcast_in_dim3A_139 {add = true} : memref<51200xf32, #tpu.memory_space<vmem>>[vector<16xi32>], vector<16xf32>,
      %get3A_2374 = arith.constant 0 : i32
      %get3A_2375 = arith.index_cast %select_n3A_232 : i32 to index
      %get3A_2376 = arith.index_cast %get3A_2374 : i32 to index
      %get3A_2377 = arith.constant 112 : index
      %get3A_2378 = tpu.vector_load %arg7[%get3A_2375, %get3A_2376, %get3A_2377] {strides = array<i32>} : memref<3x1x128xi32, #tpu.memory_space<vmem>>, vector<16xi32>,
      tpu.vector_store_idx %arg10[%get3A_2378], %broadcast_in_dim3A_139 {add = true} : memref<51200xf32, #tpu.memory_space<vmem>>[vector<16xi32>], vector<16xf32>,
      %gt3A = arith.cmpi sgt, %while3A_197, %select_n3A : i32
      %convert_element_type3A_2379 = arith.extui %gt3A : i1 to i32
      %cond3A_2380 = arith.constant 0 : i32
      %cond3A_2381 = arith.cmpi ne, %convert_element_type3A_2379, %cond3A_2380 : i32
      scf.if %cond3A_2381 {
        %sub3A_2396 = arith.constant 1 : i32
        %sub3A_2397 = arith.subi %while3A_197, %sub3A_2396 : i32
        %sub3A_2398 = arith.subi %sub3A_2397, %select_n3A : i32
        %jit3A_2399 = arith.constant 2 : i32
        %eq3A_2400 = arith.constant 0 : i32
        %eq3A_2401 = arith.cmpi eq, %jit3A_2399, %eq3A_2400 : i32
        %jit3A_2402 = arith.constant 1 : i32
        %select_n3A_2403 = arith.select %eq3A_2401, %jit3A_2402, %jit3A_2399 : i32
        %rem3A_2404 = arith.remsi %sub3A_2398, %select_n3A_2403 : i32
        %ne3A_2405 = arith.constant 0 : i32
        %ne3A_2406 = arith.cmpi ne, %rem3A_2404, %ne3A_2405 : i32
        %lt3A_2407 = arith.constant 0 : i32
        %lt3A_2408 = arith.cmpi slt, %rem3A_2404, %lt3A_2407 : i32
        %lt3A_2409 = arith.constant 0 : i32
        %lt3A_2410 = arith.cmpi slt, %select_n3A_2403, %lt3A_2409 : i32
        %ne3A_2411 = arith.xori %lt3A_2408, %lt3A_2410 : i1
        %and3A_2412 = arith.andi %ne3A_2411, %ne3A_2406 : i1
        %add3A_2413 = arith.addi %rem3A_2404, %select_n3A_2403 : i32
        %select_n3A_2414 = arith.select %and3A_2412, %add3A_2413, %rem3A_2404 : i32
        %sub3A_2415 = arith.subi %sub3A_2397, %select_n3A : i32
        %jit3A_2416 = arith.constant 3 : i32
        %eq3A_2417 = arith.constant 0 : i32
        %eq3A_2418 = arith.cmpi eq, %jit3A_2416, %eq3A_2417 : i32
        %jit3A_2419 = arith.constant 1 : i32
        %select_n3A_2420 = arith.select %eq3A_2418, %jit3A_2419, %jit3A_2416 : i32
        %rem3A_2421 = arith.remsi %sub3A_2415, %select_n3A_2420 : i32
        %ne3A_2422 = arith.constant 0 : i32
        %ne3A_2423 = arith.cmpi ne, %rem3A_2421, %ne3A_2422 : i32
        %lt3A_2424 = arith.constant 0 : i32
        %lt3A_2425 = arith.cmpi slt, %rem3A_2421, %lt3A_2424 : i32
        %lt3A_2426 = arith.constant 0 : i32
        %lt3A_2427 = arith.cmpi slt, %select_n3A_2420, %lt3A_2426 : i32
        %ne3A_2428 = arith.xori %lt3A_2425, %lt3A_2427 : i1
        %and3A_2429 = arith.andi %ne3A_2428, %ne3A_2423 : i1
        %add3A_2430 = arith.addi %rem3A_2421, %select_n3A_2420 : i32
        %select_n3A_2431 = arith.select %and3A_2429, %add3A_2430, %rem3A_2421 : i32
        %dma_wait3A_2432 = arith.constant 0 : i32
        %dma_wait3A_2433 = arith.constant 0 : i32
        %dma_wait3A_2434 = arith.constant 0 : i32
        %dma_wait3A_2435 = tpu.memref_slice %arg8[%select_n3A_2414, %dma_wait3A_2433, %dma_wait3A_2434] : memref<2x128x16xf32, #tpu.memory_space<vmem>> -> memref<1x128x16xf32, #tpu.memory_space<vmem>>
        %dma_wait3A_2436 = tpu.memref_squeeze %dma_wait3A_2435 : memref<1x128x16xf32, #tpu.memory_space<vmem>> -> memref<128x16xf32, #tpu.memory_space<vmem>>
        %dma_wait3A_2437 = arith.constant 0 : i32
        %dma_wait3A_2438 = tpu.memref_slice %arg7[%select_n3A_2431, %dma_wait3A_2432, %dma_wait3A_2437] : memref<3x1x128xi32, #tpu.memory_space<vmem>> -> memref<1x1x128xi32, #tpu.memory_space<vmem>>
        %dma_wait3A_2439 = tpu.memref_squeeze %dma_wait3A_2438 : memref<1x1x128xi32, #tpu.memory_space<vmem>> -> memref<128xi32, #tpu.memory_space<vmem>>
        %dma_wait3A_2440 = arith.constant 0 : i32
        %dma_wait3A_2441 = arith.constant 0 : i32
        %dma_wait3A_2442 = tpu.memref_slice %arg11[%dma_wait3A_2440, %dma_wait3A_2441] : memref<51200x16xf32, #tpu.memory_space<vmem_shared>> -> memref<51200x16xf32, #tpu.memory_space<vmem_shared>>
        %dma_wait3A_2443 = tpu.memref_slice %arg13[%select_n3A_2414] : memref<2x!tpu.dma_semaphore, #tpu.memory_space<semaphore_mem>> -> memref<1x!tpu.dma_semaphore, #tpu.memory_space<semaphore_mem>>
        %dma_wait3A_2444 = tpu.memref_squeeze %dma_wait3A_2443 : memref<1x!tpu.dma_semaphore, #tpu.memory_space<semaphore_mem>> -> memref<!tpu.dma_semaphore, #tpu.memory_space<semaphore_mem>>
        tpu.wait_indirect_dma semaphore(%dma_wait3A_2444 : memref<!tpu.dma_semaphore, #tpu.memory_space<semaphore_mem>>) src(%dma_wait3A_2436 : memref<128x16xf32, #tpu.memory_space<vmem>>) dst(%dma_wait3A_2442 : memref<51200x16xf32, #tpu.memory_space<vmem_shared>>)
      } else {
      }
      %dma_start3A_2382 = arith.constant 0 : i32
      %dma_start3A_2383 = arith.constant 0 : i32
      %dma_start3A_2384 = arith.constant 0 : i32
      %dma_start3A_2385 = tpu.memref_slice %arg8[%select_n3A_215, %dma_start3A_2383, %dma_start3A_2384] : memref<2x128x16xf32, #tpu.memory_space<vmem>> -> memref<1x128x16xf32, #tpu.memory_space<vmem>>
      %dma_start3A_2386 = tpu.memref_squeeze %dma_start3A_2385 : memref<1x128x16xf32, #tpu.memory_space<vmem>> -> memref<128x16xf32, #tpu.memory_space<vmem>>
      %dma_start3A_2387 = arith.constant 0 : i32
      %dma_start3A_2388 = tpu.memref_slice %arg7[%select_n3A_232, %dma_start3A_2382, %dma_start3A_2387] : memref<3x1x128xi32, #tpu.memory_space<vmem>> -> memref<1x1x128xi32, #tpu.memory_space<vmem>>
      %dma_start3A_2389 = tpu.memref_squeeze %dma_start3A_2388 : memref<1x1x128xi32, #tpu.memory_space<vmem>> -> memref<128xi32, #tpu.memory_space<vmem>>
      %dma_start3A_2390 = arith.constant 0 : i32
      %dma_start3A_2391 = arith.constant 0 : i32
      %dma_start3A_2392 = tpu.memref_slice %arg11[%dma_start3A_2390, %dma_start3A_2391] : memref<51200x16xf32, #tpu.memory_space<vmem_shared>> -> memref<51200x16xf32, #tpu.memory_space<vmem_shared>>
      %dma_start3A_2393 = tpu.memref_slice %arg13[%select_n3A_215] : memref<2x!tpu.dma_semaphore, #tpu.memory_space<semaphore_mem>> -> memref<1x!tpu.dma_semaphore, #tpu.memory_space<semaphore_mem>>
      %dma_start3A_2394 = tpu.memref_squeeze %dma_start3A_2393 : memref<1x!tpu.dma_semaphore, #tpu.memory_space<semaphore_mem>> -> memref<!tpu.dma_semaphore, #tpu.memory_space<semaphore_mem>>
      tpu.enqueue_indirect_dma source(%dma_start3A_2386 : memref<128x16xf32, #tpu.memory_space<vmem>>) target(%dma_start3A_2392 : memref<51200x16xf32, #tpu.memory_space<vmem_shared>>) offsets(%dma_start3A_2389 : memref<128xi32, #tpu.memory_space<vmem>>) semaphore(%dma_start3A_2394 : memref<!tpu.dma_semaphore, #tpu.memory_space<semaphore_mem>>) {add = true}
      %while3A_2395 = arith.constant 0 : i32
      scf.yield %while3A_2395 : i32
    }
    %sub3A_150 = arith.constant 1 : i32
    %sub3A_151 = arith.subi %select_n3A_77, %sub3A_150 : i32
    %sub3A_152 = arith.subi %sub3A_151, %select_n3A : i32
    %jit3A_153 = arith.constant 2 : i32
    %eq3A = arith.constant 0 : i32
    %eq3A_154 = arith.cmpi eq, %jit3A_153, %eq3A : i32
    %jit3A_155 = arith.constant 1 : i32
    %select_n3A_156 = arith.select %eq3A_154, %jit3A_155, %jit3A_153 : i32
    %rem3A_157 = arith.remsi %sub3A_152, %select_n3A_156 : i32
    %ne3A_158 = arith.constant 0 : i32
    %ne3A_159 = arith.cmpi ne, %rem3A_157, %ne3A_158 : i32
    %lt3A = arith.constant 0 : i32
    %lt3A_160 = arith.cmpi slt, %rem3A_157, %lt3A : i32
    %lt3A_161 = arith.constant 0 : i32
    %lt3A_162 = arith.cmpi slt, %select_n3A_156, %lt3A_161 : i32
    %ne3A_163 = arith.xori %lt3A_160, %lt3A_162 : i1
    %and3A_164 = arith.andi %ne3A_163, %ne3A_159 : i1
    %add3A_165 = arith.addi %rem3A_157, %select_n3A_156 : i32
    %select_n3A_166 = arith.select %and3A_164, %add3A_165, %rem3A_157 : i32
    %sub3A_167 = arith.subi %sub3A_151, %select_n3A : i32
    %jit3A_168 = arith.constant 3 : i32
    %eq3A_169 = arith.constant 0 : i32
    %eq3A_170 = arith.cmpi eq, %jit3A_168, %eq3A_169 : i32
    %jit3A_171 = arith.constant 1 : i32
    %select_n3A_172 = arith.select %eq3A_170, %jit3A_171, %jit3A_168 : i32
    %rem3A_173 = arith.remsi %sub3A_167, %select_n3A_172 : i32
    %ne3A_174 = arith.constant 0 : i32
    %ne3A_175 = arith.cmpi ne, %rem3A_173, %ne3A_174 : i32
    %lt3A_176 = arith.constant 0 : i32
    %lt3A_177 = arith.cmpi slt, %rem3A_173, %lt3A_176 : i32
    %lt3A_178 = arith.constant 0 : i32
    %lt3A_179 = arith.cmpi slt, %select_n3A_172, %lt3A_178 : i32
    %ne3A_180 = arith.xori %lt3A_177, %lt3A_179 : i1
    %and3A_181 = arith.andi %ne3A_180, %ne3A_175 : i1
    %add3A_182 = arith.addi %rem3A_173, %select_n3A_172 : i32
    %select_n3A_183 = arith.select %and3A_181, %add3A_182, %rem3A_173 : i32
    %dma_wait3A = arith.constant 0 : i32
    %dma_wait3A_184 = arith.constant 0 : i32
    %dma_wait3A_185 = arith.constant 0 : i32
    %dma_wait3A_186 = tpu.memref_slice %arg8[%select_n3A_166, %dma_wait3A_184, %dma_wait3A_185] : memref<2x128x16xf32, #tpu.memory_space<vmem>> -> memref<1x128x16xf32, #tpu.memory_space<vmem>>
    %dma_wait3A_187 = tpu.memref_squeeze %dma_wait3A_186 : memref<1x128x16xf32, #tpu.memory_space<vmem>> -> memref<128x16xf32, #tpu.memory_space<vmem>>
    %dma_wait3A_188 = arith.constant 0 : i32
    %dma_wait3A_189 = tpu.memref_slice %arg7[%select_n3A_183, %dma_wait3A, %dma_wait3A_188] : memref<3x1x128xi32, #tpu.memory_space<vmem>> -> memref<1x1x128xi32, #tpu.memory_space<vmem>>
    %dma_wait3A_190 = tpu.memref_squeeze %dma_wait3A_189 : memref<1x1x128xi32, #tpu.memory_space<vmem>> -> memref<128xi32, #tpu.memory_space<vmem>>
    %dma_wait3A_191 = arith.constant 0 : i32
    %dma_wait3A_192 = arith.constant 0 : i32
    %dma_wait3A_193 = tpu.memref_slice %arg11[%dma_wait3A_191, %dma_wait3A_192] : memref<51200x16xf32, #tpu.memory_space<vmem_shared>> -> memref<51200x16xf32, #tpu.memory_space<vmem_shared>>
    %dma_wait3A_194 = tpu.memref_slice %arg13[%select_n3A_166] : memref<2x!tpu.dma_semaphore, #tpu.memory_space<semaphore_mem>> -> memref<1x!tpu.dma_semaphore, #tpu.memory_space<semaphore_mem>>
    %dma_wait3A_195 = tpu.memref_squeeze %dma_wait3A_194 : memref<1x!tpu.dma_semaphore, #tpu.memory_space<semaphore_mem>> -> memref<!tpu.dma_semaphore, #tpu.memory_space<semaphore_mem>>
    tpu.wait_indirect_dma semaphore(%dma_wait3A_195 : memref<!tpu.dma_semaphore, #tpu.memory_space<semaphore_mem>>) src(%dma_wait3A_187 : memref<128x16xf32, #tpu.memory_space<vmem>>) dst(%dma_wait3A_193 : memref<51200x16xf32, #tpu.memory_space<vmem_shared>>)
    "tpu.region"() ({
      %run_scoped3A = tpu.sem_alloc : memref<!tpu.dma_semaphore, #tpu.memory_space<semaphore_mem>>
      %dma_start3A_197 = arith.constant 0 : i32
      %dma_start3A_198 = tpu.memref_slice %arg5[%add3A, %dma_start3A_197] : memref<32x51200xf32, #tpu.memory_space<hbm>> -> memref<1x51200xf32, #tpu.memory_space<hbm>>
      %dma_start3A_199 = tpu.memref_squeeze %dma_start3A_198 : memref<1x51200xf32, #tpu.memory_space<hbm>> -> memref<51200xf32, #tpu.memory_space<hbm>>
      %dma_start3A_200 = arith.constant 0 : i32
      %dma_start3A_201 = tpu.memref_slice %arg5[%add3A, %dma_start3A_200] : memref<32x51200xf32, #tpu.memory_space<hbm>> -> memref<1x51200xf32, #tpu.memory_space<hbm>>
      %dma_start3A_202 = tpu.memref_squeeze %dma_start3A_201 : memref<1x51200xf32, #tpu.memory_space<hbm>> -> memref<51200xf32, #tpu.memory_space<hbm>>
      tpu.enqueue_dma source(%arg10 : memref<51200xf32, #tpu.memory_space<vmem>>) target(%dma_start3A_202 : memref<51200xf32, #tpu.memory_space<hbm>>) target_semaphore(%run_scoped3A : memref<!tpu.dma_semaphore, #tpu.memory_space<semaphore_mem>>)
      %dma_wait3A_203 = arith.constant 0 : i32
      %dma_wait3A_204 = tpu.memref_slice %arg5[%add3A, %dma_wait3A_203] : memref<32x51200xf32, #tpu.memory_space<hbm>> -> memref<1x51200xf32, #tpu.memory_space<hbm>>
      %dma_wait3A_205 = tpu.memref_squeeze %dma_wait3A_204 : memref<1x51200xf32, #tpu.memory_space<hbm>> -> memref<51200xf32, #tpu.memory_space<hbm>>
      %dma_wait3A_206 = arith.constant 0 : i32
      %dma_wait3A_207 = tpu.memref_slice %arg5[%add3A, %dma_wait3A_206] : memref<32x51200xf32, #tpu.memory_space<hbm>> -> memref<1x51200xf32, #tpu.memory_space<hbm>>
      %dma_wait3A_208 = tpu.memref_squeeze %dma_wait3A_207 : memref<1x51200xf32, #tpu.memory_space<hbm>> -> memref<51200xf32, #tpu.memory_space<hbm>>
      tpu.wait_dma2 semaphore(%run_scoped3A : memref<!tpu.dma_semaphore, #tpu.memory_space<semaphore_mem>>) src(%arg10 : memref<51200xf32, #tpu.memory_space<vmem>>) dst(%dma_wait3A_208 : memref<51200xf32, #tpu.memory_space<hbm>>)
      tpu.yield
    }) : () -> ()
    %barrier3A_196 = arith.constant 0 : index
    tpu.barrier barrier_id(%barrier3A_196)
    "tpu.region"() ({
      %run_scoped3A = tpu.sem_alloc : memref<!tpu.dma_semaphore, #tpu.memory_space<semaphore_mem>>
      %dma_start3A_197 = arith.constant 0 : i32
      %dma_start3A_198 = tpu.memref_slice %arg4[%arg0, %mul3A_15, %dma_start3A_197] : memref<2x51200x16xf32, #tpu.memory_space<hbm>> -> memref<1x3200x16xf32, #tpu.memory_space<hbm>>
      %dma_start3A_199 = tpu.memref_squeeze %dma_start3A_198 : memref<1x3200x16xf32, #tpu.memory_space<hbm>> -> memref<3200x16xf32, #tpu.memory_space<hbm>>
      %dma_start3A_200 = arith.constant 0 : i32
      %dma_start3A_201 = tpu.memref_slice %arg11[%mul3A_15, %dma_start3A_200] : memref<51200x16xf32, #tpu.memory_space<vmem_shared>> -> memref<3200x16xf32, #tpu.memory_space<vmem_shared>>
      tpu.enqueue_dma source(%dma_start3A_201 : memref<3200x16xf32, #tpu.memory_space<vmem_shared>>) target(%dma_start3A_199 : memref<3200x16xf32, #tpu.memory_space<hbm>>) target_semaphore(%run_scoped3A : memref<!tpu.dma_semaphore, #tpu.memory_space<semaphore_mem>>)
      %dma_wait3A_202 = arith.constant 0 : i32
      %dma_wait3A_203 = tpu.memref_slice %arg4[%arg0, %mul3A_15, %dma_wait3A_202] : memref<2x51200x16xf32, #tpu.memory_space<hbm>> -> memref<1x3200x16xf32, #tpu.memory_space<hbm>>
      %dma_wait3A_204 = tpu.memref_squeeze %dma_wait3A_203 : memref<1x3200x16xf32, #tpu.memory_space<hbm>> -> memref<3200x16xf32, #tpu.memory_space<hbm>>
      %dma_wait3A_205 = arith.constant 0 : i32
      %dma_wait3A_206 = tpu.memref_slice %arg11[%mul3A_15, %dma_wait3A_205] : memref<51200x16xf32, #tpu.memory_space<vmem_shared>> -> memref<3200x16xf32, #tpu.memory_space<vmem_shared>>
      tpu.wait_dma2 semaphore(%run_scoped3A : memref<!tpu.dma_semaphore, #tpu.memory_space<semaphore_mem>>) src(%dma_wait3A_206 : memref<3200x16xf32, #tpu.memory_space<vmem_shared>>) dst(%dma_wait3A_204 : memref<3200x16xf32, #tpu.memory_space<hbm>>)
      tpu.yield
    }) : () -> ()
    return
  }
}

module attributes {stable_mosaic.version = 14 : i64} {
  func.func @_tc_body(%arg0: i32, %arg1: memref<2x400x128xf32, #tpu.memory_space<vmem>>, %arg2: memref<32x3200xf32, #tpu.memory_space<vmem>>, %arg3: memref<100x16xf32, #tpu.memory_space<vmem>>, %arg4: memref<100x1xf32, #tpu.memory_space<vmem>>, %arg5: memref<100x3200xf32, #tpu.memory_space<vmem>>) attributes {dimension_semantics = [#tpu.dimension_semantics<arbitrary>], iteration_bounds = array<i64: 16>, scalar_prefetch = 0 : i64, scratch_operands = 0 : i64, tpu.core_type = #tpu.core_type<tc>, window_params = [{transform_indices = @transform_0, window_bounds = array<i64: 2, 400, 128>}, {transform_indices = @transform_1, window_bounds = array<i64: 32, 3200>}, {pipeline_mode = #tpu.pipeline_mode<synchronous>, transform_indices = @transform_2, window_bounds = array<i64: 100, 16>}, {pipeline_mode = #tpu.pipeline_mode<synchronous>, transform_indices = @transform_3, window_bounds = array<i64: 100, 1>}, {transform_indices = @transform_4, window_bounds = array<i64: 100, 3200>}]} {
    %get3A = arith.constant 0 : index
    %get3A_0 = arith.constant 0 : index
    %get3A_1 = arith.constant 0 : index
    %get3A_2 = vector.load %arg1[%get3A, %get3A_0, %get3A_1] : memref<2x400x128xf32, #tpu.memory_space<vmem>>, vector<1x400x128xf32>
    %get3A_3 = vector.shape_cast %get3A_2 : vector<1x400x128xf32> to vector<400x128xf32>
    %get3A_4 = arith.constant 1 : index
    %get3A_5 = arith.constant 0 : index
    %get3A_6 = arith.constant 0 : index
    %get3A_7 = vector.load %arg1[%get3A_4, %get3A_5, %get3A_6] : memref<2x400x128xf32, #tpu.memory_space<vmem>>, vector<1x400x128xf32>
    %get3A_8 = vector.shape_cast %get3A_7 : vector<1x400x128xf32> to vector<400x128xf32>
    %add3A = arith.addf %get3A_3, %get3A_8 : vector<400x128xf32>
    %slice3A = vector.extract_strided_slice %add3A {offsets = [0, 0], sizes = [400, 16], strides = [1, 1]} : vector<400x128xf32> to vector<400x16xf32>
    %slice3A_9 = vector.extract_strided_slice %add3A {offsets = [0, 16], sizes = [400, 16], strides = [1, 1]} : vector<400x128xf32> to vector<400x16xf32>
    %slice3A_10 = vector.extract_strided_slice %add3A {offsets = [0, 32], sizes = [400, 16], strides = [1, 1]} : vector<400x128xf32> to vector<400x16xf32>
    %slice3A_11 = vector.extract_strided_slice %add3A {offsets = [0, 48], sizes = [400, 16], strides = [1, 1]} : vector<400x128xf32> to vector<400x16xf32>
    %slice3A_12 = vector.extract_strided_slice %add3A {offsets = [0, 64], sizes = [400, 16], strides = [1, 1]} : vector<400x128xf32> to vector<400x16xf32>
    %slice3A_13 = vector.extract_strided_slice %add3A {offsets = [0, 80], sizes = [400, 16], strides = [1, 1]} : vector<400x128xf32> to vector<400x16xf32>
    %slice3A_14 = vector.extract_strided_slice %add3A {offsets = [0, 96], sizes = [400, 16], strides = [1, 1]} : vector<400x128xf32> to vector<400x16xf32>
    %slice3A_15 = vector.extract_strided_slice %add3A {offsets = [0, 112], sizes = [400, 16], strides = [1, 1]} : vector<400x128xf32> to vector<400x16xf32>
    %stack3A = vector.shape_cast %slice3A : vector<400x16xf32> to vector<400x1x16xf32>
    %stack3A_16 = vector.shape_cast %slice3A_9 : vector<400x16xf32> to vector<400x1x16xf32>
    %stack3A_17 = vector.shape_cast %slice3A_10 : vector<400x16xf32> to vector<400x1x16xf32>
    %stack3A_18 = vector.shape_cast %slice3A_11 : vector<400x16xf32> to vector<400x1x16xf32>
    %stack3A_19 = vector.shape_cast %slice3A_12 : vector<400x16xf32> to vector<400x1x16xf32>
    %stack3A_20 = vector.shape_cast %slice3A_13 : vector<400x16xf32> to vector<400x1x16xf32>
    %stack3A_21 = vector.shape_cast %slice3A_14 : vector<400x16xf32> to vector<400x1x16xf32>
    %stack3A_22 = vector.shape_cast %slice3A_15 : vector<400x16xf32> to vector<400x1x16xf32>
    %stack3A_23 = tpu.concatenate %stack3A, %stack3A_16, %stack3A_17, %stack3A_18, %stack3A_19, %stack3A_20, %stack3A_21, %stack3A_22 in 1 : vector<400x1x16xf32>, vector<400x1x16xf32>, vector<400x1x16xf32>, vector<400x1x16xf32>, vector<400x1x16xf32>, vector<400x1x16xf32>, vector<400x1x16xf32>, vector<400x1x16xf32> -> vector<400x8x16xf32>
    %reshape3A = vector.shape_cast %stack3A_23 : vector<400x8x16xf32> to vector<3200x16xf32>
    %get3A_24 = arith.constant 0 : index
    %get3A_25 = arith.constant 0 : index
    %get3A_26 = vector.load %arg2[%get3A_24, %get3A_25] : memref<32x3200xf32, #tpu.memory_space<vmem>>, vector<32x3200xf32>
    %reduce_sum3A = arith.constant dense<0.000000e+00> : vector<3200xf32>
    %reduce_sum3A_27 = vector.multi_reduction <add>, %get3A_26, %reduce_sum3A [0] : vector<32x3200xf32> to vector<3200xf32>
    %broadcast_in_dim3A = vector.shape_cast %reduce_sum3A_27 : vector<3200xf32> to vector<1x3200xf32>
    %get3A_28 = arith.constant 0 : index
    %get3A_29 = arith.constant 0 : index
    %get3A_30 = vector.load %arg3[%get3A_28, %get3A_29] : memref<100x16xf32, #tpu.memory_space<vmem>>, vector<100x16xf32>
    %dot_general3A = arith.constant dense<0.000000e+00> : vector<100x3200xf32>
    %dot_general3A_31 = tpu.matmul %get3A_30, %reshape3A, %dot_general3A {dimension_numbers = #tpu.dot_dimension_numbers<[1], [1], [0], [0], [0, 0, 1, 0], [], []>, transpose_lhs_hint = false} : vector<100x16xf32>, vector<3200x16xf32>, vector<100x3200xf32> -> vector<100x3200xf32>
    %get3A_32 = arith.constant 0 : index
    %get3A_33 = arith.constant 0 : index
    %get3A_34 = vector.load %arg4[%get3A_32, %get3A_33] : memref<100x1xf32, #tpu.memory_space<vmem>>, vector<100x1xf32>
    %mul3A = vector.broadcast %get3A_34 : vector<100x1xf32> to vector<100x3200xf32>
    %mul3A_35 = vector.broadcast %broadcast_in_dim3A : vector<1x3200xf32> to vector<100x3200xf32>
    %mul3A_36 = arith.mulf %mul3A, %mul3A_35 : vector<100x3200xf32>
    %add3A_37 = arith.addf %dot_general3A_31, %mul3A_36 : vector<100x3200xf32>
    %max3A = arith.constant 1.000000e+00 : f32
    %max3A_38 = vector.broadcast %max3A : f32 to vector<1x3200xf32>
    %max3A_39 = arith.maximumf %broadcast_in_dim3A, %max3A_38 : vector<1x3200xf32>
    %div3A = vector.broadcast %max3A_39 : vector<1x3200xf32> to vector<100x3200xf32>
    %div3A_40 = arith.divf %add3A_37, %div3A : vector<100x3200xf32>
    %swap3A = arith.constant 0 : index
    %swap3A_41 = arith.constant 0 : index
    %swap3A_42 = vector.load %arg5[%swap3A, %swap3A_41] : memref<100x3200xf32, #tpu.memory_space<vmem>>, vector<100x3200xf32>
    tpu.vector_store %arg5[%swap3A, %swap3A_41], %div3A_40 {strides = array<i32>} : memref<100x3200xf32, #tpu.memory_space<vmem>>, vector<100x3200xf32>,
    return
  }
  func.func @transform_0(%arg0: i32) -> (i32, i32, i32) {
    %c0_i32 = arith.constant 0 : i32
    %c0_i32_0 = arith.constant 0 : i32
    %c0_i32_1 = arith.constant 0 : i32
    return %c0_i32, %arg0, %c0_i32_0 : i32, i32, i32
  }
  func.func @transform_1(%arg0: i32) -> (i32, i32) {
    %c0_i32 = arith.constant 0 : i32
    %c0_i32_0 = arith.constant 0 : i32
    return %c0_i32, %arg0 : i32, i32
  }
  func.func @transform_2(%arg0: i32) -> (i32, i32) {
    %c0_i32 = arith.constant 0 : i32
    %c0_i32_0 = arith.constant 0 : i32
    %c0_i32_1 = arith.constant 0 : i32
    return %c0_i32, %c0_i32_0 : i32, i32
  }
  func.func @transform_3(%arg0: i32) -> (i32, i32) {
    %c0_i32 = arith.constant 0 : i32
    %c0_i32_0 = arith.constant 0 : i32
    %c0_i32_1 = arith.constant 0 : i32
    return %c0_i32, %c0_i32_0 : i32, i32
  }
  func.func @transform_4(%arg0: i32) -> (i32, i32) {
    %c0_i32 = arith.constant 0 : i32
    %c0_i32_0 = arith.constant 0 : i32
    return %c0_i32, %arg0 : i32, i32
  }
}

</mosaic_0001>

<sc_bundles>
// kernel: kernel.4.cloned.1.call-start
scs
__scs_entry_jumppad:
0x0: {  	(pc) =	sbr.rel $0x88, $3  }
0x1: {  	(tag) =	ssettag $0x0;
	lr =	simm.s32 $0x1  }
0x2: {  	[smem:$0x3F9D] =	sst lr;
	_ =	strace $0xD0000000  }
0x3: {  	_ = 	snop  }
0x4: {  	_ = 	snop  }
0x5: {  	_ = 	snop  }
0x6: {  	_ = 	snop  }
0x7: {  	_ = 	snop  }
__scs_overlays_trampoline_lowered:
0x8: {  	[smem:$0x3FAC] =	sst s0  }
0x9: {  	[smem:$0x3FAD] =	sst s1  }
0xa: {  	[smem:$0x3FAE] =	sst s2  }
0xb: {  	[smem:$0x3FAF] =	sst s3  }
0xc: {  	[smem:$0x3FB0] =	sst s4  }
0xd: {  	[smem:$0x3FB1] =	sst s5  }
0xe: {  	[smem:$0x3FB2] =	sst s6  }
0xf: {  	[smem:$0x3FB3] =	sst s7  }
0x10: {  	[smem:$0x3FB4] =	sst s8  }
0x11: {  	[smem:$0x3FB5] =	sst s9;
	s0 =	simm.s32 @!p0 $0x0  }
0x12: {  	s1 =	sld [smem:$0x3F9B];
	s0 =	simm.s32 @p0 $0x1  }
0x13: {  	[smem:$0x3FB6] =	sst s0;
	s0 =	simm.s32 @!p1 $0x0  }
0x14: {  	s2 =	sld [smem:$0x3F9A];
	s0 =	simm.s32 @p1 $0x1  }
0x15: {  	[smem:$0x3FB7] =	sst s0;
	s0 =	simm.s32 @!p2 $0x0  }
0x16: {  	s3 =	sld [smem:$0x3FDB];
	s0 =	simm.s32 @p2 $0x1  }
0x17: {  	s4 =	simm.s32 $0x1BF5;
	[smem:$0x3FB9] =	sst s0  }
0x18: {  	s0 =	sld [smem:$0x3F9C];
	_ =	swait.ge [sflag:s4], $0x0  }
0x19: {  	s7 =	sld [smem:$0x3F9D]  }
0x1a: {  	s8 =	sadd.s32 $0xFFFFE003, lr  }
0x1b: {  	s9 =	sadd.s32 $0xFFFFFEF7, lr;
	s5 =	simm.s32 $0xFFFFFFFF;
	p2 =	slt.u32 s8, $0xFFFFF086  }
0x1c: {  	p1 =	slt.u32 s9, $0xF7A;
	s5 =	simm.s32 @!p2 $0x0  }
0x1d: {  	s5 =	simm.s32 @p1 $0x1;
	p0 =	seq.s32 s7, s2  }
0x1e: {  	s7 =	smul.u32 @!p0 $0xF7A, s2;
	p2 =	seq.s32 @!p0 s5, $0x0  }
0x1f: {  	s9 =	smul.u32 $0xF7A, s1;
	s8 =	simm.s32 @!p0 $0x1BF5;
	p2 =	por !p2, p0  }
0x20: {  	[sflag:s8] =	ssyncset.s32 @!p0 $0xFFFFF086;
	s6 =	sadd.s32 @!p0 s3, s7;
	s7 =	simm.s32 @!p0 $0x108  }
0x21: {  	s3 =	sadd.s32 s3, s9;
	s6 =	sadd.s32 @!p0 $0x88, s6;
	s7 =	simm.s32 @p2 $0x1082  }
0x22: {  	[simem:s7], [sflag:s8] =	dma.local @!p0 [hbm:s6], $0xF7A  }
0x23: {  	s9 =	sor.u32 $0xD0000000, s2;
	s6 =	simm.s32 $0x108;
	_ =	swait.ge @!p0 [sflag:s8], $0x0  }
0x24: {  	s3 =	sadd.s32 $0x88, s3;
	s6 =	simm.s32 @!p1 $0x1082;
	[sflag:s4] =	ssyncset.s32 $0xFFFFF086  }
0x25: {  	[simem:s6], [sflag:s4] =	dma.local [hbm:s3], $0xF7A  }
0x26: {  	[smem:$0x3F9D] =	sst s1;
	(tag) =	ssettag s2;
	_ =	strace s9  }
0x27: {  	s1 =	sld [smem:$0x3FAD]  }
0x28: {  	s2 =	sld [smem:$0x3FAE]  }
0x29: {  	s4 =	sld [smem:$0x3FB0]  }
0x2a: {  	p0 =	seq.s32 s5, $0x0;
	s5 =	sld [smem:$0x3FB1]  }
0x2b: {  	s6 =	sld [smem:$0x3FB2]  }
0x2c: {  	s7 =	sld [smem:$0x3FB3]  }
0x2d: {  	s3 =	simm.s32 $0x108;
	s8 =	sld [smem:$0x3FB4]  }
0x2e: {  	s3 =	simm.s32 @!p0 $0x1082;
	s9 =	sld [smem:$0x3FB5]  }
0x2f: {  	lr =	sadd.s32 s0, s3;
	s0 =	sld [smem:$0x3FAC]  }
0x30: {  	s3 =	sld [smem:$0x3FAF]  }
0x31: {  	[smem:$0x3FB8] =	sst s10  }
0x32: {  	s10 =	sld [smem:$0x3FB6];
	_ =	sdelay $0x3  }
0x33: {  	p0 =	seq.s32 s10, $0x1;
	s10 =	sld [smem:$0x3FB8];
	_ =	sdelay $0x3  }
0x34: {  	[smem:$0x3FB8] =	sst s10  }
0x35: {  	s10 =	sld [smem:$0x3FB7];
	_ =	sdelay $0x3  }
0x36: {  	p1 =	seq.s32 s10, $0x1;
	s10 =	sld [smem:$0x3FB8];
	_ =	sdelay $0x3  }
0x37: {  	[smem:$0x3FB8] =	sst s10  }
0x38: {  	s10 =	sld [smem:$0x3FB9]  }
0x39: {  	_ = 	snop;
	(pc) =	sbr.ind lr, $3  }
0x3a: {  	_ = 	snop  }
0x3b: {  	_ = 	snop  }
0x3c: {  	p2 =	seq.s32 s10, $0x1;
	s10 =	sld [smem:$0x3FB8]  }
0x3d: {  	_ =	shalt  }
0x3e: {  	_ =	shalt  }
0x3f: {  	_ =	shalt  }
0x40: {  	_ =	shalt  }
0x41: {  	_ =	shalt  }
0x42: {  	_ =	shalt  }
0x43: {  	_ =	shalt  }
0x44: {  	_ =	shalt  }
0x45: {  	_ =	shalt  }
0x46: {  	_ =	shalt  }
0x47: {  	_ =	shalt  }
0x48: {  	_ =	shalt  }
0x49: {  	_ =	shalt  }
0x4a: {  	_ =	shalt  }
0x4b: {  	_ =	shalt  }
0x4c: {  	_ =	shalt  }
0x4d: {  	_ =	shalt  }
0x4e: {  	_ =	shalt  }
0x4f: {  	_ =	shalt  }
0x50: {  	_ =	shalt  }
0x51: {  	_ =	shalt  }
0x52: {  	_ =	shalt  }
0x53: {  	_ =	shalt  }
0x54: {  	_ =	shalt  }
0x55: {  	_ =	shalt  }
0x56: {  	_ =	shalt  }
0x57: {  	_ =	shalt  }
0x58: {  	_ =	shalt  }
0x59: {  	_ =	shalt  }
0x5a: {  	_ =	shalt  }
0x5b: {  	_ =	shalt  }
0x5c: {  	_ =	shalt  }
0x5d: {  	_ =	shalt  }
0x5e: {  	_ =	shalt  }
0x5f: {  	_ =	shalt  }
0x60: {  	_ =	shalt  }
0x61: {  	_ =	shalt  }
0x62: {  	_ =	shalt  }
0x63: {  	_ =	shalt  }
0x64: {  	_ =	shalt  }
0x65: {  	_ =	shalt  }
0x66: {  	_ =	shalt  }
0x67: {  	_ =	shalt  }
0x68: {  	_ =	shalt  }
0x69: {  	_ =	shalt  }
0x6a: {  	_ =	shalt  }
0x6b: {  	_ =	shalt  }
0x6c: {  	_ =	shalt  }
0x6d: {  	_ =	shalt  }
0x6e: {  	_ =	shalt  }
0x6f: {  	_ =	shalt  }
0x70: {  	_ =	shalt  }
0x71: {  	_ =	shalt  }
0x72: {  	_ =	shalt  }
0x73: {  	_ =	shalt  }
0x74: {  	_ =	shalt  }
0x75: {  	_ =	shalt  }
0x76: {  	_ =	shalt  }
0x77: {  	_ =	shalt  }
0x78: {  	_ =	shalt  }
0x79: {  	_ =	shalt  }
0x7a: {  	_ =	shalt  }
0x7b: {  	_ =	shalt  }
0x7c: {  	_ =	shalt  }
0x7d: {  	_ =	shalt  }
0x7e: {  	_ =	shalt  }
0x7f: {  	_ =	shalt  }
0x80: {  	_ =	shalt  }
0x81: {  	_ =	shalt  }
0x82: {  	_ =	shalt  }
0x83: {  	_ =	shalt  }
0x84: {  	_ =	shalt  }
0x85: {  	_ =	shalt  }
0x86: {  	_ =	shalt  }
0x87: {  	_ =	shalt  }
.Lfunc_end0:
.L_simem_size_0:
called_computation_lowered:
.L_overlay_start_0:
0x88: {  	s2 =	sld [smem:$0x3FD9]  }
0x89: {  	s3 =	sld [smem:$0x3FFE];
	_ =	sdelay $0x1  }
0x8a: {  	s1 =	srdreg.scid  }
0x8b: {  	s0 =	sand.u32 $0x1, s1  }
0x8c: {  	s17 =	sshll.u32 s0, $0xA;
	s2 =	sadd.s32 s3, s2  }
0x8d: {  	s2 =	sadd.s32 s2, s17  }
0x8e: {  	[smem:$0x3FC4] =	sst s2  }
0x8f: {  	_ = 	snop  }
0x90: {  	s2 =	sld [smem:$0x3FC9]  }
0x91: {  	s18 =	sld [smem:$0x3FD0];
	(tm) =	ssettm $0x1  }
0x92: {  	s4 =	sld [smem:$0x3FFB];
	_ =	sdelay $0x3  }
0x93: {  	_ =	strace s4  }
0x94: {  	s4 =	sld [smem:$0x3FFC];
	_ =	sdelay $0x3  }
0x95: {  	_ =	strace s4  }
0x96: {  	s4 =	sld [smem:$0x3FFD];
	_ =	sdelay $0x3  }
0x97: {  	_ =	strace s4  }
0x98: {  	_ =	strace $0x8FFFFFFF  }
0x99: {  	s19 =	sld [smem:$0x3FDB];
	_ =	sdelay $0x1  }
0x9a: {  	s5 =	simm.s32 $_scs_section_size  }
0x9b: {  	s6 =	simm.s32 $_size__tile_overlayer_lowered;
	s7 =	simm.s32 $_tile_overlayer_lowered  }
0x9c: {  	s22 =	simm.s32 $0x1BFF;
	s21 =	sshll.u32 s7, $0x1;
	s4 =	sadd.s32 s5, s19  }
0x9d: {  	s8 =	simm.s32 $0x0;
	s20 =	sshll.u32 s6, $0x1;
	s6 =	sadd.s32 s21, s4  }
0x9e: {  	[timem:s8], [sflag:s22] =	dma.local [hbm:s6], s20  }
0x9f: {  	_ =	swait.ge [sflag:s22], s20  }
0xa0: {  	s5 =	ssub.s32 $0x0, s20;
	[sflag:s22] =	ssyncset.done $0x0  }
0xa1: {  	[sflag:s22] =	ssyncadd.s32 s5;
	_ =	sdelay $0x1  }
0xa2: {  	s23 =	simm.s32 $0x1B8B  }
0xa3: {  	_ =	swait.ge [sflag:s23], $0x1  }
0xa4: {  	[sflag:s23] =	ssyncset.done $0x0  }
0xa5: {  	s25 =	simm.s32 $0x1B8E;
	s24 =	sld [smem:$0x3FFE];
	[sflag:s23] =	ssyncadd.s32 $0xFFFFFFFF  }
0xa6: {  	s26 =	simm.s32 $execute0_lowered;
	[smem:$0x3FD2] =	sst s25  }
0xa7: {  	s6 =	sshll.u32 s26, $0x1;
	_ =	strace $0x80000046;
	[dreg:$0x1] =	wrdreg $0xFFFFFFFF  }
0xa8: {  	s28 =	simm.s32 $_size_execute0_lowered;
	s4 =	sadd.s32 s4, s6;
	[dreg:$0x0] =	wrdreg $0x0  }
0xa9: {  	s6 =	sshll.u32 s28, $0x1;
	[dreg:$0x2] =	wrdreg s4  }
0xaa: {  	[dreg:$0x3] =	wrdreg s6  }
0xab: {  	[dreg:$0x4] =	wrdreg $0xC0  }
0xac: {  	_ =	task [dreg:s8], $0x5FFFF  }
0xad: {  	[dreg:$0x1] =	wrdreg $0xFFFFFFFF  }
0xae: {  	[dreg:$0x0] =	wrdreg $0x60  }
0xaf: {  	[dreg:$0x2] =	wrdreg s2  }
0xb0: {  	[dreg:$0x3] =	wrdreg s24  }
0xb1: {  	[dreg:$0x4] =	wrdreg s18  }
0xb2: {  	[dreg:$0x5] =	wrdreg $0x102800  }
0xb3: {  	[dreg:$0x6] =	wrdreg $0x9  }
0xb4: {  	_ =	task.clear_ibuf [dreg:s8], $0x7FFFF;
	_ =	strace $0x90000046  }
0xb5: {  	s29 =	simm.s32 $0x9;
	_ =	strace $0x80000048  }
0xb6: {  	_ =	swait.ge [sflag:s29], $0x1  }
0xb7: {  	[sflag:s29] =	ssyncadd.s32 $0xFFFFFFFF  }
0xb8: {  	_ =	strace $0x90000048  }
0xb9: {  	_ =	sfence  }
0xba: {  	s30 =	sld [smem:$0x0];
	_ =	sdelay $0x2  }
0xbb: {  	s31 =	sshll.u32 s1, $0xD;
	s1 =	sshrl.u32 s1, $0x2  }
0xbc: {  	s3 =	sand.u32 $0x4000, s31;
	s1 =	sadd.s32 s1, s30  }
0xbd: {  	s0 =	sor.u32 s3, s0;
	s1 =	sshll.u32 s1, $0x11  }
0xbe: {  	s0 =	sor.u32 s1, s0  }
0xbf: {  	s0 =	sadd.s32 $0x8F2B, s0  }
0xc0: {  	[sflag:s0] =	ssyncadd.remote.s32 $0x1  }
0xc1: {  	_ =	sfence.sel $0xFFFF  }
0xc2: {  	[dreg:$0x0] =	wrdreg $0xFFFFFFFF;
	(pc) =	sbr.abs _section_cstart, $3  }
0xc3: {  	[dreg:$0x1] =	wrdreg $0xFFFFFFFF  }
0xc4: {  	_ =	task.clear_ibuf [dreg:s8], $0x2FFFF;
	_ =	strace $0x9FFFFFFF  }
0xc5: {  	(tm) =	ssettm $0x7FFFFFFF  }
tec
execute0_lowered:
.L_overlay_start_1:
0x0: {  	(tag) =	ssettag $0x1  }
0x1: {  	s0 =	rddreg [dreg:$0x0]  }
0x2: {  	s4 =	rddreg [dreg:$0x1]  }
0x3: {  	s2 =	rddreg [dreg:$0x2]  }
0x4: {  	v0 =	vlaneseq.u32;
	s1 =	rddreg [dreg:$0x3];
	s22 =	stileid.u32  }
0x5: {  	s3 =	srdreg.scid;
	s5 =	simm.s32 $0x0;
	v0 =	vmul.u32 $0x10, v0;
	s26 =	smul.u32 $0x32000, s22  }
0x6: {  	s29 =	simm.s32 $0x3A80;
	s15 =	sand.u32 $0x1, s3;
	s16 =	smul.u32 $0xC800, s22  }
0x7: {  	v1 =	vimm.f32 $0.0e+00;
	s30 =	simm.s32 $0x0;
	[smem:$0x7FF] =	sst s5;
	s18 =	smul.u32 $0xC8000, s15;
	v4 =	vor.u32 $0x100, v0;
	v6 =	vor.u32 $0x200, v0  }
0x8: {  	s28 =	sadd.s32 $0xE00, s4;
	s3 =	sshll.u32 s15, $0x4;
	s19 =	smul.u32 $0x186A0, s15;
	v2 =	vor.u32 $0x300, v0;
	v8 =	vor.u32 $0x400, v0;
	v9 =	vor.u32 $0x500, v0  }
0x9: {  	s8 =	sor.u32 s22, s3;
	v10 =	vor.u32 $0x600, v0;
	v11 =	vor.u32 $0x700, v0;
	v12 =	vor.u32 $0x1, v0;
	s9 =	sshrl.u32 s26, $0x2;
	s22 =	smul.u32 $0x186A, s22  }
0xa: {  	s7 =	ssub.s32 $0x2, s15;
	v13 =	vor.u32 $0x101, v0;
	v14 =	vor.u32 $0x201, v0;
	v15 =	vor.u32 $0x301, v0;
	[tilespmem:$0x1FFB0] =	vst v2;
	s6 =	smul.u32 $0x1900, s8;
	s11 =	sadd.s32 s9, s1  }
0xb: {  	v16 =	vor.u32 $0x401, v0;
	v17 =	vor.u32 $0x501, v0;
	v18 =	vor.u32 $0x601, v0;
	s17 =	smul.u32 $0x186A, s8;
	s18 =	sadd.s32 s16, s18;
	_ =	strace $0x80000047  }
0xc: {  	v19 =	vor.u32 $0x701, v0;
	v20 =	vor.u32 $0x2, v0;
	v21 =	vor.u32 $0x102, v0;
	s10 =	sadd.s32 $0x1900, s11;
	s12 =	sadd.s32 $0x3200, s11;
	s13 =	sadd.s32 $0x4B00, s11  }
0xd: {  	v22 =	vor.u32 $0x202, v0;
	v23 =	vor.u32 $0x302, v0;
	v24 =	vor.u32 $0x402, v0;
	s14 =	sadd.s32 $0x6400, s11;
	s9 =	sadd.s32 $0x7D00, s11;
	[dreg:$0x6] =	wrdreg s10  }
0xe: {  	v7 =	vor.u32 $0x502, v0;
	v25 =	vor.u32 $0x602, v0;
	v26 =	vor.u32 $0x702, v0;
	s23 =	sadd.s32 s22, s19;
	s24 =	sshrl.u32 s18, $0x3;
	[dreg:$0x7] =	wrdreg s12  }
0xf: {  	v27 =	vor.u32 $0x3, v0;
	v28 =	vor.u32 $0x103, v0;
	v29 =	vor.u32 $0x203, v0;
	s31 =	sadd.s32 s6, s4;
	s6 =	sshrl.u32 s7, $0x1;
	[dreg:$0x8] =	wrdreg s13  }
0x10: {  	v30 =	vor.u32 $0x303, v0;
	v31 =	vor.u32 $0x403, v0;
	v32 =	vor.u32 $0x503, v0;
	s4 =	sadd.s32 s16, s1;
	[dreg:$0x9] =	wrdreg s14;
	s10 =	sadd.s32 $0x9600, s11  }
0x11: {  	v33 =	vor.u32 $0x603, v0;
	v34 =	vor.u32 $0x703, v0;
	v35 =	vor.u32 $0x4, v0;
	s11 =	sadd.s32 $0xAF00, s11;
	s12 =	sshrl.u32 s17, $0x5;
	s13 =	sadd.s32 $0x186A, s17  }
0x12: {  	v36 =	vor.u32 $0x104, v0;
	v37 =	vor.u32 $0x204, v0;
	v38 =	vor.u32 $0x304, v0;
	s17 =	sand.u32 $0x3FFE0, s17;
	s18 =	sshrl.u32 s23, $0x5;
	s19 =	sadd.s32 s2, s24  }
0x13: {  	v39 =	vor.u32 $0x404, v0;
	v40 =	vor.u32 $0x504, v0;
	v41 =	vor.u32 $0x604, v0;
	s22 =	sand.u32 $0x3FFE0, s23;
	s24 =	simm.s32 $0x2180;
	s21 =	ssub.s32 s7, s6  }
0x14: {  	v42 =	vor.u32 $0x704, v0;
	v43 =	vor.u32 $0x5, v0;
	v44 =	vor.u32 $0x105, v0;
	s13 =	sshrl.u32 s13, $0x5;
	s14 =	sshll.u32 s12, $0x7;
	s20 =	sxor.u32 $0xFFFFFFFF, s12  }
0x15: {  	v45 =	vor.u32 $0x205, v0;
	v46 =	vor.u32 $0x305, v0;
	v47 =	vor.u32 $0x405, v0;
	s17 =	sadd.s32 s17, s28;
	s25 =	sshll.u32 s18, $0x7;
	s26 =	sadd.s32 s22, s28  }
0x16: {  	v48 =	vor.u32 $0x505, v0;
	v49 =	vor.u32 $0x605, v0;
	v50 =	vor.u32 $0x705, v0;
	s14 =	sadd.s32 s0, s14;
	s20 =	sadd.s32 s20, s13;
	s16 =	sadd.s32 $0x10, s17  }
.Ltmp0:
0x17: {  	v51 =	vor.u32 $0x6, v0;
	v52 =	vor.u32 $0x106, v0;
	v2 =	vor.u32 $0x507, v0;
	s0 =	sadd.s32 s25, s0;
	s21 =	smax.u32 s21, $0x1;
	(pc) =	sbr.rel .LBB2_1-.Ltmp0, $4  }
0x18: {  	v53 =	vor.u32 $0x206, v0;
	v54 =	vor.u32 $0x306, v0;
	v3 =	vor.u32 $0x607, v0;
	[tilespmem:$0x1FFC0] =	vst v2;
	s28 =	sadd.s32 $0x30, s26;
	p0 =	sge.u32 s12, s13;
	s25 =	simm.s32 $0x5  }
0x19: {  	v55 =	vor.u32 $0x406, v0;
	v56 =	vor.u32 $0x506, v0;
	v63 =	vor.u32 $0x407, v0;
	[tilespmem:$0x1FFD0] =	vst v3;
	s17 =	sand.u32 $0x1, s20;
	s0 =	sadd.s32 $0xC3580, s0;
	[dreg:$0xb] =	wrdreg s28  }
0x1a: {  	v57 =	vor.u32 $0x606, v0;
	v58 =	vor.u32 $0x706, v0;
	v62 =	vor.u32 $0x307, v0;
	[tilespmem:$0x1FFE0] =	vst v63;
	s20 =	sadd.s32 $0x31C00, s31;
	s31 =	simm.s32 $0x80;
	[dreg:$0xa] =	wrdreg s0  }
0x1b: {  	v59 =	vor.u32 $0x7, v0;
	v60 =	vor.u32 $0x107, v0;
	v61 =	vor.u32 $0x207, v0;
	[tilespmem:$0x1FFF0] =	vst v62;
	s15 =	sadd.s32 $0xC3500, s14;
	s17 =	sadd.s32 $0x3, s17;
	[dreg:$0x5] =	wrdreg s31  }
.LBB2_8:
0x1c: {  	_ =	swait.ge [sflag:s17], $0x800  }
0x1d: {  	[sflag:s17] =	ssyncset.done $0x0  }
0x1e: {  	s0 =	simm.s32 $0x0;
	[sflag:s17] =	ssyncadd.s32 $0xFFFFF800  }
0x1f: {  	[hbm4b:s20+s0] =	stream.linear.scatter [tilespmem:s29], [sflag:$0x5], $0xC800, $0x38;
	[tilespmem:$0x1CA80] =	vst v63  }
0x20: {  	s31 =	stileid.u32;
	_ =	swait.ge [sflag:s25], $0xC800  }
0x21: {  	s2 =	sshrl.u32 s4, $0x3;
	s30 =	sadd.s32 $0x1, s30;
	[sflag:s25] =	ssyncset.done $0x0  }
0x22: {  	p1 =	sne.s32 s30, s21;
	s0 =	sshll.u32 s31, $0x6;
	[sflag:s25] =	ssyncadd.s32 $0xFFFF3800  }
.Ltmp1:
0x23: {  	s0 =	sor.u32 $0x1C05, s0;
	[bflag:$0x0] =	sbarrier.arrive $0xFFFF;
	(pc) =	sbr.rel @!p1 .LBB2_9-.Ltmp1, $4  }
0x24: {  	[hbm:s19], [sflag:s0] =	dma.local [spmem:s2], $0x1900  }
0x25: {  	_ =	swait.ge [sflag:s25], $0x1900  }
0x26: {  	[sflag:s25] =	ssyncset.done $0x0  }
0x27: {  	[sflag:s25] =	ssyncadd.s32 $0xFFFFE700  }
.LBB2_1:
0x28: {  	s0 =	simm.s32 $0x0  }
.LBB2_2:
0x29: {  	p1 =	sne.s32 s0, $0x63C0  }
.Ltmp2:
0x2a: {  	_ = 	snop;
	(pc) =	sbr.rel @p1 .LBB2_2-.Ltmp2, $3  }
0x2b: {  	_ =	sdelay $0x1  }
0x2c: {  	s2 =	sshra.s32 s0, $0x2  }
0x2d: {  	s0 =	sadd.s32 $0x40, s0;
	[tilespmem:s2+$0x2180] =	vst v1  }
0x2e: {  	s0 =	simm.s32 $0x40;
	s2 =	simm.s32 $0x0  }
.LBB2_4:
0x2f: {  	p1 =	sne.s32 s0, $0x31FC0;
	[tilespmem:s2+$0x3A80] =	vst v1;
	s2 =	smov.u32 s0;
	s0 =	sadd.s32 $0x40, s0  }
.Ltmp3:
0x30: {  	(pc) =	sbr.rel @p1 .LBB2_4-.Ltmp3, $2  }
0x31: {  	_ =	sdelay $0x2  }
0x32: {  	s2 =	sshra.s32 s2, $0x2  }
0x33: {  	[tilespmem:s2+$0x3A80] =	vst v1  }
0x34: {  	[spmem:s4] =	stream.linear.scatter [tilespmem:s24], [sflag:$0x5], $0x1900, $0x38;
	[tilespmem:$0x1CA80] =	vst v63  }
0x35: {  	_ =	swait.ge [sflag:s25], $0x1900  }
0x36: {  	[sflag:s25] =	ssyncset.done $0x0  }
0x37: {  	s0 =	rddreg [dreg:$0x6];
	[sflag:s25] =	ssyncadd.s32 $0xFFFFE700  }
0x38: {  	[spmem:s0] =	stream.linear.scatter [tilespmem:s24], [sflag:$0x5], $0x1900, $0x38;
	[tilespmem:$0x1CA80] =	vst v63  }
0x39: {  	_ =	swait.ge [sflag:s25], $0x1900  }
0x3a: {  	[sflag:s25] =	ssyncset.done $0x0  }
0x3b: {  	s8 =	rddreg [dreg:$0x7];
	[sflag:s25] =	ssyncadd.s32 $0xFFFFE700  }
0x3c: {  	[spmem:s8] =	stream.linear.scatter [tilespmem:s24], [sflag:$0x5], $0x1900, $0x38;
	[tilespmem:$0x1CA80] =	vst v63  }
0x3d: {  	_ =	swait.ge [sflag:s25], $0x1900  }
0x3e: {  	[sflag:s25] =	ssyncset.done $0x0  }
0x3f: {  	s22 =	rddreg [dreg:$0x8];
	[sflag:s25] =	ssyncadd.s32 $0xFFFFE700  }
0x40: {  	[spmem:s22] =	stream.linear.scatter [tilespmem:s24], [sflag:$0x5], $0x1900, $0x38;
	[tilespmem:$0x1CA80] =	vst v63  }
0x41: {  	_ =	swait.ge [sflag:s25], $0x1900  }
0x42: {  	[sflag:s25] =	ssyncset.done $0x0  }
0x43: {  	s23 =	rddreg [dreg:$0x9];
	[sflag:s25] =	ssyncadd.s32 $0xFFFFE700  }
0x44: {  	[spmem:s23] =	stream.linear.scatter [tilespmem:s24], [sflag:$0x5], $0x1900, $0x38;
	[tilespmem:$0x1CA80] =	vst v63  }
0x45: {  	_ =	swait.ge [sflag:s25], $0x1900  }
0x46: {  	[sflag:s25] =	ssyncset.done $0x0  }
0x47: {  	[sflag:s25] =	ssyncadd.s32 $0xFFFFE700  }
0x48: {  	[spmem:s9] =	stream.linear.scatter [tilespmem:s24], [sflag:$0x5], $0x1900, $0x38;
	[tilespmem:$0x1CA80] =	vst v63  }
0x49: {  	_ =	swait.ge [sflag:s25], $0x1900  }
0x4a: {  	[sflag:s25] =	ssyncset.done $0x0  }
0x4b: {  	[sflag:s25] =	ssyncadd.s32 $0xFFFFE700  }
0x4c: {  	[spmem:s10] =	stream.linear.scatter [tilespmem:s24], [sflag:$0x5], $0x1900, $0x38;
	[tilespmem:$0x1CA80] =	vst v63  }
0x4d: {  	_ =	swait.ge [sflag:s25], $0x1900  }
0x4e: {  	[sflag:s25] =	ssyncset.done $0x0  }
0x4f: {  	[sflag:s25] =	ssyncadd.s32 $0xFFFFE700  }
0x50: {  	[spmem:s11] =	stream.linear.scatter [tilespmem:s24], [sflag:$0x5], $0x1900, $0x38;
	[tilespmem:$0x1CA80] =	vst v63  }
0x51: {  	_ =	swait.ge [sflag:s25], $0x1900  }
0x52: {  	[sflag:s25] =	ssyncset.done $0x0  }
0x53: {  	[sflag:s25] =	ssyncadd.s32 $0xFFFFE700  }
0x54: {  	s31 =	simm.s32 $0x0;
	[bflag:$0x0] =	sbarrier.arrive $0xFFFF  }
0x55: {  	[tilespmem:s31], [sflag:$0x1] =	stream.linear.gather [hbm4b:s14+s31], $0x400, $0x38;
	[tilespmem:$0x1CA80] =	vst v63  }
.Ltmp4:
0x56: {  	_ = 	snop;
	(pc) =	sbr.rel @p0 .LBB2_8-.Ltmp4, $4  }
0x57: {  	s26 =	simm.s32 $0x400  }
0x58: {  	[tilespmem:s26], [sflag:$0x1] =	stream.linear.gather [hbm4b:s15+s31], $0x400, $0x38;
	[tilespmem:$0x1CA80] =	vst v63  }
0x59: {  	s28 =	simm.s32 $0x1000  }
0x5a: {  	[tilespmem:s28], [sflag:$0x1] =	stream.linear.gather [hbm4b:s16+s31], $0x80, $0x38;
	[tilespmem:$0x1CA80] =	vst v63  }
0x5b: {  	s23 =	rddreg [dreg:$0xb]  }
0x5c: {  	s0 =	simm.s32 $0x1080;
	s3 =	simm.s32 $0x1;
	s22 =	rddreg [dreg:$0xa]  }
.LBB2_7:
0x5d: {  	s28 =	sand.u32 $0x1, s31  }
0x5e: {  	s2 =	sadd.s32 $0x1, s28  }
0x5f: {  	_ =	swait.ge [sflag:s2], $0x400  }
0x60: {  	[sflag:s2] =	ssyncset.done $0x0  }
0x61: {  	[sflag:s2] =	ssyncadd.s32 $0xFFFFFC00  }
0x62: {  	s26 =	sadd.s32 s31, s18;
	_ =	swait.ge [sflag:s2], $0x400  }
0x63: {  	s6 =	smulhi.u32 $0xAAAAAAAB, s3;
	s5 =	sadd.s32 $0x1, s26;
	[sflag:s2] =	ssyncset.done $0x0  }
0x64: {  	p1 =	sge.u32 s5, s13;
	[sflag:s2] =	ssyncadd.s32 $0xFFFFFC00  }
0x65: {  	s6 =	sshrl.u32 s6, $0x1;
	s5 =	sxor.u32 @!p1 $0x1, s28;
	_ =	swait.ge [sflag:s2], $0x80  }
0x66: {  	s7 =	sadd.s32 @!p1 $0xFFF3CB00, s22;
	s8 =	simm.s32 @!p1 $0x0;
	[sflag:s2] =	ssyncset.done $0x0  }
0x67: {  	[sflag:s2] =	ssyncadd.s32 $0xFFFFFF80;
	s2 =	sadd.s32 @!p1 $0x1, s5;
	s5 =	sshll.u32 @!p1 s5, $0xB  }
0x68: {  	[tilespmem:s5], [sflag:s2] =	stream.linear.gather @!p1 [hbm4b:s7+s8], $0x400, $0x38;
	[tilespmem:$0x1CA80] =	vst v63  }
0x69: {  	s6 =	smul.u32 $0xFFFFFA00, s6;
	s5 =	sor.u32 @!p1 $0x400, s5  }
0x6a: {  	[tilespmem:s5], [sflag:s2] =	stream.linear.gather @!p1 [hbm4b:s22+s8], $0x400, $0x38;
	[tilespmem:$0x1CA80] =	vst v63  }
0x6b: {  	s5 =	sshra.s32 @!p1 s6, $0x2  }
0x6c: {  	s7 =	sshll.u32 s28, $0xB;
	s5 =	sadd.s32 @!p1 s5, s0  }
0x6d: {  	[tilespmem:s5], [sflag:s2] =	stream.linear.gather @!p1 [hbm4b:s23+s8], $0x80, $0x38;
	[tilespmem:$0x1CA80] =	vst v63  }
0x6e: {  	v3 =	vld [tilespmem:s7+$0x0];
	_ =	sdelay $0x3  }
0x6f: {  	s2 =	sor.u32 $0x1180, s7  }
0x70: {  	[tilespmem:v0+s2+$0x0] =	vst.idx.msk $0xffff, v3  }
0x71: {  	v3 =	vld [tilespmem:s7+$0x10];
	_ =	sdelay $0x4  }
0x72: {  	[tilespmem:v4+s2+$0x0] =	vst.idx.msk $0xffff, v3  }
0x73: {  	v3 =	vld [tilespmem:s7+$0x20];
	_ =	sdelay $0x2  }
0x74: {  	v5 =	vld [tilespmem:$0x1FFB0];
	_ =	sdelay $0x1  }
0x75: {  	[tilespmem:v6+s2+$0x0] =	vst.idx.msk $0xffff, v3  }
0x76: {  	v3 =	vld [tilespmem:s7+$0x30];
	_ =	sdelay $0x4  }
0x77: {  	[tilespmem:v5+s2+$0x0] =	vst.idx.msk $0xffff, v3  }
0x78: {  	v3 =	vld [tilespmem:s7+$0x40];
	_ =	sdelay $0x4  }
0x79: {  	[tilespmem:v8+s2+$0x0] =	vst.idx.msk $0xffff, v3  }
0x7a: {  	v3 =	vld [tilespmem:s7+$0x50];
	_ =	sdelay $0x4  }
0x7b: {  	[tilespmem:v9+s2+$0x0] =	vst.idx.msk $0xffff, v3  }
0x7c: {  	v3 =	vld [tilespmem:s7+$0x60];
	_ =	sdelay $0x4  }
0x7d: {  	[tilespmem:v10+s2+$0x0] =	vst.idx.msk $0xffff, v3  }
0x7e: {  	v3 =	vld [tilespmem:s7+$0x70];
	_ =	sdelay $0x4  }
0x7f: {  	[tilespmem:v11+s2+$0x0] =	vst.idx.msk $0xffff, v3  }
0x80: {  	v3 =	vld [tilespmem:s7+$0x80];
	_ =	sdelay $0x4  }
0x81: {  	[tilespmem:v12+s2+$0x0] =	vst.idx.msk $0xffff, v3  }
0x82: {  	v3 =	vld [tilespmem:s7+$0x90];
	_ =	sdelay $0x4  }
0x83: {  	[tilespmem:v13+s2+$0x0] =	vst.idx.msk $0xffff, v3  }
0x84: {  	v3 =	vld [tilespmem:s7+$0xA0];
	_ =	sdelay $0x4  }
0x85: {  	[tilespmem:v14+s2+$0x0] =	vst.idx.msk $0xffff, v3  }
0x86: {  	v3 =	vld [tilespmem:s7+$0xB0];
	_ =	sdelay $0x4  }
0x87: {  	[tilespmem:v15+s2+$0x0] =	vst.idx.msk $0xffff, v3  }
0x88: {  	v3 =	vld [tilespmem:s7+$0xC0];
	_ =	sdelay $0x4  }
0x89: {  	[tilespmem:v16+s2+$0x0] =	vst.idx.msk $0xffff, v3  }
0x8a: {  	v3 =	vld [tilespmem:s7+$0xD0];
	_ =	sdelay $0x4  }
0x8b: {  	[tilespmem:v17+s2+$0x0] =	vst.idx.msk $0xffff, v3  }
0x8c: {  	v3 =	vld [tilespmem:s7+$0xE0];
	_ =	sdelay $0x4  }
0x8d: {  	[tilespmem:v18+s2+$0x0] =	vst.idx.msk $0xffff, v3  }
0x8e: {  	v3 =	vld [tilespmem:s7+$0xF0];
	_ =	sdelay $0x4  }
0x8f: {  	[tilespmem:v19+s2+$0x0] =	vst.idx.msk $0xffff, v3  }
0x90: {  	v3 =	vld [tilespmem:s7+$0x100];
	_ =	sdelay $0x4  }
0x91: {  	[tilespmem:v20+s2+$0x0] =	vst.idx.msk $0xffff, v3  }
0x92: {  	v3 =	vld [tilespmem:s7+$0x110];
	_ =	sdelay $0x4  }
0x93: {  	[tilespmem:v21+s2+$0x0] =	vst.idx.msk $0xffff, v3  }
0x94: {  	v3 =	vld [tilespmem:s7+$0x120];
	_ =	sdelay $0x4  }
0x95: {  	[tilespmem:v22+s2+$0x0] =	vst.idx.msk $0xffff, v3  }
0x96: {  	v3 =	vld [tilespmem:s7+$0x130];
	_ =	sdelay $0x4  }
0x97: {  	[tilespmem:v23+s2+$0x0] =	vst.idx.msk $0xffff, v3  }
0x98: {  	v3 =	vld [tilespmem:s7+$0x140];
	_ =	sdelay $0x4  }
0x99: {  	[tilespmem:v24+s2+$0x0] =	vst.idx.msk $0xffff, v3  }
0x9a: {  	v3 =	vld [tilespmem:s7+$0x150];
	_ =	sdelay $0x4  }
0x9b: {  	[tilespmem:v7+s2+$0x0] =	vst.idx.msk $0xffff, v3  }
0x9c: {  	v3 =	vld [tilespmem:s7+$0x160];
	_ =	sdelay $0x4  }
0x9d: {  	[tilespmem:v25+s2+$0x0] =	vst.idx.msk $0xffff, v3  }
0x9e: {  	v3 =	vld [tilespmem:s7+$0x170];
	_ =	sdelay $0x4  }
0x9f: {  	[tilespmem:v26+s2+$0x0] =	vst.idx.msk $0xffff, v3  }
0xa0: {  	v3 =	vld [tilespmem:s7+$0x180];
	_ =	sdelay $0x4  }
0xa1: {  	[tilespmem:v27+s2+$0x0] =	vst.idx.msk $0xffff, v3  }
0xa2: {  	v3 =	vld [tilespmem:s7+$0x190];
	_ =	sdelay $0x4  }
0xa3: {  	[tilespmem:v28+s2+$0x0] =	vst.idx.msk $0xffff, v3  }
0xa4: {  	v3 =	vld [tilespmem:s7+$0x1A0];
	_ =	sdelay $0x4  }
0xa5: {  	[tilespmem:v29+s2+$0x0] =	vst.idx.msk $0xffff, v3  }
0xa6: {  	v3 =	vld [tilespmem:s7+$0x1B0];
	_ =	sdelay $0x4  }
0xa7: {  	[tilespmem:v30+s2+$0x0] =	vst.idx.msk $0xffff, v3  }
0xa8: {  	v3 =	vld [tilespmem:s7+$0x1C0];
	_ =	sdelay $0x4  }
0xa9: {  	[tilespmem:v31+s2+$0x0] =	vst.idx.msk $0xffff, v3  }
0xaa: {  	v3 =	vld [tilespmem:s7+$0x1D0];
	_ =	sdelay $0x4  }
0xab: {  	[tilespmem:v32+s2+$0x0] =	vst.idx.msk $0xffff, v3  }
0xac: {  	v3 =	vld [tilespmem:s7+$0x1E0];
	_ =	sdelay $0x4  }
0xad: {  	[tilespmem:v33+s2+$0x0] =	vst.idx.msk $0xffff, v3  }
0xae: {  	v3 =	vld [tilespmem:s7+$0x1F0];
	_ =	sdelay $0x4  }
0xaf: {  	[tilespmem:v34+s2+$0x0] =	vst.idx.msk $0xffff, v3  }
0xb0: {  	v3 =	vld [tilespmem:s7+$0x200];
	_ =	sdelay $0x4  }
0xb1: {  	[tilespmem:v35+s2+$0x0] =	vst.idx.msk $0xffff, v3  }
0xb2: {  	v3 =	vld [tilespmem:s7+$0x210];
	_ =	sdelay $0x4  }
0xb3: {  	[tilespmem:v36+s2+$0x0] =	vst.idx.msk $0xffff, v3  }
0xb4: {  	v3 =	vld [tilespmem:s7+$0x220];
	_ =	sdelay $0x4  }
0xb5: {  	[tilespmem:v37+s2+$0x0] =	vst.idx.msk $0xffff, v3  }
0xb6: {  	v3 =	vld [tilespmem:s7+$0x230];
	_ =	sdelay $0x4  }
0xb7: {  	[tilespmem:v38+s2+$0x0] =	vst.idx.msk $0xffff, v3  }
0xb8: {  	v3 =	vld [tilespmem:s7+$0x240];
	_ =	sdelay $0x4  }
0xb9: {  	[tilespmem:v39+s2+$0x0] =	vst.idx.msk $0xffff, v3  }
0xba: {  	v3 =	vld [tilespmem:s7+$0x250];
	_ =	sdelay $0x4  }
0xbb: {  	[tilespmem:v40+s2+$0x0] =	vst.idx.msk $0xffff, v3  }
0xbc: {  	v3 =	vld [tilespmem:s7+$0x260];
	_ =	sdelay $0x4  }
0xbd: {  	[tilespmem:v41+s2+$0x0] =	vst.idx.msk $0xffff, v3  }
0xbe: {  	v3 =	vld [tilespmem:s7+$0x270];
	_ =	sdelay $0x4  }
0xbf: {  	[tilespmem:v42+s2+$0x0] =	vst.idx.msk $0xffff, v3  }
0xc0: {  	v3 =	vld [tilespmem:s7+$0x280];
	_ =	sdelay $0x4  }
0xc1: {  	[tilespmem:v43+s2+$0x0] =	vst.idx.msk $0xffff, v3  }
0xc2: {  	v3 =	vld [tilespmem:s7+$0x290];
	_ =	sdelay $0x4  }
0xc3: {  	[tilespmem:v44+s2+$0x0] =	vst.idx.msk $0xffff, v3  }
0xc4: {  	v3 =	vld [tilespmem:s7+$0x2A0];
	_ =	sdelay $0x4  }
0xc5: {  	[tilespmem:v45+s2+$0x0] =	vst.idx.msk $0xffff, v3  }
0xc6: {  	v3 =	vld [tilespmem:s7+$0x2B0];
	_ =	sdelay $0x4  }
0xc7: {  	[tilespmem:v46+s2+$0x0] =	vst.idx.msk $0xffff, v3  }
0xc8: {  	v3 =	vld [tilespmem:s7+$0x2C0];
	_ =	sdelay $0x4  }
0xc9: {  	[tilespmem:v47+s2+$0x0] =	vst.idx.msk $0xffff, v3  }
0xca: {  	v3 =	vld [tilespmem:s7+$0x2D0];
	_ =	sdelay $0x4  }
0xcb: {  	[tilespmem:v48+s2+$0x0] =	vst.idx.msk $0xffff, v3  }
0xcc: {  	v3 =	vld [tilespmem:s7+$0x2E0];
	_ =	sdelay $0x4  }
0xcd: {  	[tilespmem:v49+s2+$0x0] =	vst.idx.msk $0xffff, v3  }
0xce: {  	v3 =	vld [tilespmem:s7+$0x2F0];
	_ =	sdelay $0x4  }
0xcf: {  	[tilespmem:v50+s2+$0x0] =	vst.idx.msk $0xffff, v3  }
0xd0: {  	v3 =	vld [tilespmem:s7+$0x300];
	_ =	sdelay $0x4  }
0xd1: {  	[tilespmem:v51+s2+$0x0] =	vst.idx.msk $0xffff, v3  }
0xd2: {  	v3 =	vld [tilespmem:s7+$0x310];
	_ =	sdelay $0x4  }
0xd3: {  	[tilespmem:v52+s2+$0x0] =	vst.idx.msk $0xffff, v3  }
0xd4: {  	v3 =	vld [tilespmem:s7+$0x320];
	_ =	sdelay $0x4  }
0xd5: {  	[tilespmem:v53+s2+$0x0] =	vst.idx.msk $0xffff, v3  }
0xd6: {  	v3 =	vld [tilespmem:s7+$0x330];
	_ =	sdelay $0x4  }
0xd7: {  	[tilespmem:v54+s2+$0x0] =	vst.idx.msk $0xffff, v3  }
0xd8: {  	v3 =	vld [tilespmem:s7+$0x340];
	_ =	sdelay $0x4  }
0xd9: {  	[tilespmem:v55+s2+$0x0] =	vst.idx.msk $0xffff, v3  }
0xda: {  	v3 =	vld [tilespmem:s7+$0x350];
	_ =	sdelay $0x4  }
0xdb: {  	[tilespmem:v56+s2+$0x0] =	vst.idx.msk $0xffff, v3  }
0xdc: {  	v3 =	vld [tilespmem:s7+$0x360];
	_ =	sdelay $0x4  }
0xdd: {  	[tilespmem:v57+s2+$0x0] =	vst.idx.msk $0xffff, v3  }
0xde: {  	v3 =	vld [tilespmem:s7+$0x370];
	_ =	sdelay $0x4  }
0xdf: {  	[tilespmem:v58+s2+$0x0] =	vst.idx.msk $0xffff, v3  }
0xe0: {  	v3 =	vld [tilespmem:s7+$0x380];
	_ =	sdelay $0x4  }
0xe1: {  	[tilespmem:v59+s2+$0x0] =	vst.idx.msk $0xffff, v3  }
0xe2: {  	v3 =	vld [tilespmem:s7+$0x390];
	_ =	sdelay $0x4  }
0xe3: {  	[tilespmem:v60+s2+$0x0] =	vst.idx.msk $0xffff, v3  }
0xe4: {  	v3 =	vld [tilespmem:s7+$0x3A0];
	_ =	sdelay $0x4  }
0xe5: {  	[tilespmem:v61+s2+$0x0] =	vst.idx.msk $0xffff, v3  }
0xe6: {  	v3 =	vld [tilespmem:s7+$0x3B0];
	_ =	sdelay $0x4  }
0xe7: {  	[tilespmem:v62+s2+$0x0] =	vst.idx.msk $0xffff, v3  }
0xe8: {  	v3 =	vld [tilespmem:s7+$0x3C0];
	_ =	sdelay $0x4  }
0xe9: {  	[tilespmem:v63+s2+$0x0] =	vst.idx.msk $0xffff, v3  }
0xea: {  	v3 =	vld [tilespmem:s7+$0x3D0];
	_ =	sdelay $0x4  }
0xeb: {  	[tilespmem:v2+s2+$0x0] =	vst.idx.msk $0xffff, v3;
	v2 =	vld [tilespmem:$0x1FFD0];
	_ =	sdelay $0x2  }
0xec: {  	v3 =	vld [tilespmem:s7+$0x3E0];
	_ =	sdelay $0x4  }
0xed: {  	[tilespmem:v2+s2+$0x0] =	vst.idx.msk $0xffff, v3  }
0xee: {  	v2 =	vmov v4;
	v4 =	vor.u32 $0x707, v0;
	v3 =	vld [tilespmem:s7+$0x3F0];
	_ =	sdelay $0x4  }
0xef: {  	[tilespmem:v4+s2+$0x0] =	vst.idx.msk $0xffff, v3  }
0xf0: {  	v4 =	vor.u32 $0x8, v0;
	v3 =	vld [tilespmem:s7+$0x400];
	_ =	sdelay $0x4  }
0xf1: {  	[tilespmem:v4+s2+$0x0] =	vst.idx.msk $0xffff, v3  }
0xf2: {  	v4 =	vor.u32 $0x108, v0;
	v3 =	vld [tilespmem:s7+$0x410];
	_ =	sdelay $0x4  }
0xf3: {  	[tilespmem:v4+s2+$0x0] =	vst.idx.msk $0xffff, v3  }
0xf4: {  	v4 =	vor.u32 $0x208, v0;
	v3 =	vld [tilespmem:s7+$0x420];
	_ =	sdelay $0x4  }
0xf5: {  	[tilespmem:v4+s2+$0x0] =	vst.idx.msk $0xffff, v3  }
0xf6: {  	v4 =	vor.u32 $0x308, v0;
	v3 =	vld [tilespmem:s7+$0x430];
	_ =	sdelay $0x4  }
0xf7: {  	[tilespmem:v4+s2+$0x0] =	vst.idx.msk $0xffff, v3  }
0xf8: {  	v4 =	vor.u32 $0x408, v0;
	v3 =	vld [tilespmem:s7+$0x440];
	_ =	sdelay $0x4  }
0xf9: {  	[tilespmem:v4+s2+$0x0] =	vst.idx.msk $0xffff, v3  }
0xfa: {  	v4 =	vor.u32 $0x508, v0;
	v3 =	vld [tilespmem:s7+$0x450];
	_ =	sdelay $0x4  }
0xfb: {  	[tilespmem:v4+s2+$0x0] =	vst.idx.msk $0xffff, v3  }
0xfc: {  	v4 =	vor.u32 $0x608, v0;
	v3 =	vld [tilespmem:s7+$0x460];
	_ =	sdelay $0x4  }
0xfd: {  	[tilespmem:v4+s2+$0x0] =	vst.idx.msk $0xffff, v3  }
0xfe: {  	v4 =	vor.u32 $0x708, v0;
	v3 =	vld [tilespmem:s7+$0x470];
	_ =	sdelay $0x4  }
0xff: {  	[tilespmem:v4+s2+$0x0] =	vst.idx.msk $0xffff, v3  }
0x100: {  	v4 =	vor.u32 $0x9, v0;
	v3 =	vld [tilespmem:s7+$0x480];
	_ =	sdelay $0x4  }
0x101: {  	[tilespmem:v4+s2+$0x0] =	vst.idx.msk $0xffff, v3  }
0x102: {  	v4 =	vor.u32 $0x109, v0;
	v3 =	vld [tilespmem:s7+$0x490];
	_ =	sdelay $0x4  }
0x103: {  	[tilespmem:v4+s2+$0x0] =	vst.idx.msk $0xffff, v3  }
0x104: {  	v4 =	vor.u32 $0x209, v0;
	v3 =	vld [tilespmem:s7+$0x4A0];
	_ =	sdelay $0x4  }
0x105: {  	[tilespmem:v4+s2+$0x0] =	vst.idx.msk $0xffff, v3  }
0x106: {  	v4 =	vor.u32 $0x309, v0;
	v3 =	vld [tilespmem:s7+$0x4B0];
	_ =	sdelay $0x4  }
0x107: {  	[tilespmem:v4+s2+$0x0] =	vst.idx.msk $0xffff, v3  }
0x108: {  	v4 =	vor.u32 $0x409, v0;
	v3 =	vld [tilespmem:s7+$0x4C0];
	_ =	sdelay $0x4  }
0x109: {  	[tilespmem:v4+s2+$0x0] =	vst.idx.msk $0xffff, v3  }
0x10a: {  	v4 =	vor.u32 $0x509, v0;
	v3 =	vld [tilespmem:s7+$0x4D0];
	_ =	sdelay $0x4  }
0x10b: {  	[tilespmem:v4+s2+$0x0] =	vst.idx.msk $0xffff, v3  }
0x10c: {  	v4 =	vor.u32 $0x609, v0;
	v3 =	vld [tilespmem:s7+$0x4E0];
	_ =	sdelay $0x4  }
0x10d: {  	[tilespmem:v4+s2+$0x0] =	vst.idx.msk $0xffff, v3  }
0x10e: {  	v4 =	vor.u32 $0x709, v0;
	v3 =	vld [tilespmem:s7+$0x4F0];
	_ =	sdelay $0x4  }
0x10f: {  	[tilespmem:v4+s2+$0x0] =	vst.idx.msk $0xffff, v3  }
0x110: {  	v4 =	vor.u32 $0xA, v0;
	v3 =	vld [tilespmem:s7+$0x500];
	_ =	sdelay $0x4  }
0x111: {  	[tilespmem:v4+s2+$0x0] =	vst.idx.msk $0xffff, v3  }
0x112: {  	v4 =	vor.u32 $0x10A, v0;
	v3 =	vld [tilespmem:s7+$0x510];
	_ =	sdelay $0x4  }
0x113: {  	[tilespmem:v4+s2+$0x0] =	vst.idx.msk $0xffff, v3  }
0x114: {  	v4 =	vor.u32 $0x20A, v0;
	v3 =	vld [tilespmem:s7+$0x520];
	_ =	sdelay $0x4  }
0x115: {  	[tilespmem:v4+s2+$0x0] =	vst.idx.msk $0xffff, v3  }
0x116: {  	v4 =	vor.u32 $0x30A, v0;
	v3 =	vld [tilespmem:s7+$0x530];
	_ =	sdelay $0x4  }
0x117: {  	[tilespmem:v4+s2+$0x0] =	vst.idx.msk $0xffff, v3  }
0x118: {  	v4 =	vor.u32 $0x40A, v0;
	v3 =	vld [tilespmem:s7+$0x540];
	_ =	sdelay $0x4  }
0x119: {  	[tilespmem:v4+s2+$0x0] =	vst.idx.msk $0xffff, v3  }
0x11a: {  	v4 =	vor.u32 $0x50A, v0;
	v3 =	vld [tilespmem:s7+$0x550];
	_ =	sdelay $0x4  }
0x11b: {  	[tilespmem:v4+s2+$0x0] =	vst.idx.msk $0xffff, v3  }
0x11c: {  	v4 =	vor.u32 $0x60A, v0;
	v3 =	vld [tilespmem:s7+$0x560];
	_ =	sdelay $0x4  }
0x11d: {  	[tilespmem:v4+s2+$0x0] =	vst.idx.msk $0xffff, v3  }
0x11e: {  	v4 =	vor.u32 $0x70A, v0;
	v3 =	vld [tilespmem:s7+$0x570];
	_ =	sdelay $0x4  }
0x11f: {  	[tilespmem:v4+s2+$0x0] =	vst.idx.msk $0xffff, v3  }
0x120: {  	v4 =	vor.u32 $0xB, v0;
	v3 =	vld [tilespmem:s7+$0x580];
	_ =	sdelay $0x4  }
0x121: {  	[tilespmem:v4+s2+$0x0] =	vst.idx.msk $0xffff, v3  }
0x122: {  	v4 =	vor.u32 $0x10B, v0;
	v3 =	vld [tilespmem:s7+$0x590];
	_ =	sdelay $0x4  }
0x123: {  	[tilespmem:v4+s2+$0x0] =	vst.idx.msk $0xffff, v3  }
0x124: {  	v4 =	vor.u32 $0x20B, v0;
	v3 =	vld [tilespmem:s7+$0x5A0];
	_ =	sdelay $0x4  }
0x125: {  	[tilespmem:v4+s2+$0x0] =	vst.idx.msk $0xffff, v3  }
0x126: {  	v4 =	vor.u32 $0x30B, v0;
	v3 =	vld [tilespmem:s7+$0x5B0];
	_ =	sdelay $0x4  }
0x127: {  	[tilespmem:v4+s2+$0x0] =	vst.idx.msk $0xffff, v3  }
0x128: {  	v4 =	vor.u32 $0x40B, v0;
	v3 =	vld [tilespmem:s7+$0x5C0];
	_ =	sdelay $0x4  }
0x129: {  	[tilespmem:v4+s2+$0x0] =	vst.idx.msk $0xffff, v3  }
0x12a: {  	v4 =	vor.u32 $0x50B, v0;
	v3 =	vld [tilespmem:s7+$0x5D0];
	_ =	sdelay $0x4  }
0x12b: {  	[tilespmem:v4+s2+$0x0] =	vst.idx.msk $0xffff, v3  }
0x12c: {  	v4 =	vor.u32 $0x60B, v0;
	v3 =	vld [tilespmem:s7+$0x5E0];
	_ =	sdelay $0x4  }
0x12d: {  	[tilespmem:v4+s2+$0x0] =	vst.idx.msk $0xffff, v3  }
0x12e: {  	v4 =	vor.u32 $0x70B, v0;
	v3 =	vld [tilespmem:s7+$0x5F0];
	_ =	sdelay $0x4  }
0x12f: {  	[tilespmem:v4+s2+$0x0] =	vst.idx.msk $0xffff, v3  }
0x130: {  	v4 =	vor.u32 $0xC, v0;
	v3 =	vld [tilespmem:s7+$0x600];
	_ =	sdelay $0x4  }
0x131: {  	[tilespmem:v4+s2+$0x0] =	vst.idx.msk $0xffff, v3  }
0x132: {  	v4 =	vor.u32 $0x10C, v0;
	v3 =	vld [tilespmem:s7+$0x610];
	_ =	sdelay $0x4  }
0x133: {  	[tilespmem:v4+s2+$0x0] =	vst.idx.msk $0xffff, v3  }
0x134: {  	v4 =	vor.u32 $0x20C, v0;
	v3 =	vld [tilespmem:s7+$0x620];
	_ =	sdelay $0x4  }
0x135: {  	[tilespmem:v4+s2+$0x0] =	vst.idx.msk $0xffff, v3  }
0x136: {  	v4 =	vor.u32 $0x30C, v0;
	v3 =	vld [tilespmem:s7+$0x630];
	_ =	sdelay $0x4  }
0x137: {  	[tilespmem:v4+s2+$0x0] =	vst.idx.msk $0xffff, v3  }
0x138: {  	v4 =	vor.u32 $0x40C, v0;
	v3 =	vld [tilespmem:s7+$0x640];
	_ =	sdelay $0x4  }
0x139: {  	[tilespmem:v4+s2+$0x0] =	vst.idx.msk $0xffff, v3  }
0x13a: {  	v4 =	vor.u32 $0x50C, v0;
	v3 =	vld [tilespmem:s7+$0x650];
	_ =	sdelay $0x4  }
0x13b: {  	[tilespmem:v4+s2+$0x0] =	vst.idx.msk $0xffff, v3  }
0x13c: {  	v4 =	vor.u32 $0x60C, v0;
	v3 =	vld [tilespmem:s7+$0x660];
	_ =	sdelay $0x4  }
0x13d: {  	[tilespmem:v4+s2+$0x0] =	vst.idx.msk $0xffff, v3  }
0x13e: {  	v4 =	vor.u32 $0x70C, v0;
	v3 =	vld [tilespmem:s7+$0x670];
	_ =	sdelay $0x4  }
0x13f: {  	[tilespmem:v4+s2+$0x0] =	vst.idx.msk $0xffff, v3  }
0x140: {  	v4 =	vor.u32 $0xD, v0;
	v3 =	vld [tilespmem:s7+$0x680];
	_ =	sdelay $0x4  }
0x141: {  	[tilespmem:v4+s2+$0x0] =	vst.idx.msk $0xffff, v3  }
0x142: {  	v4 =	vor.u32 $0x10D, v0;
	v3 =	vld [tilespmem:s7+$0x690];
	_ =	sdelay $0x4  }
0x143: {  	[tilespmem:v4+s2+$0x0] =	vst.idx.msk $0xffff, v3  }
0x144: {  	v4 =	vor.u32 $0x20D, v0;
	v3 =	vld [tilespmem:s7+$0x6A0];
	_ =	sdelay $0x4  }
0x145: {  	[tilespmem:v4+s2+$0x0] =	vst.idx.msk $0xffff, v3  }
0x146: {  	v4 =	vor.u32 $0x30D, v0;
	v3 =	vld [tilespmem:s7+$0x6B0];
	_ =	sdelay $0x4  }
0x147: {  	[tilespmem:v4+s2+$0x0] =	vst.idx.msk $0xffff, v3  }
0x148: {  	v4 =	vor.u32 $0x40D, v0;
	v3 =	vld [tilespmem:s7+$0x6C0];
	_ =	sdelay $0x4  }
0x149: {  	[tilespmem:v4+s2+$0x0] =	vst.idx.msk $0xffff, v3  }
0x14a: {  	v4 =	vor.u32 $0x50D, v0;
	v3 =	vld [tilespmem:s7+$0x6D0];
	_ =	sdelay $0x4  }
0x14b: {  	[tilespmem:v4+s2+$0x0] =	vst.idx.msk $0xffff, v3  }
0x14c: {  	v4 =	vor.u32 $0x60D, v0;
	v3 =	vld [tilespmem:s7+$0x6E0];
	_ =	sdelay $0x4  }
0x14d: {  	[tilespmem:v4+s2+$0x0] =	vst.idx.msk $0xffff, v3  }
0x14e: {  	v4 =	vor.u32 $0x70D, v0;
	v3 =	vld [tilespmem:s7+$0x6F0];
	_ =	sdelay $0x4  }
0x14f: {  	[tilespmem:v4+s2+$0x0] =	vst.idx.msk $0xffff, v3  }
0x150: {  	v4 =	vor.u32 $0xE, v0;
	v3 =	vld [tilespmem:s7+$0x700];
	_ =	sdelay $0x4  }
0x151: {  	[tilespmem:v4+s2+$0x0] =	vst.idx.msk $0xffff, v3  }
0x152: {  	v4 =	vor.u32 $0x10E, v0;
	v3 =	vld [tilespmem:s7+$0x710];
	_ =	sdelay $0x4  }
0x153: {  	[tilespmem:v4+s2+$0x0] =	vst.idx.msk $0xffff, v3  }
0x154: {  	v4 =	vor.u32 $0x20E, v0;
	v3 =	vld [tilespmem:s7+$0x720];
	_ =	sdelay $0x4  }
0x155: {  	[tilespmem:v4+s2+$0x0] =	vst.idx.msk $0xffff, v3  }
0x156: {  	v4 =	vor.u32 $0x30E, v0;
	v3 =	vld [tilespmem:s7+$0x730];
	_ =	sdelay $0x4  }
0x157: {  	[tilespmem:v4+s2+$0x0] =	vst.idx.msk $0xffff, v3  }
0x158: {  	v4 =	vor.u32 $0x40E, v0;
	v3 =	vld [tilespmem:s7+$0x740];
	_ =	sdelay $0x4  }
0x159: {  	[tilespmem:v4+s2+$0x0] =	vst.idx.msk $0xffff, v3  }
0x15a: {  	v4 =	vor.u32 $0x50E, v0;
	v3 =	vld [tilespmem:s7+$0x750];
	_ =	sdelay $0x4  }
0x15b: {  	[tilespmem:v4+s2+$0x0] =	vst.idx.msk $0xffff, v3  }
0x15c: {  	v4 =	vor.u32 $0x60E, v0;
	v3 =	vld [tilespmem:s7+$0x760];
	_ =	sdelay $0x4  }
0x15d: {  	[tilespmem:v4+s2+$0x0] =	vst.idx.msk $0xffff, v3  }
0x15e: {  	v4 =	vor.u32 $0x70E, v0;
	v3 =	vld [tilespmem:s7+$0x770];
	_ =	sdelay $0x4  }
0x15f: {  	[tilespmem:v4+s2+$0x0] =	vst.idx.msk $0xffff, v3  }
0x160: {  	v4 =	vor.u32 $0xF, v0;
	v3 =	vld [tilespmem:s7+$0x780];
	_ =	sdelay $0x4  }
0x161: {  	[tilespmem:v4+s2+$0x0] =	vst.idx.msk $0xffff, v3  }
0x162: {  	v4 =	vor.u32 $0x10F, v0;
	v3 =	vld [tilespmem:s7+$0x790];
	_ =	sdelay $0x4  }
0x163: {  	[tilespmem:v4+s2+$0x0] =	vst.idx.msk $0xffff, v3  }
0x164: {  	v4 =	vor.u32 $0x20F, v0;
	v3 =	vld [tilespmem:s7+$0x7A0];
	_ =	sdelay $0x4  }
0x165: {  	[tilespmem:v4+s2+$0x0] =	vst.idx.msk $0xffff, v3  }
0x166: {  	v4 =	vor.u32 $0x30F, v0;
	v3 =	vld [tilespmem:s7+$0x7B0];
	_ =	sdelay $0x4  }
0x167: {  	[tilespmem:v4+s2+$0x0] =	vst.idx.msk $0xffff, v3  }
0x168: {  	v4 =	vor.u32 $0x40F, v0;
	v3 =	vld [tilespmem:s7+$0x7C0];
	_ =	sdelay $0x4  }
0x169: {  	[tilespmem:v4+s2+$0x0] =	vst.idx.msk $0xffff, v3  }
0x16a: {  	v4 =	vor.u32 $0x50F, v0;
	v3 =	vld [tilespmem:s7+$0x7D0];
	_ =	sdelay $0x4  }
0x16b: {  	[tilespmem:v4+s2+$0x0] =	vst.idx.msk $0xffff, v3  }
0x16c: {  	v4 =	vor.u32 $0x60F, v0;
	v3 =	vld [tilespmem:s7+$0x7E0];
	_ =	sdelay $0x4  }
0x16d: {  	s8 =	smulhi.u32 $0xAAAAAAAB, s31;
	[tilespmem:v4+s2+$0x0] =	vst.idx.msk $0xffff, v3  }
0x16e: {  	v4 =	vor.u32 $0x70F, v0;
	v3 =	vld [tilespmem:s7+$0x7F0]  }
0x16f: {  	s7 =	sshrl.u32 s8, $0x1  }
0x170: {  	s5 =	smul.u32 $0xFFFFFA00, s7;
	_ =	sdelay $0x1  }
0x171: {  	s5 =	sshra.s32 s5, $0x2  }
0x172: {  	s5 =	sadd.s32 s5, s0;
	[tilespmem:v4+s2+$0x0] =	vst.idx.msk $0xffff, v3  }
0x173: {  	v3 =	vld [tilespmem:s5+$0xFFFFFF80];
	_ =	sdelay $0x6  }
0x174: {  	v5 =	vimm.f32 $1.000000000e+00  }
0x175: {  	[tilespmem:v3+s29+$0x0] =	vst.idx.add.f32.msk $0xffff, v5  }
0x176: {  	v3 =	vld [tilespmem:s5+$0xFFFFFF90];
	_ =	sdelay $0x6  }
0x177: {  	v5 =	vimm.f32 $1.000000000e+00  }
0x178: {  	[tilespmem:v3+s29+$0x0] =	vst.idx.add.f32.msk $0xffff, v5  }
0x179: {  	v3 =	vld [tilespmem:s5+$0xFFFFFFA0];
	_ =	sdelay $0x6  }
0x17a: {  	v5 =	vimm.f32 $1.000000000e+00  }
0x17b: {  	[tilespmem:v3+s29+$0x0] =	vst.idx.add.f32.msk $0xffff, v5  }
0x17c: {  	v3 =	vld [tilespmem:s5+$0xFFFFFFB0];
	_ =	sdelay $0x6  }
0x17d: {  	v5 =	vimm.f32 $1.000000000e+00  }
0x17e: {  	[tilespmem:v3+s29+$0x0] =	vst.idx.add.f32.msk $0xffff, v5  }
0x17f: {  	v3 =	vld [tilespmem:s5+$0xFFFFFFC0];
	_ =	sdelay $0x6  }
0x180: {  	v5 =	vimm.f32 $1.000000000e+00  }
0x181: {  	[tilespmem:v3+s29+$0x0] =	vst.idx.add.f32.msk $0xffff, v5  }
0x182: {  	v3 =	vld [tilespmem:s5+$0xFFFFFFD0];
	_ =	sdelay $0x6  }
0x183: {  	v5 =	vimm.f32 $1.000000000e+00  }
0x184: {  	[tilespmem:v3+s29+$0x0] =	vst.idx.add.f32.msk $0xffff, v5  }
0x185: {  	v3 =	vld [tilespmem:s5+$0xFFFFFFE0]  }
0x186: {  	v62 =	vmovc v61;
	v61 =	vmovc v60;
	v60 =	vmov v59;
	v59 =	vmov v58;
	v58 =	vmov v57  }
0x187: {  	v57 =	vmovc v56;
	v56 =	vmovc v55;
	v55 =	vmov v54;
	v54 =	vmov v53;
	v53 =	vmov v52  }
0x188: {  	v52 =	vmovc v51;
	v51 =	vmovc v50;
	v50 =	vmov v49;
	v49 =	vmov v48;
	v48 =	vmov v47  }
0x189: {  	v47 =	vmovc v46;
	v46 =	vmovc v45;
	v45 =	vmov v44;
	v44 =	vmov v43;
	v43 =	vmov v42  }
0x18a: {  	v42 =	vmovc v41;
	v41 =	vmovc v40;
	v40 =	vmov v39;
	v39 =	vmov v38;
	v38 =	vmov v37  }
0x18b: {  	v37 =	vmovc v36;
	v36 =	vmovc v35;
	v35 =	vmov v34;
	v34 =	vmov v33;
	v33 =	vmov v32  }
0x18c: {  	v5 =	vimm.f32 $1.000000000e+00  }
0x18d: {  	v32 =	vmov v33;
	[tilespmem:v3+s29+$0x0] =	vst.idx.add.f32.msk $0xffff, v5  }
0x18e: {  	v33 =	vmovc v34;
	v34 =	vmovc v35;
	v35 =	vmov v36;
	v36 =	vmov v37;
	v37 =	vmov v38;
	v3 =	vld [tilespmem:s5+$0xFFFFFFF0]  }
0x18f: {  	v38 =	vmovc v39;
	v39 =	vmovc v40;
	v40 =	vmov v41;
	v41 =	vmov v42;
	v42 =	vmov v43  }
0x190: {  	v43 =	vmovc v44;
	v44 =	vmovc v45;
	v45 =	vmov v46;
	v46 =	vmov v47;
	v47 =	vmov v48  }
0x191: {  	v48 =	vmovc v49;
	v49 =	vmovc v50;
	v50 =	vmov v51;
	v51 =	vmov v52;
	v52 =	vmov v53  }
0x192: {  	v63 =	vmovc v31;
	v31 =	vmovc v30;
	v30 =	vmov v29;
	v29 =	vmov v28;
	v28 =	vmov v27  }
0x193: {  	p1 =	sle.u32 s26, s12;
	v53 =	vmovc v54;
	v54 =	vmovc v55;
	v55 =	vmov v56;
	v56 =	vmov v57;
	v57 =	vmov v58  }
0x194: {  	s6 =	sadd.s32 @!p1 $0xFFFFFFFF, s31;
	v58 =	vmovc v59;
	v59 =	vmovc v60;
	v60 =	vmov v61;
	v61 =	vmov v62;
	v62 =	vld [tilespmem:$0x1FFF0];
	v27 =	vmov v28  }
0x195: {  	s6 =	sand.u32 @!p1 $0x1, s6;
	v28 =	vmovc v29;
	v29 =	vmovc v30;
	v30 =	vmov v31;
	v31 =	vmov v63;
	v63 =	vld [tilespmem:$0x1FFE0];
	v5 =	vimm.f32 $1.000000000e+00  }
0x196: {  	s6 =	sadd.s32 @!p1 $0x3, s6;
	[tilespmem:v3+s29+$0x0] =	vst.idx.add.f32.msk $0xffff, v5  }
0x197: {  	s31 =	sadd.s32 $0x1, s31;
	v4 =	vmov v2;
	v2 =	vld [tilespmem:$0x1FFC0];
	_ =	swait.ge @!p1 [sflag:s6], $0x800  }
0x198: {  	s26 =	sadd.s32 $0x3, s28;
	s28 =	sadd.s32 s31, s18;
	[sflag:s6] =	ssyncset.done @!p1 $0x0  }
0x199: {  	[sflag:s6] =	ssyncadd.s32 @!p1 $0xFFFFF800;
	p1 =	slt.u32 s28, s13  }
.Ltmp5:
0x19a: {  	_ = 	snop;
	(pc) =	sbr.rel @p1 .LBB2_7-.Ltmp5, $4  }
0x19b: {  	_ = 	snop  }
0x19c: {  	s3 =	sadd.s32 $0x1, s3;
	s22 =	sadd.s32 $0x80, s22;
	s23 =	sadd.s32 $0x20, s23  }
0x19d: {  	s0 =	sadd.s32 $0x80, s0;
	s5 =	sadd.s32 $0xFFFFFF80, s5;
	s8 =	rddreg [dreg:$0x5]  }
0x19e: {  	[spmem:s1] =	stream.indirect.scatter.add.f32 [tilespmem:s2], [sflag:s26], $0x10, s5, s8, $0xb8;
	[tilespmem:$0x1CA80] =	vst v63  }
.Ltmp6:
0x19f: {  	_ = 	snop;
	(pc) =	sbr.rel .LBB2_8-.Ltmp6, $1  }
0x1a0: {  	_ =	sdelay $0x3  }
.LBB2_9:
0x1a1: {  	_ =	sfence.sel $0x180000  }
0x1a2: {  	[bflag:$0x0] =	sbarrier.arrive $0xFFFF  }
0x1a3: {  	_ =	strace $0x90000047  }
0x1a4: {  	s0 =	stileid.u32;
	[bflag:$0x2] =	sbarrier.arrive $0xFFFF  }
0x1a5: {  	p0 =	sne.s32 s0, $0x0;
	s0 =	rddreg [dreg:$0x4]  }
0x1a6: {  	s0 =	sadd.s32 @!p0 $0x100000, s0  }
0x1a7: {  	[sflag:s0] =	ssyncadd.tile.s32 @!p0 $0x1;
	_ =	shalt  }
.Lfunc_end2:
_tile_overlayer_lowered:
.L_overlay_start_2:
0x1a8: {  	(tag) =	ssettag $0x2  }
0x1a9: {  	s0 =	rddreg [dreg:$0x0];
	s2 =	stileid.u32  }
0x1aa: {  	s1 =	rddreg [dreg:$0x1];
	p0 =	sne.s32 s2, $0x0  }
0x1ab: {  	s3 =	rddreg [dreg:$0x2];
	[bflag:$0x3] =	sbarrier.arrive $0xFFFF;
	s2 =	simm.s32 @!p0 $0x1C05  }
0x1ac: {  	[timem:s3], [sflag:s2] =	dma.local @!p0 [hbm:s0], s1  }
0x1ad: {  	s0 =	simm.s32 @!p0 $0x5  }
0x1ae: {  	_ =	swait.ge @!p0 [sflag:s0], s1  }
0x1af: {  	s1 =	ssub.s32 @!p0 $0x0, s1;
	[sflag:s0] =	ssyncset.done @!p0 $0x0  }
0x1b0: {  	[sflag:s0] =	ssyncadd.s32 @!p0 s1  }
0x1b1: {  	[bflag:$0x3] =	sbarrier.arrive $0xFFFF  }
0x1b2: {  	_ =	shalt  }

</sc_bundles>
